<compile_context>
chip_gen: v7x
topology: tpu7x:2x2x1
jax: 0.10.2.dev20260603
libtpu: 0.0.44.dev20260713+nightly
codegen_flags: <defaults>
</compile_context>

<pallas_src>
import functools

import jax
import jax.numpy as jnp
from jax import lax
from jax.experimental import pallas as pl
from jax.experimental.pallas import tpu as pltpu
from jax.experimental.pallas import tpu_sc as plsc

N_NODES = 10000
D = 128
N_EDGES = 320000
EPS = 1e-10

NC = 2
NS = 16
L = 16

N_TILES = NC * NS
EDGES_PER_TILE = N_EDGES // N_TILES
CHUNK = 80
PH_C = 25
PH_E = PH_C * CHUNK
N_PH = EDGES_PER_TILE // PH_E
ROWS_PER_TILE = N_NODES // NS


def _sc_graph_conv(sidx, tidx3d, enorm, emb, zeros_init):
  mesh = plsc.VectorSubcoreMesh(core_axis_name="c", subcore_axis_name="s")

  @functools.partial(
      pl.kernel,
      mesh=mesh,
      out_type=jax.ShapeDtypeStruct((N_TILES, ROWS_PER_TILE, D), jnp.float32),
      scratch_types=[
          pltpu.VMEM((PH_E,), jnp.int32),
          pltpu.VMEM((PH_C, CHUNK), jnp.int32),
          pltpu.VMEM((PH_E,), jnp.float32),
          pltpu.VMEM((CHUNK, D), jnp.float32),
          pltpu.VMEM((CHUNK, D), jnp.float32),
          pltpu.SemaphoreType.DMA,
          pltpu.SemaphoreType.DMA,
          pltpu.SemaphoreType.DMA,
          pltpu.VMEM_SHARED((N_NODES, D), jnp.float32),
      ],
  )
  def k(sidx_hbm, tidx_hbm, en_hbm, emb_hbm, zeros_hbm, out_hbm,
        sidx_v, tidx_v, en_v, rows0, rows1, sem_ph, sem_r0, sem_r1, acc):
    c = lax.axis_index("c")
    s = lax.axis_index("s")
    rows = (rows0, rows1)
    sems = (sem_r0, sem_r1)

    pltpu.sync_copy(zeros_hbm, acc.at[pl.ds(s * ROWS_PER_TILE, ROWS_PER_TILE)])
    plsc.subcore_barrier()

    tile_id = c * NS + s
    tile_base = tile_id * EDGES_PER_TILE

    def start_gather(ci, b):
      pltpu.async_copy(
          emb_hbm.at[sidx_v.at[pl.ds(ci * CHUNK, CHUNK)]], rows[b], sems[b])

    def wait_gather(b):
      pltpu.make_async_copy(emb_hbm.at[pl.ds(0, CHUNK)], rows[b],
                            sems[b]).wait()

    def process(ci, b):
      wait_gather(b)
      rv = rows[b]

      def group_body(eb, _):
        en16 = en_v[pl.ds(ci * CHUNK + eb * L, L)]
        for j in range(L):
          e = eb * L + j
          en = jnp.full((L,), en16[j], dtype=jnp.float32)
          for g in range(D // L):
            sl = pl.ds(g * L, L)
            rv[e, sl] = rv[e, sl] * en
        return 0

      lax.fori_loop(0, CHUNK // L, group_body, 0)

      pltpu.sync_copy(rv, acc.at[tidx_v.at[ci]], add=True)

    def phase_body(p, _):
      base = tile_base + p * PH_E
      cp1 = pltpu.async_copy(sidx_hbm.at[pl.ds(base, PH_E)], sidx_v, sem_ph)
      cp2 = pltpu.async_copy(tidx_hbm.at[tile_id * N_PH + p], tidx_v, sem_ph)
      cp3 = pltpu.async_copy(en_hbm.at[pl.ds(base, PH_E)], en_v, sem_ph)
      cp1.wait()
      cp2.wait()
      cp3.wait()

      start_gather(0, 0)

      def pair_body(kk, _):
        a = 2 * kk
        start_gather(a + 1, 1)
        process(a, 0)
        start_gather(a + 2, 0)
        process(a + 1, 1)
        return 0

      lax.fori_loop(0, (PH_C - 1) // 2, pair_body, 0)
      process(PH_C - 1, 0)
      return 0

    lax.fori_loop(0, N_PH, phase_body, 0)
    plsc.subcore_barrier()

    pltpu.sync_copy(acc.at[pl.ds(s * ROWS_PER_TILE, ROWS_PER_TILE)],
                    out_hbm.at[tile_id])

  return k(sidx, tidx3d, enorm, emb, zeros_init)


ROW_BLK = 1000


def _tc_head_body(part_ref, wl_ref, bl_ref, ws_ref, bs_ref, loc_ref, std_ref):
  p = part_ref[0] + part_ref[1]
  dn = (((1,), (1,)), ((), ()))
  loc = lax.dot_general(p, wl_ref[...], dn,
                        preferred_element_type=jnp.float32)
  loc_ref[...] = loc + bl_ref[...]
  z = lax.dot_general(p, ws_ref[...], dn,
                      preferred_element_type=jnp.float32) + bs_ref[...]
  std_ref[...] = jnp.logaddexp(z, 0.0) + EPS


def _tc_head(partials, W_loc, b_loc, W_std, b_std):
  grid = (N_NODES // ROW_BLK,)
  return pl.pallas_call(
      _tc_head_body,
      grid=grid,
      in_specs=[
          pl.BlockSpec((NC, ROW_BLK, D), lambda i: (0, i, 0)),
          pl.BlockSpec((D, D), lambda i: (0, 0)),
          pl.BlockSpec((1, D), lambda i: (0, 0)),
          pl.BlockSpec((D, D), lambda i: (0, 0)),
          pl.BlockSpec((1, D), lambda i: (0, 0)),
      ],
      out_specs=[
          pl.BlockSpec((ROW_BLK, D), lambda i: (i, 0)),
          pl.BlockSpec((ROW_BLK, D), lambda i: (i, 0)),
      ],
      out_shape=[
          jax.ShapeDtypeStruct((N_NODES, D), jnp.float32),
          jax.ShapeDtypeStruct((N_NODES, D), jnp.float32),
      ],
  )(partials, W_loc, b_loc, W_std, b_std)


def kernel(edge_index, edge_norm, emb, W_loc, b_loc, W_std, b_std):
  sidx = edge_index[0]
  tidx3d = edge_index[1].reshape(N_TILES * N_PH, PH_C, CHUNK)
  zeros_init = jnp.zeros((ROWS_PER_TILE, D), jnp.float32)
  flat = _sc_graph_conv(sidx, tidx3d, edge_norm, emb, zeros_init)
  partials = flat.reshape(NC, N_NODES, D)
  loc, std = _tc_head(partials, W_loc, b_loc.reshape(1, D),
                      W_std, b_std.reshape(1, D))
  return (loc, std)

# --- scband reference (transcript-rebuilt; emitter-appended) ---
"""Pipeline reference for scband-graph-encoder-51496657879183 (READ-ONLY COPY).

The authoritative reference and input builder live on the scoring server;
editing this copy changes nothing except your own understanding.
"""

import jax, jax.numpy as jnp
import numpy as np

N_NODES = 10000
D = 128
N_EDGES = 320000
EPS = 1e-10

def setup_inputs(seed: int = 0) -> dict:
    key = jax.random.key(seed)
    k1, k2, k3, k4, k5 = jax.random.split(key, 5)
    edge_index = jax.random.randint(k1, (2, N_EDGES), 0, N_NODES)
    edge_norm = jax.random.uniform(k2, (N_EDGES,), dtype=jnp.float32)
    # learned parameters (emb is nn.Parameter; randomize so output is nontrivial)
    emb = jax.random.normal(k3, (N_NODES, D), dtype=jnp.float32) * 0.1
    W_loc = jax.random.normal(k4, (D, D), dtype=jnp.float32) / np.sqrt(D)
    b_loc = jnp.zeros((D,), dtype=jnp.float32)
    W_std = jax.random.normal(k5, (D, D), dtype=jnp.float32) / np.sqrt(D)
    b_std = jnp.zeros((D,), dtype=jnp.float32)
    return {"edge_index": edge_index, "edge_norm": edge_norm, "emb": emb,
            "W_loc": W_loc, "b_loc": b_loc, "W_std": W_std, "b_std": b_std}

def reference(edge_index, edge_norm, emb, W_loc, b_loc, W_std, b_std):
    # GraphConv: gather source node embeddings, scale by edge_norm, scatter-add to dst
    sidx = edge_index[0]
    tidx = edge_index[1]
    message = jnp.take(emb, sidx, axis=0) * edge_norm[:, None]
    ptr = jnp.zeros_like(emb).at[tidx].add(message)
    # GraphEncoder head: Normal(loc, std); eval mode -> emb = loc
    loc = ptr @ W_loc.T + b_loc
    std = jax.nn.softplus(ptr @ W_std.T + b_std) + EPS
    return (loc, std)

if __name__ == "__main__":
    import jax
    _d = setup_inputs()
    print(jax.jit(kernel)(*tuple(_d.values())))

</pallas_src>

<mosaic_0001>
#map = affine_map<(d0, d1) -> (0)>
#map1 = affine_map<(d0, d1) -> (0, 0, 0)>
#map2 = affine_map<(d0, d1) -> (0, 0)>
module attributes {stable_mosaic.version = 14 : i64} {
  func.func @k(%arg0: i32, %arg1: i32, %arg2: memref<320000xi32, #tpu.memory_space<hbm>>, %arg3: memref<160x25x80xi32, #tpu.memory_space<hbm>>, %arg4: memref<320000xf32, #tpu.memory_space<hbm>>, %arg5: memref<10000x128xf32, #tpu.memory_space<hbm>>, %arg6: memref<625x128xf32, #tpu.memory_space<hbm>>, %arg7: memref<32x625x128xf32, #tpu.memory_space<hbm>>, %arg8: memref<2000xi32, #tpu.memory_space<vmem>>, %arg9: memref<25x80xi32, #tpu.memory_space<vmem>>, %arg10: memref<2000xf32, #tpu.memory_space<vmem>>, %arg11: memref<80x128xf32, #tpu.memory_space<vmem>>, %arg12: memref<80x128xf32, #tpu.memory_space<vmem>>, %arg13: memref<!tpu.dma_semaphore, #tpu.memory_space<semaphore_mem>>, %arg14: memref<!tpu.dma_semaphore, #tpu.memory_space<semaphore_mem>>, %arg15: memref<!tpu.dma_semaphore, #tpu.memory_space<semaphore_mem>>, %arg16: memref<10000x128xf32, #tpu.memory_space<vmem_shared>>) attributes {dimension_semantics = [#tpu.dimension_semantics<core_parallel>, #tpu.dimension_semantics<subcore_parallel>], iteration_bounds = array<i64: 2, 16>, scalar_prefetch = 0 : i64, scratch_operands = 9 : i64, tpu.core_type = #tpu.core_type<sc_vector_subcore>, window_params = [{transform_indices = #map}, {transform_indices = #map1}, {transform_indices = #map}, {transform_indices = #map2}, {transform_indices = #map2}, {transform_indices = #map1}]} {
    %mul3A = arith.constant 625 : i32
    %mul3A_0 = arith.muli %arg1, %mul3A : i32
    "tpu.region"() ({
      %run_scoped3A = tpu.sem_alloc : memref<!tpu.dma_semaphore, #tpu.memory_space<semaphore_mem>>
      %dma_start3A = arith.constant 0 : i32
      %dma_start3A_14 = tpu.memref_slice %arg16[%mul3A_0, %dma_start3A] : memref<10000x128xf32, #tpu.memory_space<vmem_shared>> -> memref<625x128xf32, #tpu.memory_space<vmem_shared>>
      tpu.enqueue_dma source(%arg6 : memref<625x128xf32, #tpu.memory_space<hbm>>) target(%dma_start3A_14 : memref<625x128xf32, #tpu.memory_space<vmem_shared>>) target_semaphore(%run_scoped3A : memref<!tpu.dma_semaphore, #tpu.memory_space<semaphore_mem>>)
      %dma_wait3A = arith.constant 0 : i32
      %dma_wait3A_15 = tpu.memref_slice %arg16[%mul3A_0, %dma_wait3A] : memref<10000x128xf32, #tpu.memory_space<vmem_shared>> -> memref<625x128xf32, #tpu.memory_space<vmem_shared>>
      tpu.wait_dma2 semaphore(%run_scoped3A : memref<!tpu.dma_semaphore, #tpu.memory_space<semaphore_mem>>) src(%arg6 : memref<625x128xf32, #tpu.memory_space<hbm>>) dst(%dma_wait3A_15 : memref<625x128xf32, #tpu.memory_space<vmem_shared>>)
      tpu.yield
    }) : () -> ()
    %barrier3A = arith.constant 0 : index
    tpu.barrier barrier_id(%barrier3A)
    %mul3A_1 = arith.constant 16 : i32
    %mul3A_2 = arith.muli %arg0, %mul3A_1 : i32
    %add3A = arith.addi %mul3A_2, %arg1 : i32
    %mul3A_3 = arith.constant 10000 : i32
    %mul3A_4 = arith.muli %add3A, %mul3A_3 : i32
    %scan3A = arith.constant 0 : i32
    %scan3A_5 = arith.constant 0 : i32
    %scan3A_6 = arith.constant 5 : i32
    %scan3A_7 = arith.addi %scan3A_5, %scan3A_6 : i32
    %scan3A_8 = arith.constant 1 : i32
    %scan3A_9 = scf.for %scan3A_14 = %scan3A_5 to %scan3A_7 step %scan3A_8 iter_args(%scan3A_15 = %scan3A) -> (i32)  : i32 {
      %mul3A_16 = arith.constant 2000 : i32
      %mul3A_17 = arith.muli %scan3A_14, %mul3A_16 : i32
      %add3A_18 = arith.addi %mul3A_4, %mul3A_17 : i32
      %dma_start3A = tpu.memref_slice %arg2[%add3A_18] : memref<320000xi32, #tpu.memory_space<hbm>> -> memref<2000xi32, #tpu.memory_space<hbm>>
      %dma_start3A_19 = tpu.memref_slice %arg2[%add3A_18] : memref<320000xi32, #tpu.memory_space<hbm>> -> memref<2000xi32, #tpu.memory_space<hbm>>
      tpu.enqueue_dma source(%dma_start3A_19 : memref<2000xi32, #tpu.memory_space<hbm>>) target(%arg8 : memref<2000xi32, #tpu.memory_space<vmem>>) target_semaphore(%arg13 : memref<!tpu.dma_semaphore, #tpu.memory_space<semaphore_mem>>)
      %mul3A_20 = arith.constant 5 : i32
      %mul3A_21 = arith.muli %add3A, %mul3A_20 : i32
      %add3A_22 = arith.addi %mul3A_21, %scan3A_14 : i32
      %dma_start3A_23 = arith.constant 0 : i32
      %dma_start3A_24 = arith.constant 0 : i32
      %dma_start3A_25 = tpu.memref_slice %arg3[%add3A_22, %dma_start3A_23, %dma_start3A_24] : memref<160x25x80xi32, #tpu.memory_space<hbm>> -> memref<1x25x80xi32, #tpu.memory_space<hbm>>
      %dma_start3A_26 = tpu.memref_squeeze %dma_start3A_25 : memref<1x25x80xi32, #tpu.memory_space<hbm>> -> memref<25x80xi32, #tpu.memory_space<hbm>>
      %dma_start3A_27 = arith.constant 0 : i32
      %dma_start3A_28 = arith.constant 0 : i32
      %dma_start3A_29 = tpu.memref_slice %arg3[%add3A_22, %dma_start3A_27, %dma_start3A_28] : memref<160x25x80xi32, #tpu.memory_space<hbm>> -> memref<1x25x80xi32, #tpu.memory_space<hbm>>
      %dma_start3A_30 = tpu.memref_squeeze %dma_start3A_29 : memref<1x25x80xi32, #tpu.memory_space<hbm>> -> memref<25x80xi32, #tpu.memory_space<hbm>>
      tpu.enqueue_dma source(%dma_start3A_30 : memref<25x80xi32, #tpu.memory_space<hbm>>) target(%arg9 : memref<25x80xi32, #tpu.memory_space<vmem>>) target_semaphore(%arg13 : memref<!tpu.dma_semaphore, #tpu.memory_space<semaphore_mem>>)
      %dma_start3A_31 = tpu.memref_slice %arg4[%add3A_18] : memref<320000xf32, #tpu.memory_space<hbm>> -> memref<2000xf32, #tpu.memory_space<hbm>>
      %dma_start3A_32 = tpu.memref_slice %arg4[%add3A_18] : memref<320000xf32, #tpu.memory_space<hbm>> -> memref<2000xf32, #tpu.memory_space<hbm>>
      tpu.enqueue_dma source(%dma_start3A_32 : memref<2000xf32, #tpu.memory_space<hbm>>) target(%arg10 : memref<2000xf32, #tpu.memory_space<vmem>>) target_semaphore(%arg13 : memref<!tpu.dma_semaphore, #tpu.memory_space<semaphore_mem>>)
      %dma_wait3A = tpu.memref_slice %arg2[%add3A_18] : memref<320000xi32, #tpu.memory_space<hbm>> -> memref<2000xi32, #tpu.memory_space<hbm>>
      %dma_wait3A_33 = tpu.memref_slice %arg2[%add3A_18] : memref<320000xi32, #tpu.memory_space<hbm>> -> memref<2000xi32, #tpu.memory_space<hbm>>
      tpu.wait_dma2 semaphore(%arg13 : memref<!tpu.dma_semaphore, #tpu.memory_space<semaphore_mem>>) src(%dma_wait3A_33 : memref<2000xi32, #tpu.memory_space<hbm>>) dst(%arg8 : memref<2000xi32, #tpu.memory_space<vmem>>)
      %dma_wait3A_34 = arith.constant 0 : i32
      %dma_wait3A_35 = arith.constant 0 : i32
      %dma_wait3A_36 = tpu.memref_slice %arg3[%add3A_22, %dma_wait3A_34, %dma_wait3A_35] : memref<160x25x80xi32, #tpu.memory_space<hbm>> -> memref<1x25x80xi32, #tpu.memory_space<hbm>>
      %dma_wait3A_37 = tpu.memref_squeeze %dma_wait3A_36 : memref<1x25x80xi32, #tpu.memory_space<hbm>> -> memref<25x80xi32, #tpu.memory_space<hbm>>
      %dma_wait3A_38 = arith.constant 0 : i32
      %dma_wait3A_39 = arith.constant 0 : i32
      %dma_wait3A_40 = tpu.memref_slice %arg3[%add3A_22, %dma_wait3A_38, %dma_wait3A_39] : memref<160x25x80xi32, #tpu.memory_space<hbm>> -> memref<1x25x80xi32, #tpu.memory_space<hbm>>
      %dma_wait3A_41 = tpu.memref_squeeze %dma_wait3A_40 : memref<1x25x80xi32, #tpu.memory_space<hbm>> -> memref<25x80xi32, #tpu.memory_space<hbm>>
      tpu.wait_dma2 semaphore(%arg13 : memref<!tpu.dma_semaphore, #tpu.memory_space<semaphore_mem>>) src(%dma_wait3A_41 : memref<25x80xi32, #tpu.memory_space<hbm>>) dst(%arg9 : memref<25x80xi32, #tpu.memory_space<vmem>>)
      %dma_wait3A_42 = tpu.memref_slice %arg4[%add3A_18] : memref<320000xf32, #tpu.memory_space<hbm>> -> memref<2000xf32, #tpu.memory_space<hbm>>
      %dma_wait3A_43 = tpu.memref_slice %arg4[%add3A_18] : memref<320000xf32, #tpu.memory_space<hbm>> -> memref<2000xf32, #tpu.memory_space<hbm>>
      tpu.wait_dma2 semaphore(%arg13 : memref<!tpu.dma_semaphore, #tpu.memory_space<semaphore_mem>>) src(%dma_wait3A_43 : memref<2000xf32, #tpu.memory_space<hbm>>) dst(%arg10 : memref<2000xf32, #tpu.memory_space<vmem>>)
      %dma_start3A_44 = arith.constant 0 : i32
      %dma_start3A_45 = tpu.memref_slice %arg8[%dma_start3A_44] : memref<2000xi32, #tpu.memory_space<vmem>> -> memref<80xi32, #tpu.memory_space<vmem>>
      %dma_start3A_46 = arith.constant 0 : i32
      %dma_start3A_47 = arith.constant 0 : i32
      %dma_start3A_48 = tpu.memref_slice %arg5[%dma_start3A_46, %dma_start3A_47] : memref<10000x128xf32, #tpu.memory_space<hbm>> -> memref<10000x128xf32, #tpu.memory_space<hbm>>
      tpu.enqueue_indirect_dma source(%dma_start3A_48 : memref<10000x128xf32, #tpu.memory_space<hbm>>) target(%arg11 : memref<80x128xf32, #tpu.memory_space<vmem>>) offsets(%dma_start3A_45 : memref<80xi32, #tpu.memory_space<vmem>>) semaphore(%arg14 : memref<!tpu.dma_semaphore, #tpu.memory_space<semaphore_mem>>)
      %scan3A_49 = arith.constant 0 : i32
      %scan3A_50 = arith.constant 0 : i32
      %scan3A_51 = arith.constant 12 : i32
      %scan3A_52 = arith.addi %scan3A_50, %scan3A_51 : i32
      %scan3A_53 = arith.constant 1 : i32
      %scan3A_54 = scf.for %scan3A_70 = %scan3A_50 to %scan3A_52 step %scan3A_53 iter_args(%scan3A_71 = %scan3A_49) -> (i32)  : i32 {
        %mul3A_72 = arith.constant 2 : i32
        %mul3A_73 = arith.muli %mul3A_72, %scan3A_70 : i32
        %add3A_74 = arith.constant 1 : i32
        %add3A_75 = arith.addi %mul3A_73, %add3A_74 : i32
        %mul3A_76 = arith.constant 80 : i32
        %mul3A_77 = arith.muli %add3A_75, %mul3A_76 : i32
        %dma_start3A_78 = tpu.memref_slice %arg8[%mul3A_77] : memref<2000xi32, #tpu.memory_space<vmem>> -> memref<80xi32, #tpu.memory_space<vmem>>
        %dma_start3A_79 = arith.constant 0 : i32
        %dma_start3A_80 = arith.constant 0 : i32
        %dma_start3A_81 = tpu.memref_slice %arg5[%dma_start3A_79, %dma_start3A_80] : memref<10000x128xf32, #tpu.memory_space<hbm>> -> memref<10000x128xf32, #tpu.memory_space<hbm>>
        tpu.enqueue_indirect_dma source(%dma_start3A_81 : memref<10000x128xf32, #tpu.memory_space<hbm>>) target(%arg12 : memref<80x128xf32, #tpu.memory_space<vmem>>) offsets(%dma_start3A_78 : memref<80xi32, #tpu.memory_space<vmem>>) semaphore(%arg15 : memref<!tpu.dma_semaphore, #tpu.memory_space<semaphore_mem>>)
        %dma_wait3A_82 = arith.constant 0 : i32
        %dma_wait3A_83 = arith.constant 0 : i32
        %dma_wait3A_84 = tpu.memref_slice %arg5[%dma_wait3A_82, %dma_wait3A_83] : memref<10000x128xf32, #tpu.memory_space<hbm>> -> memref<80x128xf32, #tpu.memory_space<hbm>>
        %dma_wait3A_85 = arith.constant 0 : i32
        %dma_wait3A_86 = arith.constant 0 : i32
        %dma_wait3A_87 = tpu.memref_slice %arg5[%dma_wait3A_85, %dma_wait3A_86] : memref<10000x128xf32, #tpu.memory_space<hbm>> -> memref<80x128xf32, #tpu.memory_space<hbm>>
        tpu.wait_dma2 semaphore(%arg14 : memref<!tpu.dma_semaphore, #tpu.memory_space<semaphore_mem>>) src(%dma_wait3A_87 : memref<80x128xf32, #tpu.memory_space<hbm>>) dst(%arg11 : memref<80x128xf32, #tpu.memory_space<vmem>>)
        %scan3A_88 = arith.constant 0 : i32
        %scan3A_89 = arith.constant 0 : i32
        %scan3A_90 = arith.constant 5 : i32
        %scan3A_91 = arith.addi %scan3A_89, %scan3A_90 : i32
        %scan3A_92 = arith.constant 1 : i32
        %scan3A_93 = scf.for %scan3A_119 = %scan3A_89 to %scan3A_91 step %scan3A_92 iter_args(%scan3A_120 = %scan3A_88) -> (i32)  : i32 {
          %mul3A_121 = arith.constant 80 : i32
          %mul3A_122 = arith.muli %mul3A_73, %mul3A_121 : i32
          %mul3A_123 = arith.constant 16 : i32
          %mul3A_124 = arith.muli %scan3A_119, %mul3A_123 : i32
          %add3A_125 = arith.addi %mul3A_122, %mul3A_124 : i32
          %get3A = arith.index_cast %add3A_125 : i32 to index
          %get3A_126 = tpu.vector_load %arg10[%get3A] {strides = array<i32>} : memref<2000xf32, #tpu.memory_space<vmem>>, vector<16xf32>,
          %get3A_127 = vector.shape_cast %get3A_126 : vector<16xf32> to vector<16xf32>
          %mul3A_128 = arith.constant 16 : i32
          %mul3A_129 = arith.muli %scan3A_119, %mul3A_128 : i32
          %add3A_130 = arith.constant 0 : i32
          %add3A_131 = arith.addi %mul3A_129, %add3A_130 : i32
          %slice3A = vector.extract_strided_slice %get3A_127 {offsets = [0], sizes = [1], strides = [1]} : vector<16xf32> to vector<1xf32>
          %squeeze3A = vector.extract %slice3A[0] : f32 from vector<1xf32>
          %broadcast_in_dim3A = vector.broadcast %squeeze3A : f32 to vector<16xf32>
          %get3A_132 = arith.index_cast %add3A_131 : i32 to index
          %get3A_133 = arith.constant 0 : index
          %get3A_134 = tpu.vector_load %arg11[%get3A_132, %get3A_133] {strides = array<i32>} : memref<80x128xf32, #tpu.memory_space<vmem>>, vector<1x16xf32>,
          %get3A_135 = vector.shape_cast %get3A_134 : vector<1x16xf32> to vector<16xf32>
          %mul3A_136 = arith.mulf %get3A_135, %broadcast_in_dim3A : vector<16xf32>
          %swap3A = arith.index_cast %add3A_131 : i32 to index
          %swap3A_137 = arith.constant 0 : index
          %swap3A_138 = tpu.vector_load %arg11[%swap3A, %swap3A_137] {strides = array<i32>} : memref<80x128xf32, #tpu.memory_space<vmem>>, vector<1x16xf32>,
          %swap3A_139 = vector.shape_cast %swap3A_138 : vector<1x16xf32> to vector<16xf32>
          %swap3A_140 = vector.shape_cast %mul3A_136 : vector<16xf32> to vector<1x16xf32>
          tpu.vector_store %arg11[%swap3A, %swap3A_137], %swap3A_140 {strides = array<i32>} : memref<80x128xf32, #tpu.memory_space<vmem>>, vector<1x16xf32>,
          %get3A_141 = arith.index_cast %add3A_131 : i32 to index
          %get3A_142 = arith.constant 16 : index
          %get3A_143 = tpu.vector_load %arg11[%get3A_141, %get3A_142] {strides = array<i32>} : memref<80x128xf32, #tpu.memory_space<vmem>>, vector<1x16xf32>,
          %get3A_144 = vector.shape_cast %get3A_143 : vector<1x16xf32> to vector<16xf32>
          %mul3A_145 = arith.mulf %get3A_144, %broadcast_in_dim3A : vector<16xf32>
          %swap3A_146 = arith.index_cast %add3A_131 : i32 to index
          %swap3A_147 = arith.constant 16 : index
          %swap3A_148 = tpu.vector_load %arg11[%swap3A_146, %swap3A_147] {strides = array<i32>} : memref<80x128xf32, #tpu.memory_space<vmem>>, vector<1x16xf32>,
          %swap3A_149 = vector.shape_cast %swap3A_148 : vector<1x16xf32> to vector<16xf32>
          %swap3A_150 = vector.shape_cast %mul3A_145 : vector<16xf32> to vector<1x16xf32>
          tpu.vector_store %arg11[%swap3A_146, %swap3A_147], %swap3A_150 {strides = array<i32>} : memref<80x128xf32, #tpu.memory_space<vmem>>, vector<1x16xf32>,
          %get3A_151 = arith.index_cast %add3A_131 : i32 to index
          %get3A_152 = arith.constant 32 : index
          %get3A_153 = tpu.vector_load %arg11[%get3A_151, %get3A_152] {strides = array<i32>} : memref<80x128xf32, #tpu.memory_space<vmem>>, vector<1x16xf32>,
          %get3A_154 = vector.shape_cast %get3A_153 : vector<1x16xf32> to vector<16xf32>
          %mul3A_155 = arith.mulf %get3A_154, %broadcast_in_dim3A : vector<16xf32>
          %swap3A_156 = arith.index_cast %add3A_131 : i32 to index
          %swap3A_157 = arith.constant 32 : index
          %swap3A_158 = tpu.vector_load %arg11[%swap3A_156, %swap3A_157] {strides = array<i32>} : memref<80x128xf32, #tpu.memory_space<vmem>>, vector<1x16xf32>,
          %swap3A_159 = vector.shape_cast %swap3A_158 : vector<1x16xf32> to vector<16xf32>
          %swap3A_160 = vector.shape_cast %mul3A_155 : vector<16xf32> to vector<1x16xf32>
          tpu.vector_store %arg11[%swap3A_156, %swap3A_157], %swap3A_160 {strides = array<i32>} : memref<80x128xf32, #tpu.memory_space<vmem>>, vector<1x16xf32>,
          %get3A_161 = arith.index_cast %add3A_131 : i32 to index
          %get3A_162 = arith.constant 48 : index
          %get3A_163 = tpu.vector_load %arg11[%get3A_161, %get3A_162] {strides = array<i32>} : memref<80x128xf32, #tpu.memory_space<vmem>>, vector<1x16xf32>,
          %get3A_164 = vector.shape_cast %get3A_163 : vector<1x16xf32> to vector<16xf32>
          %mul3A_165 = arith.mulf %get3A_164, %broadcast_in_dim3A : vector<16xf32>
          %swap3A_166 = arith.index_cast %add3A_131 : i32 to index
          %swap3A_167 = arith.constant 48 : index
          %swap3A_168 = tpu.vector_load %arg11[%swap3A_166, %swap3A_167] {strides = array<i32>} : memref<80x128xf32, #tpu.memory_space<vmem>>, vector<1x16xf32>,
          %swap3A_169 = vector.shape_cast %swap3A_168 : vector<1x16xf32> to vector<16xf32>
          %swap3A_170 = vector.shape_cast %mul3A_165 : vector<16xf32> to vector<1x16xf32>
          tpu.vector_store %arg11[%swap3A_166, %swap3A_167], %swap3A_170 {strides = array<i32>} : memref<80x128xf32, #tpu.memory_space<vmem>>, vector<1x16xf32>,
          %get3A_171 = arith.index_cast %add3A_131 : i32 to index
          %get3A_172 = arith.constant 64 : index
          %get3A_173 = tpu.vector_load %arg11[%get3A_171, %get3A_172] {strides = array<i32>} : memref<80x128xf32, #tpu.memory_space<vmem>>, vector<1x16xf32>,
          %get3A_174 = vector.shape_cast %get3A_173 : vector<1x16xf32> to vector<16xf32>
          %mul3A_175 = arith.mulf %get3A_174, %broadcast_in_dim3A : vector<16xf32>
          %swap3A_176 = arith.index_cast %add3A_131 : i32 to index
          %swap3A_177 = arith.constant 64 : index
          %swap3A_178 = tpu.vector_load %arg11[%swap3A_176, %swap3A_177] {strides = array<i32>} : memref<80x128xf32, #tpu.memory_space<vmem>>, vector<1x16xf32>,
          %swap3A_179 = vector.shape_cast %swap3A_178 : vector<1x16xf32> to vector<16xf32>
          %swap3A_180 = vector.shape_cast %mul3A_175 : vector<16xf32> to vector<1x16xf32>
          tpu.vector_store %arg11[%swap3A_176, %swap3A_177], %swap3A_180 {strides = array<i32>} : memref<80x128xf32, #tpu.memory_space<vmem>>, vector<1x16xf32>,
          %get3A_181 = arith.index_cast %add3A_131 : i32 to index
          %get3A_182 = arith.constant 80 : index
          %get3A_183 = tpu.vector_load %arg11[%get3A_181, %get3A_182] {strides = array<i32>} : memref<80x128xf32, #tpu.memory_space<vmem>>, vector<1x16xf32>,
          %get3A_184 = vector.shape_cast %get3A_183 : vector<1x16xf32> to vector<16xf32>
          %mul3A_185 = arith.mulf %get3A_184, %broadcast_in_dim3A : vector<16xf32>
          %swap3A_186 = arith.index_cast %add3A_131 : i32 to index
          %swap3A_187 = arith.constant 80 : index
          %swap3A_188 = tpu.vector_load %arg11[%swap3A_186, %swap3A_187] {strides = array<i32>} : memref<80x128xf32, #tpu.memory_space<vmem>>, vector<1x16xf32>,
          %swap3A_189 = vector.shape_cast %swap3A_188 : vector<1x16xf32> to vector<16xf32>
          %swap3A_190 = vector.shape_cast %mul3A_185 : vector<16xf32> to vector<1x16xf32>
          tpu.vector_store %arg11[%swap3A_186, %swap3A_187], %swap3A_190 {strides = array<i32>} : memref<80x128xf32, #tpu.memory_space<vmem>>, vector<1x16xf32>,
          %get3A_191 = arith.index_cast %add3A_131 : i32 to index
          %get3A_192 = arith.constant 96 : index
          %get3A_193 = tpu.vector_load %arg11[%get3A_191, %get3A_192] {strides = array<i32>} : memref<80x128xf32, #tpu.memory_space<vmem>>, vector<1x16xf32>,
          %get3A_194 = vector.shape_cast %get3A_193 : vector<1x16xf32> to vector<16xf32>
          %mul3A_195 = arith.mulf %get3A_194, %broadcast_in_dim3A : vector<16xf32>
          %swap3A_196 = arith.index_cast %add3A_131 : i32 to index
          %swap3A_197 = arith.constant 96 : index
          %swap3A_198 = tpu.vector_load %arg11[%swap3A_196, %swap3A_197] {strides = array<i32>} : memref<80x128xf32, #tpu.memory_space<vmem>>, vector<1x16xf32>,
          %swap3A_199 = vector.shape_cast %swap3A_198 : vector<1x16xf32> to vector<16xf32>
          %swap3A_200 = vector.shape_cast %mul3A_195 : vector<16xf32> to vector<1x16xf32>
          tpu.vector_store %arg11[%swap3A_196, %swap3A_197], %swap3A_200 {strides = array<i32>} : memref<80x128xf32, #tpu.memory_space<vmem>>, vector<1x16xf32>,
          %get3A_201 = arith.index_cast %add3A_131 : i32 to index
          %get3A_202 = arith.constant 112 : index
          %get3A_203 = tpu.vector_load %arg11[%get3A_201, %get3A_202] {strides = array<i32>} : memref<80x128xf32, #tpu.memory_space<vmem>>, vector<1x16xf32>,
          %get3A_204 = vector.shape_cast %get3A_203 : vector<1x16xf32> to vector<16xf32>
          %mul3A_205 = arith.mulf %get3A_204, %broadcast_in_dim3A : vector<16xf32>
          %swap3A_206 = arith.index_cast %add3A_131 : i32 to index
          %swap3A_207 = arith.constant 112 : index
          %swap3A_208 = tpu.vector_load %arg11[%swap3A_206, %swap3A_207] {strides = array<i32>} : memref<80x128xf32, #tpu.memory_space<vmem>>, vector<1x16xf32>,
          %swap3A_209 = vector.shape_cast %swap3A_208 : vector<1x16xf32> to vector<16xf32>
          %swap3A_210 = vector.shape_cast %mul3A_205 : vector<16xf32> to vector<1x16xf32>
          tpu.vector_store %arg11[%swap3A_206, %swap3A_207], %swap3A_210 {strides = array<i32>} : memref<80x128xf32, #tpu.memory_space<vmem>>, vector<1x16xf32>,
          %mul3A_211 = arith.constant 16 : i32
          %mul3A_212 = arith.muli %scan3A_119, %mul3A_211 : i32
          %add3A_213 = arith.constant 1 : i32
          %add3A_214 = arith.addi %mul3A_212, %add3A_213 : i32
          %slice3A_215 = vector.extract_strided_slice %get3A_127 {offsets = [1], sizes = [1], strides = [1]} : vector<16xf32> to vector<1xf32>
          %squeeze3A_216 = vector.extract %slice3A_215[0] : f32 from vector<1xf32>
          %broadcast_in_dim3A_217 = vector.broadcast %squeeze3A_216 : f32 to vector<16xf32>
          %get3A_218 = arith.index_cast %add3A_214 : i32 to index
          %get3A_219 = arith.constant 0 : index
          %get3A_220 = tpu.vector_load %arg11[%get3A_218, %get3A_219] {strides = array<i32>} : memref<80x128xf32, #tpu.memory_space<vmem>>, vector<1x16xf32>,
          %get3A_221 = vector.shape_cast %get3A_220 : vector<1x16xf32> to vector<16xf32>
          %mul3A_222 = arith.mulf %get3A_221, %broadcast_in_dim3A_217 : vector<16xf32>
          %swap3A_223 = arith.index_cast %add3A_214 : i32 to index
          %swap3A_224 = arith.constant 0 : index
          %swap3A_225 = tpu.vector_load %arg11[%swap3A_223, %swap3A_224] {strides = array<i32>} : memref<80x128xf32, #tpu.memory_space<vmem>>, vector<1x16xf32>,
          %swap3A_226 = vector.shape_cast %swap3A_225 : vector<1x16xf32> to vector<16xf32>
          %swap3A_227 = vector.shape_cast %mul3A_222 : vector<16xf32> to vector<1x16xf32>
          tpu.vector_store %arg11[%swap3A_223, %swap3A_224], %swap3A_227 {strides = array<i32>} : memref<80x128xf32, #tpu.memory_space<vmem>>, vector<1x16xf32>,
          %get3A_228 = arith.index_cast %add3A_214 : i32 to index
          %get3A_229 = arith.constant 16 : index
          %get3A_230 = tpu.vector_load %arg11[%get3A_228, %get3A_229] {strides = array<i32>} : memref<80x128xf32, #tpu.memory_space<vmem>>, vector<1x16xf32>,
          %get3A_231 = vector.shape_cast %get3A_230 : vector<1x16xf32> to vector<16xf32>
          %mul3A_232 = arith.mulf %get3A_231, %broadcast_in_dim3A_217 : vector<16xf32>
          %swap3A_233 = arith.index_cast %add3A_214 : i32 to index
          %swap3A_234 = arith.constant 16 : index
          %swap3A_235 = tpu.vector_load %arg11[%swap3A_233, %swap3A_234] {strides = array<i32>} : memref<80x128xf32, #tpu.memory_space<vmem>>, vector<1x16xf32>,
          %swap3A_236 = vector.shape_cast %swap3A_235 : vector<1x16xf32> to vector<16xf32>
          %swap3A_237 = vector.shape_cast %mul3A_232 : vector<16xf32> to vector<1x16xf32>
          tpu.vector_store %arg11[%swap3A_233, %swap3A_234], %swap3A_237 {strides = array<i32>} : memref<80x128xf32, #tpu.memory_space<vmem>>, vector<1x16xf32>,
          %get3A_238 = arith.index_cast %add3A_214 : i32 to index
          %get3A_239 = arith.constant 32 : index
          %get3A_240 = tpu.vector_load %arg11[%get3A_238, %get3A_239] {strides = array<i32>} : memref<80x128xf32, #tpu.memory_space<vmem>>, vector<1x16xf32>,
          %get3A_241 = vector.shape_cast %get3A_240 : vector<1x16xf32> to vector<16xf32>
          %mul3A_242 = arith.mulf %get3A_241, %broadcast_in_dim3A_217 : vector<16xf32>
          %swap3A_243 = arith.index_cast %add3A_214 : i32 to index
          %swap3A_244 = arith.constant 32 : index
          %swap3A_245 = tpu.vector_load %arg11[%swap3A_243, %swap3A_244] {strides = array<i32>} : memref<80x128xf32, #tpu.memory_space<vmem>>, vector<1x16xf32>,
          %swap3A_246 = vector.shape_cast %swap3A_245 : vector<1x16xf32> to vector<16xf32>
          %swap3A_247 = vector.shape_cast %mul3A_242 : vector<16xf32> to vector<1x16xf32>
          tpu.vector_store %arg11[%swap3A_243, %swap3A_244], %swap3A_247 {strides = array<i32>} : memref<80x128xf32, #tpu.memory_space<vmem>>, vector<1x16xf32>,
          %get3A_248 = arith.index_cast %add3A_214 : i32 to index
          %get3A_249 = arith.constant 48 : index
          %get3A_250 = tpu.vector_load %arg11[%get3A_248, %get3A_249] {strides = array<i32>} : memref<80x128xf32, #tpu.memory_space<vmem>>, vector<1x16xf32>,
          %get3A_251 = vector.shape_cast %get3A_250 : vector<1x16xf32> to vector<16xf32>
          %mul3A_252 = arith.mulf %get3A_251, %broadcast_in_dim3A_217 : vector<16xf32>
          %swap3A_253 = arith.index_cast %add3A_214 : i32 to index
          %swap3A_254 = arith.constant 48 : index
          %swap3A_255 = tpu.vector_load %arg11[%swap3A_253, %swap3A_254] {strides = array<i32>} : memref<80x128xf32, #tpu.memory_space<vmem>>, vector<1x16xf32>,
          %swap3A_256 = vector.shape_cast %swap3A_255 : vector<1x16xf32> to vector<16xf32>
          %swap3A_257 = vector.shape_cast %mul3A_252 : vector<16xf32> to vector<1x16xf32>
          tpu.vector_store %arg11[%swap3A_253, %swap3A_254], %swap3A_257 {strides = array<i32>} : memref<80x128xf32, #tpu.memory_space<vmem>>, vector<1x16xf32>,
          %get3A_258 = arith.index_cast %add3A_214 : i32 to index
          %get3A_259 = arith.constant 64 : index
          %get3A_260 = tpu.vector_load %arg11[%get3A_258, %get3A_259] {strides = array<i32>} : memref<80x128xf32, #tpu.memory_space<vmem>>, vector<1x16xf32>,
          %get3A_261 = vector.shape_cast %get3A_260 : vector<1x16xf32> to vector<16xf32>
          %mul3A_262 = arith.mulf %get3A_261, %broadcast_in_dim3A_217 : vector<16xf32>
          %swap3A_263 = arith.index_cast %add3A_214 : i32 to index
          %swap3A_264 = arith.constant 64 : index
          %swap3A_265 = tpu.vector_load %arg11[%swap3A_263, %swap3A_264] {strides = array<i32>} : memref<80x128xf32, #tpu.memory_space<vmem>>, vector<1x16xf32>,
          %swap3A_266 = vector.shape_cast %swap3A_265 : vector<1x16xf32> to vector<16xf32>
          %swap3A_267 = vector.shape_cast %mul3A_262 : vector<16xf32> to vector<1x16xf32>
          tpu.vector_store %arg11[%swap3A_263, %swap3A_264], %swap3A_267 {strides = array<i32>} : memref<80x128xf32, #tpu.memory_space<vmem>>, vector<1x16xf32>,
          %get3A_268 = arith.index_cast %add3A_214 : i32 to index
          %get3A_269 = arith.constant 80 : index
          %get3A_270 = tpu.vector_load %arg11[%get3A_268, %get3A_269] {strides = array<i32>} : memref<80x128xf32, #tpu.memory_space<vmem>>, vector<1x16xf32>,
          %get3A_271 = vector.shape_cast %get3A_270 : vector<1x16xf32> to vector<16xf32>
          %mul3A_272 = arith.mulf %get3A_271, %broadcast_in_dim3A_217 : vector<16xf32>
          %swap3A_273 = arith.index_cast %add3A_214 : i32 to index
          %swap3A_274 = arith.constant 80 : index
          %swap3A_275 = tpu.vector_load %arg11[%swap3A_273, %swap3A_274] {strides = array<i32>} : memref<80x128xf32, #tpu.memory_space<vmem>>, vector<1x16xf32>,
          %swap3A_276 = vector.shape_cast %swap3A_275 : vector<1x16xf32> to vector<16xf32>
          %swap3A_277 = vector.shape_cast %mul3A_272 : vector<16xf32> to vector<1x16xf32>
          tpu.vector_store %arg11[%swap3A_273, %swap3A_274], %swap3A_277 {strides = array<i32>} : memref<80x128xf32, #tpu.memory_space<vmem>>, vector<1x16xf32>,
          %get3A_278 = arith.index_cast %add3A_214 : i32 to index
          %get3A_279 = arith.constant 96 : index
          %get3A_280 = tpu.vector_load %arg11[%get3A_278, %get3A_279] {strides = array<i32>} : memref<80x128xf32, #tpu.memory_space<vmem>>, vector<1x16xf32>,
          %get3A_281 = vector.shape_cast %get3A_280 : vector<1x16xf32> to vector<16xf32>
          %mul3A_282 = arith.mulf %get3A_281, %broadcast_in_dim3A_217 : vector<16xf32>
          %swap3A_283 = arith.index_cast %add3A_214 : i32 to index
          %swap3A_284 = arith.constant 96 : index
          %swap3A_285 = tpu.vector_load %arg11[%swap3A_283, %swap3A_284] {strides = array<i32>} : memref<80x128xf32, #tpu.memory_space<vmem>>, vector<1x16xf32>,
          %swap3A_286 = vector.shape_cast %swap3A_285 : vector<1x16xf32> to vector<16xf32>
          %swap3A_287 = vector.shape_cast %mul3A_282 : vector<16xf32> to vector<1x16xf32>
          tpu.vector_store %arg11[%swap3A_283, %swap3A_284], %swap3A_287 {strides = array<i32>} : memref<80x128xf32, #tpu.memory_space<vmem>>, vector<1x16xf32>,
          %get3A_288 = arith.index_cast %add3A_214 : i32 to index
          %get3A_289 = arith.constant 112 : index
          %get3A_290 = tpu.vector_load %arg11[%get3A_288, %get3A_289] {strides = array<i32>} : memref<80x128xf32, #tpu.memory_space<vmem>>, vector<1x16xf32>,
          %get3A_291 = vector.shape_cast %get3A_290 : vector<1x16xf32> to vector<16xf32>
          %mul3A_292 = arith.mulf %get3A_291, %broadcast_in_dim3A_217 : vector<16xf32>
          %swap3A_293 = arith.index_cast %add3A_214 : i32 to index
          %swap3A_294 = arith.constant 112 : index
          %swap3A_295 = tpu.vector_load %arg11[%swap3A_293, %swap3A_294] {strides = array<i32>} : memref<80x128xf32, #tpu.memory_space<vmem>>, vector<1x16xf32>,
          %swap3A_296 = vector.shape_cast %swap3A_295 : vector<1x16xf32> to vector<16xf32>
          %swap3A_297 = vector.shape_cast %mul3A_292 : vector<16xf32> to vector<1x16xf32>
          tpu.vector_store %arg11[%swap3A_293, %swap3A_294], %swap3A_297 {strides = array<i32>} : memref<80x128xf32, #tpu.memory_space<vmem>>, vector<1x16xf32>,
          %mul3A_298 = arith.constant 16 : i32
          %mul3A_299 = arith.muli %scan3A_119, %mul3A_298 : i32
          %add3A_300 = arith.constant 2 : i32
          %add3A_301 = arith.addi %mul3A_299, %add3A_300 : i32
          %slice3A_302 = vector.extract_strided_slice %get3A_127 {offsets = [2], sizes = [1], strides = [1]} : vector<16xf32> to vector<1xf32>
          %squeeze3A_303 = vector.extract %slice3A_302[0] : f32 from vector<1xf32>
          %broadcast_in_dim3A_304 = vector.broadcast %squeeze3A_303 : f32 to vector<16xf32>
          %get3A_305 = arith.index_cast %add3A_301 : i32 to index
          %get3A_306 = arith.constant 0 : index
          %get3A_307 = tpu.vector_load %arg11[%get3A_305, %get3A_306] {strides = array<i32>} : memref<80x128xf32, #tpu.memory_space<vmem>>, vector<1x16xf32>,
          %get3A_308 = vector.shape_cast %get3A_307 : vector<1x16xf32> to vector<16xf32>
          %mul3A_309 = arith.mulf %get3A_308, %broadcast_in_dim3A_304 : vector<16xf32>
          %swap3A_310 = arith.index_cast %add3A_301 : i32 to index
          %swap3A_311 = arith.constant 0 : index
          %swap3A_312 = tpu.vector_load %arg11[%swap3A_310, %swap3A_311] {strides = array<i32>} : memref<80x128xf32, #tpu.memory_space<vmem>>, vector<1x16xf32>,
          %swap3A_313 = vector.shape_cast %swap3A_312 : vector<1x16xf32> to vector<16xf32>
          %swap3A_314 = vector.shape_cast %mul3A_309 : vector<16xf32> to vector<1x16xf32>
          tpu.vector_store %arg11[%swap3A_310, %swap3A_311], %swap3A_314 {strides = array<i32>} : memref<80x128xf32, #tpu.memory_space<vmem>>, vector<1x16xf32>,
          %get3A_315 = arith.index_cast %add3A_301 : i32 to index
          %get3A_316 = arith.constant 16 : index
          %get3A_317 = tpu.vector_load %arg11[%get3A_315, %get3A_316] {strides = array<i32>} : memref<80x128xf32, #tpu.memory_space<vmem>>, vector<1x16xf32>,
          %get3A_318 = vector.shape_cast %get3A_317 : vector<1x16xf32> to vector<16xf32>
          %mul3A_319 = arith.mulf %get3A_318, %broadcast_in_dim3A_304 : vector<16xf32>
          %swap3A_320 = arith.index_cast %add3A_301 : i32 to index
          %swap3A_321 = arith.constant 16 : index
          %swap3A_322 = tpu.vector_load %arg11[%swap3A_320, %swap3A_321] {strides = array<i32>} : memref<80x128xf32, #tpu.memory_space<vmem>>, vector<1x16xf32>,
          %swap3A_323 = vector.shape_cast %swap3A_322 : vector<1x16xf32> to vector<16xf32>
          %swap3A_324 = vector.shape_cast %mul3A_319 : vector<16xf32> to vector<1x16xf32>
          tpu.vector_store %arg11[%swap3A_320, %swap3A_321], %swap3A_324 {strides = array<i32>} : memref<80x128xf32, #tpu.memory_space<vmem>>, vector<1x16xf32>,
          %get3A_325 = arith.index_cast %add3A_301 : i32 to index
          %get3A_326 = arith.constant 32 : index
          %get3A_327 = tpu.vector_load %arg11[%get3A_325, %get3A_326] {strides = array<i32>} : memref<80x128xf32, #tpu.memory_space<vmem>>, vector<1x16xf32>,
          %get3A_328 = vector.shape_cast %get3A_327 : vector<1x16xf32> to vector<16xf32>
          %mul3A_329 = arith.mulf %get3A_328, %broadcast_in_dim3A_304 : vector<16xf32>
          %swap3A_330 = arith.index_cast %add3A_301 : i32 to index
          %swap3A_331 = arith.constant 32 : index
          %swap3A_332 = tpu.vector_load %arg11[%swap3A_330, %swap3A_331] {strides = array<i32>} : memref<80x128xf32, #tpu.memory_space<vmem>>, vector<1x16xf32>,
          %swap3A_333 = vector.shape_cast %swap3A_332 : vector<1x16xf32> to vector<16xf32>
          %swap3A_334 = vector.shape_cast %mul3A_329 : vector<16xf32> to vector<1x16xf32>
          tpu.vector_store %arg11[%swap3A_330, %swap3A_331], %swap3A_334 {strides = array<i32>} : memref<80x128xf32, #tpu.memory_space<vmem>>, vector<1x16xf32>,
          %get3A_335 = arith.index_cast %add3A_301 : i32 to index
          %get3A_336 = arith.constant 48 : index
          %get3A_337 = tpu.vector_load %arg11[%get3A_335, %get3A_336] {strides = array<i32>} : memref<80x128xf32, #tpu.memory_space<vmem>>, vector<1x16xf32>,
          %get3A_338 = vector.shape_cast %get3A_337 : vector<1x16xf32> to vector<16xf32>
          %mul3A_339 = arith.mulf %get3A_338, %broadcast_in_dim3A_304 : vector<16xf32>
          %swap3A_340 = arith.index_cast %add3A_301 : i32 to index
          %swap3A_341 = arith.constant 48 : index
          %swap3A_342 = tpu.vector_load %arg11[%swap3A_340, %swap3A_341] {strides = array<i32>} : memref<80x128xf32, #tpu.memory_space<vmem>>, vector<1x16xf32>,
          %swap3A_343 = vector.shape_cast %swap3A_342 : vector<1x16xf32> to vector<16xf32>
          %swap3A_344 = vector.shape_cast %mul3A_339 : vector<16xf32> to vector<1x16xf32>
          tpu.vector_store %arg11[%swap3A_340, %swap3A_341], %swap3A_344 {strides = array<i32>} : memref<80x128xf32, #tpu.memory_space<vmem>>, vector<1x16xf32>,
          %get3A_345 = arith.index_cast %add3A_301 : i32 to index
          %get3A_346 = arith.constant 64 : index
          %get3A_347 = tpu.vector_load %arg11[%get3A_345, %get3A_346] {strides = array<i32>} : memref<80x128xf32, #tpu.memory_space<vmem>>, vector<1x16xf32>,
          %get3A_348 = vector.shape_cast %get3A_347 : vector<1x16xf32> to vector<16xf32>
          %mul3A_349 = arith.mulf %get3A_348, %broadcast_in_dim3A_304 : vector<16xf32>
          %swap3A_350 = arith.index_cast %add3A_301 : i32 to index
          %swap3A_351 = arith.constant 64 : index
          %swap3A_352 = tpu.vector_load %arg11[%swap3A_350, %swap3A_351] {strides = array<i32>} : memref<80x128xf32, #tpu.memory_space<vmem>>, vector<1x16xf32>,
          %swap3A_353 = vector.shape_cast %swap3A_352 : vector<1x16xf32> to vector<16xf32>
          %swap3A_354 = vector.shape_cast %mul3A_349 : vector<16xf32> to vector<1x16xf32>
          tpu.vector_store %arg11[%swap3A_350, %swap3A_351], %swap3A_354 {strides = array<i32>} : memref<80x128xf32, #tpu.memory_space<vmem>>, vector<1x16xf32>,
          %get3A_355 = arith.index_cast %add3A_301 : i32 to index
          %get3A_356 = arith.constant 80 : index
          %get3A_357 = tpu.vector_load %arg11[%get3A_355, %get3A_356] {strides = array<i32>} : memref<80x128xf32, #tpu.memory_space<vmem>>, vector<1x16xf32>,
          %get3A_358 = vector.shape_cast %get3A_357 : vector<1x16xf32> to vector<16xf32>
          %mul3A_359 = arith.mulf %get3A_358, %broadcast_in_dim3A_304 : vector<16xf32>
          %swap3A_360 = arith.index_cast %add3A_301 : i32 to index
          %swap3A_361 = arith.constant 80 : index
          %swap3A_362 = tpu.vector_load %arg11[%swap3A_360, %swap3A_361] {strides = array<i32>} : memref<80x128xf32, #tpu.memory_space<vmem>>, vector<1x16xf32>,
          %swap3A_363 = vector.shape_cast %swap3A_362 : vector<1x16xf32> to vector<16xf32>
          %swap3A_364 = vector.shape_cast %mul3A_359 : vector<16xf32> to vector<1x16xf32>
          tpu.vector_store %arg11[%swap3A_360, %swap3A_361], %swap3A_364 {strides = array<i32>} : memref<80x128xf32, #tpu.memory_space<vmem>>, vector<1x16xf32>,
          %get3A_365 = arith.index_cast %add3A_301 : i32 to index
          %get3A_366 = arith.constant 96 : index
          %get3A_367 = tpu.vector_load %arg11[%get3A_365, %get3A_366] {strides = array<i32>} : memref<80x128xf32, #tpu.memory_space<vmem>>, vector<1x16xf32>,
          %get3A_368 = vector.shape_cast %get3A_367 : vector<1x16xf32> to vector<16xf32>
          %mul3A_369 = arith.mulf %get3A_368, %broadcast_in_dim3A_304 : vector<16xf32>
          %swap3A_370 = arith.index_cast %add3A_301 : i32 to index
          %swap3A_371 = arith.constant 96 : index
          %swap3A_372 = tpu.vector_load %arg11[%swap3A_370, %swap3A_371] {strides = array<i32>} : memref<80x128xf32, #tpu.memory_space<vmem>>, vector<1x16xf32>,
          %swap3A_373 = vector.shape_cast %swap3A_372 : vector<1x16xf32> to vector<16xf32>
          %swap3A_374 = vector.shape_cast %mul3A_369 : vector<16xf32> to vector<1x16xf32>
          tpu.vector_store %arg11[%swap3A_370, %swap3A_371], %swap3A_374 {strides = array<i32>} : memref<80x128xf32, #tpu.memory_space<vmem>>, vector<1x16xf32>,
          %get3A_375 = arith.index_cast %add3A_301 : i32 to index
          %get3A_376 = arith.constant 112 : index
          %get3A_377 = tpu.vector_load %arg11[%get3A_375, %get3A_376] {strides = array<i32>} : memref<80x128xf32, #tpu.memory_space<vmem>>, vector<1x16xf32>,
          %get3A_378 = vector.shape_cast %get3A_377 : vector<1x16xf32> to vector<16xf32>
          %mul3A_379 = arith.mulf %get3A_378, %broadcast_in_dim3A_304 : vector<16xf32>
          %swap3A_380 = arith.index_cast %add3A_301 : i32 to index
          %swap3A_381 = arith.constant 112 : index
          %swap3A_382 = tpu.vector_load %arg11[%swap3A_380, %swap3A_381] {strides = array<i32>} : memref<80x128xf32, #tpu.memory_space<vmem>>, vector<1x16xf32>,
          %swap3A_383 = vector.shape_cast %swap3A_382 : vector<1x16xf32> to vector<16xf32>
          %swap3A_384 = vector.shape_cast %mul3A_379 : vector<16xf32> to vector<1x16xf32>
          tpu.vector_store %arg11[%swap3A_380, %swap3A_381], %swap3A_384 {strides = array<i32>} : memref<80x128xf32, #tpu.memory_space<vmem>>, vector<1x16xf32>,
          %mul3A_385 = arith.constant 16 : i32
          %mul3A_386 = arith.muli %scan3A_119, %mul3A_385 : i32
          %add3A_387 = arith.constant 3 : i32
          %add3A_388 = arith.addi %mul3A_386, %add3A_387 : i32
          %slice3A_389 = vector.extract_strided_slice %get3A_127 {offsets = [3], sizes = [1], strides = [1]} : vector<16xf32> to vector<1xf32>
          %squeeze3A_390 = vector.extract %slice3A_389[0] : f32 from vector<1xf32>
          %broadcast_in_dim3A_391 = vector.broadcast %squeeze3A_390 : f32 to vector<16xf32>
          %get3A_392 = arith.index_cast %add3A_388 : i32 to index
          %get3A_393 = arith.constant 0 : index
          %get3A_394 = tpu.vector_load %arg11[%get3A_392, %get3A_393] {strides = array<i32>} : memref<80x128xf32, #tpu.memory_space<vmem>>, vector<1x16xf32>,
          %get3A_395 = vector.shape_cast %get3A_394 : vector<1x16xf32> to vector<16xf32>
          %mul3A_396 = arith.mulf %get3A_395, %broadcast_in_dim3A_391 : vector<16xf32>
          %swap3A_397 = arith.index_cast %add3A_388 : i32 to index
          %swap3A_398 = arith.constant 0 : index
          %swap3A_399 = tpu.vector_load %arg11[%swap3A_397, %swap3A_398] {strides = array<i32>} : memref<80x128xf32, #tpu.memory_space<vmem>>, vector<1x16xf32>,
          %swap3A_400 = vector.shape_cast %swap3A_399 : vector<1x16xf32> to vector<16xf32>
          %swap3A_401 = vector.shape_cast %mul3A_396 : vector<16xf32> to vector<1x16xf32>
          tpu.vector_store %arg11[%swap3A_397, %swap3A_398], %swap3A_401 {strides = array<i32>} : memref<80x128xf32, #tpu.memory_space<vmem>>, vector<1x16xf32>,
          %get3A_402 = arith.index_cast %add3A_388 : i32 to index
          %get3A_403 = arith.constant 16 : index
          %get3A_404 = tpu.vector_load %arg11[%get3A_402, %get3A_403] {strides = array<i32>} : memref<80x128xf32, #tpu.memory_space<vmem>>, vector<1x16xf32>,
          %get3A_405 = vector.shape_cast %get3A_404 : vector<1x16xf32> to vector<16xf32>
          %mul3A_406 = arith.mulf %get3A_405, %broadcast_in_dim3A_391 : vector<16xf32>
          %swap3A_407 = arith.index_cast %add3A_388 : i32 to index
          %swap3A_408 = arith.constant 16 : index
          %swap3A_409 = tpu.vector_load %arg11[%swap3A_407, %swap3A_408] {strides = array<i32>} : memref<80x128xf32, #tpu.memory_space<vmem>>, vector<1x16xf32>,
          %swap3A_410 = vector.shape_cast %swap3A_409 : vector<1x16xf32> to vector<16xf32>
          %swap3A_411 = vector.shape_cast %mul3A_406 : vector<16xf32> to vector<1x16xf32>
          tpu.vector_store %arg11[%swap3A_407, %swap3A_408], %swap3A_411 {strides = array<i32>} : memref<80x128xf32, #tpu.memory_space<vmem>>, vector<1x16xf32>,
          %get3A_412 = arith.index_cast %add3A_388 : i32 to index
          %get3A_413 = arith.constant 32 : index
          %get3A_414 = tpu.vector_load %arg11[%get3A_412, %get3A_413] {strides = array<i32>} : memref<80x128xf32, #tpu.memory_space<vmem>>, vector<1x16xf32>,
          %get3A_415 = vector.shape_cast %get3A_414 : vector<1x16xf32> to vector<16xf32>
          %mul3A_416 = arith.mulf %get3A_415, %broadcast_in_dim3A_391 : vector<16xf32>
          %swap3A_417 = arith.index_cast %add3A_388 : i32 to index
          %swap3A_418 = arith.constant 32 : index
          %swap3A_419 = tpu.vector_load %arg11[%swap3A_417, %swap3A_418] {strides = array<i32>} : memref<80x128xf32, #tpu.memory_space<vmem>>, vector<1x16xf32>,
          %swap3A_420 = vector.shape_cast %swap3A_419 : vector<1x16xf32> to vector<16xf32>
          %swap3A_421 = vector.shape_cast %mul3A_416 : vector<16xf32> to vector<1x16xf32>
          tpu.vector_store %arg11[%swap3A_417, %swap3A_418], %swap3A_421 {strides = array<i32>} : memref<80x128xf32, #tpu.memory_space<vmem>>, vector<1x16xf32>,
          %get3A_422 = arith.index_cast %add3A_388 : i32 to index
          %get3A_423 = arith.constant 48 : index
          %get3A_424 = tpu.vector_load %arg11[%get3A_422, %get3A_423] {strides = array<i32>} : memref<80x128xf32, #tpu.memory_space<vmem>>, vector<1x16xf32>,
          %get3A_425 = vector.shape_cast %get3A_424 : vector<1x16xf32> to vector<16xf32>
          %mul3A_426 = arith.mulf %get3A_425, %broadcast_in_dim3A_391 : vector<16xf32>
          %swap3A_427 = arith.index_cast %add3A_388 : i32 to index
          %swap3A_428 = arith.constant 48 : index
          %swap3A_429 = tpu.vector_load %arg11[%swap3A_427, %swap3A_428] {strides = array<i32>} : memref<80x128xf32, #tpu.memory_space<vmem>>, vector<1x16xf32>,
          %swap3A_430 = vector.shape_cast %swap3A_429 : vector<1x16xf32> to vector<16xf32>
          %swap3A_431 = vector.shape_cast %mul3A_426 : vector<16xf32> to vector<1x16xf32>
          tpu.vector_store %arg11[%swap3A_427, %swap3A_428], %swap3A_431 {strides = array<i32>} : memref<80x128xf32, #tpu.memory_space<vmem>>, vector<1x16xf32>,
          %get3A_432 = arith.index_cast %add3A_388 : i32 to index
          %get3A_433 = arith.constant 64 : index
          %get3A_434 = tpu.vector_load %arg11[%get3A_432, %get3A_433] {strides = array<i32>} : memref<80x128xf32, #tpu.memory_space<vmem>>, vector<1x16xf32>,
          %get3A_435 = vector.shape_cast %get3A_434 : vector<1x16xf32> to vector<16xf32>
          %mul3A_436 = arith.mulf %get3A_435, %broadcast_in_dim3A_391 : vector<16xf32>
          %swap3A_437 = arith.index_cast %add3A_388 : i32 to index
          %swap3A_438 = arith.constant 64 : index
          %swap3A_439 = tpu.vector_load %arg11[%swap3A_437, %swap3A_438] {strides = array<i32>} : memref<80x128xf32, #tpu.memory_space<vmem>>, vector<1x16xf32>,
          %swap3A_440 = vector.shape_cast %swap3A_439 : vector<1x16xf32> to vector<16xf32>
          %swap3A_441 = vector.shape_cast %mul3A_436 : vector<16xf32> to vector<1x16xf32>
          tpu.vector_store %arg11[%swap3A_437, %swap3A_438], %swap3A_441 {strides = array<i32>} : memref<80x128xf32, #tpu.memory_space<vmem>>, vector<1x16xf32>,
          %get3A_442 = arith.index_cast %add3A_388 : i32 to index
          %get3A_443 = arith.constant 80 : index
          %get3A_444 = tpu.vector_load %arg11[%get3A_442, %get3A_443] {strides = array<i32>} : memref<80x128xf32, #tpu.memory_space<vmem>>, vector<1x16xf32>,
          %get3A_445 = vector.shape_cast %get3A_444 : vector<1x16xf32> to vector<16xf32>
          %mul3A_446 = arith.mulf %get3A_445, %broadcast_in_dim3A_391 : vector<16xf32>
          %swap3A_447 = arith.index_cast %add3A_388 : i32 to index
          %swap3A_448 = arith.constant 80 : index
          %swap3A_449 = tpu.vector_load %arg11[%swap3A_447, %swap3A_448] {strides = array<i32>} : memref<80x128xf32, #tpu.memory_space<vmem>>, vector<1x16xf32>,
          %swap3A_450 = vector.shape_cast %swap3A_449 : vector<1x16xf32> to vector<16xf32>
          %swap3A_451 = vector.shape_cast %mul3A_446 : vector<16xf32> to vector<1x16xf32>
          tpu.vector_store %arg11[%swap3A_447, %swap3A_448], %swap3A_451 {strides = array<i32>} : memref<80x128xf32, #tpu.memory_space<vmem>>, vector<1x16xf32>,
          %get3A_452 = arith.index_cast %add3A_388 : i32 to index
          %get3A_453 = arith.constant 96 : index
          %get3A_454 = tpu.vector_load %arg11[%get3A_452, %get3A_453] {strides = array<i32>} : memref<80x128xf32, #tpu.memory_space<vmem>>, vector<1x16xf32>,
          %get3A_455 = vector.shape_cast %get3A_454 : vector<1x16xf32> to vector<16xf32>
          %mul3A_456 = arith.mulf %get3A_455, %broadcast_in_dim3A_391 : vector<16xf32>
          %swap3A_457 = arith.index_cast %add3A_388 : i32 to index
          %swap3A_458 = arith.constant 96 : index
          %swap3A_459 = tpu.vector_load %arg11[%swap3A_457, %swap3A_458] {strides = array<i32>} : memref<80x128xf32, #tpu.memory_space<vmem>>, vector<1x16xf32>,
          %swap3A_460 = vector.shape_cast %swap3A_459 : vector<1x16xf32> to vector<16xf32>
          %swap3A_461 = vector.shape_cast %mul3A_456 : vector<16xf32> to vector<1x16xf32>
          tpu.vector_store %arg11[%swap3A_457, %swap3A_458], %swap3A_461 {strides = array<i32>} : memref<80x128xf32, #tpu.memory_space<vmem>>, vector<1x16xf32>,
          %get3A_462 = arith.index_cast %add3A_388 : i32 to index
          %get3A_463 = arith.constant 112 : index
          %get3A_464 = tpu.vector_load %arg11[%get3A_462, %get3A_463] {strides = array<i32>} : memref<80x128xf32, #tpu.memory_space<vmem>>, vector<1x16xf32>,
          %get3A_465 = vector.shape_cast %get3A_464 : vector<1x16xf32> to vector<16xf32>
          %mul3A_466 = arith.mulf %get3A_465, %broadcast_in_dim3A_391 : vector<16xf32>
          %swap3A_467 = arith.index_cast %add3A_388 : i32 to index
          %swap3A_468 = arith.constant 112 : index
          %swap3A_469 = tpu.vector_load %arg11[%swap3A_467, %swap3A_468] {strides = array<i32>} : memref<80x128xf32, #tpu.memory_space<vmem>>, vector<1x16xf32>,
          %swap3A_470 = vector.shape_cast %swap3A_469 : vector<1x16xf32> to vector<16xf32>
          %swap3A_471 = vector.shape_cast %mul3A_466 : vector<16xf32> to vector<1x16xf32>
          tpu.vector_store %arg11[%swap3A_467, %swap3A_468], %swap3A_471 {strides = array<i32>} : memref<80x128xf32, #tpu.memory_space<vmem>>, vector<1x16xf32>,
          %mul3A_472 = arith.constant 16 : i32
          %mul3A_473 = arith.muli %scan3A_119, %mul3A_472 : i32
          %add3A_474 = arith.constant 4 : i32
          %add3A_475 = arith.addi %mul3A_473, %add3A_474 : i32
          %slice3A_476 = vector.extract_strided_slice %get3A_127 {offsets = [4], sizes = [1], strides = [1]} : vector<16xf32> to vector<1xf32>
          %squeeze3A_477 = vector.extract %slice3A_476[0] : f32 from vector<1xf32>
          %broadcast_in_dim3A_478 = vector.broadcast %squeeze3A_477 : f32 to vector<16xf32>
          %get3A_479 = arith.index_cast %add3A_475 : i32 to index
          %get3A_480 = arith.constant 0 : index
          %get3A_481 = tpu.vector_load %arg11[%get3A_479, %get3A_480] {strides = array<i32>} : memref<80x128xf32, #tpu.memory_space<vmem>>, vector<1x16xf32>,
          %get3A_482 = vector.shape_cast %get3A_481 : vector<1x16xf32> to vector<16xf32>
          %mul3A_483 = arith.mulf %get3A_482, %broadcast_in_dim3A_478 : vector<16xf32>
          %swap3A_484 = arith.index_cast %add3A_475 : i32 to index
          %swap3A_485 = arith.constant 0 : index
          %swap3A_486 = tpu.vector_load %arg11[%swap3A_484, %swap3A_485] {strides = array<i32>} : memref<80x128xf32, #tpu.memory_space<vmem>>, vector<1x16xf32>,
          %swap3A_487 = vector.shape_cast %swap3A_486 : vector<1x16xf32> to vector<16xf32>
          %swap3A_488 = vector.shape_cast %mul3A_483 : vector<16xf32> to vector<1x16xf32>
          tpu.vector_store %arg11[%swap3A_484, %swap3A_485], %swap3A_488 {strides = array<i32>} : memref<80x128xf32, #tpu.memory_space<vmem>>, vector<1x16xf32>,
          %get3A_489 = arith.index_cast %add3A_475 : i32 to index
          %get3A_490 = arith.constant 16 : index
          %get3A_491 = tpu.vector_load %arg11[%get3A_489, %get3A_490] {strides = array<i32>} : memref<80x128xf32, #tpu.memory_space<vmem>>, vector<1x16xf32>,
          %get3A_492 = vector.shape_cast %get3A_491 : vector<1x16xf32> to vector<16xf32>
          %mul3A_493 = arith.mulf %get3A_492, %broadcast_in_dim3A_478 : vector<16xf32>
          %swap3A_494 = arith.index_cast %add3A_475 : i32 to index
          %swap3A_495 = arith.constant 16 : index
          %swap3A_496 = tpu.vector_load %arg11[%swap3A_494, %swap3A_495] {strides = array<i32>} : memref<80x128xf32, #tpu.memory_space<vmem>>, vector<1x16xf32>,
          %swap3A_497 = vector.shape_cast %swap3A_496 : vector<1x16xf32> to vector<16xf32>
          %swap3A_498 = vector.shape_cast %mul3A_493 : vector<16xf32> to vector<1x16xf32>
          tpu.vector_store %arg11[%swap3A_494, %swap3A_495], %swap3A_498 {strides = array<i32>} : memref<80x128xf32, #tpu.memory_space<vmem>>, vector<1x16xf32>,
          %get3A_499 = arith.index_cast %add3A_475 : i32 to index
          %get3A_500 = arith.constant 32 : index
          %get3A_501 = tpu.vector_load %arg11[%get3A_499, %get3A_500] {strides = array<i32>} : memref<80x128xf32, #tpu.memory_space<vmem>>, vector<1x16xf32>,
          %get3A_502 = vector.shape_cast %get3A_501 : vector<1x16xf32> to vector<16xf32>
          %mul3A_503 = arith.mulf %get3A_502, %broadcast_in_dim3A_478 : vector<16xf32>
          %swap3A_504 = arith.index_cast %add3A_475 : i32 to index
          %swap3A_505 = arith.constant 32 : index
          %swap3A_506 = tpu.vector_load %arg11[%swap3A_504, %swap3A_505] {strides = array<i32>} : memref<80x128xf32, #tpu.memory_space<vmem>>, vector<1x16xf32>,
          %swap3A_507 = vector.shape_cast %swap3A_506 : vector<1x16xf32> to vector<16xf32>
          %swap3A_508 = vector.shape_cast %mul3A_503 : vector<16xf32> to vector<1x16xf32>
          tpu.vector_store %arg11[%swap3A_504, %swap3A_505], %swap3A_508 {strides = array<i32>} : memref<80x128xf32, #tpu.memory_space<vmem>>, vector<1x16xf32>,
          %get3A_509 = arith.index_cast %add3A_475 : i32 to index
          %get3A_510 = arith.constant 48 : index
          %get3A_511 = tpu.vector_load %arg11[%get3A_509, %get3A_510] {strides = array<i32>} : memref<80x128xf32, #tpu.memory_space<vmem>>, vector<1x16xf32>,
          %get3A_512 = vector.shape_cast %get3A_511 : vector<1x16xf32> to vector<16xf32>
          %mul3A_513 = arith.mulf %get3A_512, %broadcast_in_dim3A_478 : vector<16xf32>
          %swap3A_514 = arith.index_cast %add3A_475 : i32 to index
          %swap3A_515 = arith.constant 48 : index
          %swap3A_516 = tpu.vector_load %arg11[%swap3A_514, %swap3A_515] {strides = array<i32>} : memref<80x128xf32, #tpu.memory_space<vmem>>, vector<1x16xf32>,
          %swap3A_517 = vector.shape_cast %swap3A_516 : vector<1x16xf32> to vector<16xf32>
          %swap3A_518 = vector.shape_cast %mul3A_513 : vector<16xf32> to vector<1x16xf32>
          tpu.vector_store %arg11[%swap3A_514, %swap3A_515], %swap3A_518 {strides = array<i32>} : memref<80x128xf32, #tpu.memory_space<vmem>>, vector<1x16xf32>,
          %get3A_519 = arith.index_cast %add3A_475 : i32 to index
          %get3A_520 = arith.constant 64 : index
          %get3A_521 = tpu.vector_load %arg11[%get3A_519, %get3A_520] {strides = array<i32>} : memref<80x128xf32, #tpu.memory_space<vmem>>, vector<1x16xf32>,
          %get3A_522 = vector.shape_cast %get3A_521 : vector<1x16xf32> to vector<16xf32>
          %mul3A_523 = arith.mulf %get3A_522, %broadcast_in_dim3A_478 : vector<16xf32>
          %swap3A_524 = arith.index_cast %add3A_475 : i32 to index
          %swap3A_525 = arith.constant 64 : index
          %swap3A_526 = tpu.vector_load %arg11[%swap3A_524, %swap3A_525] {strides = array<i32>} : memref<80x128xf32, #tpu.memory_space<vmem>>, vector<1x16xf32>,
          %swap3A_527 = vector.shape_cast %swap3A_526 : vector<1x16xf32> to vector<16xf32>
          %swap3A_528 = vector.shape_cast %mul3A_523 : vector<16xf32> to vector<1x16xf32>
          tpu.vector_store %arg11[%swap3A_524, %swap3A_525], %swap3A_528 {strides = array<i32>} : memref<80x128xf32, #tpu.memory_space<vmem>>, vector<1x16xf32>,
          %get3A_529 = arith.index_cast %add3A_475 : i32 to index
          %get3A_530 = arith.constant 80 : index
          %get3A_531 = tpu.vector_load %arg11[%get3A_529, %get3A_530] {strides = array<i32>} : memref<80x128xf32, #tpu.memory_space<vmem>>, vector<1x16xf32>,
          %get3A_532 = vector.shape_cast %get3A_531 : vector<1x16xf32> to vector<16xf32>
          %mul3A_533 = arith.mulf %get3A_532, %broadcast_in_dim3A_478 : vector<16xf32>
          %swap3A_534 = arith.index_cast %add3A_475 : i32 to index
          %swap3A_535 = arith.constant 80 : index
          %swap3A_536 = tpu.vector_load %arg11[%swap3A_534, %swap3A_535] {strides = array<i32>} : memref<80x128xf32, #tpu.memory_space<vmem>>, vector<1x16xf32>,
          %swap3A_537 = vector.shape_cast %swap3A_536 : vector<1x16xf32> to vector<16xf32>
          %swap3A_538 = vector.shape_cast %mul3A_533 : vector<16xf32> to vector<1x16xf32>
          tpu.vector_store %arg11[%swap3A_534, %swap3A_535], %swap3A_538 {strides = array<i32>} : memref<80x128xf32, #tpu.memory_space<vmem>>, vector<1x16xf32>,
          %get3A_539 = arith.index_cast %add3A_475 : i32 to index
          %get3A_540 = arith.constant 96 : index
          %get3A_541 = tpu.vector_load %arg11[%get3A_539, %get3A_540] {strides = array<i32>} : memref<80x128xf32, #tpu.memory_space<vmem>>, vector<1x16xf32>,
          %get3A_542 = vector.shape_cast %get3A_541 : vector<1x16xf32> to vector<16xf32>
          %mul3A_543 = arith.mulf %get3A_542, %broadcast_in_dim3A_478 : vector<16xf32>
          %swap3A_544 = arith.index_cast %add3A_475 : i32 to index
          %swap3A_545 = arith.constant 96 : index
          %swap3A_546 = tpu.vector_load %arg11[%swap3A_544, %swap3A_545] {strides = array<i32>} : memref<80x128xf32, #tpu.memory_space<vmem>>, vector<1x16xf32>,
          %swap3A_547 = vector.shape_cast %swap3A_546 : vector<1x16xf32> to vector<16xf32>
          %swap3A_548 = vector.shape_cast %mul3A_543 : vector<16xf32> to vector<1x16xf32>
          tpu.vector_store %arg11[%swap3A_544, %swap3A_545], %swap3A_548 {strides = array<i32>} : memref<80x128xf32, #tpu.memory_space<vmem>>, vector<1x16xf32>,
          %get3A_549 = arith.index_cast %add3A_475 : i32 to index
          %get3A_550 = arith.constant 112 : index
          %get3A_551 = tpu.vector_load %arg11[%get3A_549, %get3A_550] {strides = array<i32>} : memref<80x128xf32, #tpu.memory_space<vmem>>, vector<1x16xf32>,
          %get3A_552 = vector.shape_cast %get3A_551 : vector<1x16xf32> to vector<16xf32>
          %mul3A_553 = arith.mulf %get3A_552, %broadcast_in_dim3A_478 : vector<16xf32>
          %swap3A_554 = arith.index_cast %add3A_475 : i32 to index
          %swap3A_555 = arith.constant 112 : index
          %swap3A_556 = tpu.vector_load %arg11[%swap3A_554, %swap3A_555] {strides = array<i32>} : memref<80x128xf32, #tpu.memory_space<vmem>>, vector<1x16xf32>,
          %swap3A_557 = vector.shape_cast %swap3A_556 : vector<1x16xf32> to vector<16xf32>
          %swap3A_558 = vector.shape_cast %mul3A_553 : vector<16xf32> to vector<1x16xf32>
          tpu.vector_store %arg11[%swap3A_554, %swap3A_555], %swap3A_558 {strides = array<i32>} : memref<80x128xf32, #tpu.memory_space<vmem>>, vector<1x16xf32>,
          %mul3A_559 = arith.constant 16 : i32
          %mul3A_560 = arith.muli %scan3A_119, %mul3A_559 : i32
          %add3A_561 = arith.constant 5 : i32
          %add3A_562 = arith.addi %mul3A_560, %add3A_561 : i32
          %slice3A_563 = vector.extract_strided_slice %get3A_127 {offsets = [5], sizes = [1], strides = [1]} : vector<16xf32> to vector<1xf32>
          %squeeze3A_564 = vector.extract %slice3A_563[0] : f32 from vector<1xf32>
          %broadcast_in_dim3A_565 = vector.broadcast %squeeze3A_564 : f32 to vector<16xf32>
          %get3A_566 = arith.index_cast %add3A_562 : i32 to index
          %get3A_567 = arith.constant 0 : index
          %get3A_568 = tpu.vector_load %arg11[%get3A_566, %get3A_567] {strides = array<i32>} : memref<80x128xf32, #tpu.memory_space<vmem>>, vector<1x16xf32>,
          %get3A_569 = vector.shape_cast %get3A_568 : vector<1x16xf32> to vector<16xf32>
          %mul3A_570 = arith.mulf %get3A_569, %broadcast_in_dim3A_565 : vector<16xf32>
          %swap3A_571 = arith.index_cast %add3A_562 : i32 to index
          %swap3A_572 = arith.constant 0 : index
          %swap3A_573 = tpu.vector_load %arg11[%swap3A_571, %swap3A_572] {strides = array<i32>} : memref<80x128xf32, #tpu.memory_space<vmem>>, vector<1x16xf32>,
          %swap3A_574 = vector.shape_cast %swap3A_573 : vector<1x16xf32> to vector<16xf32>
          %swap3A_575 = vector.shape_cast %mul3A_570 : vector<16xf32> to vector<1x16xf32>
          tpu.vector_store %arg11[%swap3A_571, %swap3A_572], %swap3A_575 {strides = array<i32>} : memref<80x128xf32, #tpu.memory_space<vmem>>, vector<1x16xf32>,
          %get3A_576 = arith.index_cast %add3A_562 : i32 to index
          %get3A_577 = arith.constant 16 : index
          %get3A_578 = tpu.vector_load %arg11[%get3A_576, %get3A_577] {strides = array<i32>} : memref<80x128xf32, #tpu.memory_space<vmem>>, vector<1x16xf32>,
          %get3A_579 = vector.shape_cast %get3A_578 : vector<1x16xf32> to vector<16xf32>
          %mul3A_580 = arith.mulf %get3A_579, %broadcast_in_dim3A_565 : vector<16xf32>
          %swap3A_581 = arith.index_cast %add3A_562 : i32 to index
          %swap3A_582 = arith.constant 16 : index
          %swap3A_583 = tpu.vector_load %arg11[%swap3A_581, %swap3A_582] {strides = array<i32>} : memref<80x128xf32, #tpu.memory_space<vmem>>, vector<1x16xf32>,
          %swap3A_584 = vector.shape_cast %swap3A_583 : vector<1x16xf32> to vector<16xf32>
          %swap3A_585 = vector.shape_cast %mul3A_580 : vector<16xf32> to vector<1x16xf32>
          tpu.vector_store %arg11[%swap3A_581, %swap3A_582], %swap3A_585 {strides = array<i32>} : memref<80x128xf32, #tpu.memory_space<vmem>>, vector<1x16xf32>,
          %get3A_586 = arith.index_cast %add3A_562 : i32 to index
          %get3A_587 = arith.constant 32 : index
          %get3A_588 = tpu.vector_load %arg11[%get3A_586, %get3A_587] {strides = array<i32>} : memref<80x128xf32, #tpu.memory_space<vmem>>, vector<1x16xf32>,
          %get3A_589 = vector.shape_cast %get3A_588 : vector<1x16xf32> to vector<16xf32>
          %mul3A_590 = arith.mulf %get3A_589, %broadcast_in_dim3A_565 : vector<16xf32>
          %swap3A_591 = arith.index_cast %add3A_562 : i32 to index
          %swap3A_592 = arith.constant 32 : index
          %swap3A_593 = tpu.vector_load %arg11[%swap3A_591, %swap3A_592] {strides = array<i32>} : memref<80x128xf32, #tpu.memory_space<vmem>>, vector<1x16xf32>,
          %swap3A_594 = vector.shape_cast %swap3A_593 : vector<1x16xf32> to vector<16xf32>
          %swap3A_595 = vector.shape_cast %mul3A_590 : vector<16xf32> to vector<1x16xf32>
          tpu.vector_store %arg11[%swap3A_591, %swap3A_592], %swap3A_595 {strides = array<i32>} : memref<80x128xf32, #tpu.memory_space<vmem>>, vector<1x16xf32>,
          %get3A_596 = arith.index_cast %add3A_562 : i32 to index
          %get3A_597 = arith.constant 48 : index
          %get3A_598 = tpu.vector_load %arg11[%get3A_596, %get3A_597] {strides = array<i32>} : memref<80x128xf32, #tpu.memory_space<vmem>>, vector<1x16xf32>,
          %get3A_599 = vector.shape_cast %get3A_598 : vector<1x16xf32> to vector<16xf32>
          %mul3A_600 = arith.mulf %get3A_599, %broadcast_in_dim3A_565 : vector<16xf32>
          %swap3A_601 = arith.index_cast %add3A_562 : i32 to index
          %swap3A_602 = arith.constant 48 : index
          %swap3A_603 = tpu.vector_load %arg11[%swap3A_601, %swap3A_602] {strides = array<i32>} : memref<80x128xf32, #tpu.memory_space<vmem>>, vector<1x16xf32>,
          %swap3A_604 = vector.shape_cast %swap3A_603 : vector<1x16xf32> to vector<16xf32>
          %swap3A_605 = vector.shape_cast %mul3A_600 : vector<16xf32> to vector<1x16xf32>
          tpu.vector_store %arg11[%swap3A_601, %swap3A_602], %swap3A_605 {strides = array<i32>} : memref<80x128xf32, #tpu.memory_space<vmem>>, vector<1x16xf32>,
          %get3A_606 = arith.index_cast %add3A_562 : i32 to index
          %get3A_607 = arith.constant 64 : index
          %get3A_608 = tpu.vector_load %arg11[%get3A_606, %get3A_607] {strides = array<i32>} : memref<80x128xf32, #tpu.memory_space<vmem>>, vector<1x16xf32>,
          %get3A_609 = vector.shape_cast %get3A_608 : vector<1x16xf32> to vector<16xf32>
          %mul3A_610 = arith.mulf %get3A_609, %broadcast_in_dim3A_565 : vector<16xf32>
          %swap3A_611 = arith.index_cast %add3A_562 : i32 to index
          %swap3A_612 = arith.constant 64 : index
          %swap3A_613 = tpu.vector_load %arg11[%swap3A_611, %swap3A_612] {strides = array<i32>} : memref<80x128xf32, #tpu.memory_space<vmem>>, vector<1x16xf32>,
          %swap3A_614 = vector.shape_cast %swap3A_613 : vector<1x16xf32> to vector<16xf32>
          %swap3A_615 = vector.shape_cast %mul3A_610 : vector<16xf32> to vector<1x16xf32>
          tpu.vector_store %arg11[%swap3A_611, %swap3A_612], %swap3A_615 {strides = array<i32>} : memref<80x128xf32, #tpu.memory_space<vmem>>, vector<1x16xf32>,
          %get3A_616 = arith.index_cast %add3A_562 : i32 to index
          %get3A_617 = arith.constant 80 : index
          %get3A_618 = tpu.vector_load %arg11[%get3A_616, %get3A_617] {strides = array<i32>} : memref<80x128xf32, #tpu.memory_space<vmem>>, vector<1x16xf32>,
          %get3A_619 = vector.shape_cast %get3A_618 : vector<1x16xf32> to vector<16xf32>
          %mul3A_620 = arith.mulf %get3A_619, %broadcast_in_dim3A_565 : vector<16xf32>
          %swap3A_621 = arith.index_cast %add3A_562 : i32 to index
          %swap3A_622 = arith.constant 80 : index
          %swap3A_623 = tpu.vector_load %arg11[%swap3A_621, %swap3A_622] {strides = array<i32>} : memref<80x128xf32, #tpu.memory_space<vmem>>, vector<1x16xf32>,
          %swap3A_624 = vector.shape_cast %swap3A_623 : vector<1x16xf32> to vector<16xf32>
          %swap3A_625 = vector.shape_cast %mul3A_620 : vector<16xf32> to vector<1x16xf32>
          tpu.vector_store %arg11[%swap3A_621, %swap3A_622], %swap3A_625 {strides = array<i32>} : memref<80x128xf32, #tpu.memory_space<vmem>>, vector<1x16xf32>,
          %get3A_626 = arith.index_cast %add3A_562 : i32 to index
          %get3A_627 = arith.constant 96 : index
          %get3A_628 = tpu.vector_load %arg11[%get3A_626, %get3A_627] {strides = array<i32>} : memref<80x128xf32, #tpu.memory_space<vmem>>, vector<1x16xf32>,
          %get3A_629 = vector.shape_cast %get3A_628 : vector<1x16xf32> to vector<16xf32>
          %mul3A_630 = arith.mulf %get3A_629, %broadcast_in_dim3A_565 : vector<16xf32>
          %swap3A_631 = arith.index_cast %add3A_562 : i32 to index
          %swap3A_632 = arith.constant 96 : index
          %swap3A_633 = tpu.vector_load %arg11[%swap3A_631, %swap3A_632] {strides = array<i32>} : memref<80x128xf32, #tpu.memory_space<vmem>>, vector<1x16xf32>,
          %swap3A_634 = vector.shape_cast %swap3A_633 : vector<1x16xf32> to vector<16xf32>
          %swap3A_635 = vector.shape_cast %mul3A_630 : vector<16xf32> to vector<1x16xf32>
          tpu.vector_store %arg11[%swap3A_631, %swap3A_632], %swap3A_635 {strides = array<i32>} : memref<80x128xf32, #tpu.memory_space<vmem>>, vector<1x16xf32>,
          %get3A_636 = arith.index_cast %add3A_562 : i32 to index
          %get3A_637 = arith.constant 112 : index
          %get3A_638 = tpu.vector_load %arg11[%get3A_636, %get3A_637] {strides = array<i32>} : memref<80x128xf32, #tpu.memory_space<vmem>>, vector<1x16xf32>,
          %get3A_639 = vector.shape_cast %get3A_638 : vector<1x16xf32> to vector<16xf32>
          %mul3A_640 = arith.mulf %get3A_639, %broadcast_in_dim3A_565 : vector<16xf32>
          %swap3A_641 = arith.index_cast %add3A_562 : i32 to index
          %swap3A_642 = arith.constant 112 : index
          %swap3A_643 = tpu.vector_load %arg11[%swap3A_641, %swap3A_642] {strides = array<i32>} : memref<80x128xf32, #tpu.memory_space<vmem>>, vector<1x16xf32>,
          %swap3A_644 = vector.shape_cast %swap3A_643 : vector<1x16xf32> to vector<16xf32>
          %swap3A_645 = vector.shape_cast %mul3A_640 : vector<16xf32> to vector<1x16xf32>
          tpu.vector_store %arg11[%swap3A_641, %swap3A_642], %swap3A_645 {strides = array<i32>} : memref<80x128xf32, #tpu.memory_space<vmem>>, vector<1x16xf32>,
          %mul3A_646 = arith.constant 16 : i32
          %mul3A_647 = arith.muli %scan3A_119, %mul3A_646 : i32
          %add3A_648 = arith.constant 6 : i32
          %add3A_649 = arith.addi %mul3A_647, %add3A_648 : i32
          %slice3A_650 = vector.extract_strided_slice %get3A_127 {offsets = [6], sizes = [1], strides = [1]} : vector<16xf32> to vector<1xf32>
          %squeeze3A_651 = vector.extract %slice3A_650[0] : f32 from vector<1xf32>
          %broadcast_in_dim3A_652 = vector.broadcast %squeeze3A_651 : f32 to vector<16xf32>
          %get3A_653 = arith.index_cast %add3A_649 : i32 to index
          %get3A_654 = arith.constant 0 : index
          %get3A_655 = tpu.vector_load %arg11[%get3A_653, %get3A_654] {strides = array<i32>} : memref<80x128xf32, #tpu.memory_space<vmem>>, vector<1x16xf32>,
          %get3A_656 = vector.shape_cast %get3A_655 : vector<1x16xf32> to vector<16xf32>
          %mul3A_657 = arith.mulf %get3A_656, %broadcast_in_dim3A_652 : vector<16xf32>
          %swap3A_658 = arith.index_cast %add3A_649 : i32 to index
          %swap3A_659 = arith.constant 0 : index
          %swap3A_660 = tpu.vector_load %arg11[%swap3A_658, %swap3A_659] {strides = array<i32>} : memref<80x128xf32, #tpu.memory_space<vmem>>, vector<1x16xf32>,
          %swap3A_661 = vector.shape_cast %swap3A_660 : vector<1x16xf32> to vector<16xf32>
          %swap3A_662 = vector.shape_cast %mul3A_657 : vector<16xf32> to vector<1x16xf32>
          tpu.vector_store %arg11[%swap3A_658, %swap3A_659], %swap3A_662 {strides = array<i32>} : memref<80x128xf32, #tpu.memory_space<vmem>>, vector<1x16xf32>,
          %get3A_663 = arith.index_cast %add3A_649 : i32 to index
          %get3A_664 = arith.constant 16 : index
          %get3A_665 = tpu.vector_load %arg11[%get3A_663, %get3A_664] {strides = array<i32>} : memref<80x128xf32, #tpu.memory_space<vmem>>, vector<1x16xf32>,
          %get3A_666 = vector.shape_cast %get3A_665 : vector<1x16xf32> to vector<16xf32>
          %mul3A_667 = arith.mulf %get3A_666, %broadcast_in_dim3A_652 : vector<16xf32>
          %swap3A_668 = arith.index_cast %add3A_649 : i32 to index
          %swap3A_669 = arith.constant 16 : index
          %swap3A_670 = tpu.vector_load %arg11[%swap3A_668, %swap3A_669] {strides = array<i32>} : memref<80x128xf32, #tpu.memory_space<vmem>>, vector<1x16xf32>,
          %swap3A_671 = vector.shape_cast %swap3A_670 : vector<1x16xf32> to vector<16xf32>
          %swap3A_672 = vector.shape_cast %mul3A_667 : vector<16xf32> to vector<1x16xf32>
          tpu.vector_store %arg11[%swap3A_668, %swap3A_669], %swap3A_672 {strides = array<i32>} : memref<80x128xf32, #tpu.memory_space<vmem>>, vector<1x16xf32>,
          %get3A_673 = arith.index_cast %add3A_649 : i32 to index
          %get3A_674 = arith.constant 32 : index
          %get3A_675 = tpu.vector_load %arg11[%get3A_673, %get3A_674] {strides = array<i32>} : memref<80x128xf32, #tpu.memory_space<vmem>>, vector<1x16xf32>,
          %get3A_676 = vector.shape_cast %get3A_675 : vector<1x16xf32> to vector<16xf32>
          %mul3A_677 = arith.mulf %get3A_676, %broadcast_in_dim3A_652 : vector<16xf32>
          %swap3A_678 = arith.index_cast %add3A_649 : i32 to index
          %swap3A_679 = arith.constant 32 : index
          %swap3A_680 = tpu.vector_load %arg11[%swap3A_678, %swap3A_679] {strides = array<i32>} : memref<80x128xf32, #tpu.memory_space<vmem>>, vector<1x16xf32>,
          %swap3A_681 = vector.shape_cast %swap3A_680 : vector<1x16xf32> to vector<16xf32>
          %swap3A_682 = vector.shape_cast %mul3A_677 : vector<16xf32> to vector<1x16xf32>
          tpu.vector_store %arg11[%swap3A_678, %swap3A_679], %swap3A_682 {strides = array<i32>} : memref<80x128xf32, #tpu.memory_space<vmem>>, vector<1x16xf32>,
          %get3A_683 = arith.index_cast %add3A_649 : i32 to index
          %get3A_684 = arith.constant 48 : index
          %get3A_685 = tpu.vector_load %arg11[%get3A_683, %get3A_684] {strides = array<i32>} : memref<80x128xf32, #tpu.memory_space<vmem>>, vector<1x16xf32>,
          %get3A_686 = vector.shape_cast %get3A_685 : vector<1x16xf32> to vector<16xf32>
          %mul3A_687 = arith.mulf %get3A_686, %broadcast_in_dim3A_652 : vector<16xf32>
          %swap3A_688 = arith.index_cast %add3A_649 : i32 to index
          %swap3A_689 = arith.constant 48 : index
          %swap3A_690 = tpu.vector_load %arg11[%swap3A_688, %swap3A_689] {strides = array<i32>} : memref<80x128xf32, #tpu.memory_space<vmem>>, vector<1x16xf32>,
          %swap3A_691 = vector.shape_cast %swap3A_690 : vector<1x16xf32> to vector<16xf32>
          %swap3A_692 = vector.shape_cast %mul3A_687 : vector<16xf32> to vector<1x16xf32>
          tpu.vector_store %arg11[%swap3A_688, %swap3A_689], %swap3A_692 {strides = array<i32>} : memref<80x128xf32, #tpu.memory_space<vmem>>, vector<1x16xf32>,
          %get3A_693 = arith.index_cast %add3A_649 : i32 to index
          %get3A_694 = arith.constant 64 : index
          %get3A_695 = tpu.vector_load %arg11[%get3A_693, %get3A_694] {strides = array<i32>} : memref<80x128xf32, #tpu.memory_space<vmem>>, vector<1x16xf32>,
          %get3A_696 = vector.shape_cast %get3A_695 : vector<1x16xf32> to vector<16xf32>
          %mul3A_697 = arith.mulf %get3A_696, %broadcast_in_dim3A_652 : vector<16xf32>
          %swap3A_698 = arith.index_cast %add3A_649 : i32 to index
          %swap3A_699 = arith.constant 64 : index
          %swap3A_700 = tpu.vector_load %arg11[%swap3A_698, %swap3A_699] {strides = array<i32>} : memref<80x128xf32, #tpu.memory_space<vmem>>, vector<1x16xf32>,
          %swap3A_701 = vector.shape_cast %swap3A_700 : vector<1x16xf32> to vector<16xf32>
          %swap3A_702 = vector.shape_cast %mul3A_697 : vector<16xf32> to vector<1x16xf32>
          tpu.vector_store %arg11[%swap3A_698, %swap3A_699], %swap3A_702 {strides = array<i32>} : memref<80x128xf32, #tpu.memory_space<vmem>>, vector<1x16xf32>,
          %get3A_703 = arith.index_cast %add3A_649 : i32 to index
          %get3A_704 = arith.constant 80 : index
          %get3A_705 = tpu.vector_load %arg11[%get3A_703, %get3A_704] {strides = array<i32>} : memref<80x128xf32, #tpu.memory_space<vmem>>, vector<1x16xf32>,
          %get3A_706 = vector.shape_cast %get3A_705 : vector<1x16xf32> to vector<16xf32>
          %mul3A_707 = arith.mulf %get3A_706, %broadcast_in_dim3A_652 : vector<16xf32>
          %swap3A_708 = arith.index_cast %add3A_649 : i32 to index
          %swap3A_709 = arith.constant 80 : index
          %swap3A_710 = tpu.vector_load %arg11[%swap3A_708, %swap3A_709] {strides = array<i32>} : memref<80x128xf32, #tpu.memory_space<vmem>>, vector<1x16xf32>,
          %swap3A_711 = vector.shape_cast %swap3A_710 : vector<1x16xf32> to vector<16xf32>
          %swap3A_712 = vector.shape_cast %mul3A_707 : vector<16xf32> to vector<1x16xf32>
          tpu.vector_store %arg11[%swap3A_708, %swap3A_709], %swap3A_712 {strides = array<i32>} : memref<80x128xf32, #tpu.memory_space<vmem>>, vector<1x16xf32>,
          %get3A_713 = arith.index_cast %add3A_649 : i32 to index
          %get3A_714 = arith.constant 96 : index
          %get3A_715 = tpu.vector_load %arg11[%get3A_713, %get3A_714] {strides = array<i32>} : memref<80x128xf32, #tpu.memory_space<vmem>>, vector<1x16xf32>,
          %get3A_716 = vector.shape_cast %get3A_715 : vector<1x16xf32> to vector<16xf32>
          %mul3A_717 = arith.mulf %get3A_716, %broadcast_in_dim3A_652 : vector<16xf32>
          %swap3A_718 = arith.index_cast %add3A_649 : i32 to index
          %swap3A_719 = arith.constant 96 : index
          %swap3A_720 = tpu.vector_load %arg11[%swap3A_718, %swap3A_719] {strides = array<i32>} : memref<80x128xf32, #tpu.memory_space<vmem>>, vector<1x16xf32>,
          %swap3A_721 = vector.shape_cast %swap3A_720 : vector<1x16xf32> to vector<16xf32>
          %swap3A_722 = vector.shape_cast %mul3A_717 : vector<16xf32> to vector<1x16xf32>
          tpu.vector_store %arg11[%swap3A_718, %swap3A_719], %swap3A_722 {strides = array<i32>} : memref<80x128xf32, #tpu.memory_space<vmem>>, vector<1x16xf32>,
          %get3A_723 = arith.index_cast %add3A_649 : i32 to index
          %get3A_724 = arith.constant 112 : index
          %get3A_725 = tpu.vector_load %arg11[%get3A_723, %get3A_724] {strides = array<i32>} : memref<80x128xf32, #tpu.memory_space<vmem>>, vector<1x16xf32>,
          %get3A_726 = vector.shape_cast %get3A_725 : vector<1x16xf32> to vector<16xf32>
          %mul3A_727 = arith.mulf %get3A_726, %broadcast_in_dim3A_652 : vector<16xf32>
          %swap3A_728 = arith.index_cast %add3A_649 : i32 to index
          %swap3A_729 = arith.constant 112 : index
          %swap3A_730 = tpu.vector_load %arg11[%swap3A_728, %swap3A_729] {strides = array<i32>} : memref<80x128xf32, #tpu.memory_space<vmem>>, vector<1x16xf32>,
          %swap3A_731 = vector.shape_cast %swap3A_730 : vector<1x16xf32> to vector<16xf32>
          %swap3A_732 = vector.shape_cast %mul3A_727 : vector<16xf32> to vector<1x16xf32>
          tpu.vector_store %arg11[%swap3A_728, %swap3A_729], %swap3A_732 {strides = array<i32>} : memref<80x128xf32, #tpu.memory_space<vmem>>, vector<1x16xf32>,
          %mul3A_733 = arith.constant 16 : i32
          %mul3A_734 = arith.muli %scan3A_119, %mul3A_733 : i32
          %add3A_735 = arith.constant 7 : i32
          %add3A_736 = arith.addi %mul3A_734, %add3A_735 : i32
          %slice3A_737 = vector.extract_strided_slice %get3A_127 {offsets = [7], sizes = [1], strides = [1]} : vector<16xf32> to vector<1xf32>
          %squeeze3A_738 = vector.extract %slice3A_737[0] : f32 from vector<1xf32>
          %broadcast_in_dim3A_739 = vector.broadcast %squeeze3A_738 : f32 to vector<16xf32>
          %get3A_740 = arith.index_cast %add3A_736 : i32 to index
          %get3A_741 = arith.constant 0 : index
          %get3A_742 = tpu.vector_load %arg11[%get3A_740, %get3A_741] {strides = array<i32>} : memref<80x128xf32, #tpu.memory_space<vmem>>, vector<1x16xf32>,
          %get3A_743 = vector.shape_cast %get3A_742 : vector<1x16xf32> to vector<16xf32>
          %mul3A_744 = arith.mulf %get3A_743, %broadcast_in_dim3A_739 : vector<16xf32>
          %swap3A_745 = arith.index_cast %add3A_736 : i32 to index
          %swap3A_746 = arith.constant 0 : index
          %swap3A_747 = tpu.vector_load %arg11[%swap3A_745, %swap3A_746] {strides = array<i32>} : memref<80x128xf32, #tpu.memory_space<vmem>>, vector<1x16xf32>,
          %swap3A_748 = vector.shape_cast %swap3A_747 : vector<1x16xf32> to vector<16xf32>
          %swap3A_749 = vector.shape_cast %mul3A_744 : vector<16xf32> to vector<1x16xf32>
          tpu.vector_store %arg11[%swap3A_745, %swap3A_746], %swap3A_749 {strides = array<i32>} : memref<80x128xf32, #tpu.memory_space<vmem>>, vector<1x16xf32>,
          %get3A_750 = arith.index_cast %add3A_736 : i32 to index
          %get3A_751 = arith.constant 16 : index
          %get3A_752 = tpu.vector_load %arg11[%get3A_750, %get3A_751] {strides = array<i32>} : memref<80x128xf32, #tpu.memory_space<vmem>>, vector<1x16xf32>,
          %get3A_753 = vector.shape_cast %get3A_752 : vector<1x16xf32> to vector<16xf32>
          %mul3A_754 = arith.mulf %get3A_753, %broadcast_in_dim3A_739 : vector<16xf32>
          %swap3A_755 = arith.index_cast %add3A_736 : i32 to index
          %swap3A_756 = arith.constant 16 : index
          %swap3A_757 = tpu.vector_load %arg11[%swap3A_755, %swap3A_756] {strides = array<i32>} : memref<80x128xf32, #tpu.memory_space<vmem>>, vector<1x16xf32>,
          %swap3A_758 = vector.shape_cast %swap3A_757 : vector<1x16xf32> to vector<16xf32>
          %swap3A_759 = vector.shape_cast %mul3A_754 : vector<16xf32> to vector<1x16xf32>
          tpu.vector_store %arg11[%swap3A_755, %swap3A_756], %swap3A_759 {strides = array<i32>} : memref<80x128xf32, #tpu.memory_space<vmem>>, vector<1x16xf32>,
          %get3A_760 = arith.index_cast %add3A_736 : i32 to index
          %get3A_761 = arith.constant 32 : index
          %get3A_762 = tpu.vector_load %arg11[%get3A_760, %get3A_761] {strides = array<i32>} : memref<80x128xf32, #tpu.memory_space<vmem>>, vector<1x16xf32>,
          %get3A_763 = vector.shape_cast %get3A_762 : vector<1x16xf32> to vector<16xf32>
          %mul3A_764 = arith.mulf %get3A_763, %broadcast_in_dim3A_739 : vector<16xf32>
          %swap3A_765 = arith.index_cast %add3A_736 : i32 to index
          %swap3A_766 = arith.constant 32 : index
          %swap3A_767 = tpu.vector_load %arg11[%swap3A_765, %swap3A_766] {strides = array<i32>} : memref<80x128xf32, #tpu.memory_space<vmem>>, vector<1x16xf32>,
          %swap3A_768 = vector.shape_cast %swap3A_767 : vector<1x16xf32> to vector<16xf32>
          %swap3A_769 = vector.shape_cast %mul3A_764 : vector<16xf32> to vector<1x16xf32>
          tpu.vector_store %arg11[%swap3A_765, %swap3A_766], %swap3A_769 {strides = array<i32>} : memref<80x128xf32, #tpu.memory_space<vmem>>, vector<1x16xf32>,
          %get3A_770 = arith.index_cast %add3A_736 : i32 to index
          %get3A_771 = arith.constant 48 : index
          %get3A_772 = tpu.vector_load %arg11[%get3A_770, %get3A_771] {strides = array<i32>} : memref<80x128xf32, #tpu.memory_space<vmem>>, vector<1x16xf32>,
          %get3A_773 = vector.shape_cast %get3A_772 : vector<1x16xf32> to vector<16xf32>
          %mul3A_774 = arith.mulf %get3A_773, %broadcast_in_dim3A_739 : vector<16xf32>
          %swap3A_775 = arith.index_cast %add3A_736 : i32 to index
          %swap3A_776 = arith.constant 48 : index
          %swap3A_777 = tpu.vector_load %arg11[%swap3A_775, %swap3A_776] {strides = array<i32>} : memref<80x128xf32, #tpu.memory_space<vmem>>, vector<1x16xf32>,
          %swap3A_778 = vector.shape_cast %swap3A_777 : vector<1x16xf32> to vector<16xf32>
          %swap3A_779 = vector.shape_cast %mul3A_774 : vector<16xf32> to vector<1x16xf32>
          tpu.vector_store %arg11[%swap3A_775, %swap3A_776], %swap3A_779 {strides = array<i32>} : memref<80x128xf32, #tpu.memory_space<vmem>>, vector<1x16xf32>,
          %get3A_780 = arith.index_cast %add3A_736 : i32 to index
          %get3A_781 = arith.constant 64 : index
          %get3A_782 = tpu.vector_load %arg11[%get3A_780, %get3A_781] {strides = array<i32>} : memref<80x128xf32, #tpu.memory_space<vmem>>, vector<1x16xf32>,
          %get3A_783 = vector.shape_cast %get3A_782 : vector<1x16xf32> to vector<16xf32>
          %mul3A_784 = arith.mulf %get3A_783, %broadcast_in_dim3A_739 : vector<16xf32>
          %swap3A_785 = arith.index_cast %add3A_736 : i32 to index
          %swap3A_786 = arith.constant 64 : index
          %swap3A_787 = tpu.vector_load %arg11[%swap3A_785, %swap3A_786] {strides = array<i32>} : memref<80x128xf32, #tpu.memory_space<vmem>>, vector<1x16xf32>,
          %swap3A_788 = vector.shape_cast %swap3A_787 : vector<1x16xf32> to vector<16xf32>
          %swap3A_789 = vector.shape_cast %mul3A_784 : vector<16xf32> to vector<1x16xf32>
          tpu.vector_store %arg11[%swap3A_785, %swap3A_786], %swap3A_789 {strides = array<i32>} : memref<80x128xf32, #tpu.memory_space<vmem>>, vector<1x16xf32>,
          %get3A_790 = arith.index_cast %add3A_736 : i32 to index
          %get3A_791 = arith.constant 80 : index
          %get3A_792 = tpu.vector_load %arg11[%get3A_790, %get3A_791] {strides = array<i32>} : memref<80x128xf32, #tpu.memory_space<vmem>>, vector<1x16xf32>,
          %get3A_793 = vector.shape_cast %get3A_792 : vector<1x16xf32> to vector<16xf32>
          %mul3A_794 = arith.mulf %get3A_793, %broadcast_in_dim3A_739 : vector<16xf32>
          %swap3A_795 = arith.index_cast %add3A_736 : i32 to index
          %swap3A_796 = arith.constant 80 : index
          %swap3A_797 = tpu.vector_load %arg11[%swap3A_795, %swap3A_796] {strides = array<i32>} : memref<80x128xf32, #tpu.memory_space<vmem>>, vector<1x16xf32>,
          %swap3A_798 = vector.shape_cast %swap3A_797 : vector<1x16xf32> to vector<16xf32>
          %swap3A_799 = vector.shape_cast %mul3A_794 : vector<16xf32> to vector<1x16xf32>
          tpu.vector_store %arg11[%swap3A_795, %swap3A_796], %swap3A_799 {strides = array<i32>} : memref<80x128xf32, #tpu.memory_space<vmem>>, vector<1x16xf32>,
          %get3A_800 = arith.index_cast %add3A_736 : i32 to index
          %get3A_801 = arith.constant 96 : index
          %get3A_802 = tpu.vector_load %arg11[%get3A_800, %get3A_801] {strides = array<i32>} : memref<80x128xf32, #tpu.memory_space<vmem>>, vector<1x16xf32>,
          %get3A_803 = vector.shape_cast %get3A_802 : vector<1x16xf32> to vector<16xf32>
          %mul3A_804 = arith.mulf %get3A_803, %broadcast_in_dim3A_739 : vector<16xf32>
          %swap3A_805 = arith.index_cast %add3A_736 : i32 to index
          %swap3A_806 = arith.constant 96 : index
          %swap3A_807 = tpu.vector_load %arg11[%swap3A_805, %swap3A_806] {strides = array<i32>} : memref<80x128xf32, #tpu.memory_space<vmem>>, vector<1x16xf32>,
          %swap3A_808 = vector.shape_cast %swap3A_807 : vector<1x16xf32> to vector<16xf32>
          %swap3A_809 = vector.shape_cast %mul3A_804 : vector<16xf32> to vector<1x16xf32>
          tpu.vector_store %arg11[%swap3A_805, %swap3A_806], %swap3A_809 {strides = array<i32>} : memref<80x128xf32, #tpu.memory_space<vmem>>, vector<1x16xf32>,
          %get3A_810 = arith.index_cast %add3A_736 : i32 to index
          %get3A_811 = arith.constant 112 : index
          %get3A_812 = tpu.vector_load %arg11[%get3A_810, %get3A_811] {strides = array<i32>} : memref<80x128xf32, #tpu.memory_space<vmem>>, vector<1x16xf32>,
          %get3A_813 = vector.shape_cast %get3A_812 : vector<1x16xf32> to vector<16xf32>
          %mul3A_814 = arith.mulf %get3A_813, %broadcast_in_dim3A_739 : vector<16xf32>
          %swap3A_815 = arith.index_cast %add3A_736 : i32 to index
          %swap3A_816 = arith.constant 112 : index
          %swap3A_817 = tpu.vector_load %arg11[%swap3A_815, %swap3A_816] {strides = array<i32>} : memref<80x128xf32, #tpu.memory_space<vmem>>, vector<1x16xf32>,
          %swap3A_818 = vector.shape_cast %swap3A_817 : vector<1x16xf32> to vector<16xf32>
          %swap3A_819 = vector.shape_cast %mul3A_814 : vector<16xf32> to vector<1x16xf32>
          tpu.vector_store %arg11[%swap3A_815, %swap3A_816], %swap3A_819 {strides = array<i32>} : memref<80x128xf32, #tpu.memory_space<vmem>>, vector<1x16xf32>,
          %mul3A_820 = arith.constant 16 : i32
          %mul3A_821 = arith.muli %scan3A_119, %mul3A_820 : i32
          %add3A_822 = arith.constant 8 : i32
          %add3A_823 = arith.addi %mul3A_821, %add3A_822 : i32
          %slice3A_824 = vector.extract_strided_slice %get3A_127 {offsets = [8], sizes = [1], strides = [1]} : vector<16xf32> to vector<1xf32>
          %squeeze3A_825 = vector.extract %slice3A_824[0] : f32 from vector<1xf32>
          %broadcast_in_dim3A_826 = vector.broadcast %squeeze3A_825 : f32 to vector<16xf32>
          %get3A_827 = arith.index_cast %add3A_823 : i32 to index
          %get3A_828 = arith.constant 0 : index
          %get3A_829 = tpu.vector_load %arg11[%get3A_827, %get3A_828] {strides = array<i32>} : memref<80x128xf32, #tpu.memory_space<vmem>>, vector<1x16xf32>,
          %get3A_830 = vector.shape_cast %get3A_829 : vector<1x16xf32> to vector<16xf32>
          %mul3A_831 = arith.mulf %get3A_830, %broadcast_in_dim3A_826 : vector<16xf32>
          %swap3A_832 = arith.index_cast %add3A_823 : i32 to index
          %swap3A_833 = arith.constant 0 : index
          %swap3A_834 = tpu.vector_load %arg11[%swap3A_832, %swap3A_833] {strides = array<i32>} : memref<80x128xf32, #tpu.memory_space<vmem>>, vector<1x16xf32>,
          %swap3A_835 = vector.shape_cast %swap3A_834 : vector<1x16xf32> to vector<16xf32>
          %swap3A_836 = vector.shape_cast %mul3A_831 : vector<16xf32> to vector<1x16xf32>
          tpu.vector_store %arg11[%swap3A_832, %swap3A_833], %swap3A_836 {strides = array<i32>} : memref<80x128xf32, #tpu.memory_space<vmem>>, vector<1x16xf32>,
          %get3A_837 = arith.index_cast %add3A_823 : i32 to index
          %get3A_838 = arith.constant 16 : index
          %get3A_839 = tpu.vector_load %arg11[%get3A_837, %get3A_838] {strides = array<i32>} : memref<80x128xf32, #tpu.memory_space<vmem>>, vector<1x16xf32>,
          %get3A_840 = vector.shape_cast %get3A_839 : vector<1x16xf32> to vector<16xf32>
          %mul3A_841 = arith.mulf %get3A_840, %broadcast_in_dim3A_826 : vector<16xf32>
          %swap3A_842 = arith.index_cast %add3A_823 : i32 to index
          %swap3A_843 = arith.constant 16 : index
          %swap3A_844 = tpu.vector_load %arg11[%swap3A_842, %swap3A_843] {strides = array<i32>} : memref<80x128xf32, #tpu.memory_space<vmem>>, vector<1x16xf32>,
          %swap3A_845 = vector.shape_cast %swap3A_844 : vector<1x16xf32> to vector<16xf32>
          %swap3A_846 = vector.shape_cast %mul3A_841 : vector<16xf32> to vector<1x16xf32>
          tpu.vector_store %arg11[%swap3A_842, %swap3A_843], %swap3A_846 {strides = array<i32>} : memref<80x128xf32, #tpu.memory_space<vmem>>, vector<1x16xf32>,
          %get3A_847 = arith.index_cast %add3A_823 : i32 to index
          %get3A_848 = arith.constant 32 : index
          %get3A_849 = tpu.vector_load %arg11[%get3A_847, %get3A_848] {strides = array<i32>} : memref<80x128xf32, #tpu.memory_space<vmem>>, vector<1x16xf32>,
          %get3A_850 = vector.shape_cast %get3A_849 : vector<1x16xf32> to vector<16xf32>
          %mul3A_851 = arith.mulf %get3A_850, %broadcast_in_dim3A_826 : vector<16xf32>
          %swap3A_852 = arith.index_cast %add3A_823 : i32 to index
          %swap3A_853 = arith.constant 32 : index
          %swap3A_854 = tpu.vector_load %arg11[%swap3A_852, %swap3A_853] {strides = array<i32>} : memref<80x128xf32, #tpu.memory_space<vmem>>, vector<1x16xf32>,
          %swap3A_855 = vector.shape_cast %swap3A_854 : vector<1x16xf32> to vector<16xf32>
          %swap3A_856 = vector.shape_cast %mul3A_851 : vector<16xf32> to vector<1x16xf32>
          tpu.vector_store %arg11[%swap3A_852, %swap3A_853], %swap3A_856 {strides = array<i32>} : memref<80x128xf32, #tpu.memory_space<vmem>>, vector<1x16xf32>,
          %get3A_857 = arith.index_cast %add3A_823 : i32 to index
          %get3A_858 = arith.constant 48 : index
          %get3A_859 = tpu.vector_load %arg11[%get3A_857, %get3A_858] {strides = array<i32>} : memref<80x128xf32, #tpu.memory_space<vmem>>, vector<1x16xf32>,
          %get3A_860 = vector.shape_cast %get3A_859 : vector<1x16xf32> to vector<16xf32>
          %mul3A_861 = arith.mulf %get3A_860, %broadcast_in_dim3A_826 : vector<16xf32>
          %swap3A_862 = arith.index_cast %add3A_823 : i32 to index
          %swap3A_863 = arith.constant 48 : index
          %swap3A_864 = tpu.vector_load %arg11[%swap3A_862, %swap3A_863] {strides = array<i32>} : memref<80x128xf32, #tpu.memory_space<vmem>>, vector<1x16xf32>,
          %swap3A_865 = vector.shape_cast %swap3A_864 : vector<1x16xf32> to vector<16xf32>
          %swap3A_866 = vector.shape_cast %mul3A_861 : vector<16xf32> to vector<1x16xf32>
          tpu.vector_store %arg11[%swap3A_862, %swap3A_863], %swap3A_866 {strides = array<i32>} : memref<80x128xf32, #tpu.memory_space<vmem>>, vector<1x16xf32>,
          %get3A_867 = arith.index_cast %add3A_823 : i32 to index
          %get3A_868 = arith.constant 64 : index
          %get3A_869 = tpu.vector_load %arg11[%get3A_867, %get3A_868] {strides = array<i32>} : memref<80x128xf32, #tpu.memory_space<vmem>>, vector<1x16xf32>,
          %get3A_870 = vector.shape_cast %get3A_869 : vector<1x16xf32> to vector<16xf32>
          %mul3A_871 = arith.mulf %get3A_870, %broadcast_in_dim3A_826 : vector<16xf32>
          %swap3A_872 = arith.index_cast %add3A_823 : i32 to index
          %swap3A_873 = arith.constant 64 : index
          %swap3A_874 = tpu.vector_load %arg11[%swap3A_872, %swap3A_873] {strides = array<i32>} : memref<80x128xf32, #tpu.memory_space<vmem>>, vector<1x16xf32>,
          %swap3A_875 = vector.shape_cast %swap3A_874 : vector<1x16xf32> to vector<16xf32>
          %swap3A_876 = vector.shape_cast %mul3A_871 : vector<16xf32> to vector<1x16xf32>
          tpu.vector_store %arg11[%swap3A_872, %swap3A_873], %swap3A_876 {strides = array<i32>} : memref<80x128xf32, #tpu.memory_space<vmem>>, vector<1x16xf32>,
          %get3A_877 = arith.index_cast %add3A_823 : i32 to index
          %get3A_878 = arith.constant 80 : index
          %get3A_879 = tpu.vector_load %arg11[%get3A_877, %get3A_878] {strides = array<i32>} : memref<80x128xf32, #tpu.memory_space<vmem>>, vector<1x16xf32>,
          %get3A_880 = vector.shape_cast %get3A_879 : vector<1x16xf32> to vector<16xf32>
          %mul3A_881 = arith.mulf %get3A_880, %broadcast_in_dim3A_826 : vector<16xf32>
          %swap3A_882 = arith.index_cast %add3A_823 : i32 to index
          %swap3A_883 = arith.constant 80 : index
          %swap3A_884 = tpu.vector_load %arg11[%swap3A_882, %swap3A_883] {strides = array<i32>} : memref<80x128xf32, #tpu.memory_space<vmem>>, vector<1x16xf32>,
          %swap3A_885 = vector.shape_cast %swap3A_884 : vector<1x16xf32> to vector<16xf32>
          %swap3A_886 = vector.shape_cast %mul3A_881 : vector<16xf32> to vector<1x16xf32>
          tpu.vector_store %arg11[%swap3A_882, %swap3A_883], %swap3A_886 {strides = array<i32>} : memref<80x128xf32, #tpu.memory_space<vmem>>, vector<1x16xf32>,
          %get3A_887 = arith.index_cast %add3A_823 : i32 to index
          %get3A_888 = arith.constant 96 : index
          %get3A_889 = tpu.vector_load %arg11[%get3A_887, %get3A_888] {strides = array<i32>} : memref<80x128xf32, #tpu.memory_space<vmem>>, vector<1x16xf32>,
          %get3A_890 = vector.shape_cast %get3A_889 : vector<1x16xf32> to vector<16xf32>
          %mul3A_891 = arith.mulf %get3A_890, %broadcast_in_dim3A_826 : vector<16xf32>
          %swap3A_892 = arith.index_cast %add3A_823 : i32 to index
          %swap3A_893 = arith.constant 96 : index
          %swap3A_894 = tpu.vector_load %arg11[%swap3A_892, %swap3A_893] {strides = array<i32>} : memref<80x128xf32, #tpu.memory_space<vmem>>, vector<1x16xf32>,
          %swap3A_895 = vector.shape_cast %swap3A_894 : vector<1x16xf32> to vector<16xf32>
          %swap3A_896 = vector.shape_cast %mul3A_891 : vector<16xf32> to vector<1x16xf32>
          tpu.vector_store %arg11[%swap3A_892, %swap3A_893], %swap3A_896 {strides = array<i32>} : memref<80x128xf32, #tpu.memory_space<vmem>>, vector<1x16xf32>,
          %get3A_897 = arith.index_cast %add3A_823 : i32 to index
          %get3A_898 = arith.constant 112 : index
          %get3A_899 = tpu.vector_load %arg11[%get3A_897, %get3A_898] {strides = array<i32>} : memref<80x128xf32, #tpu.memory_space<vmem>>, vector<1x16xf32>,
          %get3A_900 = vector.shape_cast %get3A_899 : vector<1x16xf32> to vector<16xf32>
          %mul3A_901 = arith.mulf %get3A_900, %broadcast_in_dim3A_826 : vector<16xf32>
          %swap3A_902 = arith.index_cast %add3A_823 : i32 to index
          %swap3A_903 = arith.constant 112 : index
          %swap3A_904 = tpu.vector_load %arg11[%swap3A_902, %swap3A_903] {strides = array<i32>} : memref<80x128xf32, #tpu.memory_space<vmem>>, vector<1x16xf32>,
          %swap3A_905 = vector.shape_cast %swap3A_904 : vector<1x16xf32> to vector<16xf32>
          %swap3A_906 = vector.shape_cast %mul3A_901 : vector<16xf32> to vector<1x16xf32>
          tpu.vector_store %arg11[%swap3A_902, %swap3A_903], %swap3A_906 {strides = array<i32>} : memref<80x128xf32, #tpu.memory_space<vmem>>, vector<1x16xf32>,
          %mul3A_907 = arith.constant 16 : i32
          %mul3A_908 = arith.muli %scan3A_119, %mul3A_907 : i32
          %add3A_909 = arith.constant 9 : i32
          %add3A_910 = arith.addi %mul3A_908, %add3A_909 : i32
          %slice3A_911 = vector.extract_strided_slice %get3A_127 {offsets = [9], sizes = [1], strides = [1]} : vector<16xf32> to vector<1xf32>
          %squeeze3A_912 = vector.extract %slice3A_911[0] : f32 from vector<1xf32>
          %broadcast_in_dim3A_913 = vector.broadcast %squeeze3A_912 : f32 to vector<16xf32>
          %get3A_914 = arith.index_cast %add3A_910 : i32 to index
          %get3A_915 = arith.constant 0 : index
          %get3A_916 = tpu.vector_load %arg11[%get3A_914, %get3A_915] {strides = array<i32>} : memref<80x128xf32, #tpu.memory_space<vmem>>, vector<1x16xf32>,
          %get3A_917 = vector.shape_cast %get3A_916 : vector<1x16xf32> to vector<16xf32>
          %mul3A_918 = arith.mulf %get3A_917, %broadcast_in_dim3A_913 : vector<16xf32>
          %swap3A_919 = arith.index_cast %add3A_910 : i32 to index
          %swap3A_920 = arith.constant 0 : index
          %swap3A_921 = tpu.vector_load %arg11[%swap3A_919, %swap3A_920] {strides = array<i32>} : memref<80x128xf32, #tpu.memory_space<vmem>>, vector<1x16xf32>,
          %swap3A_922 = vector.shape_cast %swap3A_921 : vector<1x16xf32> to vector<16xf32>
          %swap3A_923 = vector.shape_cast %mul3A_918 : vector<16xf32> to vector<1x16xf32>
          tpu.vector_store %arg11[%swap3A_919, %swap3A_920], %swap3A_923 {strides = array<i32>} : memref<80x128xf32, #tpu.memory_space<vmem>>, vector<1x16xf32>,
          %get3A_924 = arith.index_cast %add3A_910 : i32 to index
          %get3A_925 = arith.constant 16 : index
          %get3A_926 = tpu.vector_load %arg11[%get3A_924, %get3A_925] {strides = array<i32>} : memref<80x128xf32, #tpu.memory_space<vmem>>, vector<1x16xf32>,
          %get3A_927 = vector.shape_cast %get3A_926 : vector<1x16xf32> to vector<16xf32>
          %mul3A_928 = arith.mulf %get3A_927, %broadcast_in_dim3A_913 : vector<16xf32>
          %swap3A_929 = arith.index_cast %add3A_910 : i32 to index
          %swap3A_930 = arith.constant 16 : index
          %swap3A_931 = tpu.vector_load %arg11[%swap3A_929, %swap3A_930] {strides = array<i32>} : memref<80x128xf32, #tpu.memory_space<vmem>>, vector<1x16xf32>,
          %swap3A_932 = vector.shape_cast %swap3A_931 : vector<1x16xf32> to vector<16xf32>
          %swap3A_933 = vector.shape_cast %mul3A_928 : vector<16xf32> to vector<1x16xf32>
          tpu.vector_store %arg11[%swap3A_929, %swap3A_930], %swap3A_933 {strides = array<i32>} : memref<80x128xf32, #tpu.memory_space<vmem>>, vector<1x16xf32>,
          %get3A_934 = arith.index_cast %add3A_910 : i32 to index
          %get3A_935 = arith.constant 32 : index
          %get3A_936 = tpu.vector_load %arg11[%get3A_934, %get3A_935] {strides = array<i32>} : memref<80x128xf32, #tpu.memory_space<vmem>>, vector<1x16xf32>,
          %get3A_937 = vector.shape_cast %get3A_936 : vector<1x16xf32> to vector<16xf32>
          %mul3A_938 = arith.mulf %get3A_937, %broadcast_in_dim3A_913 : vector<16xf32>
          %swap3A_939 = arith.index_cast %add3A_910 : i32 to index
          %swap3A_940 = arith.constant 32 : index
          %swap3A_941 = tpu.vector_load %arg11[%swap3A_939, %swap3A_940] {strides = array<i32>} : memref<80x128xf32, #tpu.memory_space<vmem>>, vector<1x16xf32>,
          %swap3A_942 = vector.shape_cast %swap3A_941 : vector<1x16xf32> to vector<16xf32>
          %swap3A_943 = vector.shape_cast %mul3A_938 : vector<16xf32> to vector<1x16xf32>
          tpu.vector_store %arg11[%swap3A_939, %swap3A_940], %swap3A_943 {strides = array<i32>} : memref<80x128xf32, #tpu.memory_space<vmem>>, vector<1x16xf32>,
          %get3A_944 = arith.index_cast %add3A_910 : i32 to index
          %get3A_945 = arith.constant 48 : index
          %get3A_946 = tpu.vector_load %arg11[%get3A_944, %get3A_945] {strides = array<i32>} : memref<80x128xf32, #tpu.memory_space<vmem>>, vector<1x16xf32>,
          %get3A_947 = vector.shape_cast %get3A_946 : vector<1x16xf32> to vector<16xf32>
          %mul3A_948 = arith.mulf %get3A_947, %broadcast_in_dim3A_913 : vector<16xf32>
          %swap3A_949 = arith.index_cast %add3A_910 : i32 to index
          %swap3A_950 = arith.constant 48 : index
          %swap3A_951 = tpu.vector_load %arg11[%swap3A_949, %swap3A_950] {strides = array<i32>} : memref<80x128xf32, #tpu.memory_space<vmem>>, vector<1x16xf32>,
          %swap3A_952 = vector.shape_cast %swap3A_951 : vector<1x16xf32> to vector<16xf32>
          %swap3A_953 = vector.shape_cast %mul3A_948 : vector<16xf32> to vector<1x16xf32>
          tpu.vector_store %arg11[%swap3A_949, %swap3A_950], %swap3A_953 {strides = array<i32>} : memref<80x128xf32, #tpu.memory_space<vmem>>, vector<1x16xf32>,
          %get3A_954 = arith.index_cast %add3A_910 : i32 to index
          %get3A_955 = arith.constant 64 : index
          %get3A_956 = tpu.vector_load %arg11[%get3A_954, %get3A_955] {strides = array<i32>} : memref<80x128xf32, #tpu.memory_space<vmem>>, vector<1x16xf32>,
          %get3A_957 = vector.shape_cast %get3A_956 : vector<1x16xf32> to vector<16xf32>
          %mul3A_958 = arith.mulf %get3A_957, %broadcast_in_dim3A_913 : vector<16xf32>
          %swap3A_959 = arith.index_cast %add3A_910 : i32 to index
          %swap3A_960 = arith.constant 64 : index
          %swap3A_961 = tpu.vector_load %arg11[%swap3A_959, %swap3A_960] {strides = array<i32>} : memref<80x128xf32, #tpu.memory_space<vmem>>, vector<1x16xf32>,
          %swap3A_962 = vector.shape_cast %swap3A_961 : vector<1x16xf32> to vector<16xf32>
          %swap3A_963 = vector.shape_cast %mul3A_958 : vector<16xf32> to vector<1x16xf32>
          tpu.vector_store %arg11[%swap3A_959, %swap3A_960], %swap3A_963 {strides = array<i32>} : memref<80x128xf32, #tpu.memory_space<vmem>>, vector<1x16xf32>,
          %get3A_964 = arith.index_cast %add3A_910 : i32 to index
          %get3A_965 = arith.constant 80 : index
          %get3A_966 = tpu.vector_load %arg11[%get3A_964, %get3A_965] {strides = array<i32>} : memref<80x128xf32, #tpu.memory_space<vmem>>, vector<1x16xf32>,
          %get3A_967 = vector.shape_cast %get3A_966 : vector<1x16xf32> to vector<16xf32>
          %mul3A_968 = arith.mulf %get3A_967, %broadcast_in_dim3A_913 : vector<16xf32>
          %swap3A_969 = arith.index_cast %add3A_910 : i32 to index
          %swap3A_970 = arith.constant 80 : index
          %swap3A_971 = tpu.vector_load %arg11[%swap3A_969, %swap3A_970] {strides = array<i32>} : memref<80x128xf32, #tpu.memory_space<vmem>>, vector<1x16xf32>,
          %swap3A_972 = vector.shape_cast %swap3A_971 : vector<1x16xf32> to vector<16xf32>
          %swap3A_973 = vector.shape_cast %mul3A_968 : vector<16xf32> to vector<1x16xf32>
          tpu.vector_store %arg11[%swap3A_969, %swap3A_970], %swap3A_973 {strides = array<i32>} : memref<80x128xf32, #tpu.memory_space<vmem>>, vector<1x16xf32>,
          %get3A_974 = arith.index_cast %add3A_910 : i32 to index
          %get3A_975 = arith.constant 96 : index
          %get3A_976 = tpu.vector_load %arg11[%get3A_974, %get3A_975] {strides = array<i32>} : memref<80x128xf32, #tpu.memory_space<vmem>>, vector<1x16xf32>,
          %get3A_977 = vector.shape_cast %get3A_976 : vector<1x16xf32> to vector<16xf32>
          %mul3A_978 = arith.mulf %get3A_977, %broadcast_in_dim3A_913 : vector<16xf32>
          %swap3A_979 = arith.index_cast %add3A_910 : i32 to index
          %swap3A_980 = arith.constant 96 : index
          %swap3A_981 = tpu.vector_load %arg11[%swap3A_979, %swap3A_980] {strides = array<i32>} : memref<80x128xf32, #tpu.memory_space<vmem>>, vector<1x16xf32>,
          %swap3A_982 = vector.shape_cast %swap3A_981 : vector<1x16xf32> to vector<16xf32>
          %swap3A_983 = vector.shape_cast %mul3A_978 : vector<16xf32> to vector<1x16xf32>
          tpu.vector_store %arg11[%swap3A_979, %swap3A_980], %swap3A_983 {strides = array<i32>} : memref<80x128xf32, #tpu.memory_space<vmem>>, vector<1x16xf32>,
          %get3A_984 = arith.index_cast %add3A_910 : i32 to index
          %get3A_985 = arith.constant 112 : index
          %get3A_986 = tpu.vector_load %arg11[%get3A_984, %get3A_985] {strides = array<i32>} : memref<80x128xf32, #tpu.memory_space<vmem>>, vector<1x16xf32>,
          %get3A_987 = vector.shape_cast %get3A_986 : vector<1x16xf32> to vector<16xf32>
          %mul3A_988 = arith.mulf %get3A_987, %broadcast_in_dim3A_913 : vector<16xf32>
          %swap3A_989 = arith.index_cast %add3A_910 : i32 to index
          %swap3A_990 = arith.constant 112 : index
          %swap3A_991 = tpu.vector_load %arg11[%swap3A_989, %swap3A_990] {strides = array<i32>} : memref<80x128xf32, #tpu.memory_space<vmem>>, vector<1x16xf32>,
          %swap3A_992 = vector.shape_cast %swap3A_991 : vector<1x16xf32> to vector<16xf32>
          %swap3A_993 = vector.shape_cast %mul3A_988 : vector<16xf32> to vector<1x16xf32>
          tpu.vector_store %arg11[%swap3A_989, %swap3A_990], %swap3A_993 {strides = array<i32>} : memref<80x128xf32, #tpu.memory_space<vmem>>, vector<1x16xf32>,
          %mul3A_994 = arith.constant 16 : i32
          %mul3A_995 = arith.muli %scan3A_119, %mul3A_994 : i32
          %add3A_996 = arith.constant 10 : i32
          %add3A_997 = arith.addi %mul3A_995, %add3A_996 : i32
          %slice3A_998 = vector.extract_strided_slice %get3A_127 {offsets = [10], sizes = [1], strides = [1]} : vector<16xf32> to vector<1xf32>
          %squeeze3A_999 = vector.extract %slice3A_998[0] : f32 from vector<1xf32>
          %broadcast_in_dim3A_1000 = vector.broadcast %squeeze3A_999 : f32 to vector<16xf32>
          %get3A_1001 = arith.index_cast %add3A_997 : i32 to index
          %get3A_1002 = arith.constant 0 : index
          %get3A_1003 = tpu.vector_load %arg11[%get3A_1001, %get3A_1002] {strides = array<i32>} : memref<80x128xf32, #tpu.memory_space<vmem>>, vector<1x16xf32>,
          %get3A_1004 = vector.shape_cast %get3A_1003 : vector<1x16xf32> to vector<16xf32>
          %mul3A_1005 = arith.mulf %get3A_1004, %broadcast_in_dim3A_1000 : vector<16xf32>
          %swap3A_1006 = arith.index_cast %add3A_997 : i32 to index
          %swap3A_1007 = arith.constant 0 : index
          %swap3A_1008 = tpu.vector_load %arg11[%swap3A_1006, %swap3A_1007] {strides = array<i32>} : memref<80x128xf32, #tpu.memory_space<vmem>>, vector<1x16xf32>,
          %swap3A_1009 = vector.shape_cast %swap3A_1008 : vector<1x16xf32> to vector<16xf32>
          %swap3A_1010 = vector.shape_cast %mul3A_1005 : vector<16xf32> to vector<1x16xf32>
          tpu.vector_store %arg11[%swap3A_1006, %swap3A_1007], %swap3A_1010 {strides = array<i32>} : memref<80x128xf32, #tpu.memory_space<vmem>>, vector<1x16xf32>,
          %get3A_1011 = arith.index_cast %add3A_997 : i32 to index
          %get3A_1012 = arith.constant 16 : index
          %get3A_1013 = tpu.vector_load %arg11[%get3A_1011, %get3A_1012] {strides = array<i32>} : memref<80x128xf32, #tpu.memory_space<vmem>>, vector<1x16xf32>,
          %get3A_1014 = vector.shape_cast %get3A_1013 : vector<1x16xf32> to vector<16xf32>
          %mul3A_1015 = arith.mulf %get3A_1014, %broadcast_in_dim3A_1000 : vector<16xf32>
          %swap3A_1016 = arith.index_cast %add3A_997 : i32 to index
          %swap3A_1017 = arith.constant 16 : index
          %swap3A_1018 = tpu.vector_load %arg11[%swap3A_1016, %swap3A_1017] {strides = array<i32>} : memref<80x128xf32, #tpu.memory_space<vmem>>, vector<1x16xf32>,
          %swap3A_1019 = vector.shape_cast %swap3A_1018 : vector<1x16xf32> to vector<16xf32>
          %swap3A_1020 = vector.shape_cast %mul3A_1015 : vector<16xf32> to vector<1x16xf32>
          tpu.vector_store %arg11[%swap3A_1016, %swap3A_1017], %swap3A_1020 {strides = array<i32>} : memref<80x128xf32, #tpu.memory_space<vmem>>, vector<1x16xf32>,
          %get3A_1021 = arith.index_cast %add3A_997 : i32 to index
          %get3A_1022 = arith.constant 32 : index
          %get3A_1023 = tpu.vector_load %arg11[%get3A_1021, %get3A_1022] {strides = array<i32>} : memref<80x128xf32, #tpu.memory_space<vmem>>, vector<1x16xf32>,
          %get3A_1024 = vector.shape_cast %get3A_1023 : vector<1x16xf32> to vector<16xf32>
          %mul3A_1025 = arith.mulf %get3A_1024, %broadcast_in_dim3A_1000 : vector<16xf32>
          %swap3A_1026 = arith.index_cast %add3A_997 : i32 to index
          %swap3A_1027 = arith.constant 32 : index
          %swap3A_1028 = tpu.vector_load %arg11[%swap3A_1026, %swap3A_1027] {strides = array<i32>} : memref<80x128xf32, #tpu.memory_space<vmem>>, vector<1x16xf32>,
          %swap3A_1029 = vector.shape_cast %swap3A_1028 : vector<1x16xf32> to vector<16xf32>
          %swap3A_1030 = vector.shape_cast %mul3A_1025 : vector<16xf32> to vector<1x16xf32>
          tpu.vector_store %arg11[%swap3A_1026, %swap3A_1027], %swap3A_1030 {strides = array<i32>} : memref<80x128xf32, #tpu.memory_space<vmem>>, vector<1x16xf32>,
          %get3A_1031 = arith.index_cast %add3A_997 : i32 to index
          %get3A_1032 = arith.constant 48 : index
          %get3A_1033 = tpu.vector_load %arg11[%get3A_1031, %get3A_1032] {strides = array<i32>} : memref<80x128xf32, #tpu.memory_space<vmem>>, vector<1x16xf32>,
          %get3A_1034 = vector.shape_cast %get3A_1033 : vector<1x16xf32> to vector<16xf32>
          %mul3A_1035 = arith.mulf %get3A_1034, %broadcast_in_dim3A_1000 : vector<16xf32>
          %swap3A_1036 = arith.index_cast %add3A_997 : i32 to index
          %swap3A_1037 = arith.constant 48 : index
          %swap3A_1038 = tpu.vector_load %arg11[%swap3A_1036, %swap3A_1037] {strides = array<i32>} : memref<80x128xf32, #tpu.memory_space<vmem>>, vector<1x16xf32>,
          %swap3A_1039 = vector.shape_cast %swap3A_1038 : vector<1x16xf32> to vector<16xf32>
          %swap3A_1040 = vector.shape_cast %mul3A_1035 : vector<16xf32> to vector<1x16xf32>
          tpu.vector_store %arg11[%swap3A_1036, %swap3A_1037], %swap3A_1040 {strides = array<i32>} : memref<80x128xf32, #tpu.memory_space<vmem>>, vector<1x16xf32>,
          %get3A_1041 = arith.index_cast %add3A_997 : i32 to index
          %get3A_1042 = arith.constant 64 : index
          %get3A_1043 = tpu.vector_load %arg11[%get3A_1041, %get3A_1042] {strides = array<i32>} : memref<80x128xf32, #tpu.memory_space<vmem>>, vector<1x16xf32>,
          %get3A_1044 = vector.shape_cast %get3A_1043 : vector<1x16xf32> to vector<16xf32>
          %mul3A_1045 = arith.mulf %get3A_1044, %broadcast_in_dim3A_1000 : vector<16xf32>
          %swap3A_1046 = arith.index_cast %add3A_997 : i32 to index
          %swap3A_1047 = arith.constant 64 : index
          %swap3A_1048 = tpu.vector_load %arg11[%swap3A_1046, %swap3A_1047] {strides = array<i32>} : memref<80x128xf32, #tpu.memory_space<vmem>>, vector<1x16xf32>,
          %swap3A_1049 = vector.shape_cast %swap3A_1048 : vector<1x16xf32> to vector<16xf32>
          %swap3A_1050 = vector.shape_cast %mul3A_1045 : vector<16xf32> to vector<1x16xf32>
          tpu.vector_store %arg11[%swap3A_1046, %swap3A_1047], %swap3A_1050 {strides = array<i32>} : memref<80x128xf32, #tpu.memory_space<vmem>>, vector<1x16xf32>,
          %get3A_1051 = arith.index_cast %add3A_997 : i32 to index
          %get3A_1052 = arith.constant 80 : index
          %get3A_1053 = tpu.vector_load %arg11[%get3A_1051, %get3A_1052] {strides = array<i32>} : memref<80x128xf32, #tpu.memory_space<vmem>>, vector<1x16xf32>,
          %get3A_1054 = vector.shape_cast %get3A_1053 : vector<1x16xf32> to vector<16xf32>
          %mul3A_1055 = arith.mulf %get3A_1054, %broadcast_in_dim3A_1000 : vector<16xf32>
          %swap3A_1056 = arith.index_cast %add3A_997 : i32 to index
          %swap3A_1057 = arith.constant 80 : index
          %swap3A_1058 = tpu.vector_load %arg11[%swap3A_1056, %swap3A_1057] {strides = array<i32>} : memref<80x128xf32, #tpu.memory_space<vmem>>, vector<1x16xf32>,
          %swap3A_1059 = vector.shape_cast %swap3A_1058 : vector<1x16xf32> to vector<16xf32>
          %swap3A_1060 = vector.shape_cast %mul3A_1055 : vector<16xf32> to vector<1x16xf32>
          tpu.vector_store %arg11[%swap3A_1056, %swap3A_1057], %swap3A_1060 {strides = array<i32>} : memref<80x128xf32, #tpu.memory_space<vmem>>, vector<1x16xf32>,
          %get3A_1061 = arith.index_cast %add3A_997 : i32 to index
          %get3A_1062 = arith.constant 96 : index
          %get3A_1063 = tpu.vector_load %arg11[%get3A_1061, %get3A_1062] {strides = array<i32>} : memref<80x128xf32, #tpu.memory_space<vmem>>, vector<1x16xf32>,
          %get3A_1064 = vector.shape_cast %get3A_1063 : vector<1x16xf32> to vector<16xf32>
          %mul3A_1065 = arith.mulf %get3A_1064, %broadcast_in_dim3A_1000 : vector<16xf32>
          %swap3A_1066 = arith.index_cast %add3A_997 : i32 to index
          %swap3A_1067 = arith.constant 96 : index
          %swap3A_1068 = tpu.vector_load %arg11[%swap3A_1066, %swap3A_1067] {strides = array<i32>} : memref<80x128xf32, #tpu.memory_space<vmem>>, vector<1x16xf32>,
          %swap3A_1069 = vector.shape_cast %swap3A_1068 : vector<1x16xf32> to vector<16xf32>
          %swap3A_1070 = vector.shape_cast %mul3A_1065 : vector<16xf32> to vector<1x16xf32>
          tpu.vector_store %arg11[%swap3A_1066, %swap3A_1067], %swap3A_1070 {strides = array<i32>} : memref<80x128xf32, #tpu.memory_space<vmem>>, vector<1x16xf32>,
          %get3A_1071 = arith.index_cast %add3A_997 : i32 to index
          %get3A_1072 = arith.constant 112 : index
          %get3A_1073 = tpu.vector_load %arg11[%get3A_1071, %get3A_1072] {strides = array<i32>} : memref<80x128xf32, #tpu.memory_space<vmem>>, vector<1x16xf32>,
          %get3A_1074 = vector.shape_cast %get3A_1073 : vector<1x16xf32> to vector<16xf32>
          %mul3A_1075 = arith.mulf %get3A_1074, %broadcast_in_dim3A_1000 : vector<16xf32>
          %swap3A_1076 = arith.index_cast %add3A_997 : i32 to index
          %swap3A_1077 = arith.constant 112 : index
          %swap3A_1078 = tpu.vector_load %arg11[%swap3A_1076, %swap3A_1077] {strides = array<i32>} : memref<80x128xf32, #tpu.memory_space<vmem>>, vector<1x16xf32>,
          %swap3A_1079 = vector.shape_cast %swap3A_1078 : vector<1x16xf32> to vector<16xf32>
          %swap3A_1080 = vector.shape_cast %mul3A_1075 : vector<16xf32> to vector<1x16xf32>
          tpu.vector_store %arg11[%swap3A_1076, %swap3A_1077], %swap3A_1080 {strides = array<i32>} : memref<80x128xf32, #tpu.memory_space<vmem>>, vector<1x16xf32>,
          %mul3A_1081 = arith.constant 16 : i32
          %mul3A_1082 = arith.muli %scan3A_119, %mul3A_1081 : i32
          %add3A_1083 = arith.constant 11 : i32
          %add3A_1084 = arith.addi %mul3A_1082, %add3A_1083 : i32
          %slice3A_1085 = vector.extract_strided_slice %get3A_127 {offsets = [11], sizes = [1], strides = [1]} : vector<16xf32> to vector<1xf32>
          %squeeze3A_1086 = vector.extract %slice3A_1085[0] : f32 from vector<1xf32>
          %broadcast_in_dim3A_1087 = vector.broadcast %squeeze3A_1086 : f32 to vector<16xf32>
          %get3A_1088 = arith.index_cast %add3A_1084 : i32 to index
          %get3A_1089 = arith.constant 0 : index
          %get3A_1090 = tpu.vector_load %arg11[%get3A_1088, %get3A_1089] {strides = array<i32>} : memref<80x128xf32, #tpu.memory_space<vmem>>, vector<1x16xf32>,
          %get3A_1091 = vector.shape_cast %get3A_1090 : vector<1x16xf32> to vector<16xf32>
          %mul3A_1092 = arith.mulf %get3A_1091, %broadcast_in_dim3A_1087 : vector<16xf32>
          %swap3A_1093 = arith.index_cast %add3A_1084 : i32 to index
          %swap3A_1094 = arith.constant 0 : index
          %swap3A_1095 = tpu.vector_load %arg11[%swap3A_1093, %swap3A_1094] {strides = array<i32>} : memref<80x128xf32, #tpu.memory_space<vmem>>, vector<1x16xf32>,
          %swap3A_1096 = vector.shape_cast %swap3A_1095 : vector<1x16xf32> to vector<16xf32>
          %swap3A_1097 = vector.shape_cast %mul3A_1092 : vector<16xf32> to vector<1x16xf32>
          tpu.vector_store %arg11[%swap3A_1093, %swap3A_1094], %swap3A_1097 {strides = array<i32>} : memref<80x128xf32, #tpu.memory_space<vmem>>, vector<1x16xf32>,
          %get3A_1098 = arith.index_cast %add3A_1084 : i32 to index
          %get3A_1099 = arith.constant 16 : index
          %get3A_1100 = tpu.vector_load %arg11[%get3A_1098, %get3A_1099] {strides = array<i32>} : memref<80x128xf32, #tpu.memory_space<vmem>>, vector<1x16xf32>,
          %get3A_1101 = vector.shape_cast %get3A_1100 : vector<1x16xf32> to vector<16xf32>
          %mul3A_1102 = arith.mulf %get3A_1101, %broadcast_in_dim3A_1087 : vector<16xf32>
          %swap3A_1103 = arith.index_cast %add3A_1084 : i32 to index
          %swap3A_1104 = arith.constant 16 : index
          %swap3A_1105 = tpu.vector_load %arg11[%swap3A_1103, %swap3A_1104] {strides = array<i32>} : memref<80x128xf32, #tpu.memory_space<vmem>>, vector<1x16xf32>,
          %swap3A_1106 = vector.shape_cast %swap3A_1105 : vector<1x16xf32> to vector<16xf32>
          %swap3A_1107 = vector.shape_cast %mul3A_1102 : vector<16xf32> to vector<1x16xf32>
          tpu.vector_store %arg11[%swap3A_1103, %swap3A_1104], %swap3A_1107 {strides = array<i32>} : memref<80x128xf32, #tpu.memory_space<vmem>>, vector<1x16xf32>,
          %get3A_1108 = arith.index_cast %add3A_1084 : i32 to index
          %get3A_1109 = arith.constant 32 : index
          %get3A_1110 = tpu.vector_load %arg11[%get3A_1108, %get3A_1109] {strides = array<i32>} : memref<80x128xf32, #tpu.memory_space<vmem>>, vector<1x16xf32>,
          %get3A_1111 = vector.shape_cast %get3A_1110 : vector<1x16xf32> to vector<16xf32>
          %mul3A_1112 = arith.mulf %get3A_1111, %broadcast_in_dim3A_1087 : vector<16xf32>
          %swap3A_1113 = arith.index_cast %add3A_1084 : i32 to index
          %swap3A_1114 = arith.constant 32 : index
          %swap3A_1115 = tpu.vector_load %arg11[%swap3A_1113, %swap3A_1114] {strides = array<i32>} : memref<80x128xf32, #tpu.memory_space<vmem>>, vector<1x16xf32>,
          %swap3A_1116 = vector.shape_cast %swap3A_1115 : vector<1x16xf32> to vector<16xf32>
          %swap3A_1117 = vector.shape_cast %mul3A_1112 : vector<16xf32> to vector<1x16xf32>
          tpu.vector_store %arg11[%swap3A_1113, %swap3A_1114], %swap3A_1117 {strides = array<i32>} : memref<80x128xf32, #tpu.memory_space<vmem>>, vector<1x16xf32>,
          %get3A_1118 = arith.index_cast %add3A_1084 : i32 to index
          %get3A_1119 = arith.constant 48 : index
          %get3A_1120 = tpu.vector_load %arg11[%get3A_1118, %get3A_1119] {strides = array<i32>} : memref<80x128xf32, #tpu.memory_space<vmem>>, vector<1x16xf32>,
          %get3A_1121 = vector.shape_cast %get3A_1120 : vector<1x16xf32> to vector<16xf32>
          %mul3A_1122 = arith.mulf %get3A_1121, %broadcast_in_dim3A_1087 : vector<16xf32>
          %swap3A_1123 = arith.index_cast %add3A_1084 : i32 to index
          %swap3A_1124 = arith.constant 48 : index
          %swap3A_1125 = tpu.vector_load %arg11[%swap3A_1123, %swap3A_1124] {strides = array<i32>} : memref<80x128xf32, #tpu.memory_space<vmem>>, vector<1x16xf32>,
          %swap3A_1126 = vector.shape_cast %swap3A_1125 : vector<1x16xf32> to vector<16xf32>
          %swap3A_1127 = vector.shape_cast %mul3A_1122 : vector<16xf32> to vector<1x16xf32>
          tpu.vector_store %arg11[%swap3A_1123, %swap3A_1124], %swap3A_1127 {strides = array<i32>} : memref<80x128xf32, #tpu.memory_space<vmem>>, vector<1x16xf32>,
          %get3A_1128 = arith.index_cast %add3A_1084 : i32 to index
          %get3A_1129 = arith.constant 64 : index
          %get3A_1130 = tpu.vector_load %arg11[%get3A_1128, %get3A_1129] {strides = array<i32>} : memref<80x128xf32, #tpu.memory_space<vmem>>, vector<1x16xf32>,
          %get3A_1131 = vector.shape_cast %get3A_1130 : vector<1x16xf32> to vector<16xf32>
          %mul3A_1132 = arith.mulf %get3A_1131, %broadcast_in_dim3A_1087 : vector<16xf32>
          %swap3A_1133 = arith.index_cast %add3A_1084 : i32 to index
          %swap3A_1134 = arith.constant 64 : index
          %swap3A_1135 = tpu.vector_load %arg11[%swap3A_1133, %swap3A_1134] {strides = array<i32>} : memref<80x128xf32, #tpu.memory_space<vmem>>, vector<1x16xf32>,
          %swap3A_1136 = vector.shape_cast %swap3A_1135 : vector<1x16xf32> to vector<16xf32>
          %swap3A_1137 = vector.shape_cast %mul3A_1132 : vector<16xf32> to vector<1x16xf32>
          tpu.vector_store %arg11[%swap3A_1133, %swap3A_1134], %swap3A_1137 {strides = array<i32>} : memref<80x128xf32, #tpu.memory_space<vmem>>, vector<1x16xf32>,
          %get3A_1138 = arith.index_cast %add3A_1084 : i32 to index
          %get3A_1139 = arith.constant 80 : index
          %get3A_1140 = tpu.vector_load %arg11[%get3A_1138, %get3A_1139] {strides = array<i32>} : memref<80x128xf32, #tpu.memory_space<vmem>>, vector<1x16xf32>,
          %get3A_1141 = vector.shape_cast %get3A_1140 : vector<1x16xf32> to vector<16xf32>
          %mul3A_1142 = arith.mulf %get3A_1141, %broadcast_in_dim3A_1087 : vector<16xf32>
          %swap3A_1143 = arith.index_cast %add3A_1084 : i32 to index
          %swap3A_1144 = arith.constant 80 : index
          %swap3A_1145 = tpu.vector_load %arg11[%swap3A_1143, %swap3A_1144] {strides = array<i32>} : memref<80x128xf32, #tpu.memory_space<vmem>>, vector<1x16xf32>,
          %swap3A_1146 = vector.shape_cast %swap3A_1145 : vector<1x16xf32> to vector<16xf32>
          %swap3A_1147 = vector.shape_cast %mul3A_1142 : vector<16xf32> to vector<1x16xf32>
          tpu.vector_store %arg11[%swap3A_1143, %swap3A_1144], %swap3A_1147 {strides = array<i32>} : memref<80x128xf32, #tpu.memory_space<vmem>>, vector<1x16xf32>,
          %get3A_1148 = arith.index_cast %add3A_1084 : i32 to index
          %get3A_1149 = arith.constant 96 : index
          %get3A_1150 = tpu.vector_load %arg11[%get3A_1148, %get3A_1149] {strides = array<i32>} : memref<80x128xf32, #tpu.memory_space<vmem>>, vector<1x16xf32>,
          %get3A_1151 = vector.shape_cast %get3A_1150 : vector<1x16xf32> to vector<16xf32>
          %mul3A_1152 = arith.mulf %get3A_1151, %broadcast_in_dim3A_1087 : vector<16xf32>
          %swap3A_1153 = arith.index_cast %add3A_1084 : i32 to index
          %swap3A_1154 = arith.constant 96 : index
          %swap3A_1155 = tpu.vector_load %arg11[%swap3A_1153, %swap3A_1154] {strides = array<i32>} : memref<80x128xf32, #tpu.memory_space<vmem>>, vector<1x16xf32>,
          %swap3A_1156 = vector.shape_cast %swap3A_1155 : vector<1x16xf32> to vector<16xf32>
          %swap3A_1157 = vector.shape_cast %mul3A_1152 : vector<16xf32> to vector<1x16xf32>
          tpu.vector_store %arg11[%swap3A_1153, %swap3A_1154], %swap3A_1157 {strides = array<i32>} : memref<80x128xf32, #tpu.memory_space<vmem>>, vector<1x16xf32>,
          %get3A_1158 = arith.index_cast %add3A_1084 : i32 to index
          %get3A_1159 = arith.constant 112 : index
          %get3A_1160 = tpu.vector_load %arg11[%get3A_1158, %get3A_1159] {strides = array<i32>} : memref<80x128xf32, #tpu.memory_space<vmem>>, vector<1x16xf32>,
          %get3A_1161 = vector.shape_cast %get3A_1160 : vector<1x16xf32> to vector<16xf32>
          %mul3A_1162 = arith.mulf %get3A_1161, %broadcast_in_dim3A_1087 : vector<16xf32>
          %swap3A_1163 = arith.index_cast %add3A_1084 : i32 to index
          %swap3A_1164 = arith.constant 112 : index
          %swap3A_1165 = tpu.vector_load %arg11[%swap3A_1163, %swap3A_1164] {strides = array<i32>} : memref<80x128xf32, #tpu.memory_space<vmem>>, vector<1x16xf32>,
          %swap3A_1166 = vector.shape_cast %swap3A_1165 : vector<1x16xf32> to vector<16xf32>
          %swap3A_1167 = vector.shape_cast %mul3A_1162 : vector<16xf32> to vector<1x16xf32>
          tpu.vector_store %arg11[%swap3A_1163, %swap3A_1164], %swap3A_1167 {strides = array<i32>} : memref<80x128xf32, #tpu.memory_space<vmem>>, vector<1x16xf32>,
          %mul3A_1168 = arith.constant 16 : i32
          %mul3A_1169 = arith.muli %scan3A_119, %mul3A_1168 : i32
          %add3A_1170 = arith.constant 12 : i32
          %add3A_1171 = arith.addi %mul3A_1169, %add3A_1170 : i32
          %slice3A_1172 = vector.extract_strided_slice %get3A_127 {offsets = [12], sizes = [1], strides = [1]} : vector<16xf32> to vector<1xf32>
          %squeeze3A_1173 = vector.extract %slice3A_1172[0] : f32 from vector<1xf32>
          %broadcast_in_dim3A_1174 = vector.broadcast %squeeze3A_1173 : f32 to vector<16xf32>
          %get3A_1175 = arith.index_cast %add3A_1171 : i32 to index
          %get3A_1176 = arith.constant 0 : index
          %get3A_1177 = tpu.vector_load %arg11[%get3A_1175, %get3A_1176] {strides = array<i32>} : memref<80x128xf32, #tpu.memory_space<vmem>>, vector<1x16xf32>,
          %get3A_1178 = vector.shape_cast %get3A_1177 : vector<1x16xf32> to vector<16xf32>
          %mul3A_1179 = arith.mulf %get3A_1178, %broadcast_in_dim3A_1174 : vector<16xf32>
          %swap3A_1180 = arith.index_cast %add3A_1171 : i32 to index
          %swap3A_1181 = arith.constant 0 : index
          %swap3A_1182 = tpu.vector_load %arg11[%swap3A_1180, %swap3A_1181] {strides = array<i32>} : memref<80x128xf32, #tpu.memory_space<vmem>>, vector<1x16xf32>,
          %swap3A_1183 = vector.shape_cast %swap3A_1182 : vector<1x16xf32> to vector<16xf32>
          %swap3A_1184 = vector.shape_cast %mul3A_1179 : vector<16xf32> to vector<1x16xf32>
          tpu.vector_store %arg11[%swap3A_1180, %swap3A_1181], %swap3A_1184 {strides = array<i32>} : memref<80x128xf32, #tpu.memory_space<vmem>>, vector<1x16xf32>,
          %get3A_1185 = arith.index_cast %add3A_1171 : i32 to index
          %get3A_1186 = arith.constant 16 : index
          %get3A_1187 = tpu.vector_load %arg11[%get3A_1185, %get3A_1186] {strides = array<i32>} : memref<80x128xf32, #tpu.memory_space<vmem>>, vector<1x16xf32>,
          %get3A_1188 = vector.shape_cast %get3A_1187 : vector<1x16xf32> to vector<16xf32>
          %mul3A_1189 = arith.mulf %get3A_1188, %broadcast_in_dim3A_1174 : vector<16xf32>
          %swap3A_1190 = arith.index_cast %add3A_1171 : i32 to index
          %swap3A_1191 = arith.constant 16 : index
          %swap3A_1192 = tpu.vector_load %arg11[%swap3A_1190, %swap3A_1191] {strides = array<i32>} : memref<80x128xf32, #tpu.memory_space<vmem>>, vector<1x16xf32>,
          %swap3A_1193 = vector.shape_cast %swap3A_1192 : vector<1x16xf32> to vector<16xf32>
          %swap3A_1194 = vector.shape_cast %mul3A_1189 : vector<16xf32> to vector<1x16xf32>
          tpu.vector_store %arg11[%swap3A_1190, %swap3A_1191], %swap3A_1194 {strides = array<i32>} : memref<80x128xf32, #tpu.memory_space<vmem>>, vector<1x16xf32>,
          %get3A_1195 = arith.index_cast %add3A_1171 : i32 to index
          %get3A_1196 = arith.constant 32 : index
          %get3A_1197 = tpu.vector_load %arg11[%get3A_1195, %get3A_1196] {strides = array<i32>} : memref<80x128xf32, #tpu.memory_space<vmem>>, vector<1x16xf32>,
          %get3A_1198 = vector.shape_cast %get3A_1197 : vector<1x16xf32> to vector<16xf32>
          %mul3A_1199 = arith.mulf %get3A_1198, %broadcast_in_dim3A_1174 : vector<16xf32>
          %swap3A_1200 = arith.index_cast %add3A_1171 : i32 to index
          %swap3A_1201 = arith.constant 32 : index
          %swap3A_1202 = tpu.vector_load %arg11[%swap3A_1200, %swap3A_1201] {strides = array<i32>} : memref<80x128xf32, #tpu.memory_space<vmem>>, vector<1x16xf32>,
          %swap3A_1203 = vector.shape_cast %swap3A_1202 : vector<1x16xf32> to vector<16xf32>
          %swap3A_1204 = vector.shape_cast %mul3A_1199 : vector<16xf32> to vector<1x16xf32>
          tpu.vector_store %arg11[%swap3A_1200, %swap3A_1201], %swap3A_1204 {strides = array<i32>} : memref<80x128xf32, #tpu.memory_space<vmem>>, vector<1x16xf32>,
          %get3A_1205 = arith.index_cast %add3A_1171 : i32 to index
          %get3A_1206 = arith.constant 48 : index
          %get3A_1207 = tpu.vector_load %arg11[%get3A_1205, %get3A_1206] {strides = array<i32>} : memref<80x128xf32, #tpu.memory_space<vmem>>, vector<1x16xf32>,
          %get3A_1208 = vector.shape_cast %get3A_1207 : vector<1x16xf32> to vector<16xf32>
          %mul3A_1209 = arith.mulf %get3A_1208, %broadcast_in_dim3A_1174 : vector<16xf32>
          %swap3A_1210 = arith.index_cast %add3A_1171 : i32 to index
          %swap3A_1211 = arith.constant 48 : index
          %swap3A_1212 = tpu.vector_load %arg11[%swap3A_1210, %swap3A_1211] {strides = array<i32>} : memref<80x128xf32, #tpu.memory_space<vmem>>, vector<1x16xf32>,
          %swap3A_1213 = vector.shape_cast %swap3A_1212 : vector<1x16xf32> to vector<16xf32>
          %swap3A_1214 = vector.shape_cast %mul3A_1209 : vector<16xf32> to vector<1x16xf32>
          tpu.vector_store %arg11[%swap3A_1210, %swap3A_1211], %swap3A_1214 {strides = array<i32>} : memref<80x128xf32, #tpu.memory_space<vmem>>, vector<1x16xf32>,
          %get3A_1215 = arith.index_cast %add3A_1171 : i32 to index
          %get3A_1216 = arith.constant 64 : index
          %get3A_1217 = tpu.vector_load %arg11[%get3A_1215, %get3A_1216] {strides = array<i32>} : memref<80x128xf32, #tpu.memory_space<vmem>>, vector<1x16xf32>,
          %get3A_1218 = vector.shape_cast %get3A_1217 : vector<1x16xf32> to vector<16xf32>
          %mul3A_1219 = arith.mulf %get3A_1218, %broadcast_in_dim3A_1174 : vector<16xf32>
          %swap3A_1220 = arith.index_cast %add3A_1171 : i32 to index
          %swap3A_1221 = arith.constant 64 : index
          %swap3A_1222 = tpu.vector_load %arg11[%swap3A_1220, %swap3A_1221] {strides = array<i32>} : memref<80x128xf32, #tpu.memory_space<vmem>>, vector<1x16xf32>,
          %swap3A_1223 = vector.shape_cast %swap3A_1222 : vector<1x16xf32> to vector<16xf32>
          %swap3A_1224 = vector.shape_cast %mul3A_1219 : vector<16xf32> to vector<1x16xf32>
          tpu.vector_store %arg11[%swap3A_1220, %swap3A_1221], %swap3A_1224 {strides = array<i32>} : memref<80x128xf32, #tpu.memory_space<vmem>>, vector<1x16xf32>,
          %get3A_1225 = arith.index_cast %add3A_1171 : i32 to index
          %get3A_1226 = arith.constant 80 : index
          %get3A_1227 = tpu.vector_load %arg11[%get3A_1225, %get3A_1226] {strides = array<i32>} : memref<80x128xf32, #tpu.memory_space<vmem>>, vector<1x16xf32>,
          %get3A_1228 = vector.shape_cast %get3A_1227 : vector<1x16xf32> to vector<16xf32>
          %mul3A_1229 = arith.mulf %get3A_1228, %broadcast_in_dim3A_1174 : vector<16xf32>
          %swap3A_1230 = arith.index_cast %add3A_1171 : i32 to index
          %swap3A_1231 = arith.constant 80 : index
          %swap3A_1232 = tpu.vector_load %arg11[%swap3A_1230, %swap3A_1231] {strides = array<i32>} : memref<80x128xf32, #tpu.memory_space<vmem>>, vector<1x16xf32>,
          %swap3A_1233 = vector.shape_cast %swap3A_1232 : vector<1x16xf32> to vector<16xf32>
          %swap3A_1234 = vector.shape_cast %mul3A_1229 : vector<16xf32> to vector<1x16xf32>
          tpu.vector_store %arg11[%swap3A_1230, %swap3A_1231], %swap3A_1234 {strides = array<i32>} : memref<80x128xf32, #tpu.memory_space<vmem>>, vector<1x16xf32>,
          %get3A_1235 = arith.index_cast %add3A_1171 : i32 to index
          %get3A_1236 = arith.constant 96 : index
          %get3A_1237 = tpu.vector_load %arg11[%get3A_1235, %get3A_1236] {strides = array<i32>} : memref<80x128xf32, #tpu.memory_space<vmem>>, vector<1x16xf32>,
          %get3A_1238 = vector.shape_cast %get3A_1237 : vector<1x16xf32> to vector<16xf32>
          %mul3A_1239 = arith.mulf %get3A_1238, %broadcast_in_dim3A_1174 : vector<16xf32>
          %swap3A_1240 = arith.index_cast %add3A_1171 : i32 to index
          %swap3A_1241 = arith.constant 96 : index
          %swap3A_1242 = tpu.vector_load %arg11[%swap3A_1240, %swap3A_1241] {strides = array<i32>} : memref<80x128xf32, #tpu.memory_space<vmem>>, vector<1x16xf32>,
          %swap3A_1243 = vector.shape_cast %swap3A_1242 : vector<1x16xf32> to vector<16xf32>
          %swap3A_1244 = vector.shape_cast %mul3A_1239 : vector<16xf32> to vector<1x16xf32>
          tpu.vector_store %arg11[%swap3A_1240, %swap3A_1241], %swap3A_1244 {strides = array<i32>} : memref<80x128xf32, #tpu.memory_space<vmem>>, vector<1x16xf32>,
          %get3A_1245 = arith.index_cast %add3A_1171 : i32 to index
          %get3A_1246 = arith.constant 112 : index
          %get3A_1247 = tpu.vector_load %arg11[%get3A_1245, %get3A_1246] {strides = array<i32>} : memref<80x128xf32, #tpu.memory_space<vmem>>, vector<1x16xf32>,
          %get3A_1248 = vector.shape_cast %get3A_1247 : vector<1x16xf32> to vector<16xf32>
          %mul3A_1249 = arith.mulf %get3A_1248, %broadcast_in_dim3A_1174 : vector<16xf32>
          %swap3A_1250 = arith.index_cast %add3A_1171 : i32 to index
          %swap3A_1251 = arith.constant 112 : index
          %swap3A_1252 = tpu.vector_load %arg11[%swap3A_1250, %swap3A_1251] {strides = array<i32>} : memref<80x128xf32, #tpu.memory_space<vmem>>, vector<1x16xf32>,
          %swap3A_1253 = vector.shape_cast %swap3A_1252 : vector<1x16xf32> to vector<16xf32>
          %swap3A_1254 = vector.shape_cast %mul3A_1249 : vector<16xf32> to vector<1x16xf32>
          tpu.vector_store %arg11[%swap3A_1250, %swap3A_1251], %swap3A_1254 {strides = array<i32>} : memref<80x128xf32, #tpu.memory_space<vmem>>, vector<1x16xf32>,
          %mul3A_1255 = arith.constant 16 : i32
          %mul3A_1256 = arith.muli %scan3A_119, %mul3A_1255 : i32
          %add3A_1257 = arith.constant 13 : i32
          %add3A_1258 = arith.addi %mul3A_1256, %add3A_1257 : i32
          %slice3A_1259 = vector.extract_strided_slice %get3A_127 {offsets = [13], sizes = [1], strides = [1]} : vector<16xf32> to vector<1xf32>
          %squeeze3A_1260 = vector.extract %slice3A_1259[0] : f32 from vector<1xf32>
          %broadcast_in_dim3A_1261 = vector.broadcast %squeeze3A_1260 : f32 to vector<16xf32>
          %get3A_1262 = arith.index_cast %add3A_1258 : i32 to index
          %get3A_1263 = arith.constant 0 : index
          %get3A_1264 = tpu.vector_load %arg11[%get3A_1262, %get3A_1263] {strides = array<i32>} : memref<80x128xf32, #tpu.memory_space<vmem>>, vector<1x16xf32>,
          %get3A_1265 = vector.shape_cast %get3A_1264 : vector<1x16xf32> to vector<16xf32>
          %mul3A_1266 = arith.mulf %get3A_1265, %broadcast_in_dim3A_1261 : vector<16xf32>
          %swap3A_1267 = arith.index_cast %add3A_1258 : i32 to index
          %swap3A_1268 = arith.constant 0 : index
          %swap3A_1269 = tpu.vector_load %arg11[%swap3A_1267, %swap3A_1268] {strides = array<i32>} : memref<80x128xf32, #tpu.memory_space<vmem>>, vector<1x16xf32>,
          %swap3A_1270 = vector.shape_cast %swap3A_1269 : vector<1x16xf32> to vector<16xf32>
          %swap3A_1271 = vector.shape_cast %mul3A_1266 : vector<16xf32> to vector<1x16xf32>
          tpu.vector_store %arg11[%swap3A_1267, %swap3A_1268], %swap3A_1271 {strides = array<i32>} : memref<80x128xf32, #tpu.memory_space<vmem>>, vector<1x16xf32>,
          %get3A_1272 = arith.index_cast %add3A_1258 : i32 to index
          %get3A_1273 = arith.constant 16 : index
          %get3A_1274 = tpu.vector_load %arg11[%get3A_1272, %get3A_1273] {strides = array<i32>} : memref<80x128xf32, #tpu.memory_space<vmem>>, vector<1x16xf32>,
          %get3A_1275 = vector.shape_cast %get3A_1274 : vector<1x16xf32> to vector<16xf32>
          %mul3A_1276 = arith.mulf %get3A_1275, %broadcast_in_dim3A_1261 : vector<16xf32>
          %swap3A_1277 = arith.index_cast %add3A_1258 : i32 to index
          %swap3A_1278 = arith.constant 16 : index
          %swap3A_1279 = tpu.vector_load %arg11[%swap3A_1277, %swap3A_1278] {strides = array<i32>} : memref<80x128xf32, #tpu.memory_space<vmem>>, vector<1x16xf32>,
          %swap3A_1280 = vector.shape_cast %swap3A_1279 : vector<1x16xf32> to vector<16xf32>
          %swap3A_1281 = vector.shape_cast %mul3A_1276 : vector<16xf32> to vector<1x16xf32>
          tpu.vector_store %arg11[%swap3A_1277, %swap3A_1278], %swap3A_1281 {strides = array<i32>} : memref<80x128xf32, #tpu.memory_space<vmem>>, vector<1x16xf32>,
          %get3A_1282 = arith.index_cast %add3A_1258 : i32 to index
          %get3A_1283 = arith.constant 32 : index
          %get3A_1284 = tpu.vector_load %arg11[%get3A_1282, %get3A_1283] {strides = array<i32>} : memref<80x128xf32, #tpu.memory_space<vmem>>, vector<1x16xf32>,
          %get3A_1285 = vector.shape_cast %get3A_1284 : vector<1x16xf32> to vector<16xf32>
          %mul3A_1286 = arith.mulf %get3A_1285, %broadcast_in_dim3A_1261 : vector<16xf32>
          %swap3A_1287 = arith.index_cast %add3A_1258 : i32 to index
          %swap3A_1288 = arith.constant 32 : index
          %swap3A_1289 = tpu.vector_load %arg11[%swap3A_1287, %swap3A_1288] {strides = array<i32>} : memref<80x128xf32, #tpu.memory_space<vmem>>, vector<1x16xf32>,
          %swap3A_1290 = vector.shape_cast %swap3A_1289 : vector<1x16xf32> to vector<16xf32>
          %swap3A_1291 = vector.shape_cast %mul3A_1286 : vector<16xf32> to vector<1x16xf32>
          tpu.vector_store %arg11[%swap3A_1287, %swap3A_1288], %swap3A_1291 {strides = array<i32>} : memref<80x128xf32, #tpu.memory_space<vmem>>, vector<1x16xf32>,
          %get3A_1292 = arith.index_cast %add3A_1258 : i32 to index
          %get3A_1293 = arith.constant 48 : index
          %get3A_1294 = tpu.vector_load %arg11[%get3A_1292, %get3A_1293] {strides = array<i32>} : memref<80x128xf32, #tpu.memory_space<vmem>>, vector<1x16xf32>,
          %get3A_1295 = vector.shape_cast %get3A_1294 : vector<1x16xf32> to vector<16xf32>
          %mul3A_1296 = arith.mulf %get3A_1295, %broadcast_in_dim3A_1261 : vector<16xf32>
          %swap3A_1297 = arith.index_cast %add3A_1258 : i32 to index
          %swap3A_1298 = arith.constant 48 : index
          %swap3A_1299 = tpu.vector_load %arg11[%swap3A_1297, %swap3A_1298] {strides = array<i32>} : memref<80x128xf32, #tpu.memory_space<vmem>>, vector<1x16xf32>,
          %swap3A_1300 = vector.shape_cast %swap3A_1299 : vector<1x16xf32> to vector<16xf32>
          %swap3A_1301 = vector.shape_cast %mul3A_1296 : vector<16xf32> to vector<1x16xf32>
          tpu.vector_store %arg11[%swap3A_1297, %swap3A_1298], %swap3A_1301 {strides = array<i32>} : memref<80x128xf32, #tpu.memory_space<vmem>>, vector<1x16xf32>,
          %get3A_1302 = arith.index_cast %add3A_1258 : i32 to index
          %get3A_1303 = arith.constant 64 : index
          %get3A_1304 = tpu.vector_load %arg11[%get3A_1302, %get3A_1303] {strides = array<i32>} : memref<80x128xf32, #tpu.memory_space<vmem>>, vector<1x16xf32>,
          %get3A_1305 = vector.shape_cast %get3A_1304 : vector<1x16xf32> to vector<16xf32>
          %mul3A_1306 = arith.mulf %get3A_1305, %broadcast_in_dim3A_1261 : vector<16xf32>
          %swap3A_1307 = arith.index_cast %add3A_1258 : i32 to index
          %swap3A_1308 = arith.constant 64 : index
          %swap3A_1309 = tpu.vector_load %arg11[%swap3A_1307, %swap3A_1308] {strides = array<i32>} : memref<80x128xf32, #tpu.memory_space<vmem>>, vector<1x16xf32>,
          %swap3A_1310 = vector.shape_cast %swap3A_1309 : vector<1x16xf32> to vector<16xf32>
          %swap3A_1311 = vector.shape_cast %mul3A_1306 : vector<16xf32> to vector<1x16xf32>
          tpu.vector_store %arg11[%swap3A_1307, %swap3A_1308], %swap3A_1311 {strides = array<i32>} : memref<80x128xf32, #tpu.memory_space<vmem>>, vector<1x16xf32>,
          %get3A_1312 = arith.index_cast %add3A_1258 : i32 to index
          %get3A_1313 = arith.constant 80 : index
          %get3A_1314 = tpu.vector_load %arg11[%get3A_1312, %get3A_1313] {strides = array<i32>} : memref<80x128xf32, #tpu.memory_space<vmem>>, vector<1x16xf32>,
          %get3A_1315 = vector.shape_cast %get3A_1314 : vector<1x16xf32> to vector<16xf32>
          %mul3A_1316 = arith.mulf %get3A_1315, %broadcast_in_dim3A_1261 : vector<16xf32>
          %swap3A_1317 = arith.index_cast %add3A_1258 : i32 to index
          %swap3A_1318 = arith.constant 80 : index
          %swap3A_1319 = tpu.vector_load %arg11[%swap3A_1317, %swap3A_1318] {strides = array<i32>} : memref<80x128xf32, #tpu.memory_space<vmem>>, vector<1x16xf32>,
          %swap3A_1320 = vector.shape_cast %swap3A_1319 : vector<1x16xf32> to vector<16xf32>
          %swap3A_1321 = vector.shape_cast %mul3A_1316 : vector<16xf32> to vector<1x16xf32>
          tpu.vector_store %arg11[%swap3A_1317, %swap3A_1318], %swap3A_1321 {strides = array<i32>} : memref<80x128xf32, #tpu.memory_space<vmem>>, vector<1x16xf32>,
          %get3A_1322 = arith.index_cast %add3A_1258 : i32 to index
          %get3A_1323 = arith.constant 96 : index
          %get3A_1324 = tpu.vector_load %arg11[%get3A_1322, %get3A_1323] {strides = array<i32>} : memref<80x128xf32, #tpu.memory_space<vmem>>, vector<1x16xf32>,
          %get3A_1325 = vector.shape_cast %get3A_1324 : vector<1x16xf32> to vector<16xf32>
          %mul3A_1326 = arith.mulf %get3A_1325, %broadcast_in_dim3A_1261 : vector<16xf32>
          %swap3A_1327 = arith.index_cast %add3A_1258 : i32 to index
          %swap3A_1328 = arith.constant 96 : index
          %swap3A_1329 = tpu.vector_load %arg11[%swap3A_1327, %swap3A_1328] {strides = array<i32>} : memref<80x128xf32, #tpu.memory_space<vmem>>, vector<1x16xf32>,
          %swap3A_1330 = vector.shape_cast %swap3A_1329 : vector<1x16xf32> to vector<16xf32>
          %swap3A_1331 = vector.shape_cast %mul3A_1326 : vector<16xf32> to vector<1x16xf32>
          tpu.vector_store %arg11[%swap3A_1327, %swap3A_1328], %swap3A_1331 {strides = array<i32>} : memref<80x128xf32, #tpu.memory_space<vmem>>, vector<1x16xf32>,
          %get3A_1332 = arith.index_cast %add3A_1258 : i32 to index
          %get3A_1333 = arith.constant 112 : index
          %get3A_1334 = tpu.vector_load %arg11[%get3A_1332, %get3A_1333] {strides = array<i32>} : memref<80x128xf32, #tpu.memory_space<vmem>>, vector<1x16xf32>,
          %get3A_1335 = vector.shape_cast %get3A_1334 : vector<1x16xf32> to vector<16xf32>
          %mul3A_1336 = arith.mulf %get3A_1335, %broadcast_in_dim3A_1261 : vector<16xf32>
          %swap3A_1337 = arith.index_cast %add3A_1258 : i32 to index
          %swap3A_1338 = arith.constant 112 : index
          %swap3A_1339 = tpu.vector_load %arg11[%swap3A_1337, %swap3A_1338] {strides = array<i32>} : memref<80x128xf32, #tpu.memory_space<vmem>>, vector<1x16xf32>,
          %swap3A_1340 = vector.shape_cast %swap3A_1339 : vector<1x16xf32> to vector<16xf32>
          %swap3A_1341 = vector.shape_cast %mul3A_1336 : vector<16xf32> to vector<1x16xf32>
          tpu.vector_store %arg11[%swap3A_1337, %swap3A_1338], %swap3A_1341 {strides = array<i32>} : memref<80x128xf32, #tpu.memory_space<vmem>>, vector<1x16xf32>,
          %mul3A_1342 = arith.constant 16 : i32
          %mul3A_1343 = arith.muli %scan3A_119, %mul3A_1342 : i32
          %add3A_1344 = arith.constant 14 : i32
          %add3A_1345 = arith.addi %mul3A_1343, %add3A_1344 : i32
          %slice3A_1346 = vector.extract_strided_slice %get3A_127 {offsets = [14], sizes = [1], strides = [1]} : vector<16xf32> to vector<1xf32>
          %squeeze3A_1347 = vector.extract %slice3A_1346[0] : f32 from vector<1xf32>
          %broadcast_in_dim3A_1348 = vector.broadcast %squeeze3A_1347 : f32 to vector<16xf32>
          %get3A_1349 = arith.index_cast %add3A_1345 : i32 to index
          %get3A_1350 = arith.constant 0 : index
          %get3A_1351 = tpu.vector_load %arg11[%get3A_1349, %get3A_1350] {strides = array<i32>} : memref<80x128xf32, #tpu.memory_space<vmem>>, vector<1x16xf32>,
          %get3A_1352 = vector.shape_cast %get3A_1351 : vector<1x16xf32> to vector<16xf32>
          %mul3A_1353 = arith.mulf %get3A_1352, %broadcast_in_dim3A_1348 : vector<16xf32>
          %swap3A_1354 = arith.index_cast %add3A_1345 : i32 to index
          %swap3A_1355 = arith.constant 0 : index
          %swap3A_1356 = tpu.vector_load %arg11[%swap3A_1354, %swap3A_1355] {strides = array<i32>} : memref<80x128xf32, #tpu.memory_space<vmem>>, vector<1x16xf32>,
          %swap3A_1357 = vector.shape_cast %swap3A_1356 : vector<1x16xf32> to vector<16xf32>
          %swap3A_1358 = vector.shape_cast %mul3A_1353 : vector<16xf32> to vector<1x16xf32>
          tpu.vector_store %arg11[%swap3A_1354, %swap3A_1355], %swap3A_1358 {strides = array<i32>} : memref<80x128xf32, #tpu.memory_space<vmem>>, vector<1x16xf32>,
          %get3A_1359 = arith.index_cast %add3A_1345 : i32 to index
          %get3A_1360 = arith.constant 16 : index
          %get3A_1361 = tpu.vector_load %arg11[%get3A_1359, %get3A_1360] {strides = array<i32>} : memref<80x128xf32, #tpu.memory_space<vmem>>, vector<1x16xf32>,
          %get3A_1362 = vector.shape_cast %get3A_1361 : vector<1x16xf32> to vector<16xf32>
          %mul3A_1363 = arith.mulf %get3A_1362, %broadcast_in_dim3A_1348 : vector<16xf32>
          %swap3A_1364 = arith.index_cast %add3A_1345 : i32 to index
          %swap3A_1365 = arith.constant 16 : index
          %swap3A_1366 = tpu.vector_load %arg11[%swap3A_1364, %swap3A_1365] {strides = array<i32>} : memref<80x128xf32, #tpu.memory_space<vmem>>, vector<1x16xf32>,
          %swap3A_1367 = vector.shape_cast %swap3A_1366 : vector<1x16xf32> to vector<16xf32>
          %swap3A_1368 = vector.shape_cast %mul3A_1363 : vector<16xf32> to vector<1x16xf32>
          tpu.vector_store %arg11[%swap3A_1364, %swap3A_1365], %swap3A_1368 {strides = array<i32>} : memref<80x128xf32, #tpu.memory_space<vmem>>, vector<1x16xf32>,
          %get3A_1369 = arith.index_cast %add3A_1345 : i32 to index
          %get3A_1370 = arith.constant 32 : index
          %get3A_1371 = tpu.vector_load %arg11[%get3A_1369, %get3A_1370] {strides = array<i32>} : memref<80x128xf32, #tpu.memory_space<vmem>>, vector<1x16xf32>,
          %get3A_1372 = vector.shape_cast %get3A_1371 : vector<1x16xf32> to vector<16xf32>
          %mul3A_1373 = arith.mulf %get3A_1372, %broadcast_in_dim3A_1348 : vector<16xf32>
          %swap3A_1374 = arith.index_cast %add3A_1345 : i32 to index
          %swap3A_1375 = arith.constant 32 : index
          %swap3A_1376 = tpu.vector_load %arg11[%swap3A_1374, %swap3A_1375] {strides = array<i32>} : memref<80x128xf32, #tpu.memory_space<vmem>>, vector<1x16xf32>,
          %swap3A_1377 = vector.shape_cast %swap3A_1376 : vector<1x16xf32> to vector<16xf32>
          %swap3A_1378 = vector.shape_cast %mul3A_1373 : vector<16xf32> to vector<1x16xf32>
          tpu.vector_store %arg11[%swap3A_1374, %swap3A_1375], %swap3A_1378 {strides = array<i32>} : memref<80x128xf32, #tpu.memory_space<vmem>>, vector<1x16xf32>,
          %get3A_1379 = arith.index_cast %add3A_1345 : i32 to index
          %get3A_1380 = arith.constant 48 : index
          %get3A_1381 = tpu.vector_load %arg11[%get3A_1379, %get3A_1380] {strides = array<i32>} : memref<80x128xf32, #tpu.memory_space<vmem>>, vector<1x16xf32>,
          %get3A_1382 = vector.shape_cast %get3A_1381 : vector<1x16xf32> to vector<16xf32>
          %mul3A_1383 = arith.mulf %get3A_1382, %broadcast_in_dim3A_1348 : vector<16xf32>
          %swap3A_1384 = arith.index_cast %add3A_1345 : i32 to index
          %swap3A_1385 = arith.constant 48 : index
          %swap3A_1386 = tpu.vector_load %arg11[%swap3A_1384, %swap3A_1385] {strides = array<i32>} : memref<80x128xf32, #tpu.memory_space<vmem>>, vector<1x16xf32>,
          %swap3A_1387 = vector.shape_cast %swap3A_1386 : vector<1x16xf32> to vector<16xf32>
          %swap3A_1388 = vector.shape_cast %mul3A_1383 : vector<16xf32> to vector<1x16xf32>
          tpu.vector_store %arg11[%swap3A_1384, %swap3A_1385], %swap3A_1388 {strides = array<i32>} : memref<80x128xf32, #tpu.memory_space<vmem>>, vector<1x16xf32>,
          %get3A_1389 = arith.index_cast %add3A_1345 : i32 to index
          %get3A_1390 = arith.constant 64 : index
          %get3A_1391 = tpu.vector_load %arg11[%get3A_1389, %get3A_1390] {strides = array<i32>} : memref<80x128xf32, #tpu.memory_space<vmem>>, vector<1x16xf32>,
          %get3A_1392 = vector.shape_cast %get3A_1391 : vector<1x16xf32> to vector<16xf32>
          %mul3A_1393 = arith.mulf %get3A_1392, %broadcast_in_dim3A_1348 : vector<16xf32>
          %swap3A_1394 = arith.index_cast %add3A_1345 : i32 to index
          %swap3A_1395 = arith.constant 64 : index
          %swap3A_1396 = tpu.vector_load %arg11[%swap3A_1394, %swap3A_1395] {strides = array<i32>} : memref<80x128xf32, #tpu.memory_space<vmem>>, vector<1x16xf32>,
          %swap3A_1397 = vector.shape_cast %swap3A_1396 : vector<1x16xf32> to vector<16xf32>
          %swap3A_1398 = vector.shape_cast %mul3A_1393 : vector<16xf32> to vector<1x16xf32>
          tpu.vector_store %arg11[%swap3A_1394, %swap3A_1395], %swap3A_1398 {strides = array<i32>} : memref<80x128xf32, #tpu.memory_space<vmem>>, vector<1x16xf32>,
          %get3A_1399 = arith.index_cast %add3A_1345 : i32 to index
          %get3A_1400 = arith.constant 80 : index
          %get3A_1401 = tpu.vector_load %arg11[%get3A_1399, %get3A_1400] {strides = array<i32>} : memref<80x128xf32, #tpu.memory_space<vmem>>, vector<1x16xf32>,
          %get3A_1402 = vector.shape_cast %get3A_1401 : vector<1x16xf32> to vector<16xf32>
          %mul3A_1403 = arith.mulf %get3A_1402, %broadcast_in_dim3A_1348 : vector<16xf32>
          %swap3A_1404 = arith.index_cast %add3A_1345 : i32 to index
          %swap3A_1405 = arith.constant 80 : index
          %swap3A_1406 = tpu.vector_load %arg11[%swap3A_1404, %swap3A_1405] {strides = array<i32>} : memref<80x128xf32, #tpu.memory_space<vmem>>, vector<1x16xf32>,
          %swap3A_1407 = vector.shape_cast %swap3A_1406 : vector<1x16xf32> to vector<16xf32>
          %swap3A_1408 = vector.shape_cast %mul3A_1403 : vector<16xf32> to vector<1x16xf32>
          tpu.vector_store %arg11[%swap3A_1404, %swap3A_1405], %swap3A_1408 {strides = array<i32>} : memref<80x128xf32, #tpu.memory_space<vmem>>, vector<1x16xf32>,
          %get3A_1409 = arith.index_cast %add3A_1345 : i32 to index
          %get3A_1410 = arith.constant 96 : index
          %get3A_1411 = tpu.vector_load %arg11[%get3A_1409, %get3A_1410] {strides = array<i32>} : memref<80x128xf32, #tpu.memory_space<vmem>>, vector<1x16xf32>,
          %get3A_1412 = vector.shape_cast %get3A_1411 : vector<1x16xf32> to vector<16xf32>
          %mul3A_1413 = arith.mulf %get3A_1412, %broadcast_in_dim3A_1348 : vector<16xf32>
          %swap3A_1414 = arith.index_cast %add3A_1345 : i32 to index
          %swap3A_1415 = arith.constant 96 : index
          %swap3A_1416 = tpu.vector_load %arg11[%swap3A_1414, %swap3A_1415] {strides = array<i32>} : memref<80x128xf32, #tpu.memory_space<vmem>>, vector<1x16xf32>,
          %swap3A_1417 = vector.shape_cast %swap3A_1416 : vector<1x16xf32> to vector<16xf32>
          %swap3A_1418 = vector.shape_cast %mul3A_1413 : vector<16xf32> to vector<1x16xf32>
          tpu.vector_store %arg11[%swap3A_1414, %swap3A_1415], %swap3A_1418 {strides = array<i32>} : memref<80x128xf32, #tpu.memory_space<vmem>>, vector<1x16xf32>,
          %get3A_1419 = arith.index_cast %add3A_1345 : i32 to index
          %get3A_1420 = arith.constant 112 : index
          %get3A_1421 = tpu.vector_load %arg11[%get3A_1419, %get3A_1420] {strides = array<i32>} : memref<80x128xf32, #tpu.memory_space<vmem>>, vector<1x16xf32>,
          %get3A_1422 = vector.shape_cast %get3A_1421 : vector<1x16xf32> to vector<16xf32>
          %mul3A_1423 = arith.mulf %get3A_1422, %broadcast_in_dim3A_1348 : vector<16xf32>
          %swap3A_1424 = arith.index_cast %add3A_1345 : i32 to index
          %swap3A_1425 = arith.constant 112 : index
          %swap3A_1426 = tpu.vector_load %arg11[%swap3A_1424, %swap3A_1425] {strides = array<i32>} : memref<80x128xf32, #tpu.memory_space<vmem>>, vector<1x16xf32>,
          %swap3A_1427 = vector.shape_cast %swap3A_1426 : vector<1x16xf32> to vector<16xf32>
          %swap3A_1428 = vector.shape_cast %mul3A_1423 : vector<16xf32> to vector<1x16xf32>
          tpu.vector_store %arg11[%swap3A_1424, %swap3A_1425], %swap3A_1428 {strides = array<i32>} : memref<80x128xf32, #tpu.memory_space<vmem>>, vector<1x16xf32>,
          %mul3A_1429 = arith.constant 16 : i32
          %mul3A_1430 = arith.muli %scan3A_119, %mul3A_1429 : i32
          %add3A_1431 = arith.constant 15 : i32
          %add3A_1432 = arith.addi %mul3A_1430, %add3A_1431 : i32
          %slice3A_1433 = vector.extract_strided_slice %get3A_127 {offsets = [15], sizes = [1], strides = [1]} : vector<16xf32> to vector<1xf32>
          %squeeze3A_1434 = vector.extract %slice3A_1433[0] : f32 from vector<1xf32>
          %broadcast_in_dim3A_1435 = vector.broadcast %squeeze3A_1434 : f32 to vector<16xf32>
          %get3A_1436 = arith.index_cast %add3A_1432 : i32 to index
          %get3A_1437 = arith.constant 0 : index
          %get3A_1438 = tpu.vector_load %arg11[%get3A_1436, %get3A_1437] {strides = array<i32>} : memref<80x128xf32, #tpu.memory_space<vmem>>, vector<1x16xf32>,
          %get3A_1439 = vector.shape_cast %get3A_1438 : vector<1x16xf32> to vector<16xf32>
          %mul3A_1440 = arith.mulf %get3A_1439, %broadcast_in_dim3A_1435 : vector<16xf32>
          %swap3A_1441 = arith.index_cast %add3A_1432 : i32 to index
          %swap3A_1442 = arith.constant 0 : index
          %swap3A_1443 = tpu.vector_load %arg11[%swap3A_1441, %swap3A_1442] {strides = array<i32>} : memref<80x128xf32, #tpu.memory_space<vmem>>, vector<1x16xf32>,
          %swap3A_1444 = vector.shape_cast %swap3A_1443 : vector<1x16xf32> to vector<16xf32>
          %swap3A_1445 = vector.shape_cast %mul3A_1440 : vector<16xf32> to vector<1x16xf32>
          tpu.vector_store %arg11[%swap3A_1441, %swap3A_1442], %swap3A_1445 {strides = array<i32>} : memref<80x128xf32, #tpu.memory_space<vmem>>, vector<1x16xf32>,
          %get3A_1446 = arith.index_cast %add3A_1432 : i32 to index
          %get3A_1447 = arith.constant 16 : index
          %get3A_1448 = tpu.vector_load %arg11[%get3A_1446, %get3A_1447] {strides = array<i32>} : memref<80x128xf32, #tpu.memory_space<vmem>>, vector<1x16xf32>,
          %get3A_1449 = vector.shape_cast %get3A_1448 : vector<1x16xf32> to vector<16xf32>
          %mul3A_1450 = arith.mulf %get3A_1449, %broadcast_in_dim3A_1435 : vector<16xf32>
          %swap3A_1451 = arith.index_cast %add3A_1432 : i32 to index
          %swap3A_1452 = arith.constant 16 : index
          %swap3A_1453 = tpu.vector_load %arg11[%swap3A_1451, %swap3A_1452] {strides = array<i32>} : memref<80x128xf32, #tpu.memory_space<vmem>>, vector<1x16xf32>,
          %swap3A_1454 = vector.shape_cast %swap3A_1453 : vector<1x16xf32> to vector<16xf32>
          %swap3A_1455 = vector.shape_cast %mul3A_1450 : vector<16xf32> to vector<1x16xf32>
          tpu.vector_store %arg11[%swap3A_1451, %swap3A_1452], %swap3A_1455 {strides = array<i32>} : memref<80x128xf32, #tpu.memory_space<vmem>>, vector<1x16xf32>,
          %get3A_1456 = arith.index_cast %add3A_1432 : i32 to index
          %get3A_1457 = arith.constant 32 : index
          %get3A_1458 = tpu.vector_load %arg11[%get3A_1456, %get3A_1457] {strides = array<i32>} : memref<80x128xf32, #tpu.memory_space<vmem>>, vector<1x16xf32>,
          %get3A_1459 = vector.shape_cast %get3A_1458 : vector<1x16xf32> to vector<16xf32>
          %mul3A_1460 = arith.mulf %get3A_1459, %broadcast_in_dim3A_1435 : vector<16xf32>
          %swap3A_1461 = arith.index_cast %add3A_1432 : i32 to index
          %swap3A_1462 = arith.constant 32 : index
          %swap3A_1463 = tpu.vector_load %arg11[%swap3A_1461, %swap3A_1462] {strides = array<i32>} : memref<80x128xf32, #tpu.memory_space<vmem>>, vector<1x16xf32>,
          %swap3A_1464 = vector.shape_cast %swap3A_1463 : vector<1x16xf32> to vector<16xf32>
          %swap3A_1465 = vector.shape_cast %mul3A_1460 : vector<16xf32> to vector<1x16xf32>
          tpu.vector_store %arg11[%swap3A_1461, %swap3A_1462], %swap3A_1465 {strides = array<i32>} : memref<80x128xf32, #tpu.memory_space<vmem>>, vector<1x16xf32>,
          %get3A_1466 = arith.index_cast %add3A_1432 : i32 to index
          %get3A_1467 = arith.constant 48 : index
          %get3A_1468 = tpu.vector_load %arg11[%get3A_1466, %get3A_1467] {strides = array<i32>} : memref<80x128xf32, #tpu.memory_space<vmem>>, vector<1x16xf32>,
          %get3A_1469 = vector.shape_cast %get3A_1468 : vector<1x16xf32> to vector<16xf32>
          %mul3A_1470 = arith.mulf %get3A_1469, %broadcast_in_dim3A_1435 : vector<16xf32>
          %swap3A_1471 = arith.index_cast %add3A_1432 : i32 to index
          %swap3A_1472 = arith.constant 48 : index
          %swap3A_1473 = tpu.vector_load %arg11[%swap3A_1471, %swap3A_1472] {strides = array<i32>} : memref<80x128xf32, #tpu.memory_space<vmem>>, vector<1x16xf32>,
          %swap3A_1474 = vector.shape_cast %swap3A_1473 : vector<1x16xf32> to vector<16xf32>
          %swap3A_1475 = vector.shape_cast %mul3A_1470 : vector<16xf32> to vector<1x16xf32>
          tpu.vector_store %arg11[%swap3A_1471, %swap3A_1472], %swap3A_1475 {strides = array<i32>} : memref<80x128xf32, #tpu.memory_space<vmem>>, vector<1x16xf32>,
          %get3A_1476 = arith.index_cast %add3A_1432 : i32 to index
          %get3A_1477 = arith.constant 64 : index
          %get3A_1478 = tpu.vector_load %arg11[%get3A_1476, %get3A_1477] {strides = array<i32>} : memref<80x128xf32, #tpu.memory_space<vmem>>, vector<1x16xf32>,
          %get3A_1479 = vector.shape_cast %get3A_1478 : vector<1x16xf32> to vector<16xf32>
          %mul3A_1480 = arith.mulf %get3A_1479, %broadcast_in_dim3A_1435 : vector<16xf32>
          %swap3A_1481 = arith.index_cast %add3A_1432 : i32 to index
          %swap3A_1482 = arith.constant 64 : index
          %swap3A_1483 = tpu.vector_load %arg11[%swap3A_1481, %swap3A_1482] {strides = array<i32>} : memref<80x128xf32, #tpu.memory_space<vmem>>, vector<1x16xf32>,
          %swap3A_1484 = vector.shape_cast %swap3A_1483 : vector<1x16xf32> to vector<16xf32>
          %swap3A_1485 = vector.shape_cast %mul3A_1480 : vector<16xf32> to vector<1x16xf32>
          tpu.vector_store %arg11[%swap3A_1481, %swap3A_1482], %swap3A_1485 {strides = array<i32>} : memref<80x128xf32, #tpu.memory_space<vmem>>, vector<1x16xf32>,
          %get3A_1486 = arith.index_cast %add3A_1432 : i32 to index
          %get3A_1487 = arith.constant 80 : index
          %get3A_1488 = tpu.vector_load %arg11[%get3A_1486, %get3A_1487] {strides = array<i32>} : memref<80x128xf32, #tpu.memory_space<vmem>>, vector<1x16xf32>,
          %get3A_1489 = vector.shape_cast %get3A_1488 : vector<1x16xf32> to vector<16xf32>
          %mul3A_1490 = arith.mulf %get3A_1489, %broadcast_in_dim3A_1435 : vector<16xf32>
          %swap3A_1491 = arith.index_cast %add3A_1432 : i32 to index
          %swap3A_1492 = arith.constant 80 : index
          %swap3A_1493 = tpu.vector_load %arg11[%swap3A_1491, %swap3A_1492] {strides = array<i32>} : memref<80x128xf32, #tpu.memory_space<vmem>>, vector<1x16xf32>,
          %swap3A_1494 = vector.shape_cast %swap3A_1493 : vector<1x16xf32> to vector<16xf32>
          %swap3A_1495 = vector.shape_cast %mul3A_1490 : vector<16xf32> to vector<1x16xf32>
          tpu.vector_store %arg11[%swap3A_1491, %swap3A_1492], %swap3A_1495 {strides = array<i32>} : memref<80x128xf32, #tpu.memory_space<vmem>>, vector<1x16xf32>,
          %get3A_1496 = arith.index_cast %add3A_1432 : i32 to index
          %get3A_1497 = arith.constant 96 : index
          %get3A_1498 = tpu.vector_load %arg11[%get3A_1496, %get3A_1497] {strides = array<i32>} : memref<80x128xf32, #tpu.memory_space<vmem>>, vector<1x16xf32>,
          %get3A_1499 = vector.shape_cast %get3A_1498 : vector<1x16xf32> to vector<16xf32>
          %mul3A_1500 = arith.mulf %get3A_1499, %broadcast_in_dim3A_1435 : vector<16xf32>
          %swap3A_1501 = arith.index_cast %add3A_1432 : i32 to index
          %swap3A_1502 = arith.constant 96 : index
          %swap3A_1503 = tpu.vector_load %arg11[%swap3A_1501, %swap3A_1502] {strides = array<i32>} : memref<80x128xf32, #tpu.memory_space<vmem>>, vector<1x16xf32>,
          %swap3A_1504 = vector.shape_cast %swap3A_1503 : vector<1x16xf32> to vector<16xf32>
          %swap3A_1505 = vector.shape_cast %mul3A_1500 : vector<16xf32> to vector<1x16xf32>
          tpu.vector_store %arg11[%swap3A_1501, %swap3A_1502], %swap3A_1505 {strides = array<i32>} : memref<80x128xf32, #tpu.memory_space<vmem>>, vector<1x16xf32>,
          %get3A_1506 = arith.index_cast %add3A_1432 : i32 to index
          %get3A_1507 = arith.constant 112 : index
          %get3A_1508 = tpu.vector_load %arg11[%get3A_1506, %get3A_1507] {strides = array<i32>} : memref<80x128xf32, #tpu.memory_space<vmem>>, vector<1x16xf32>,
          %get3A_1509 = vector.shape_cast %get3A_1508 : vector<1x16xf32> to vector<16xf32>
          %mul3A_1510 = arith.mulf %get3A_1509, %broadcast_in_dim3A_1435 : vector<16xf32>
          %swap3A_1511 = arith.index_cast %add3A_1432 : i32 to index
          %swap3A_1512 = arith.constant 112 : index
          %swap3A_1513 = tpu.vector_load %arg11[%swap3A_1511, %swap3A_1512] {strides = array<i32>} : memref<80x128xf32, #tpu.memory_space<vmem>>, vector<1x16xf32>,
          %swap3A_1514 = vector.shape_cast %swap3A_1513 : vector<1x16xf32> to vector<16xf32>
          %swap3A_1515 = vector.shape_cast %mul3A_1510 : vector<16xf32> to vector<1x16xf32>
          tpu.vector_store %arg11[%swap3A_1511, %swap3A_1512], %swap3A_1515 {strides = array<i32>} : memref<80x128xf32, #tpu.memory_space<vmem>>, vector<1x16xf32>,
          %scan3A_1516 = arith.constant 0 : i32
          scf.yield %scan3A_1516 : i32
        }
        %scan3A_94 = arith.constant 5 : i32
        "tpu.region"() ({
          %run_scoped3A_119 = tpu.sem_alloc : memref<!tpu.dma_semaphore, #tpu.memory_space<semaphore_mem>>
          %dma_start3A_120 = arith.constant 0 : i32
          %dma_start3A_121 = tpu.memref_slice %arg9[%mul3A_73, %dma_start3A_120] : memref<25x80xi32, #tpu.memory_space<vmem>> -> memref<1x80xi32, #tpu.memory_space<vmem>>
          %dma_start3A_122 = tpu.memref_squeeze %dma_start3A_121 : memref<1x80xi32, #tpu.memory_space<vmem>> -> memref<80xi32, #tpu.memory_space<vmem>>
          %dma_start3A_123 = arith.constant 0 : i32
          %dma_start3A_124 = arith.constant 0 : i32
          %dma_start3A_125 = tpu.memref_slice %arg16[%dma_start3A_123, %dma_start3A_124] : memref<10000x128xf32, #tpu.memory_space<vmem_shared>> -> memref<10000x128xf32, #tpu.memory_space<vmem_shared>>
          tpu.enqueue_indirect_dma source(%arg11 : memref<80x128xf32, #tpu.memory_space<vmem>>) target(%dma_start3A_125 : memref<10000x128xf32, #tpu.memory_space<vmem_shared>>) offsets(%dma_start3A_122 : memref<80xi32, #tpu.memory_space<vmem>>) semaphore(%run_scoped3A_119 : memref<!tpu.dma_semaphore, #tpu.memory_space<semaphore_mem>>) {add = true}
          %dma_wait3A_126 = arith.constant 0 : i32
          %dma_wait3A_127 = tpu.memref_slice %arg9[%mul3A_73, %dma_wait3A_126] : memref<25x80xi32, #tpu.memory_space<vmem>> -> memref<1x80xi32, #tpu.memory_space<vmem>>
          %dma_wait3A_128 = tpu.memref_squeeze %dma_wait3A_127 : memref<1x80xi32, #tpu.memory_space<vmem>> -> memref<80xi32, #tpu.memory_space<vmem>>
          %dma_wait3A_129 = arith.constant 0 : i32
          %dma_wait3A_130 = arith.constant 0 : i32
          %dma_wait3A_131 = tpu.memref_slice %arg16[%dma_wait3A_129, %dma_wait3A_130] : memref<10000x128xf32, #tpu.memory_space<vmem_shared>> -> memref<10000x128xf32, #tpu.memory_space<vmem_shared>>
          tpu.wait_indirect_dma semaphore(%run_scoped3A_119 : memref<!tpu.dma_semaphore, #tpu.memory_space<semaphore_mem>>) src(%arg11 : memref<80x128xf32, #tpu.memory_space<vmem>>) dst(%dma_wait3A_131 : memref<10000x128xf32, #tpu.memory_space<vmem_shared>>)
          tpu.yield
        }) : () -> ()
        %add3A_95 = arith.constant 2 : i32
        %add3A_96 = arith.addi %mul3A_73, %add3A_95 : i32
        %mul3A_97 = arith.constant 80 : i32
        %mul3A_98 = arith.muli %add3A_96, %mul3A_97 : i32
        %dma_start3A_99 = tpu.memref_slice %arg8[%mul3A_98] : memref<2000xi32, #tpu.memory_space<vmem>> -> memref<80xi32, #tpu.memory_space<vmem>>
        %dma_start3A_100 = arith.constant 0 : i32
        %dma_start3A_101 = arith.constant 0 : i32
        %dma_start3A_102 = tpu.memref_slice %arg5[%dma_start3A_100, %dma_start3A_101] : memref<10000x128xf32, #tpu.memory_space<hbm>> -> memref<10000x128xf32, #tpu.memory_space<hbm>>
        tpu.enqueue_indirect_dma source(%dma_start3A_102 : memref<10000x128xf32, #tpu.memory_space<hbm>>) target(%arg11 : memref<80x128xf32, #tpu.memory_space<vmem>>) offsets(%dma_start3A_99 : memref<80xi32, #tpu.memory_space<vmem>>) semaphore(%arg14 : memref<!tpu.dma_semaphore, #tpu.memory_space<semaphore_mem>>)
        %add3A_103 = arith.constant 1 : i32
        %add3A_104 = arith.addi %mul3A_73, %add3A_103 : i32
        %dma_wait3A_105 = arith.constant 0 : i32
        %dma_wait3A_106 = arith.constant 0 : i32
        %dma_wait3A_107 = tpu.memref_slice %arg5[%dma_wait3A_105, %dma_wait3A_106] : memref<10000x128xf32, #tpu.memory_space<hbm>> -> memref<80x128xf32, #tpu.memory_space<hbm>>
        %dma_wait3A_108 = arith.constant 0 : i32
        %dma_wait3A_109 = arith.constant 0 : i32
        %dma_wait3A_110 = tpu.memref_slice %arg5[%dma_wait3A_108, %dma_wait3A_109] : memref<10000x128xf32, #tpu.memory_space<hbm>> -> memref<80x128xf32, #tpu.memory_space<hbm>>
        tpu.wait_dma2 semaphore(%arg15 : memref<!tpu.dma_semaphore, #tpu.memory_space<semaphore_mem>>) src(%dma_wait3A_110 : memref<80x128xf32, #tpu.memory_space<hbm>>) dst(%arg12 : memref<80x128xf32, #tpu.memory_space<vmem>>)
        %scan3A_111 = arith.constant 0 : i32
        %scan3A_112 = arith.constant 0 : i32
        %scan3A_113 = arith.constant 5 : i32
        %scan3A_114 = arith.addi %scan3A_112, %scan3A_113 : i32
        %scan3A_115 = arith.constant 1 : i32
        %scan3A_116 = scf.for %scan3A_119 = %scan3A_112 to %scan3A_114 step %scan3A_115 iter_args(%scan3A_120 = %scan3A_111) -> (i32)  : i32 {
          %mul3A_121 = arith.constant 80 : i32
          %mul3A_122 = arith.muli %add3A_104, %mul3A_121 : i32
          %mul3A_123 = arith.constant 16 : i32
          %mul3A_124 = arith.muli %scan3A_119, %mul3A_123 : i32
          %add3A_125 = arith.addi %mul3A_122, %mul3A_124 : i32
          %get3A = arith.index_cast %add3A_125 : i32 to index
          %get3A_126 = tpu.vector_load %arg10[%get3A] {strides = array<i32>} : memref<2000xf32, #tpu.memory_space<vmem>>, vector<16xf32>,
          %get3A_127 = vector.shape_cast %get3A_126 : vector<16xf32> to vector<16xf32>
          %mul3A_128 = arith.constant 16 : i32
          %mul3A_129 = arith.muli %scan3A_119, %mul3A_128 : i32
          %add3A_130 = arith.constant 0 : i32
          %add3A_131 = arith.addi %mul3A_129, %add3A_130 : i32
          %slice3A = vector.extract_strided_slice %get3A_127 {offsets = [0], sizes = [1], strides = [1]} : vector<16xf32> to vector<1xf32>
          %squeeze3A = vector.extract %slice3A[0] : f32 from vector<1xf32>
          %broadcast_in_dim3A = vector.broadcast %squeeze3A : f32 to vector<16xf32>
          %get3A_132 = arith.index_cast %add3A_131 : i32 to index
          %get3A_133 = arith.constant 0 : index
          %get3A_134 = tpu.vector_load %arg12[%get3A_132, %get3A_133] {strides = array<i32>} : memref<80x128xf32, #tpu.memory_space<vmem>>, vector<1x16xf32>,
          %get3A_135 = vector.shape_cast %get3A_134 : vector<1x16xf32> to vector<16xf32>
          %mul3A_136 = arith.mulf %get3A_135, %broadcast_in_dim3A : vector<16xf32>
          %swap3A = arith.index_cast %add3A_131 : i32 to index
          %swap3A_137 = arith.constant 0 : index
          %swap3A_138 = tpu.vector_load %arg12[%swap3A, %swap3A_137] {strides = array<i32>} : memref<80x128xf32, #tpu.memory_space<vmem>>, vector<1x16xf32>,
          %swap3A_139 = vector.shape_cast %swap3A_138 : vector<1x16xf32> to vector<16xf32>
          %swap3A_140 = vector.shape_cast %mul3A_136 : vector<16xf32> to vector<1x16xf32>
          tpu.vector_store %arg12[%swap3A, %swap3A_137], %swap3A_140 {strides = array<i32>} : memref<80x128xf32, #tpu.memory_space<vmem>>, vector<1x16xf32>,
          %get3A_141 = arith.index_cast %add3A_131 : i32 to index
          %get3A_142 = arith.constant 16 : index
          %get3A_143 = tpu.vector_load %arg12[%get3A_141, %get3A_142] {strides = array<i32>} : memref<80x128xf32, #tpu.memory_space<vmem>>, vector<1x16xf32>,
          %get3A_144 = vector.shape_cast %get3A_143 : vector<1x16xf32> to vector<16xf32>
          %mul3A_145 = arith.mulf %get3A_144, %broadcast_in_dim3A : vector<16xf32>
          %swap3A_146 = arith.index_cast %add3A_131 : i32 to index
          %swap3A_147 = arith.constant 16 : index
          %swap3A_148 = tpu.vector_load %arg12[%swap3A_146, %swap3A_147] {strides = array<i32>} : memref<80x128xf32, #tpu.memory_space<vmem>>, vector<1x16xf32>,
          %swap3A_149 = vector.shape_cast %swap3A_148 : vector<1x16xf32> to vector<16xf32>
          %swap3A_150 = vector.shape_cast %mul3A_145 : vector<16xf32> to vector<1x16xf32>
          tpu.vector_store %arg12[%swap3A_146, %swap3A_147], %swap3A_150 {strides = array<i32>} : memref<80x128xf32, #tpu.memory_space<vmem>>, vector<1x16xf32>,
          %get3A_151 = arith.index_cast %add3A_131 : i32 to index
          %get3A_152 = arith.constant 32 : index
          %get3A_153 = tpu.vector_load %arg12[%get3A_151, %get3A_152] {strides = array<i32>} : memref<80x128xf32, #tpu.memory_space<vmem>>, vector<1x16xf32>,
          %get3A_154 = vector.shape_cast %get3A_153 : vector<1x16xf32> to vector<16xf32>
          %mul3A_155 = arith.mulf %get3A_154, %broadcast_in_dim3A : vector<16xf32>
          %swap3A_156 = arith.index_cast %add3A_131 : i32 to index
          %swap3A_157 = arith.constant 32 : index
          %swap3A_158 = tpu.vector_load %arg12[%swap3A_156, %swap3A_157] {strides = array<i32>} : memref<80x128xf32, #tpu.memory_space<vmem>>, vector<1x16xf32>,
          %swap3A_159 = vector.shape_cast %swap3A_158 : vector<1x16xf32> to vector<16xf32>
          %swap3A_160 = vector.shape_cast %mul3A_155 : vector<16xf32> to vector<1x16xf32>
          tpu.vector_store %arg12[%swap3A_156, %swap3A_157], %swap3A_160 {strides = array<i32>} : memref<80x128xf32, #tpu.memory_space<vmem>>, vector<1x16xf32>,
          %get3A_161 = arith.index_cast %add3A_131 : i32 to index
          %get3A_162 = arith.constant 48 : index
          %get3A_163 = tpu.vector_load %arg12[%get3A_161, %get3A_162] {strides = array<i32>} : memref<80x128xf32, #tpu.memory_space<vmem>>, vector<1x16xf32>,
          %get3A_164 = vector.shape_cast %get3A_163 : vector<1x16xf32> to vector<16xf32>
          %mul3A_165 = arith.mulf %get3A_164, %broadcast_in_dim3A : vector<16xf32>
          %swap3A_166 = arith.index_cast %add3A_131 : i32 to index
          %swap3A_167 = arith.constant 48 : index
          %swap3A_168 = tpu.vector_load %arg12[%swap3A_166, %swap3A_167] {strides = array<i32>} : memref<80x128xf32, #tpu.memory_space<vmem>>, vector<1x16xf32>,
          %swap3A_169 = vector.shape_cast %swap3A_168 : vector<1x16xf32> to vector<16xf32>
          %swap3A_170 = vector.shape_cast %mul3A_165 : vector<16xf32> to vector<1x16xf32>
          tpu.vector_store %arg12[%swap3A_166, %swap3A_167], %swap3A_170 {strides = array<i32>} : memref<80x128xf32, #tpu.memory_space<vmem>>, vector<1x16xf32>,
          %get3A_171 = arith.index_cast %add3A_131 : i32 to index
          %get3A_172 = arith.constant 64 : index
          %get3A_173 = tpu.vector_load %arg12[%get3A_171, %get3A_172] {strides = array<i32>} : memref<80x128xf32, #tpu.memory_space<vmem>>, vector<1x16xf32>,
          %get3A_174 = vector.shape_cast %get3A_173 : vector<1x16xf32> to vector<16xf32>
          %mul3A_175 = arith.mulf %get3A_174, %broadcast_in_dim3A : vector<16xf32>
          %swap3A_176 = arith.index_cast %add3A_131 : i32 to index
          %swap3A_177 = arith.constant 64 : index
          %swap3A_178 = tpu.vector_load %arg12[%swap3A_176, %swap3A_177] {strides = array<i32>} : memref<80x128xf32, #tpu.memory_space<vmem>>, vector<1x16xf32>,
          %swap3A_179 = vector.shape_cast %swap3A_178 : vector<1x16xf32> to vector<16xf32>
          %swap3A_180 = vector.shape_cast %mul3A_175 : vector<16xf32> to vector<1x16xf32>
          tpu.vector_store %arg12[%swap3A_176, %swap3A_177], %swap3A_180 {strides = array<i32>} : memref<80x128xf32, #tpu.memory_space<vmem>>, vector<1x16xf32>,
          %get3A_181 = arith.index_cast %add3A_131 : i32 to index
          %get3A_182 = arith.constant 80 : index
          %get3A_183 = tpu.vector_load %arg12[%get3A_181, %get3A_182] {strides = array<i32>} : memref<80x128xf32, #tpu.memory_space<vmem>>, vector<1x16xf32>,
          %get3A_184 = vector.shape_cast %get3A_183 : vector<1x16xf32> to vector<16xf32>
          %mul3A_185 = arith.mulf %get3A_184, %broadcast_in_dim3A : vector<16xf32>
          %swap3A_186 = arith.index_cast %add3A_131 : i32 to index
          %swap3A_187 = arith.constant 80 : index
          %swap3A_188 = tpu.vector_load %arg12[%swap3A_186, %swap3A_187] {strides = array<i32>} : memref<80x128xf32, #tpu.memory_space<vmem>>, vector<1x16xf32>,
          %swap3A_189 = vector.shape_cast %swap3A_188 : vector<1x16xf32> to vector<16xf32>
          %swap3A_190 = vector.shape_cast %mul3A_185 : vector<16xf32> to vector<1x16xf32>
          tpu.vector_store %arg12[%swap3A_186, %swap3A_187], %swap3A_190 {strides = array<i32>} : memref<80x128xf32, #tpu.memory_space<vmem>>, vector<1x16xf32>,
          %get3A_191 = arith.index_cast %add3A_131 : i32 to index
          %get3A_192 = arith.constant 96 : index
          %get3A_193 = tpu.vector_load %arg12[%get3A_191, %get3A_192] {strides = array<i32>} : memref<80x128xf32, #tpu.memory_space<vmem>>, vector<1x16xf32>,
          %get3A_194 = vector.shape_cast %get3A_193 : vector<1x16xf32> to vector<16xf32>
          %mul3A_195 = arith.mulf %get3A_194, %broadcast_in_dim3A : vector<16xf32>
          %swap3A_196 = arith.index_cast %add3A_131 : i32 to index
          %swap3A_197 = arith.constant 96 : index
          %swap3A_198 = tpu.vector_load %arg12[%swap3A_196, %swap3A_197] {strides = array<i32>} : memref<80x128xf32, #tpu.memory_space<vmem>>, vector<1x16xf32>,
          %swap3A_199 = vector.shape_cast %swap3A_198 : vector<1x16xf32> to vector<16xf32>
          %swap3A_200 = vector.shape_cast %mul3A_195 : vector<16xf32> to vector<1x16xf32>
          tpu.vector_store %arg12[%swap3A_196, %swap3A_197], %swap3A_200 {strides = array<i32>} : memref<80x128xf32, #tpu.memory_space<vmem>>, vector<1x16xf32>,
          %get3A_201 = arith.index_cast %add3A_131 : i32 to index
          %get3A_202 = arith.constant 112 : index
          %get3A_203 = tpu.vector_load %arg12[%get3A_201, %get3A_202] {strides = array<i32>} : memref<80x128xf32, #tpu.memory_space<vmem>>, vector<1x16xf32>,
          %get3A_204 = vector.shape_cast %get3A_203 : vector<1x16xf32> to vector<16xf32>
          %mul3A_205 = arith.mulf %get3A_204, %broadcast_in_dim3A : vector<16xf32>
          %swap3A_206 = arith.index_cast %add3A_131 : i32 to index
          %swap3A_207 = arith.constant 112 : index
          %swap3A_208 = tpu.vector_load %arg12[%swap3A_206, %swap3A_207] {strides = array<i32>} : memref<80x128xf32, #tpu.memory_space<vmem>>, vector<1x16xf32>,
          %swap3A_209 = vector.shape_cast %swap3A_208 : vector<1x16xf32> to vector<16xf32>
          %swap3A_210 = vector.shape_cast %mul3A_205 : vector<16xf32> to vector<1x16xf32>
          tpu.vector_store %arg12[%swap3A_206, %swap3A_207], %swap3A_210 {strides = array<i32>} : memref<80x128xf32, #tpu.memory_space<vmem>>, vector<1x16xf32>,
          %mul3A_211 = arith.constant 16 : i32
          %mul3A_212 = arith.muli %scan3A_119, %mul3A_211 : i32
          %add3A_213 = arith.constant 1 : i32
          %add3A_214 = arith.addi %mul3A_212, %add3A_213 : i32
          %slice3A_215 = vector.extract_strided_slice %get3A_127 {offsets = [1], sizes = [1], strides = [1]} : vector<16xf32> to vector<1xf32>
          %squeeze3A_216 = vector.extract %slice3A_215[0] : f32 from vector<1xf32>
          %broadcast_in_dim3A_217 = vector.broadcast %squeeze3A_216 : f32 to vector<16xf32>
          %get3A_218 = arith.index_cast %add3A_214 : i32 to index
          %get3A_219 = arith.constant 0 : index
          %get3A_220 = tpu.vector_load %arg12[%get3A_218, %get3A_219] {strides = array<i32>} : memref<80x128xf32, #tpu.memory_space<vmem>>, vector<1x16xf32>,
          %get3A_221 = vector.shape_cast %get3A_220 : vector<1x16xf32> to vector<16xf32>
          %mul3A_222 = arith.mulf %get3A_221, %broadcast_in_dim3A_217 : vector<16xf32>
          %swap3A_223 = arith.index_cast %add3A_214 : i32 to index
          %swap3A_224 = arith.constant 0 : index
          %swap3A_225 = tpu.vector_load %arg12[%swap3A_223, %swap3A_224] {strides = array<i32>} : memref<80x128xf32, #tpu.memory_space<vmem>>, vector<1x16xf32>,
          %swap3A_226 = vector.shape_cast %swap3A_225 : vector<1x16xf32> to vector<16xf32>
          %swap3A_227 = vector.shape_cast %mul3A_222 : vector<16xf32> to vector<1x16xf32>
          tpu.vector_store %arg12[%swap3A_223, %swap3A_224], %swap3A_227 {strides = array<i32>} : memref<80x128xf32, #tpu.memory_space<vmem>>, vector<1x16xf32>,
          %get3A_228 = arith.index_cast %add3A_214 : i32 to index
          %get3A_229 = arith.constant 16 : index
          %get3A_230 = tpu.vector_load %arg12[%get3A_228, %get3A_229] {strides = array<i32>} : memref<80x128xf32, #tpu.memory_space<vmem>>, vector<1x16xf32>,
          %get3A_231 = vector.shape_cast %get3A_230 : vector<1x16xf32> to vector<16xf32>
          %mul3A_232 = arith.mulf %get3A_231, %broadcast_in_dim3A_217 : vector<16xf32>
          %swap3A_233 = arith.index_cast %add3A_214 : i32 to index
          %swap3A_234 = arith.constant 16 : index
          %swap3A_235 = tpu.vector_load %arg12[%swap3A_233, %swap3A_234] {strides = array<i32>} : memref<80x128xf32, #tpu.memory_space<vmem>>, vector<1x16xf32>,
          %swap3A_236 = vector.shape_cast %swap3A_235 : vector<1x16xf32> to vector<16xf32>
          %swap3A_237 = vector.shape_cast %mul3A_232 : vector<16xf32> to vector<1x16xf32>
          tpu.vector_store %arg12[%swap3A_233, %swap3A_234], %swap3A_237 {strides = array<i32>} : memref<80x128xf32, #tpu.memory_space<vmem>>, vector<1x16xf32>,
          %get3A_238 = arith.index_cast %add3A_214 : i32 to index
          %get3A_239 = arith.constant 32 : index
          %get3A_240 = tpu.vector_load %arg12[%get3A_238, %get3A_239] {strides = array<i32>} : memref<80x128xf32, #tpu.memory_space<vmem>>, vector<1x16xf32>,
          %get3A_241 = vector.shape_cast %get3A_240 : vector<1x16xf32> to vector<16xf32>
          %mul3A_242 = arith.mulf %get3A_241, %broadcast_in_dim3A_217 : vector<16xf32>
          %swap3A_243 = arith.index_cast %add3A_214 : i32 to index
          %swap3A_244 = arith.constant 32 : index
          %swap3A_245 = tpu.vector_load %arg12[%swap3A_243, %swap3A_244] {strides = array<i32>} : memref<80x128xf32, #tpu.memory_space<vmem>>, vector<1x16xf32>,
          %swap3A_246 = vector.shape_cast %swap3A_245 : vector<1x16xf32> to vector<16xf32>
          %swap3A_247 = vector.shape_cast %mul3A_242 : vector<16xf32> to vector<1x16xf32>
          tpu.vector_store %arg12[%swap3A_243, %swap3A_244], %swap3A_247 {strides = array<i32>} : memref<80x128xf32, #tpu.memory_space<vmem>>, vector<1x16xf32>,
          %get3A_248 = arith.index_cast %add3A_214 : i32 to index
          %get3A_249 = arith.constant 48 : index
          %get3A_250 = tpu.vector_load %arg12[%get3A_248, %get3A_249] {strides = array<i32>} : memref<80x128xf32, #tpu.memory_space<vmem>>, vector<1x16xf32>,
          %get3A_251 = vector.shape_cast %get3A_250 : vector<1x16xf32> to vector<16xf32>
          %mul3A_252 = arith.mulf %get3A_251, %broadcast_in_dim3A_217 : vector<16xf32>
          %swap3A_253 = arith.index_cast %add3A_214 : i32 to index
          %swap3A_254 = arith.constant 48 : index
          %swap3A_255 = tpu.vector_load %arg12[%swap3A_253, %swap3A_254] {strides = array<i32>} : memref<80x128xf32, #tpu.memory_space<vmem>>, vector<1x16xf32>,
          %swap3A_256 = vector.shape_cast %swap3A_255 : vector<1x16xf32> to vector<16xf32>
          %swap3A_257 = vector.shape_cast %mul3A_252 : vector<16xf32> to vector<1x16xf32>
          tpu.vector_store %arg12[%swap3A_253, %swap3A_254], %swap3A_257 {strides = array<i32>} : memref<80x128xf32, #tpu.memory_space<vmem>>, vector<1x16xf32>,
          %get3A_258 = arith.index_cast %add3A_214 : i32 to index
          %get3A_259 = arith.constant 64 : index
          %get3A_260 = tpu.vector_load %arg12[%get3A_258, %get3A_259] {strides = array<i32>} : memref<80x128xf32, #tpu.memory_space<vmem>>, vector<1x16xf32>,
          %get3A_261 = vector.shape_cast %get3A_260 : vector<1x16xf32> to vector<16xf32>
          %mul3A_262 = arith.mulf %get3A_261, %broadcast_in_dim3A_217 : vector<16xf32>
          %swap3A_263 = arith.index_cast %add3A_214 : i32 to index
          %swap3A_264 = arith.constant 64 : index
          %swap3A_265 = tpu.vector_load %arg12[%swap3A_263, %swap3A_264] {strides = array<i32>} : memref<80x128xf32, #tpu.memory_space<vmem>>, vector<1x16xf32>,
          %swap3A_266 = vector.shape_cast %swap3A_265 : vector<1x16xf32> to vector<16xf32>
          %swap3A_267 = vector.shape_cast %mul3A_262 : vector<16xf32> to vector<1x16xf32>
          tpu.vector_store %arg12[%swap3A_263, %swap3A_264], %swap3A_267 {strides = array<i32>} : memref<80x128xf32, #tpu.memory_space<vmem>>, vector<1x16xf32>,
          %get3A_268 = arith.index_cast %add3A_214 : i32 to index
          %get3A_269 = arith.constant 80 : index
          %get3A_270 = tpu.vector_load %arg12[%get3A_268, %get3A_269] {strides = array<i32>} : memref<80x128xf32, #tpu.memory_space<vmem>>, vector<1x16xf32>,
          %get3A_271 = vector.shape_cast %get3A_270 : vector<1x16xf32> to vector<16xf32>
          %mul3A_272 = arith.mulf %get3A_271, %broadcast_in_dim3A_217 : vector<16xf32>
          %swap3A_273 = arith.index_cast %add3A_214 : i32 to index
          %swap3A_274 = arith.constant 80 : index
          %swap3A_275 = tpu.vector_load %arg12[%swap3A_273, %swap3A_274] {strides = array<i32>} : memref<80x128xf32, #tpu.memory_space<vmem>>, vector<1x16xf32>,
          %swap3A_276 = vector.shape_cast %swap3A_275 : vector<1x16xf32> to vector<16xf32>
          %swap3A_277 = vector.shape_cast %mul3A_272 : vector<16xf32> to vector<1x16xf32>
          tpu.vector_store %arg12[%swap3A_273, %swap3A_274], %swap3A_277 {strides = array<i32>} : memref<80x128xf32, #tpu.memory_space<vmem>>, vector<1x16xf32>,
          %get3A_278 = arith.index_cast %add3A_214 : i32 to index
          %get3A_279 = arith.constant 96 : index
          %get3A_280 = tpu.vector_load %arg12[%get3A_278, %get3A_279] {strides = array<i32>} : memref<80x128xf32, #tpu.memory_space<vmem>>, vector<1x16xf32>,
          %get3A_281 = vector.shape_cast %get3A_280 : vector<1x16xf32> to vector<16xf32>
          %mul3A_282 = arith.mulf %get3A_281, %broadcast_in_dim3A_217 : vector<16xf32>
          %swap3A_283 = arith.index_cast %add3A_214 : i32 to index
          %swap3A_284 = arith.constant 96 : index
          %swap3A_285 = tpu.vector_load %arg12[%swap3A_283, %swap3A_284] {strides = array<i32>} : memref<80x128xf32, #tpu.memory_space<vmem>>, vector<1x16xf32>,
          %swap3A_286 = vector.shape_cast %swap3A_285 : vector<1x16xf32> to vector<16xf32>
          %swap3A_287 = vector.shape_cast %mul3A_282 : vector<16xf32> to vector<1x16xf32>
          tpu.vector_store %arg12[%swap3A_283, %swap3A_284], %swap3A_287 {strides = array<i32>} : memref<80x128xf32, #tpu.memory_space<vmem>>, vector<1x16xf32>,
          %get3A_288 = arith.index_cast %add3A_214 : i32 to index
          %get3A_289 = arith.constant 112 : index
          %get3A_290 = tpu.vector_load %arg12[%get3A_288, %get3A_289] {strides = array<i32>} : memref<80x128xf32, #tpu.memory_space<vmem>>, vector<1x16xf32>,
          %get3A_291 = vector.shape_cast %get3A_290 : vector<1x16xf32> to vector<16xf32>
          %mul3A_292 = arith.mulf %get3A_291, %broadcast_in_dim3A_217 : vector<16xf32>
          %swap3A_293 = arith.index_cast %add3A_214 : i32 to index
          %swap3A_294 = arith.constant 112 : index
          %swap3A_295 = tpu.vector_load %arg12[%swap3A_293, %swap3A_294] {strides = array<i32>} : memref<80x128xf32, #tpu.memory_space<vmem>>, vector<1x16xf32>,
          %swap3A_296 = vector.shape_cast %swap3A_295 : vector<1x16xf32> to vector<16xf32>
          %swap3A_297 = vector.shape_cast %mul3A_292 : vector<16xf32> to vector<1x16xf32>
          tpu.vector_store %arg12[%swap3A_293, %swap3A_294], %swap3A_297 {strides = array<i32>} : memref<80x128xf32, #tpu.memory_space<vmem>>, vector<1x16xf32>,
          %mul3A_298 = arith.constant 16 : i32
          %mul3A_299 = arith.muli %scan3A_119, %mul3A_298 : i32
          %add3A_300 = arith.constant 2 : i32
          %add3A_301 = arith.addi %mul3A_299, %add3A_300 : i32
          %slice3A_302 = vector.extract_strided_slice %get3A_127 {offsets = [2], sizes = [1], strides = [1]} : vector<16xf32> to vector<1xf32>
          %squeeze3A_303 = vector.extract %slice3A_302[0] : f32 from vector<1xf32>
          %broadcast_in_dim3A_304 = vector.broadcast %squeeze3A_303 : f32 to vector<16xf32>
          %get3A_305 = arith.index_cast %add3A_301 : i32 to index
          %get3A_306 = arith.constant 0 : index
          %get3A_307 = tpu.vector_load %arg12[%get3A_305, %get3A_306] {strides = array<i32>} : memref<80x128xf32, #tpu.memory_space<vmem>>, vector<1x16xf32>,
          %get3A_308 = vector.shape_cast %get3A_307 : vector<1x16xf32> to vector<16xf32>
          %mul3A_309 = arith.mulf %get3A_308, %broadcast_in_dim3A_304 : vector<16xf32>
          %swap3A_310 = arith.index_cast %add3A_301 : i32 to index
          %swap3A_311 = arith.constant 0 : index
          %swap3A_312 = tpu.vector_load %arg12[%swap3A_310, %swap3A_311] {strides = array<i32>} : memref<80x128xf32, #tpu.memory_space<vmem>>, vector<1x16xf32>,
          %swap3A_313 = vector.shape_cast %swap3A_312 : vector<1x16xf32> to vector<16xf32>
          %swap3A_314 = vector.shape_cast %mul3A_309 : vector<16xf32> to vector<1x16xf32>
          tpu.vector_store %arg12[%swap3A_310, %swap3A_311], %swap3A_314 {strides = array<i32>} : memref<80x128xf32, #tpu.memory_space<vmem>>, vector<1x16xf32>,
          %get3A_315 = arith.index_cast %add3A_301 : i32 to index
          %get3A_316 = arith.constant 16 : index
          %get3A_317 = tpu.vector_load %arg12[%get3A_315, %get3A_316] {strides = array<i32>} : memref<80x128xf32, #tpu.memory_space<vmem>>, vector<1x16xf32>,
          %get3A_318 = vector.shape_cast %get3A_317 : vector<1x16xf32> to vector<16xf32>
          %mul3A_319 = arith.mulf %get3A_318, %broadcast_in_dim3A_304 : vector<16xf32>
          %swap3A_320 = arith.index_cast %add3A_301 : i32 to index
          %swap3A_321 = arith.constant 16 : index
          %swap3A_322 = tpu.vector_load %arg12[%swap3A_320, %swap3A_321] {strides = array<i32>} : memref<80x128xf32, #tpu.memory_space<vmem>>, vector<1x16xf32>,
          %swap3A_323 = vector.shape_cast %swap3A_322 : vector<1x16xf32> to vector<16xf32>
          %swap3A_324 = vector.shape_cast %mul3A_319 : vector<16xf32> to vector<1x16xf32>
          tpu.vector_store %arg12[%swap3A_320, %swap3A_321], %swap3A_324 {strides = array<i32>} : memref<80x128xf32, #tpu.memory_space<vmem>>, vector<1x16xf32>,
          %get3A_325 = arith.index_cast %add3A_301 : i32 to index
          %get3A_326 = arith.constant 32 : index
          %get3A_327 = tpu.vector_load %arg12[%get3A_325, %get3A_326] {strides = array<i32>} : memref<80x128xf32, #tpu.memory_space<vmem>>, vector<1x16xf32>,
          %get3A_328 = vector.shape_cast %get3A_327 : vector<1x16xf32> to vector<16xf32>
          %mul3A_329 = arith.mulf %get3A_328, %broadcast_in_dim3A_304 : vector<16xf32>
          %swap3A_330 = arith.index_cast %add3A_301 : i32 to index
          %swap3A_331 = arith.constant 32 : index
          %swap3A_332 = tpu.vector_load %arg12[%swap3A_330, %swap3A_331] {strides = array<i32>} : memref<80x128xf32, #tpu.memory_space<vmem>>, vector<1x16xf32>,
          %swap3A_333 = vector.shape_cast %swap3A_332 : vector<1x16xf32> to vector<16xf32>
          %swap3A_334 = vector.shape_cast %mul3A_329 : vector<16xf32> to vector<1x16xf32>
          tpu.vector_store %arg12[%swap3A_330, %swap3A_331], %swap3A_334 {strides = array<i32>} : memref<80x128xf32, #tpu.memory_space<vmem>>, vector<1x16xf32>,
          %get3A_335 = arith.index_cast %add3A_301 : i32 to index
          %get3A_336 = arith.constant 48 : index
          %get3A_337 = tpu.vector_load %arg12[%get3A_335, %get3A_336] {strides = array<i32>} : memref<80x128xf32, #tpu.memory_space<vmem>>, vector<1x16xf32>,
          %get3A_338 = vector.shape_cast %get3A_337 : vector<1x16xf32> to vector<16xf32>
          %mul3A_339 = arith.mulf %get3A_338, %broadcast_in_dim3A_304 : vector<16xf32>
          %swap3A_340 = arith.index_cast %add3A_301 : i32 to index
          %swap3A_341 = arith.constant 48 : index
          %swap3A_342 = tpu.vector_load %arg12[%swap3A_340, %swap3A_341] {strides = array<i32>} : memref<80x128xf32, #tpu.memory_space<vmem>>, vector<1x16xf32>,
          %swap3A_343 = vector.shape_cast %swap3A_342 : vector<1x16xf32> to vector<16xf32>
          %swap3A_344 = vector.shape_cast %mul3A_339 : vector<16xf32> to vector<1x16xf32>
          tpu.vector_store %arg12[%swap3A_340, %swap3A_341], %swap3A_344 {strides = array<i32>} : memref<80x128xf32, #tpu.memory_space<vmem>>, vector<1x16xf32>,
          %get3A_345 = arith.index_cast %add3A_301 : i32 to index
          %get3A_346 = arith.constant 64 : index
          %get3A_347 = tpu.vector_load %arg12[%get3A_345, %get3A_346] {strides = array<i32>} : memref<80x128xf32, #tpu.memory_space<vmem>>, vector<1x16xf32>,
          %get3A_348 = vector.shape_cast %get3A_347 : vector<1x16xf32> to vector<16xf32>
          %mul3A_349 = arith.mulf %get3A_348, %broadcast_in_dim3A_304 : vector<16xf32>
          %swap3A_350 = arith.index_cast %add3A_301 : i32 to index
          %swap3A_351 = arith.constant 64 : index
          %swap3A_352 = tpu.vector_load %arg12[%swap3A_350, %swap3A_351] {strides = array<i32>} : memref<80x128xf32, #tpu.memory_space<vmem>>, vector<1x16xf32>,
          %swap3A_353 = vector.shape_cast %swap3A_352 : vector<1x16xf32> to vector<16xf32>
          %swap3A_354 = vector.shape_cast %mul3A_349 : vector<16xf32> to vector<1x16xf32>
          tpu.vector_store %arg12[%swap3A_350, %swap3A_351], %swap3A_354 {strides = array<i32>} : memref<80x128xf32, #tpu.memory_space<vmem>>, vector<1x16xf32>,
          %get3A_355 = arith.index_cast %add3A_301 : i32 to index
          %get3A_356 = arith.constant 80 : index
          %get3A_357 = tpu.vector_load %arg12[%get3A_355, %get3A_356] {strides = array<i32>} : memref<80x128xf32, #tpu.memory_space<vmem>>, vector<1x16xf32>,
          %get3A_358 = vector.shape_cast %get3A_357 : vector<1x16xf32> to vector<16xf32>
          %mul3A_359 = arith.mulf %get3A_358, %broadcast_in_dim3A_304 : vector<16xf32>
          %swap3A_360 = arith.index_cast %add3A_301 : i32 to index
          %swap3A_361 = arith.constant 80 : index
          %swap3A_362 = tpu.vector_load %arg12[%swap3A_360, %swap3A_361] {strides = array<i32>} : memref<80x128xf32, #tpu.memory_space<vmem>>, vector<1x16xf32>,
          %swap3A_363 = vector.shape_cast %swap3A_362 : vector<1x16xf32> to vector<16xf32>
          %swap3A_364 = vector.shape_cast %mul3A_359 : vector<16xf32> to vector<1x16xf32>
          tpu.vector_store %arg12[%swap3A_360, %swap3A_361], %swap3A_364 {strides = array<i32>} : memref<80x128xf32, #tpu.memory_space<vmem>>, vector<1x16xf32>,
          %get3A_365 = arith.index_cast %add3A_301 : i32 to index
          %get3A_366 = arith.constant 96 : index
          %get3A_367 = tpu.vector_load %arg12[%get3A_365, %get3A_366] {strides = array<i32>} : memref<80x128xf32, #tpu.memory_space<vmem>>, vector<1x16xf32>,
          %get3A_368 = vector.shape_cast %get3A_367 : vector<1x16xf32> to vector<16xf32>
          %mul3A_369 = arith.mulf %get3A_368, %broadcast_in_dim3A_304 : vector<16xf32>
          %swap3A_370 = arith.index_cast %add3A_301 : i32 to index
          %swap3A_371 = arith.constant 96 : index
          %swap3A_372 = tpu.vector_load %arg12[%swap3A_370, %swap3A_371] {strides = array<i32>} : memref<80x128xf32, #tpu.memory_space<vmem>>, vector<1x16xf32>,
          %swap3A_373 = vector.shape_cast %swap3A_372 : vector<1x16xf32> to vector<16xf32>
          %swap3A_374 = vector.shape_cast %mul3A_369 : vector<16xf32> to vector<1x16xf32>
          tpu.vector_store %arg12[%swap3A_370, %swap3A_371], %swap3A_374 {strides = array<i32>} : memref<80x128xf32, #tpu.memory_space<vmem>>, vector<1x16xf32>,
          %get3A_375 = arith.index_cast %add3A_301 : i32 to index
          %get3A_376 = arith.constant 112 : index
          %get3A_377 = tpu.vector_load %arg12[%get3A_375, %get3A_376] {strides = array<i32>} : memref<80x128xf32, #tpu.memory_space<vmem>>, vector<1x16xf32>,
          %get3A_378 = vector.shape_cast %get3A_377 : vector<1x16xf32> to vector<16xf32>
          %mul3A_379 = arith.mulf %get3A_378, %broadcast_in_dim3A_304 : vector<16xf32>
          %swap3A_380 = arith.index_cast %add3A_301 : i32 to index
          %swap3A_381 = arith.constant 112 : index
          %swap3A_382 = tpu.vector_load %arg12[%swap3A_380, %swap3A_381] {strides = array<i32>} : memref<80x128xf32, #tpu.memory_space<vmem>>, vector<1x16xf32>,
          %swap3A_383 = vector.shape_cast %swap3A_382 : vector<1x16xf32> to vector<16xf32>
          %swap3A_384 = vector.shape_cast %mul3A_379 : vector<16xf32> to vector<1x16xf32>
          tpu.vector_store %arg12[%swap3A_380, %swap3A_381], %swap3A_384 {strides = array<i32>} : memref<80x128xf32, #tpu.memory_space<vmem>>, vector<1x16xf32>,
          %mul3A_385 = arith.constant 16 : i32
          %mul3A_386 = arith.muli %scan3A_119, %mul3A_385 : i32
          %add3A_387 = arith.constant 3 : i32
          %add3A_388 = arith.addi %mul3A_386, %add3A_387 : i32
          %slice3A_389 = vector.extract_strided_slice %get3A_127 {offsets = [3], sizes = [1], strides = [1]} : vector<16xf32> to vector<1xf32>
          %squeeze3A_390 = vector.extract %slice3A_389[0] : f32 from vector<1xf32>
          %broadcast_in_dim3A_391 = vector.broadcast %squeeze3A_390 : f32 to vector<16xf32>
          %get3A_392 = arith.index_cast %add3A_388 : i32 to index
          %get3A_393 = arith.constant 0 : index
          %get3A_394 = tpu.vector_load %arg12[%get3A_392, %get3A_393] {strides = array<i32>} : memref<80x128xf32, #tpu.memory_space<vmem>>, vector<1x16xf32>,
          %get3A_395 = vector.shape_cast %get3A_394 : vector<1x16xf32> to vector<16xf32>
          %mul3A_396 = arith.mulf %get3A_395, %broadcast_in_dim3A_391 : vector<16xf32>
          %swap3A_397 = arith.index_cast %add3A_388 : i32 to index
          %swap3A_398 = arith.constant 0 : index
          %swap3A_399 = tpu.vector_load %arg12[%swap3A_397, %swap3A_398] {strides = array<i32>} : memref<80x128xf32, #tpu.memory_space<vmem>>, vector<1x16xf32>,
          %swap3A_400 = vector.shape_cast %swap3A_399 : vector<1x16xf32> to vector<16xf32>
          %swap3A_401 = vector.shape_cast %mul3A_396 : vector<16xf32> to vector<1x16xf32>
          tpu.vector_store %arg12[%swap3A_397, %swap3A_398], %swap3A_401 {strides = array<i32>} : memref<80x128xf32, #tpu.memory_space<vmem>>, vector<1x16xf32>,
          %get3A_402 = arith.index_cast %add3A_388 : i32 to index
          %get3A_403 = arith.constant 16 : index
          %get3A_404 = tpu.vector_load %arg12[%get3A_402, %get3A_403] {strides = array<i32>} : memref<80x128xf32, #tpu.memory_space<vmem>>, vector<1x16xf32>,
          %get3A_405 = vector.shape_cast %get3A_404 : vector<1x16xf32> to vector<16xf32>
          %mul3A_406 = arith.mulf %get3A_405, %broadcast_in_dim3A_391 : vector<16xf32>
          %swap3A_407 = arith.index_cast %add3A_388 : i32 to index
          %swap3A_408 = arith.constant 16 : index
          %swap3A_409 = tpu.vector_load %arg12[%swap3A_407, %swap3A_408] {strides = array<i32>} : memref<80x128xf32, #tpu.memory_space<vmem>>, vector<1x16xf32>,
          %swap3A_410 = vector.shape_cast %swap3A_409 : vector<1x16xf32> to vector<16xf32>
          %swap3A_411 = vector.shape_cast %mul3A_406 : vector<16xf32> to vector<1x16xf32>
          tpu.vector_store %arg12[%swap3A_407, %swap3A_408], %swap3A_411 {strides = array<i32>} : memref<80x128xf32, #tpu.memory_space<vmem>>, vector<1x16xf32>,
          %get3A_412 = arith.index_cast %add3A_388 : i32 to index
          %get3A_413 = arith.constant 32 : index
          %get3A_414 = tpu.vector_load %arg12[%get3A_412, %get3A_413] {strides = array<i32>} : memref<80x128xf32, #tpu.memory_space<vmem>>, vector<1x16xf32>,
          %get3A_415 = vector.shape_cast %get3A_414 : vector<1x16xf32> to vector<16xf32>
          %mul3A_416 = arith.mulf %get3A_415, %broadcast_in_dim3A_391 : vector<16xf32>
          %swap3A_417 = arith.index_cast %add3A_388 : i32 to index
          %swap3A_418 = arith.constant 32 : index
          %swap3A_419 = tpu.vector_load %arg12[%swap3A_417, %swap3A_418] {strides = array<i32>} : memref<80x128xf32, #tpu.memory_space<vmem>>, vector<1x16xf32>,
          %swap3A_420 = vector.shape_cast %swap3A_419 : vector<1x16xf32> to vector<16xf32>
          %swap3A_421 = vector.shape_cast %mul3A_416 : vector<16xf32> to vector<1x16xf32>
          tpu.vector_store %arg12[%swap3A_417, %swap3A_418], %swap3A_421 {strides = array<i32>} : memref<80x128xf32, #tpu.memory_space<vmem>>, vector<1x16xf32>,
          %get3A_422 = arith.index_cast %add3A_388 : i32 to index
          %get3A_423 = arith.constant 48 : index
          %get3A_424 = tpu.vector_load %arg12[%get3A_422, %get3A_423] {strides = array<i32>} : memref<80x128xf32, #tpu.memory_space<vmem>>, vector<1x16xf32>,
          %get3A_425 = vector.shape_cast %get3A_424 : vector<1x16xf32> to vector<16xf32>
          %mul3A_426 = arith.mulf %get3A_425, %broadcast_in_dim3A_391 : vector<16xf32>
          %swap3A_427 = arith.index_cast %add3A_388 : i32 to index
          %swap3A_428 = arith.constant 48 : index
          %swap3A_429 = tpu.vector_load %arg12[%swap3A_427, %swap3A_428] {strides = array<i32>} : memref<80x128xf32, #tpu.memory_space<vmem>>, vector<1x16xf32>,
          %swap3A_430 = vector.shape_cast %swap3A_429 : vector<1x16xf32> to vector<16xf32>
          %swap3A_431 = vector.shape_cast %mul3A_426 : vector<16xf32> to vector<1x16xf32>
          tpu.vector_store %arg12[%swap3A_427, %swap3A_428], %swap3A_431 {strides = array<i32>} : memref<80x128xf32, #tpu.memory_space<vmem>>, vector<1x16xf32>,
          %get3A_432 = arith.index_cast %add3A_388 : i32 to index
          %get3A_433 = arith.constant 64 : index
          %get3A_434 = tpu.vector_load %arg12[%get3A_432, %get3A_433] {strides = array<i32>} : memref<80x128xf32, #tpu.memory_space<vmem>>, vector<1x16xf32>,
          %get3A_435 = vector.shape_cast %get3A_434 : vector<1x16xf32> to vector<16xf32>
          %mul3A_436 = arith.mulf %get3A_435, %broadcast_in_dim3A_391 : vector<16xf32>
          %swap3A_437 = arith.index_cast %add3A_388 : i32 to index
          %swap3A_438 = arith.constant 64 : index
          %swap3A_439 = tpu.vector_load %arg12[%swap3A_437, %swap3A_438] {strides = array<i32>} : memref<80x128xf32, #tpu.memory_space<vmem>>, vector<1x16xf32>,
          %swap3A_440 = vector.shape_cast %swap3A_439 : vector<1x16xf32> to vector<16xf32>
          %swap3A_441 = vector.shape_cast %mul3A_436 : vector<16xf32> to vector<1x16xf32>
          tpu.vector_store %arg12[%swap3A_437, %swap3A_438], %swap3A_441 {strides = array<i32>} : memref<80x128xf32, #tpu.memory_space<vmem>>, vector<1x16xf32>,
          %get3A_442 = arith.index_cast %add3A_388 : i32 to index
          %get3A_443 = arith.constant 80 : index
          %get3A_444 = tpu.vector_load %arg12[%get3A_442, %get3A_443] {strides = array<i32>} : memref<80x128xf32, #tpu.memory_space<vmem>>, vector<1x16xf32>,
          %get3A_445 = vector.shape_cast %get3A_444 : vector<1x16xf32> to vector<16xf32>
          %mul3A_446 = arith.mulf %get3A_445, %broadcast_in_dim3A_391 : vector<16xf32>
          %swap3A_447 = arith.index_cast %add3A_388 : i32 to index
          %swap3A_448 = arith.constant 80 : index
          %swap3A_449 = tpu.vector_load %arg12[%swap3A_447, %swap3A_448] {strides = array<i32>} : memref<80x128xf32, #tpu.memory_space<vmem>>, vector<1x16xf32>,
          %swap3A_450 = vector.shape_cast %swap3A_449 : vector<1x16xf32> to vector<16xf32>
          %swap3A_451 = vector.shape_cast %mul3A_446 : vector<16xf32> to vector<1x16xf32>
          tpu.vector_store %arg12[%swap3A_447, %swap3A_448], %swap3A_451 {strides = array<i32>} : memref<80x128xf32, #tpu.memory_space<vmem>>, vector<1x16xf32>,
          %get3A_452 = arith.index_cast %add3A_388 : i32 to index
          %get3A_453 = arith.constant 96 : index
          %get3A_454 = tpu.vector_load %arg12[%get3A_452, %get3A_453] {strides = array<i32>} : memref<80x128xf32, #tpu.memory_space<vmem>>, vector<1x16xf32>,
          %get3A_455 = vector.shape_cast %get3A_454 : vector<1x16xf32> to vector<16xf32>
          %mul3A_456 = arith.mulf %get3A_455, %broadcast_in_dim3A_391 : vector<16xf32>
          %swap3A_457 = arith.index_cast %add3A_388 : i32 to index
          %swap3A_458 = arith.constant 96 : index
          %swap3A_459 = tpu.vector_load %arg12[%swap3A_457, %swap3A_458] {strides = array<i32>} : memref<80x128xf32, #tpu.memory_space<vmem>>, vector<1x16xf32>,
          %swap3A_460 = vector.shape_cast %swap3A_459 : vector<1x16xf32> to vector<16xf32>
          %swap3A_461 = vector.shape_cast %mul3A_456 : vector<16xf32> to vector<1x16xf32>
          tpu.vector_store %arg12[%swap3A_457, %swap3A_458], %swap3A_461 {strides = array<i32>} : memref<80x128xf32, #tpu.memory_space<vmem>>, vector<1x16xf32>,
          %get3A_462 = arith.index_cast %add3A_388 : i32 to index
          %get3A_463 = arith.constant 112 : index
          %get3A_464 = tpu.vector_load %arg12[%get3A_462, %get3A_463] {strides = array<i32>} : memref<80x128xf32, #tpu.memory_space<vmem>>, vector<1x16xf32>,
          %get3A_465 = vector.shape_cast %get3A_464 : vector<1x16xf32> to vector<16xf32>
          %mul3A_466 = arith.mulf %get3A_465, %broadcast_in_dim3A_391 : vector<16xf32>
          %swap3A_467 = arith.index_cast %add3A_388 : i32 to index
          %swap3A_468 = arith.constant 112 : index
          %swap3A_469 = tpu.vector_load %arg12[%swap3A_467, %swap3A_468] {strides = array<i32>} : memref<80x128xf32, #tpu.memory_space<vmem>>, vector<1x16xf32>,
          %swap3A_470 = vector.shape_cast %swap3A_469 : vector<1x16xf32> to vector<16xf32>
          %swap3A_471 = vector.shape_cast %mul3A_466 : vector<16xf32> to vector<1x16xf32>
          tpu.vector_store %arg12[%swap3A_467, %swap3A_468], %swap3A_471 {strides = array<i32>} : memref<80x128xf32, #tpu.memory_space<vmem>>, vector<1x16xf32>,
          %mul3A_472 = arith.constant 16 : i32
          %mul3A_473 = arith.muli %scan3A_119, %mul3A_472 : i32
          %add3A_474 = arith.constant 4 : i32
          %add3A_475 = arith.addi %mul3A_473, %add3A_474 : i32
          %slice3A_476 = vector.extract_strided_slice %get3A_127 {offsets = [4], sizes = [1], strides = [1]} : vector<16xf32> to vector<1xf32>
          %squeeze3A_477 = vector.extract %slice3A_476[0] : f32 from vector<1xf32>
          %broadcast_in_dim3A_478 = vector.broadcast %squeeze3A_477 : f32 to vector<16xf32>
          %get3A_479 = arith.index_cast %add3A_475 : i32 to index
          %get3A_480 = arith.constant 0 : index
          %get3A_481 = tpu.vector_load %arg12[%get3A_479, %get3A_480] {strides = array<i32>} : memref<80x128xf32, #tpu.memory_space<vmem>>, vector<1x16xf32>,
          %get3A_482 = vector.shape_cast %get3A_481 : vector<1x16xf32> to vector<16xf32>
          %mul3A_483 = arith.mulf %get3A_482, %broadcast_in_dim3A_478 : vector<16xf32>
          %swap3A_484 = arith.index_cast %add3A_475 : i32 to index
          %swap3A_485 = arith.constant 0 : index
          %swap3A_486 = tpu.vector_load %arg12[%swap3A_484, %swap3A_485] {strides = array<i32>} : memref<80x128xf32, #tpu.memory_space<vmem>>, vector<1x16xf32>,
          %swap3A_487 = vector.shape_cast %swap3A_486 : vector<1x16xf32> to vector<16xf32>
          %swap3A_488 = vector.shape_cast %mul3A_483 : vector<16xf32> to vector<1x16xf32>
          tpu.vector_store %arg12[%swap3A_484, %swap3A_485], %swap3A_488 {strides = array<i32>} : memref<80x128xf32, #tpu.memory_space<vmem>>, vector<1x16xf32>,
          %get3A_489 = arith.index_cast %add3A_475 : i32 to index
          %get3A_490 = arith.constant 16 : index
          %get3A_491 = tpu.vector_load %arg12[%get3A_489, %get3A_490] {strides = array<i32>} : memref<80x128xf32, #tpu.memory_space<vmem>>, vector<1x16xf32>,
          %get3A_492 = vector.shape_cast %get3A_491 : vector<1x16xf32> to vector<16xf32>
          %mul3A_493 = arith.mulf %get3A_492, %broadcast_in_dim3A_478 : vector<16xf32>
          %swap3A_494 = arith.index_cast %add3A_475 : i32 to index
          %swap3A_495 = arith.constant 16 : index
          %swap3A_496 = tpu.vector_load %arg12[%swap3A_494, %swap3A_495] {strides = array<i32>} : memref<80x128xf32, #tpu.memory_space<vmem>>, vector<1x16xf32>,
          %swap3A_497 = vector.shape_cast %swap3A_496 : vector<1x16xf32> to vector<16xf32>
          %swap3A_498 = vector.shape_cast %mul3A_493 : vector<16xf32> to vector<1x16xf32>
          tpu.vector_store %arg12[%swap3A_494, %swap3A_495], %swap3A_498 {strides = array<i32>} : memref<80x128xf32, #tpu.memory_space<vmem>>, vector<1x16xf32>,
          %get3A_499 = arith.index_cast %add3A_475 : i32 to index
          %get3A_500 = arith.constant 32 : index
          %get3A_501 = tpu.vector_load %arg12[%get3A_499, %get3A_500] {strides = array<i32>} : memref<80x128xf32, #tpu.memory_space<vmem>>, vector<1x16xf32>,
          %get3A_502 = vector.shape_cast %get3A_501 : vector<1x16xf32> to vector<16xf32>
          %mul3A_503 = arith.mulf %get3A_502, %broadcast_in_dim3A_478 : vector<16xf32>
          %swap3A_504 = arith.index_cast %add3A_475 : i32 to index
          %swap3A_505 = arith.constant 32 : index
          %swap3A_506 = tpu.vector_load %arg12[%swap3A_504, %swap3A_505] {strides = array<i32>} : memref<80x128xf32, #tpu.memory_space<vmem>>, vector<1x16xf32>,
          %swap3A_507 = vector.shape_cast %swap3A_506 : vector<1x16xf32> to vector<16xf32>
          %swap3A_508 = vector.shape_cast %mul3A_503 : vector<16xf32> to vector<1x16xf32>
          tpu.vector_store %arg12[%swap3A_504, %swap3A_505], %swap3A_508 {strides = array<i32>} : memref<80x128xf32, #tpu.memory_space<vmem>>, vector<1x16xf32>,
          %get3A_509 = arith.index_cast %add3A_475 : i32 to index
          %get3A_510 = arith.constant 48 : index
          %get3A_511 = tpu.vector_load %arg12[%get3A_509, %get3A_510] {strides = array<i32>} : memref<80x128xf32, #tpu.memory_space<vmem>>, vector<1x16xf32>,
          %get3A_512 = vector.shape_cast %get3A_511 : vector<1x16xf32> to vector<16xf32>
          %mul3A_513 = arith.mulf %get3A_512, %broadcast_in_dim3A_478 : vector<16xf32>
          %swap3A_514 = arith.index_cast %add3A_475 : i32 to index
          %swap3A_515 = arith.constant 48 : index
          %swap3A_516 = tpu.vector_load %arg12[%swap3A_514, %swap3A_515] {strides = array<i32>} : memref<80x128xf32, #tpu.memory_space<vmem>>, vector<1x16xf32>,
          %swap3A_517 = vector.shape_cast %swap3A_516 : vector<1x16xf32> to vector<16xf32>
          %swap3A_518 = vector.shape_cast %mul3A_513 : vector<16xf32> to vector<1x16xf32>
          tpu.vector_store %arg12[%swap3A_514, %swap3A_515], %swap3A_518 {strides = array<i32>} : memref<80x128xf32, #tpu.memory_space<vmem>>, vector<1x16xf32>,
          %get3A_519 = arith.index_cast %add3A_475 : i32 to index
          %get3A_520 = arith.constant 64 : index
          %get3A_521 = tpu.vector_load %arg12[%get3A_519, %get3A_520] {strides = array<i32>} : memref<80x128xf32, #tpu.memory_space<vmem>>, vector<1x16xf32>,
          %get3A_522 = vector.shape_cast %get3A_521 : vector<1x16xf32> to vector<16xf32>
          %mul3A_523 = arith.mulf %get3A_522, %broadcast_in_dim3A_478 : vector<16xf32>
          %swap3A_524 = arith.index_cast %add3A_475 : i32 to index
          %swap3A_525 = arith.constant 64 : index
          %swap3A_526 = tpu.vector_load %arg12[%swap3A_524, %swap3A_525] {strides = array<i32>} : memref<80x128xf32, #tpu.memory_space<vmem>>, vector<1x16xf32>,
          %swap3A_527 = vector.shape_cast %swap3A_526 : vector<1x16xf32> to vector<16xf32>
          %swap3A_528 = vector.shape_cast %mul3A_523 : vector<16xf32> to vector<1x16xf32>
          tpu.vector_store %arg12[%swap3A_524, %swap3A_525], %swap3A_528 {strides = array<i32>} : memref<80x128xf32, #tpu.memory_space<vmem>>, vector<1x16xf32>,
          %get3A_529 = arith.index_cast %add3A_475 : i32 to index
          %get3A_530 = arith.constant 80 : index
          %get3A_531 = tpu.vector_load %arg12[%get3A_529, %get3A_530] {strides = array<i32>} : memref<80x128xf32, #tpu.memory_space<vmem>>, vector<1x16xf32>,
          %get3A_532 = vector.shape_cast %get3A_531 : vector<1x16xf32> to vector<16xf32>
          %mul3A_533 = arith.mulf %get3A_532, %broadcast_in_dim3A_478 : vector<16xf32>
          %swap3A_534 = arith.index_cast %add3A_475 : i32 to index
          %swap3A_535 = arith.constant 80 : index
          %swap3A_536 = tpu.vector_load %arg12[%swap3A_534, %swap3A_535] {strides = array<i32>} : memref<80x128xf32, #tpu.memory_space<vmem>>, vector<1x16xf32>,
          %swap3A_537 = vector.shape_cast %swap3A_536 : vector<1x16xf32> to vector<16xf32>
          %swap3A_538 = vector.shape_cast %mul3A_533 : vector<16xf32> to vector<1x16xf32>
          tpu.vector_store %arg12[%swap3A_534, %swap3A_535], %swap3A_538 {strides = array<i32>} : memref<80x128xf32, #tpu.memory_space<vmem>>, vector<1x16xf32>,
          %get3A_539 = arith.index_cast %add3A_475 : i32 to index
          %get3A_540 = arith.constant 96 : index
          %get3A_541 = tpu.vector_load %arg12[%get3A_539, %get3A_540] {strides = array<i32>} : memref<80x128xf32, #tpu.memory_space<vmem>>, vector<1x16xf32>,
          %get3A_542 = vector.shape_cast %get3A_541 : vector<1x16xf32> to vector<16xf32>
          %mul3A_543 = arith.mulf %get3A_542, %broadcast_in_dim3A_478 : vector<16xf32>
          %swap3A_544 = arith.index_cast %add3A_475 : i32 to index
          %swap3A_545 = arith.constant 96 : index
          %swap3A_546 = tpu.vector_load %arg12[%swap3A_544, %swap3A_545] {strides = array<i32>} : memref<80x128xf32, #tpu.memory_space<vmem>>, vector<1x16xf32>,
          %swap3A_547 = vector.shape_cast %swap3A_546 : vector<1x16xf32> to vector<16xf32>
          %swap3A_548 = vector.shape_cast %mul3A_543 : vector<16xf32> to vector<1x16xf32>
          tpu.vector_store %arg12[%swap3A_544, %swap3A_545], %swap3A_548 {strides = array<i32>} : memref<80x128xf32, #tpu.memory_space<vmem>>, vector<1x16xf32>,
          %get3A_549 = arith.index_cast %add3A_475 : i32 to index
          %get3A_550 = arith.constant 112 : index
          %get3A_551 = tpu.vector_load %arg12[%get3A_549, %get3A_550] {strides = array<i32>} : memref<80x128xf32, #tpu.memory_space<vmem>>, vector<1x16xf32>,
          %get3A_552 = vector.shape_cast %get3A_551 : vector<1x16xf32> to vector<16xf32>
          %mul3A_553 = arith.mulf %get3A_552, %broadcast_in_dim3A_478 : vector<16xf32>
          %swap3A_554 = arith.index_cast %add3A_475 : i32 to index
          %swap3A_555 = arith.constant 112 : index
          %swap3A_556 = tpu.vector_load %arg12[%swap3A_554, %swap3A_555] {strides = array<i32>} : memref<80x128xf32, #tpu.memory_space<vmem>>, vector<1x16xf32>,
          %swap3A_557 = vector.shape_cast %swap3A_556 : vector<1x16xf32> to vector<16xf32>
          %swap3A_558 = vector.shape_cast %mul3A_553 : vector<16xf32> to vector<1x16xf32>
          tpu.vector_store %arg12[%swap3A_554, %swap3A_555], %swap3A_558 {strides = array<i32>} : memref<80x128xf32, #tpu.memory_space<vmem>>, vector<1x16xf32>,
          %mul3A_559 = arith.constant 16 : i32
          %mul3A_560 = arith.muli %scan3A_119, %mul3A_559 : i32
          %add3A_561 = arith.constant 5 : i32
          %add3A_562 = arith.addi %mul3A_560, %add3A_561 : i32
          %slice3A_563 = vector.extract_strided_slice %get3A_127 {offsets = [5], sizes = [1], strides = [1]} : vector<16xf32> to vector<1xf32>
          %squeeze3A_564 = vector.extract %slice3A_563[0] : f32 from vector<1xf32>
          %broadcast_in_dim3A_565 = vector.broadcast %squeeze3A_564 : f32 to vector<16xf32>
          %get3A_566 = arith.index_cast %add3A_562 : i32 to index
          %get3A_567 = arith.constant 0 : index
          %get3A_568 = tpu.vector_load %arg12[%get3A_566, %get3A_567] {strides = array<i32>} : memref<80x128xf32, #tpu.memory_space<vmem>>, vector<1x16xf32>,
          %get3A_569 = vector.shape_cast %get3A_568 : vector<1x16xf32> to vector<16xf32>
          %mul3A_570 = arith.mulf %get3A_569, %broadcast_in_dim3A_565 : vector<16xf32>
          %swap3A_571 = arith.index_cast %add3A_562 : i32 to index
          %swap3A_572 = arith.constant 0 : index
          %swap3A_573 = tpu.vector_load %arg12[%swap3A_571, %swap3A_572] {strides = array<i32>} : memref<80x128xf32, #tpu.memory_space<vmem>>, vector<1x16xf32>,
          %swap3A_574 = vector.shape_cast %swap3A_573 : vector<1x16xf32> to vector<16xf32>
          %swap3A_575 = vector.shape_cast %mul3A_570 : vector<16xf32> to vector<1x16xf32>
          tpu.vector_store %arg12[%swap3A_571, %swap3A_572], %swap3A_575 {strides = array<i32>} : memref<80x128xf32, #tpu.memory_space<vmem>>, vector<1x16xf32>,
          %get3A_576 = arith.index_cast %add3A_562 : i32 to index
          %get3A_577 = arith.constant 16 : index
          %get3A_578 = tpu.vector_load %arg12[%get3A_576, %get3A_577] {strides = array<i32>} : memref<80x128xf32, #tpu.memory_space<vmem>>, vector<1x16xf32>,
          %get3A_579 = vector.shape_cast %get3A_578 : vector<1x16xf32> to vector<16xf32>
          %mul3A_580 = arith.mulf %get3A_579, %broadcast_in_dim3A_565 : vector<16xf32>
          %swap3A_581 = arith.index_cast %add3A_562 : i32 to index
          %swap3A_582 = arith.constant 16 : index
          %swap3A_583 = tpu.vector_load %arg12[%swap3A_581, %swap3A_582] {strides = array<i32>} : memref<80x128xf32, #tpu.memory_space<vmem>>, vector<1x16xf32>,
          %swap3A_584 = vector.shape_cast %swap3A_583 : vector<1x16xf32> to vector<16xf32>
          %swap3A_585 = vector.shape_cast %mul3A_580 : vector<16xf32> to vector<1x16xf32>
          tpu.vector_store %arg12[%swap3A_581, %swap3A_582], %swap3A_585 {strides = array<i32>} : memref<80x128xf32, #tpu.memory_space<vmem>>, vector<1x16xf32>,
          %get3A_586 = arith.index_cast %add3A_562 : i32 to index
          %get3A_587 = arith.constant 32 : index
          %get3A_588 = tpu.vector_load %arg12[%get3A_586, %get3A_587] {strides = array<i32>} : memref<80x128xf32, #tpu.memory_space<vmem>>, vector<1x16xf32>,
          %get3A_589 = vector.shape_cast %get3A_588 : vector<1x16xf32> to vector<16xf32>
          %mul3A_590 = arith.mulf %get3A_589, %broadcast_in_dim3A_565 : vector<16xf32>
          %swap3A_591 = arith.index_cast %add3A_562 : i32 to index
          %swap3A_592 = arith.constant 32 : index
          %swap3A_593 = tpu.vector_load %arg12[%swap3A_591, %swap3A_592] {strides = array<i32>} : memref<80x128xf32, #tpu.memory_space<vmem>>, vector<1x16xf32>,
          %swap3A_594 = vector.shape_cast %swap3A_593 : vector<1x16xf32> to vector<16xf32>
          %swap3A_595 = vector.shape_cast %mul3A_590 : vector<16xf32> to vector<1x16xf32>
          tpu.vector_store %arg12[%swap3A_591, %swap3A_592], %swap3A_595 {strides = array<i32>} : memref<80x128xf32, #tpu.memory_space<vmem>>, vector<1x16xf32>,
          %get3A_596 = arith.index_cast %add3A_562 : i32 to index
          %get3A_597 = arith.constant 48 : index
          %get3A_598 = tpu.vector_load %arg12[%get3A_596, %get3A_597] {strides = array<i32>} : memref<80x128xf32, #tpu.memory_space<vmem>>, vector<1x16xf32>,
          %get3A_599 = vector.shape_cast %get3A_598 : vector<1x16xf32> to vector<16xf32>
          %mul3A_600 = arith.mulf %get3A_599, %broadcast_in_dim3A_565 : vector<16xf32>
          %swap3A_601 = arith.index_cast %add3A_562 : i32 to index
          %swap3A_602 = arith.constant 48 : index
          %swap3A_603 = tpu.vector_load %arg12[%swap3A_601, %swap3A_602] {strides = array<i32>} : memref<80x128xf32, #tpu.memory_space<vmem>>, vector<1x16xf32>,
          %swap3A_604 = vector.shape_cast %swap3A_603 : vector<1x16xf32> to vector<16xf32>
          %swap3A_605 = vector.shape_cast %mul3A_600 : vector<16xf32> to vector<1x16xf32>
          tpu.vector_store %arg12[%swap3A_601, %swap3A_602], %swap3A_605 {strides = array<i32>} : memref<80x128xf32, #tpu.memory_space<vmem>>, vector<1x16xf32>,
          %get3A_606 = arith.index_cast %add3A_562 : i32 to index
          %get3A_607 = arith.constant 64 : index
          %get3A_608 = tpu.vector_load %arg12[%get3A_606, %get3A_607] {strides = array<i32>} : memref<80x128xf32, #tpu.memory_space<vmem>>, vector<1x16xf32>,
          %get3A_609 = vector.shape_cast %get3A_608 : vector<1x16xf32> to vector<16xf32>
          %mul3A_610 = arith.mulf %get3A_609, %broadcast_in_dim3A_565 : vector<16xf32>
          %swap3A_611 = arith.index_cast %add3A_562 : i32 to index
          %swap3A_612 = arith.constant 64 : index
          %swap3A_613 = tpu.vector_load %arg12[%swap3A_611, %swap3A_612] {strides = array<i32>} : memref<80x128xf32, #tpu.memory_space<vmem>>, vector<1x16xf32>,
          %swap3A_614 = vector.shape_cast %swap3A_613 : vector<1x16xf32> to vector<16xf32>
          %swap3A_615 = vector.shape_cast %mul3A_610 : vector<16xf32> to vector<1x16xf32>
          tpu.vector_store %arg12[%swap3A_611, %swap3A_612], %swap3A_615 {strides = array<i32>} : memref<80x128xf32, #tpu.memory_space<vmem>>, vector<1x16xf32>,
          %get3A_616 = arith.index_cast %add3A_562 : i32 to index
          %get3A_617 = arith.constant 80 : index
          %get3A_618 = tpu.vector_load %arg12[%get3A_616, %get3A_617] {strides = array<i32>} : memref<80x128xf32, #tpu.memory_space<vmem>>, vector<1x16xf32>,
          %get3A_619 = vector.shape_cast %get3A_618 : vector<1x16xf32> to vector<16xf32>
          %mul3A_620 = arith.mulf %get3A_619, %broadcast_in_dim3A_565 : vector<16xf32>
          %swap3A_621 = arith.index_cast %add3A_562 : i32 to index
          %swap3A_622 = arith.constant 80 : index
          %swap3A_623 = tpu.vector_load %arg12[%swap3A_621, %swap3A_622] {strides = array<i32>} : memref<80x128xf32, #tpu.memory_space<vmem>>, vector<1x16xf32>,
          %swap3A_624 = vector.shape_cast %swap3A_623 : vector<1x16xf32> to vector<16xf32>
          %swap3A_625 = vector.shape_cast %mul3A_620 : vector<16xf32> to vector<1x16xf32>
          tpu.vector_store %arg12[%swap3A_621, %swap3A_622], %swap3A_625 {strides = array<i32>} : memref<80x128xf32, #tpu.memory_space<vmem>>, vector<1x16xf32>,
          %get3A_626 = arith.index_cast %add3A_562 : i32 to index
          %get3A_627 = arith.constant 96 : index
          %get3A_628 = tpu.vector_load %arg12[%get3A_626, %get3A_627] {strides = array<i32>} : memref<80x128xf32, #tpu.memory_space<vmem>>, vector<1x16xf32>,
          %get3A_629 = vector.shape_cast %get3A_628 : vector<1x16xf32> to vector<16xf32>
          %mul3A_630 = arith.mulf %get3A_629, %broadcast_in_dim3A_565 : vector<16xf32>
          %swap3A_631 = arith.index_cast %add3A_562 : i32 to index
          %swap3A_632 = arith.constant 96 : index
          %swap3A_633 = tpu.vector_load %arg12[%swap3A_631, %swap3A_632] {strides = array<i32>} : memref<80x128xf32, #tpu.memory_space<vmem>>, vector<1x16xf32>,
          %swap3A_634 = vector.shape_cast %swap3A_633 : vector<1x16xf32> to vector<16xf32>
          %swap3A_635 = vector.shape_cast %mul3A_630 : vector<16xf32> to vector<1x16xf32>
          tpu.vector_store %arg12[%swap3A_631, %swap3A_632], %swap3A_635 {strides = array<i32>} : memref<80x128xf32, #tpu.memory_space<vmem>>, vector<1x16xf32>,
          %get3A_636 = arith.index_cast %add3A_562 : i32 to index
          %get3A_637 = arith.constant 112 : index
          %get3A_638 = tpu.vector_load %arg12[%get3A_636, %get3A_637] {strides = array<i32>} : memref<80x128xf32, #tpu.memory_space<vmem>>, vector<1x16xf32>,
          %get3A_639 = vector.shape_cast %get3A_638 : vector<1x16xf32> to vector<16xf32>
          %mul3A_640 = arith.mulf %get3A_639, %broadcast_in_dim3A_565 : vector<16xf32>
          %swap3A_641 = arith.index_cast %add3A_562 : i32 to index
          %swap3A_642 = arith.constant 112 : index
          %swap3A_643 = tpu.vector_load %arg12[%swap3A_641, %swap3A_642] {strides = array<i32>} : memref<80x128xf32, #tpu.memory_space<vmem>>, vector<1x16xf32>,
          %swap3A_644 = vector.shape_cast %swap3A_643 : vector<1x16xf32> to vector<16xf32>
          %swap3A_645 = vector.shape_cast %mul3A_640 : vector<16xf32> to vector<1x16xf32>
          tpu.vector_store %arg12[%swap3A_641, %swap3A_642], %swap3A_645 {strides = array<i32>} : memref<80x128xf32, #tpu.memory_space<vmem>>, vector<1x16xf32>,
          %mul3A_646 = arith.constant 16 : i32
          %mul3A_647 = arith.muli %scan3A_119, %mul3A_646 : i32
          %add3A_648 = arith.constant 6 : i32
          %add3A_649 = arith.addi %mul3A_647, %add3A_648 : i32
          %slice3A_650 = vector.extract_strided_slice %get3A_127 {offsets = [6], sizes = [1], strides = [1]} : vector<16xf32> to vector<1xf32>
          %squeeze3A_651 = vector.extract %slice3A_650[0] : f32 from vector<1xf32>
          %broadcast_in_dim3A_652 = vector.broadcast %squeeze3A_651 : f32 to vector<16xf32>
          %get3A_653 = arith.index_cast %add3A_649 : i32 to index
          %get3A_654 = arith.constant 0 : index
          %get3A_655 = tpu.vector_load %arg12[%get3A_653, %get3A_654] {strides = array<i32>} : memref<80x128xf32, #tpu.memory_space<vmem>>, vector<1x16xf32>,
          %get3A_656 = vector.shape_cast %get3A_655 : vector<1x16xf32> to vector<16xf32>
          %mul3A_657 = arith.mulf %get3A_656, %broadcast_in_dim3A_652 : vector<16xf32>
          %swap3A_658 = arith.index_cast %add3A_649 : i32 to index
          %swap3A_659 = arith.constant 0 : index
          %swap3A_660 = tpu.vector_load %arg12[%swap3A_658, %swap3A_659] {strides = array<i32>} : memref<80x128xf32, #tpu.memory_space<vmem>>, vector<1x16xf32>,
          %swap3A_661 = vector.shape_cast %swap3A_660 : vector<1x16xf32> to vector<16xf32>
          %swap3A_662 = vector.shape_cast %mul3A_657 : vector<16xf32> to vector<1x16xf32>
          tpu.vector_store %arg12[%swap3A_658, %swap3A_659], %swap3A_662 {strides = array<i32>} : memref<80x128xf32, #tpu.memory_space<vmem>>, vector<1x16xf32>,
          %get3A_663 = arith.index_cast %add3A_649 : i32 to index
          %get3A_664 = arith.constant 16 : index
          %get3A_665 = tpu.vector_load %arg12[%get3A_663, %get3A_664] {strides = array<i32>} : memref<80x128xf32, #tpu.memory_space<vmem>>, vector<1x16xf32>,
          %get3A_666 = vector.shape_cast %get3A_665 : vector<1x16xf32> to vector<16xf32>
          %mul3A_667 = arith.mulf %get3A_666, %broadcast_in_dim3A_652 : vector<16xf32>
          %swap3A_668 = arith.index_cast %add3A_649 : i32 to index
          %swap3A_669 = arith.constant 16 : index
          %swap3A_670 = tpu.vector_load %arg12[%swap3A_668, %swap3A_669] {strides = array<i32>} : memref<80x128xf32, #tpu.memory_space<vmem>>, vector<1x16xf32>,
          %swap3A_671 = vector.shape_cast %swap3A_670 : vector<1x16xf32> to vector<16xf32>
          %swap3A_672 = vector.shape_cast %mul3A_667 : vector<16xf32> to vector<1x16xf32>
          tpu.vector_store %arg12[%swap3A_668, %swap3A_669], %swap3A_672 {strides = array<i32>} : memref<80x128xf32, #tpu.memory_space<vmem>>, vector<1x16xf32>,
          %get3A_673 = arith.index_cast %add3A_649 : i32 to index
          %get3A_674 = arith.constant 32 : index
          %get3A_675 = tpu.vector_load %arg12[%get3A_673, %get3A_674] {strides = array<i32>} : memref<80x128xf32, #tpu.memory_space<vmem>>, vector<1x16xf32>,
          %get3A_676 = vector.shape_cast %get3A_675 : vector<1x16xf32> to vector<16xf32>
          %mul3A_677 = arith.mulf %get3A_676, %broadcast_in_dim3A_652 : vector<16xf32>
          %swap3A_678 = arith.index_cast %add3A_649 : i32 to index
          %swap3A_679 = arith.constant 32 : index
          %swap3A_680 = tpu.vector_load %arg12[%swap3A_678, %swap3A_679] {strides = array<i32>} : memref<80x128xf32, #tpu.memory_space<vmem>>, vector<1x16xf32>,
          %swap3A_681 = vector.shape_cast %swap3A_680 : vector<1x16xf32> to vector<16xf32>
          %swap3A_682 = vector.shape_cast %mul3A_677 : vector<16xf32> to vector<1x16xf32>
          tpu.vector_store %arg12[%swap3A_678, %swap3A_679], %swap3A_682 {strides = array<i32>} : memref<80x128xf32, #tpu.memory_space<vmem>>, vector<1x16xf32>,
          %get3A_683 = arith.index_cast %add3A_649 : i32 to index
          %get3A_684 = arith.constant 48 : index
          %get3A_685 = tpu.vector_load %arg12[%get3A_683, %get3A_684] {strides = array<i32>} : memref<80x128xf32, #tpu.memory_space<vmem>>, vector<1x16xf32>,
          %get3A_686 = vector.shape_cast %get3A_685 : vector<1x16xf32> to vector<16xf32>
          %mul3A_687 = arith.mulf %get3A_686, %broadcast_in_dim3A_652 : vector<16xf32>
          %swap3A_688 = arith.index_cast %add3A_649 : i32 to index
          %swap3A_689 = arith.constant 48 : index
          %swap3A_690 = tpu.vector_load %arg12[%swap3A_688, %swap3A_689] {strides = array<i32>} : memref<80x128xf32, #tpu.memory_space<vmem>>, vector<1x16xf32>,
          %swap3A_691 = vector.shape_cast %swap3A_690 : vector<1x16xf32> to vector<16xf32>
          %swap3A_692 = vector.shape_cast %mul3A_687 : vector<16xf32> to vector<1x16xf32>
          tpu.vector_store %arg12[%swap3A_688, %swap3A_689], %swap3A_692 {strides = array<i32>} : memref<80x128xf32, #tpu.memory_space<vmem>>, vector<1x16xf32>,
          %get3A_693 = arith.index_cast %add3A_649 : i32 to index
          %get3A_694 = arith.constant 64 : index
          %get3A_695 = tpu.vector_load %arg12[%get3A_693, %get3A_694] {strides = array<i32>} : memref<80x128xf32, #tpu.memory_space<vmem>>, vector<1x16xf32>,
          %get3A_696 = vector.shape_cast %get3A_695 : vector<1x16xf32> to vector<16xf32>
          %mul3A_697 = arith.mulf %get3A_696, %broadcast_in_dim3A_652 : vector<16xf32>
          %swap3A_698 = arith.index_cast %add3A_649 : i32 to index
          %swap3A_699 = arith.constant 64 : index
          %swap3A_700 = tpu.vector_load %arg12[%swap3A_698, %swap3A_699] {strides = array<i32>} : memref<80x128xf32, #tpu.memory_space<vmem>>, vector<1x16xf32>,
          %swap3A_701 = vector.shape_cast %swap3A_700 : vector<1x16xf32> to vector<16xf32>
          %swap3A_702 = vector.shape_cast %mul3A_697 : vector<16xf32> to vector<1x16xf32>
          tpu.vector_store %arg12[%swap3A_698, %swap3A_699], %swap3A_702 {strides = array<i32>} : memref<80x128xf32, #tpu.memory_space<vmem>>, vector<1x16xf32>,
          %get3A_703 = arith.index_cast %add3A_649 : i32 to index
          %get3A_704 = arith.constant 80 : index
          %get3A_705 = tpu.vector_load %arg12[%get3A_703, %get3A_704] {strides = array<i32>} : memref<80x128xf32, #tpu.memory_space<vmem>>, vector<1x16xf32>,
          %get3A_706 = vector.shape_cast %get3A_705 : vector<1x16xf32> to vector<16xf32>
          %mul3A_707 = arith.mulf %get3A_706, %broadcast_in_dim3A_652 : vector<16xf32>
          %swap3A_708 = arith.index_cast %add3A_649 : i32 to index
          %swap3A_709 = arith.constant 80 : index
          %swap3A_710 = tpu.vector_load %arg12[%swap3A_708, %swap3A_709] {strides = array<i32>} : memref<80x128xf32, #tpu.memory_space<vmem>>, vector<1x16xf32>,
          %swap3A_711 = vector.shape_cast %swap3A_710 : vector<1x16xf32> to vector<16xf32>
          %swap3A_712 = vector.shape_cast %mul3A_707 : vector<16xf32> to vector<1x16xf32>
          tpu.vector_store %arg12[%swap3A_708, %swap3A_709], %swap3A_712 {strides = array<i32>} : memref<80x128xf32, #tpu.memory_space<vmem>>, vector<1x16xf32>,
          %get3A_713 = arith.index_cast %add3A_649 : i32 to index
          %get3A_714 = arith.constant 96 : index
          %get3A_715 = tpu.vector_load %arg12[%get3A_713, %get3A_714] {strides = array<i32>} : memref<80x128xf32, #tpu.memory_space<vmem>>, vector<1x16xf32>,
          %get3A_716 = vector.shape_cast %get3A_715 : vector<1x16xf32> to vector<16xf32>
          %mul3A_717 = arith.mulf %get3A_716, %broadcast_in_dim3A_652 : vector<16xf32>
          %swap3A_718 = arith.index_cast %add3A_649 : i32 to index
          %swap3A_719 = arith.constant 96 : index
          %swap3A_720 = tpu.vector_load %arg12[%swap3A_718, %swap3A_719] {strides = array<i32>} : memref<80x128xf32, #tpu.memory_space<vmem>>, vector<1x16xf32>,
          %swap3A_721 = vector.shape_cast %swap3A_720 : vector<1x16xf32> to vector<16xf32>
          %swap3A_722 = vector.shape_cast %mul3A_717 : vector<16xf32> to vector<1x16xf32>
          tpu.vector_store %arg12[%swap3A_718, %swap3A_719], %swap3A_722 {strides = array<i32>} : memref<80x128xf32, #tpu.memory_space<vmem>>, vector<1x16xf32>,
          %get3A_723 = arith.index_cast %add3A_649 : i32 to index
          %get3A_724 = arith.constant 112 : index
          %get3A_725 = tpu.vector_load %arg12[%get3A_723, %get3A_724] {strides = array<i32>} : memref<80x128xf32, #tpu.memory_space<vmem>>, vector<1x16xf32>,
          %get3A_726 = vector.shape_cast %get3A_725 : vector<1x16xf32> to vector<16xf32>
          %mul3A_727 = arith.mulf %get3A_726, %broadcast_in_dim3A_652 : vector<16xf32>
          %swap3A_728 = arith.index_cast %add3A_649 : i32 to index
          %swap3A_729 = arith.constant 112 : index
          %swap3A_730 = tpu.vector_load %arg12[%swap3A_728, %swap3A_729] {strides = array<i32>} : memref<80x128xf32, #tpu.memory_space<vmem>>, vector<1x16xf32>,
          %swap3A_731 = vector.shape_cast %swap3A_730 : vector<1x16xf32> to vector<16xf32>
          %swap3A_732 = vector.shape_cast %mul3A_727 : vector<16xf32> to vector<1x16xf32>
          tpu.vector_store %arg12[%swap3A_728, %swap3A_729], %swap3A_732 {strides = array<i32>} : memref<80x128xf32, #tpu.memory_space<vmem>>, vector<1x16xf32>,
          %mul3A_733 = arith.constant 16 : i32
          %mul3A_734 = arith.muli %scan3A_119, %mul3A_733 : i32
          %add3A_735 = arith.constant 7 : i32
          %add3A_736 = arith.addi %mul3A_734, %add3A_735 : i32
          %slice3A_737 = vector.extract_strided_slice %get3A_127 {offsets = [7], sizes = [1], strides = [1]} : vector<16xf32> to vector<1xf32>
          %squeeze3A_738 = vector.extract %slice3A_737[0] : f32 from vector<1xf32>
          %broadcast_in_dim3A_739 = vector.broadcast %squeeze3A_738 : f32 to vector<16xf32>
          %get3A_740 = arith.index_cast %add3A_736 : i32 to index
          %get3A_741 = arith.constant 0 : index
          %get3A_742 = tpu.vector_load %arg12[%get3A_740, %get3A_741] {strides = array<i32>} : memref<80x128xf32, #tpu.memory_space<vmem>>, vector<1x16xf32>,
          %get3A_743 = vector.shape_cast %get3A_742 : vector<1x16xf32> to vector<16xf32>
          %mul3A_744 = arith.mulf %get3A_743, %broadcast_in_dim3A_739 : vector<16xf32>
          %swap3A_745 = arith.index_cast %add3A_736 : i32 to index
          %swap3A_746 = arith.constant 0 : index
          %swap3A_747 = tpu.vector_load %arg12[%swap3A_745, %swap3A_746] {strides = array<i32>} : memref<80x128xf32, #tpu.memory_space<vmem>>, vector<1x16xf32>,
          %swap3A_748 = vector.shape_cast %swap3A_747 : vector<1x16xf32> to vector<16xf32>
          %swap3A_749 = vector.shape_cast %mul3A_744 : vector<16xf32> to vector<1x16xf32>
          tpu.vector_store %arg12[%swap3A_745, %swap3A_746], %swap3A_749 {strides = array<i32>} : memref<80x128xf32, #tpu.memory_space<vmem>>, vector<1x16xf32>,
          %get3A_750 = arith.index_cast %add3A_736 : i32 to index
          %get3A_751 = arith.constant 16 : index
          %get3A_752 = tpu.vector_load %arg12[%get3A_750, %get3A_751] {strides = array<i32>} : memref<80x128xf32, #tpu.memory_space<vmem>>, vector<1x16xf32>,
          %get3A_753 = vector.shape_cast %get3A_752 : vector<1x16xf32> to vector<16xf32>
          %mul3A_754 = arith.mulf %get3A_753, %broadcast_in_dim3A_739 : vector<16xf32>
          %swap3A_755 = arith.index_cast %add3A_736 : i32 to index
          %swap3A_756 = arith.constant 16 : index
          %swap3A_757 = tpu.vector_load %arg12[%swap3A_755, %swap3A_756] {strides = array<i32>} : memref<80x128xf32, #tpu.memory_space<vmem>>, vector<1x16xf32>,
          %swap3A_758 = vector.shape_cast %swap3A_757 : vector<1x16xf32> to vector<16xf32>
          %swap3A_759 = vector.shape_cast %mul3A_754 : vector<16xf32> to vector<1x16xf32>
          tpu.vector_store %arg12[%swap3A_755, %swap3A_756], %swap3A_759 {strides = array<i32>} : memref<80x128xf32, #tpu.memory_space<vmem>>, vector<1x16xf32>,
          %get3A_760 = arith.index_cast %add3A_736 : i32 to index
          %get3A_761 = arith.constant 32 : index
          %get3A_762 = tpu.vector_load %arg12[%get3A_760, %get3A_761] {strides = array<i32>} : memref<80x128xf32, #tpu.memory_space<vmem>>, vector<1x16xf32>,
          %get3A_763 = vector.shape_cast %get3A_762 : vector<1x16xf32> to vector<16xf32>
          %mul3A_764 = arith.mulf %get3A_763, %broadcast_in_dim3A_739 : vector<16xf32>
          %swap3A_765 = arith.index_cast %add3A_736 : i32 to index
          %swap3A_766 = arith.constant 32 : index
          %swap3A_767 = tpu.vector_load %arg12[%swap3A_765, %swap3A_766] {strides = array<i32>} : memref<80x128xf32, #tpu.memory_space<vmem>>, vector<1x16xf32>,
          %swap3A_768 = vector.shape_cast %swap3A_767 : vector<1x16xf32> to vector<16xf32>
          %swap3A_769 = vector.shape_cast %mul3A_764 : vector<16xf32> to vector<1x16xf32>
          tpu.vector_store %arg12[%swap3A_765, %swap3A_766], %swap3A_769 {strides = array<i32>} : memref<80x128xf32, #tpu.memory_space<vmem>>, vector<1x16xf32>,
          %get3A_770 = arith.index_cast %add3A_736 : i32 to index
          %get3A_771 = arith.constant 48 : index
          %get3A_772 = tpu.vector_load %arg12[%get3A_770, %get3A_771] {strides = array<i32>} : memref<80x128xf32, #tpu.memory_space<vmem>>, vector<1x16xf32>,
          %get3A_773 = vector.shape_cast %get3A_772 : vector<1x16xf32> to vector<16xf32>
          %mul3A_774 = arith.mulf %get3A_773, %broadcast_in_dim3A_739 : vector<16xf32>
          %swap3A_775 = arith.index_cast %add3A_736 : i32 to index
          %swap3A_776 = arith.constant 48 : index
          %swap3A_777 = tpu.vector_load %arg12[%swap3A_775, %swap3A_776] {strides = array<i32>} : memref<80x128xf32, #tpu.memory_space<vmem>>, vector<1x16xf32>,
          %swap3A_778 = vector.shape_cast %swap3A_777 : vector<1x16xf32> to vector<16xf32>
          %swap3A_779 = vector.shape_cast %mul3A_774 : vector<16xf32> to vector<1x16xf32>
          tpu.vector_store %arg12[%swap3A_775, %swap3A_776], %swap3A_779 {strides = array<i32>} : memref<80x128xf32, #tpu.memory_space<vmem>>, vector<1x16xf32>,
          %get3A_780 = arith.index_cast %add3A_736 : i32 to index
          %get3A_781 = arith.constant 64 : index
          %get3A_782 = tpu.vector_load %arg12[%get3A_780, %get3A_781] {strides = array<i32>} : memref<80x128xf32, #tpu.memory_space<vmem>>, vector<1x16xf32>,
          %get3A_783 = vector.shape_cast %get3A_782 : vector<1x16xf32> to vector<16xf32>
          %mul3A_784 = arith.mulf %get3A_783, %broadcast_in_dim3A_739 : vector<16xf32>
          %swap3A_785 = arith.index_cast %add3A_736 : i32 to index
          %swap3A_786 = arith.constant 64 : index
          %swap3A_787 = tpu.vector_load %arg12[%swap3A_785, %swap3A_786] {strides = array<i32>} : memref<80x128xf32, #tpu.memory_space<vmem>>, vector<1x16xf32>,
          %swap3A_788 = vector.shape_cast %swap3A_787 : vector<1x16xf32> to vector<16xf32>
          %swap3A_789 = vector.shape_cast %mul3A_784 : vector<16xf32> to vector<1x16xf32>
          tpu.vector_store %arg12[%swap3A_785, %swap3A_786], %swap3A_789 {strides = array<i32>} : memref<80x128xf32, #tpu.memory_space<vmem>>, vector<1x16xf32>,
          %get3A_790 = arith.index_cast %add3A_736 : i32 to index
          %get3A_791 = arith.constant 80 : index
          %get3A_792 = tpu.vector_load %arg12[%get3A_790, %get3A_791] {strides = array<i32>} : memref<80x128xf32, #tpu.memory_space<vmem>>, vector<1x16xf32>,
          %get3A_793 = vector.shape_cast %get3A_792 : vector<1x16xf32> to vector<16xf32>
          %mul3A_794 = arith.mulf %get3A_793, %broadcast_in_dim3A_739 : vector<16xf32>
          %swap3A_795 = arith.index_cast %add3A_736 : i32 to index
          %swap3A_796 = arith.constant 80 : index
          %swap3A_797 = tpu.vector_load %arg12[%swap3A_795, %swap3A_796] {strides = array<i32>} : memref<80x128xf32, #tpu.memory_space<vmem>>, vector<1x16xf32>,
          %swap3A_798 = vector.shape_cast %swap3A_797 : vector<1x16xf32> to vector<16xf32>
          %swap3A_799 = vector.shape_cast %mul3A_794 : vector<16xf32> to vector<1x16xf32>
          tpu.vector_store %arg12[%swap3A_795, %swap3A_796], %swap3A_799 {strides = array<i32>} : memref<80x128xf32, #tpu.memory_space<vmem>>, vector<1x16xf32>,
          %get3A_800 = arith.index_cast %add3A_736 : i32 to index
          %get3A_801 = arith.constant 96 : index
          %get3A_802 = tpu.vector_load %arg12[%get3A_800, %get3A_801] {strides = array<i32>} : memref<80x128xf32, #tpu.memory_space<vmem>>, vector<1x16xf32>,
          %get3A_803 = vector.shape_cast %get3A_802 : vector<1x16xf32> to vector<16xf32>
          %mul3A_804 = arith.mulf %get3A_803, %broadcast_in_dim3A_739 : vector<16xf32>
          %swap3A_805 = arith.index_cast %add3A_736 : i32 to index
          %swap3A_806 = arith.constant 96 : index
          %swap3A_807 = tpu.vector_load %arg12[%swap3A_805, %swap3A_806] {strides = array<i32>} : memref<80x128xf32, #tpu.memory_space<vmem>>, vector<1x16xf32>,
          %swap3A_808 = vector.shape_cast %swap3A_807 : vector<1x16xf32> to vector<16xf32>
          %swap3A_809 = vector.shape_cast %mul3A_804 : vector<16xf32> to vector<1x16xf32>
          tpu.vector_store %arg12[%swap3A_805, %swap3A_806], %swap3A_809 {strides = array<i32>} : memref<80x128xf32, #tpu.memory_space<vmem>>, vector<1x16xf32>,
          %get3A_810 = arith.index_cast %add3A_736 : i32 to index
          %get3A_811 = arith.constant 112 : index
          %get3A_812 = tpu.vector_load %arg12[%get3A_810, %get3A_811] {strides = array<i32>} : memref<80x128xf32, #tpu.memory_space<vmem>>, vector<1x16xf32>,
          %get3A_813 = vector.shape_cast %get3A_812 : vector<1x16xf32> to vector<16xf32>
          %mul3A_814 = arith.mulf %get3A_813, %broadcast_in_dim3A_739 : vector<16xf32>
          %swap3A_815 = arith.index_cast %add3A_736 : i32 to index
          %swap3A_816 = arith.constant 112 : index
          %swap3A_817 = tpu.vector_load %arg12[%swap3A_815, %swap3A_816] {strides = array<i32>} : memref<80x128xf32, #tpu.memory_space<vmem>>, vector<1x16xf32>,
          %swap3A_818 = vector.shape_cast %swap3A_817 : vector<1x16xf32> to vector<16xf32>
          %swap3A_819 = vector.shape_cast %mul3A_814 : vector<16xf32> to vector<1x16xf32>
          tpu.vector_store %arg12[%swap3A_815, %swap3A_816], %swap3A_819 {strides = array<i32>} : memref<80x128xf32, #tpu.memory_space<vmem>>, vector<1x16xf32>,
          %mul3A_820 = arith.constant 16 : i32
          %mul3A_821 = arith.muli %scan3A_119, %mul3A_820 : i32
          %add3A_822 = arith.constant 8 : i32
          %add3A_823 = arith.addi %mul3A_821, %add3A_822 : i32
          %slice3A_824 = vector.extract_strided_slice %get3A_127 {offsets = [8], sizes = [1], strides = [1]} : vector<16xf32> to vector<1xf32>
          %squeeze3A_825 = vector.extract %slice3A_824[0] : f32 from vector<1xf32>
          %broadcast_in_dim3A_826 = vector.broadcast %squeeze3A_825 : f32 to vector<16xf32>
          %get3A_827 = arith.index_cast %add3A_823 : i32 to index
          %get3A_828 = arith.constant 0 : index
          %get3A_829 = tpu.vector_load %arg12[%get3A_827, %get3A_828] {strides = array<i32>} : memref<80x128xf32, #tpu.memory_space<vmem>>, vector<1x16xf32>,
          %get3A_830 = vector.shape_cast %get3A_829 : vector<1x16xf32> to vector<16xf32>
          %mul3A_831 = arith.mulf %get3A_830, %broadcast_in_dim3A_826 : vector<16xf32>
          %swap3A_832 = arith.index_cast %add3A_823 : i32 to index
          %swap3A_833 = arith.constant 0 : index
          %swap3A_834 = tpu.vector_load %arg12[%swap3A_832, %swap3A_833] {strides = array<i32>} : memref<80x128xf32, #tpu.memory_space<vmem>>, vector<1x16xf32>,
          %swap3A_835 = vector.shape_cast %swap3A_834 : vector<1x16xf32> to vector<16xf32>
          %swap3A_836 = vector.shape_cast %mul3A_831 : vector<16xf32> to vector<1x16xf32>
          tpu.vector_store %arg12[%swap3A_832, %swap3A_833], %swap3A_836 {strides = array<i32>} : memref<80x128xf32, #tpu.memory_space<vmem>>, vector<1x16xf32>,
          %get3A_837 = arith.index_cast %add3A_823 : i32 to index
          %get3A_838 = arith.constant 16 : index
          %get3A_839 = tpu.vector_load %arg12[%get3A_837, %get3A_838] {strides = array<i32>} : memref<80x128xf32, #tpu.memory_space<vmem>>, vector<1x16xf32>,
          %get3A_840 = vector.shape_cast %get3A_839 : vector<1x16xf32> to vector<16xf32>
          %mul3A_841 = arith.mulf %get3A_840, %broadcast_in_dim3A_826 : vector<16xf32>
          %swap3A_842 = arith.index_cast %add3A_823 : i32 to index
          %swap3A_843 = arith.constant 16 : index
          %swap3A_844 = tpu.vector_load %arg12[%swap3A_842, %swap3A_843] {strides = array<i32>} : memref<80x128xf32, #tpu.memory_space<vmem>>, vector<1x16xf32>,
          %swap3A_845 = vector.shape_cast %swap3A_844 : vector<1x16xf32> to vector<16xf32>
          %swap3A_846 = vector.shape_cast %mul3A_841 : vector<16xf32> to vector<1x16xf32>
          tpu.vector_store %arg12[%swap3A_842, %swap3A_843], %swap3A_846 {strides = array<i32>} : memref<80x128xf32, #tpu.memory_space<vmem>>, vector<1x16xf32>,
          %get3A_847 = arith.index_cast %add3A_823 : i32 to index
          %get3A_848 = arith.constant 32 : index
          %get3A_849 = tpu.vector_load %arg12[%get3A_847, %get3A_848] {strides = array<i32>} : memref<80x128xf32, #tpu.memory_space<vmem>>, vector<1x16xf32>,
          %get3A_850 = vector.shape_cast %get3A_849 : vector<1x16xf32> to vector<16xf32>
          %mul3A_851 = arith.mulf %get3A_850, %broadcast_in_dim3A_826 : vector<16xf32>
          %swap3A_852 = arith.index_cast %add3A_823 : i32 to index
          %swap3A_853 = arith.constant 32 : index
          %swap3A_854 = tpu.vector_load %arg12[%swap3A_852, %swap3A_853] {strides = array<i32>} : memref<80x128xf32, #tpu.memory_space<vmem>>, vector<1x16xf32>,
          %swap3A_855 = vector.shape_cast %swap3A_854 : vector<1x16xf32> to vector<16xf32>
          %swap3A_856 = vector.shape_cast %mul3A_851 : vector<16xf32> to vector<1x16xf32>
          tpu.vector_store %arg12[%swap3A_852, %swap3A_853], %swap3A_856 {strides = array<i32>} : memref<80x128xf32, #tpu.memory_space<vmem>>, vector<1x16xf32>,
          %get3A_857 = arith.index_cast %add3A_823 : i32 to index
          %get3A_858 = arith.constant 48 : index
          %get3A_859 = tpu.vector_load %arg12[%get3A_857, %get3A_858] {strides = array<i32>} : memref<80x128xf32, #tpu.memory_space<vmem>>, vector<1x16xf32>,
          %get3A_860 = vector.shape_cast %get3A_859 : vector<1x16xf32> to vector<16xf32>
          %mul3A_861 = arith.mulf %get3A_860, %broadcast_in_dim3A_826 : vector<16xf32>
          %swap3A_862 = arith.index_cast %add3A_823 : i32 to index
          %swap3A_863 = arith.constant 48 : index
          %swap3A_864 = tpu.vector_load %arg12[%swap3A_862, %swap3A_863] {strides = array<i32>} : memref<80x128xf32, #tpu.memory_space<vmem>>, vector<1x16xf32>,
          %swap3A_865 = vector.shape_cast %swap3A_864 : vector<1x16xf32> to vector<16xf32>
          %swap3A_866 = vector.shape_cast %mul3A_861 : vector<16xf32> to vector<1x16xf32>
          tpu.vector_store %arg12[%swap3A_862, %swap3A_863], %swap3A_866 {strides = array<i32>} : memref<80x128xf32, #tpu.memory_space<vmem>>, vector<1x16xf32>,
          %get3A_867 = arith.index_cast %add3A_823 : i32 to index
          %get3A_868 = arith.constant 64 : index
          %get3A_869 = tpu.vector_load %arg12[%get3A_867, %get3A_868] {strides = array<i32>} : memref<80x128xf32, #tpu.memory_space<vmem>>, vector<1x16xf32>,
          %get3A_870 = vector.shape_cast %get3A_869 : vector<1x16xf32> to vector<16xf32>
          %mul3A_871 = arith.mulf %get3A_870, %broadcast_in_dim3A_826 : vector<16xf32>
          %swap3A_872 = arith.index_cast %add3A_823 : i32 to index
          %swap3A_873 = arith.constant 64 : index
          %swap3A_874 = tpu.vector_load %arg12[%swap3A_872, %swap3A_873] {strides = array<i32>} : memref<80x128xf32, #tpu.memory_space<vmem>>, vector<1x16xf32>,
          %swap3A_875 = vector.shape_cast %swap3A_874 : vector<1x16xf32> to vector<16xf32>
          %swap3A_876 = vector.shape_cast %mul3A_871 : vector<16xf32> to vector<1x16xf32>
          tpu.vector_store %arg12[%swap3A_872, %swap3A_873], %swap3A_876 {strides = array<i32>} : memref<80x128xf32, #tpu.memory_space<vmem>>, vector<1x16xf32>,
          %get3A_877 = arith.index_cast %add3A_823 : i32 to index
          %get3A_878 = arith.constant 80 : index
          %get3A_879 = tpu.vector_load %arg12[%get3A_877, %get3A_878] {strides = array<i32>} : memref<80x128xf32, #tpu.memory_space<vmem>>, vector<1x16xf32>,
          %get3A_880 = vector.shape_cast %get3A_879 : vector<1x16xf32> to vector<16xf32>
          %mul3A_881 = arith.mulf %get3A_880, %broadcast_in_dim3A_826 : vector<16xf32>
          %swap3A_882 = arith.index_cast %add3A_823 : i32 to index
          %swap3A_883 = arith.constant 80 : index
          %swap3A_884 = tpu.vector_load %arg12[%swap3A_882, %swap3A_883] {strides = array<i32>} : memref<80x128xf32, #tpu.memory_space<vmem>>, vector<1x16xf32>,
          %swap3A_885 = vector.shape_cast %swap3A_884 : vector<1x16xf32> to vector<16xf32>
          %swap3A_886 = vector.shape_cast %mul3A_881 : vector<16xf32> to vector<1x16xf32>
          tpu.vector_store %arg12[%swap3A_882, %swap3A_883], %swap3A_886 {strides = array<i32>} : memref<80x128xf32, #tpu.memory_space<vmem>>, vector<1x16xf32>,
          %get3A_887 = arith.index_cast %add3A_823 : i32 to index
          %get3A_888 = arith.constant 96 : index
          %get3A_889 = tpu.vector_load %arg12[%get3A_887, %get3A_888] {strides = array<i32>} : memref<80x128xf32, #tpu.memory_space<vmem>>, vector<1x16xf32>,
          %get3A_890 = vector.shape_cast %get3A_889 : vector<1x16xf32> to vector<16xf32>
          %mul3A_891 = arith.mulf %get3A_890, %broadcast_in_dim3A_826 : vector<16xf32>
          %swap3A_892 = arith.index_cast %add3A_823 : i32 to index
          %swap3A_893 = arith.constant 96 : index
          %swap3A_894 = tpu.vector_load %arg12[%swap3A_892, %swap3A_893] {strides = array<i32>} : memref<80x128xf32, #tpu.memory_space<vmem>>, vector<1x16xf32>,
          %swap3A_895 = vector.shape_cast %swap3A_894 : vector<1x16xf32> to vector<16xf32>
          %swap3A_896 = vector.shape_cast %mul3A_891 : vector<16xf32> to vector<1x16xf32>
          tpu.vector_store %arg12[%swap3A_892, %swap3A_893], %swap3A_896 {strides = array<i32>} : memref<80x128xf32, #tpu.memory_space<vmem>>, vector<1x16xf32>,
          %get3A_897 = arith.index_cast %add3A_823 : i32 to index
          %get3A_898 = arith.constant 112 : index
          %get3A_899 = tpu.vector_load %arg12[%get3A_897, %get3A_898] {strides = array<i32>} : memref<80x128xf32, #tpu.memory_space<vmem>>, vector<1x16xf32>,
          %get3A_900 = vector.shape_cast %get3A_899 : vector<1x16xf32> to vector<16xf32>
          %mul3A_901 = arith.mulf %get3A_900, %broadcast_in_dim3A_826 : vector<16xf32>
          %swap3A_902 = arith.index_cast %add3A_823 : i32 to index
          %swap3A_903 = arith.constant 112 : index
          %swap3A_904 = tpu.vector_load %arg12[%swap3A_902, %swap3A_903] {strides = array<i32>} : memref<80x128xf32, #tpu.memory_space<vmem>>, vector<1x16xf32>,
          %swap3A_905 = vector.shape_cast %swap3A_904 : vector<1x16xf32> to vector<16xf32>
          %swap3A_906 = vector.shape_cast %mul3A_901 : vector<16xf32> to vector<1x16xf32>
          tpu.vector_store %arg12[%swap3A_902, %swap3A_903], %swap3A_906 {strides = array<i32>} : memref<80x128xf32, #tpu.memory_space<vmem>>, vector<1x16xf32>,
          %mul3A_907 = arith.constant 16 : i32
          %mul3A_908 = arith.muli %scan3A_119, %mul3A_907 : i32
          %add3A_909 = arith.constant 9 : i32
          %add3A_910 = arith.addi %mul3A_908, %add3A_909 : i32
          %slice3A_911 = vector.extract_strided_slice %get3A_127 {offsets = [9], sizes = [1], strides = [1]} : vector<16xf32> to vector<1xf32>
          %squeeze3A_912 = vector.extract %slice3A_911[0] : f32 from vector<1xf32>
          %broadcast_in_dim3A_913 = vector.broadcast %squeeze3A_912 : f32 to vector<16xf32>
          %get3A_914 = arith.index_cast %add3A_910 : i32 to index
          %get3A_915 = arith.constant 0 : index
          %get3A_916 = tpu.vector_load %arg12[%get3A_914, %get3A_915] {strides = array<i32>} : memref<80x128xf32, #tpu.memory_space<vmem>>, vector<1x16xf32>,
          %get3A_917 = vector.shape_cast %get3A_916 : vector<1x16xf32> to vector<16xf32>
          %mul3A_918 = arith.mulf %get3A_917, %broadcast_in_dim3A_913 : vector<16xf32>
          %swap3A_919 = arith.index_cast %add3A_910 : i32 to index
          %swap3A_920 = arith.constant 0 : index
          %swap3A_921 = tpu.vector_load %arg12[%swap3A_919, %swap3A_920] {strides = array<i32>} : memref<80x128xf32, #tpu.memory_space<vmem>>, vector<1x16xf32>,
          %swap3A_922 = vector.shape_cast %swap3A_921 : vector<1x16xf32> to vector<16xf32>
          %swap3A_923 = vector.shape_cast %mul3A_918 : vector<16xf32> to vector<1x16xf32>
          tpu.vector_store %arg12[%swap3A_919, %swap3A_920], %swap3A_923 {strides = array<i32>} : memref<80x128xf32, #tpu.memory_space<vmem>>, vector<1x16xf32>,
          %get3A_924 = arith.index_cast %add3A_910 : i32 to index
          %get3A_925 = arith.constant 16 : index
          %get3A_926 = tpu.vector_load %arg12[%get3A_924, %get3A_925] {strides = array<i32>} : memref<80x128xf32, #tpu.memory_space<vmem>>, vector<1x16xf32>,
          %get3A_927 = vector.shape_cast %get3A_926 : vector<1x16xf32> to vector<16xf32>
          %mul3A_928 = arith.mulf %get3A_927, %broadcast_in_dim3A_913 : vector<16xf32>
          %swap3A_929 = arith.index_cast %add3A_910 : i32 to index
          %swap3A_930 = arith.constant 16 : index
          %swap3A_931 = tpu.vector_load %arg12[%swap3A_929, %swap3A_930] {strides = array<i32>} : memref<80x128xf32, #tpu.memory_space<vmem>>, vector<1x16xf32>,
          %swap3A_932 = vector.shape_cast %swap3A_931 : vector<1x16xf32> to vector<16xf32>
          %swap3A_933 = vector.shape_cast %mul3A_928 : vector<16xf32> to vector<1x16xf32>
          tpu.vector_store %arg12[%swap3A_929, %swap3A_930], %swap3A_933 {strides = array<i32>} : memref<80x128xf32, #tpu.memory_space<vmem>>, vector<1x16xf32>,
          %get3A_934 = arith.index_cast %add3A_910 : i32 to index
          %get3A_935 = arith.constant 32 : index
          %get3A_936 = tpu.vector_load %arg12[%get3A_934, %get3A_935] {strides = array<i32>} : memref<80x128xf32, #tpu.memory_space<vmem>>, vector<1x16xf32>,
          %get3A_937 = vector.shape_cast %get3A_936 : vector<1x16xf32> to vector<16xf32>
          %mul3A_938 = arith.mulf %get3A_937, %broadcast_in_dim3A_913 : vector<16xf32>
          %swap3A_939 = arith.index_cast %add3A_910 : i32 to index
          %swap3A_940 = arith.constant 32 : index
          %swap3A_941 = tpu.vector_load %arg12[%swap3A_939, %swap3A_940] {strides = array<i32>} : memref<80x128xf32, #tpu.memory_space<vmem>>, vector<1x16xf32>,
          %swap3A_942 = vector.shape_cast %swap3A_941 : vector<1x16xf32> to vector<16xf32>
          %swap3A_943 = vector.shape_cast %mul3A_938 : vector<16xf32> to vector<1x16xf32>
          tpu.vector_store %arg12[%swap3A_939, %swap3A_940], %swap3A_943 {strides = array<i32>} : memref<80x128xf32, #tpu.memory_space<vmem>>, vector<1x16xf32>,
          %get3A_944 = arith.index_cast %add3A_910 : i32 to index
          %get3A_945 = arith.constant 48 : index
          %get3A_946 = tpu.vector_load %arg12[%get3A_944, %get3A_945] {strides = array<i32>} : memref<80x128xf32, #tpu.memory_space<vmem>>, vector<1x16xf32>,
          %get3A_947 = vector.shape_cast %get3A_946 : vector<1x16xf32> to vector<16xf32>
          %mul3A_948 = arith.mulf %get3A_947, %broadcast_in_dim3A_913 : vector<16xf32>
          %swap3A_949 = arith.index_cast %add3A_910 : i32 to index
          %swap3A_950 = arith.constant 48 : index
          %swap3A_951 = tpu.vector_load %arg12[%swap3A_949, %swap3A_950] {strides = array<i32>} : memref<80x128xf32, #tpu.memory_space<vmem>>, vector<1x16xf32>,
          %swap3A_952 = vector.shape_cast %swap3A_951 : vector<1x16xf32> to vector<16xf32>
          %swap3A_953 = vector.shape_cast %mul3A_948 : vector<16xf32> to vector<1x16xf32>
          tpu.vector_store %arg12[%swap3A_949, %swap3A_950], %swap3A_953 {strides = array<i32>} : memref<80x128xf32, #tpu.memory_space<vmem>>, vector<1x16xf32>,
          %get3A_954 = arith.index_cast %add3A_910 : i32 to index
          %get3A_955 = arith.constant 64 : index
          %get3A_956 = tpu.vector_load %arg12[%get3A_954, %get3A_955] {strides = array<i32>} : memref<80x128xf32, #tpu.memory_space<vmem>>, vector<1x16xf32>,
          %get3A_957 = vector.shape_cast %get3A_956 : vector<1x16xf32> to vector<16xf32>
          %mul3A_958 = arith.mulf %get3A_957, %broadcast_in_dim3A_913 : vector<16xf32>
          %swap3A_959 = arith.index_cast %add3A_910 : i32 to index
          %swap3A_960 = arith.constant 64 : index
          %swap3A_961 = tpu.vector_load %arg12[%swap3A_959, %swap3A_960] {strides = array<i32>} : memref<80x128xf32, #tpu.memory_space<vmem>>, vector<1x16xf32>,
          %swap3A_962 = vector.shape_cast %swap3A_961 : vector<1x16xf32> to vector<16xf32>
          %swap3A_963 = vector.shape_cast %mul3A_958 : vector<16xf32> to vector<1x16xf32>
          tpu.vector_store %arg12[%swap3A_959, %swap3A_960], %swap3A_963 {strides = array<i32>} : memref<80x128xf32, #tpu.memory_space<vmem>>, vector<1x16xf32>,
          %get3A_964 = arith.index_cast %add3A_910 : i32 to index
          %get3A_965 = arith.constant 80 : index
          %get3A_966 = tpu.vector_load %arg12[%get3A_964, %get3A_965] {strides = array<i32>} : memref<80x128xf32, #tpu.memory_space<vmem>>, vector<1x16xf32>,
          %get3A_967 = vector.shape_cast %get3A_966 : vector<1x16xf32> to vector<16xf32>
          %mul3A_968 = arith.mulf %get3A_967, %broadcast_in_dim3A_913 : vector<16xf32>
          %swap3A_969 = arith.index_cast %add3A_910 : i32 to index
          %swap3A_970 = arith.constant 80 : index
          %swap3A_971 = tpu.vector_load %arg12[%swap3A_969, %swap3A_970] {strides = array<i32>} : memref<80x128xf32, #tpu.memory_space<vmem>>, vector<1x16xf32>,
          %swap3A_972 = vector.shape_cast %swap3A_971 : vector<1x16xf32> to vector<16xf32>
          %swap3A_973 = vector.shape_cast %mul3A_968 : vector<16xf32> to vector<1x16xf32>
          tpu.vector_store %arg12[%swap3A_969, %swap3A_970], %swap3A_973 {strides = array<i32>} : memref<80x128xf32, #tpu.memory_space<vmem>>, vector<1x16xf32>,
          %get3A_974 = arith.index_cast %add3A_910 : i32 to index
          %get3A_975 = arith.constant 96 : index
          %get3A_976 = tpu.vector_load %arg12[%get3A_974, %get3A_975] {strides = array<i32>} : memref<80x128xf32, #tpu.memory_space<vmem>>, vector<1x16xf32>,
          %get3A_977 = vector.shape_cast %get3A_976 : vector<1x16xf32> to vector<16xf32>
          %mul3A_978 = arith.mulf %get3A_977, %broadcast_in_dim3A_913 : vector<16xf32>
          %swap3A_979 = arith.index_cast %add3A_910 : i32 to index
          %swap3A_980 = arith.constant 96 : index
          %swap3A_981 = tpu.vector_load %arg12[%swap3A_979, %swap3A_980] {strides = array<i32>} : memref<80x128xf32, #tpu.memory_space<vmem>>, vector<1x16xf32>,
          %swap3A_982 = vector.shape_cast %swap3A_981 : vector<1x16xf32> to vector<16xf32>
          %swap3A_983 = vector.shape_cast %mul3A_978 : vector<16xf32> to vector<1x16xf32>
          tpu.vector_store %arg12[%swap3A_979, %swap3A_980], %swap3A_983 {strides = array<i32>} : memref<80x128xf32, #tpu.memory_space<vmem>>, vector<1x16xf32>,
          %get3A_984 = arith.index_cast %add3A_910 : i32 to index
          %get3A_985 = arith.constant 112 : index
          %get3A_986 = tpu.vector_load %arg12[%get3A_984, %get3A_985] {strides = array<i32>} : memref<80x128xf32, #tpu.memory_space<vmem>>, vector<1x16xf32>,
          %get3A_987 = vector.shape_cast %get3A_986 : vector<1x16xf32> to vector<16xf32>
          %mul3A_988 = arith.mulf %get3A_987, %broadcast_in_dim3A_913 : vector<16xf32>
          %swap3A_989 = arith.index_cast %add3A_910 : i32 to index
          %swap3A_990 = arith.constant 112 : index
          %swap3A_991 = tpu.vector_load %arg12[%swap3A_989, %swap3A_990] {strides = array<i32>} : memref<80x128xf32, #tpu.memory_space<vmem>>, vector<1x16xf32>,
          %swap3A_992 = vector.shape_cast %swap3A_991 : vector<1x16xf32> to vector<16xf32>
          %swap3A_993 = vector.shape_cast %mul3A_988 : vector<16xf32> to vector<1x16xf32>
          tpu.vector_store %arg12[%swap3A_989, %swap3A_990], %swap3A_993 {strides = array<i32>} : memref<80x128xf32, #tpu.memory_space<vmem>>, vector<1x16xf32>,
          %mul3A_994 = arith.constant 16 : i32
          %mul3A_995 = arith.muli %scan3A_119, %mul3A_994 : i32
          %add3A_996 = arith.constant 10 : i32
          %add3A_997 = arith.addi %mul3A_995, %add3A_996 : i32
          %slice3A_998 = vector.extract_strided_slice %get3A_127 {offsets = [10], sizes = [1], strides = [1]} : vector<16xf32> to vector<1xf32>
          %squeeze3A_999 = vector.extract %slice3A_998[0] : f32 from vector<1xf32>
          %broadcast_in_dim3A_1000 = vector.broadcast %squeeze3A_999 : f32 to vector<16xf32>
          %get3A_1001 = arith.index_cast %add3A_997 : i32 to index
          %get3A_1002 = arith.constant 0 : index
          %get3A_1003 = tpu.vector_load %arg12[%get3A_1001, %get3A_1002] {strides = array<i32>} : memref<80x128xf32, #tpu.memory_space<vmem>>, vector<1x16xf32>,
          %get3A_1004 = vector.shape_cast %get3A_1003 : vector<1x16xf32> to vector<16xf32>
          %mul3A_1005 = arith.mulf %get3A_1004, %broadcast_in_dim3A_1000 : vector<16xf32>
          %swap3A_1006 = arith.index_cast %add3A_997 : i32 to index
          %swap3A_1007 = arith.constant 0 : index
          %swap3A_1008 = tpu.vector_load %arg12[%swap3A_1006, %swap3A_1007] {strides = array<i32>} : memref<80x128xf32, #tpu.memory_space<vmem>>, vector<1x16xf32>,
          %swap3A_1009 = vector.shape_cast %swap3A_1008 : vector<1x16xf32> to vector<16xf32>
          %swap3A_1010 = vector.shape_cast %mul3A_1005 : vector<16xf32> to vector<1x16xf32>
          tpu.vector_store %arg12[%swap3A_1006, %swap3A_1007], %swap3A_1010 {strides = array<i32>} : memref<80x128xf32, #tpu.memory_space<vmem>>, vector<1x16xf32>,
          %get3A_1011 = arith.index_cast %add3A_997 : i32 to index
          %get3A_1012 = arith.constant 16 : index
          %get3A_1013 = tpu.vector_load %arg12[%get3A_1011, %get3A_1012] {strides = array<i32>} : memref<80x128xf32, #tpu.memory_space<vmem>>, vector<1x16xf32>,
          %get3A_1014 = vector.shape_cast %get3A_1013 : vector<1x16xf32> to vector<16xf32>
          %mul3A_1015 = arith.mulf %get3A_1014, %broadcast_in_dim3A_1000 : vector<16xf32>
          %swap3A_1016 = arith.index_cast %add3A_997 : i32 to index
          %swap3A_1017 = arith.constant 16 : index
          %swap3A_1018 = tpu.vector_load %arg12[%swap3A_1016, %swap3A_1017] {strides = array<i32>} : memref<80x128xf32, #tpu.memory_space<vmem>>, vector<1x16xf32>,
          %swap3A_1019 = vector.shape_cast %swap3A_1018 : vector<1x16xf32> to vector<16xf32>
          %swap3A_1020 = vector.shape_cast %mul3A_1015 : vector<16xf32> to vector<1x16xf32>
          tpu.vector_store %arg12[%swap3A_1016, %swap3A_1017], %swap3A_1020 {strides = array<i32>} : memref<80x128xf32, #tpu.memory_space<vmem>>, vector<1x16xf32>,
          %get3A_1021 = arith.index_cast %add3A_997 : i32 to index
          %get3A_1022 = arith.constant 32 : index
          %get3A_1023 = tpu.vector_load %arg12[%get3A_1021, %get3A_1022] {strides = array<i32>} : memref<80x128xf32, #tpu.memory_space<vmem>>, vector<1x16xf32>,
          %get3A_1024 = vector.shape_cast %get3A_1023 : vector<1x16xf32> to vector<16xf32>
          %mul3A_1025 = arith.mulf %get3A_1024, %broadcast_in_dim3A_1000 : vector<16xf32>
          %swap3A_1026 = arith.index_cast %add3A_997 : i32 to index
          %swap3A_1027 = arith.constant 32 : index
          %swap3A_1028 = tpu.vector_load %arg12[%swap3A_1026, %swap3A_1027] {strides = array<i32>} : memref<80x128xf32, #tpu.memory_space<vmem>>, vector<1x16xf32>,
          %swap3A_1029 = vector.shape_cast %swap3A_1028 : vector<1x16xf32> to vector<16xf32>
          %swap3A_1030 = vector.shape_cast %mul3A_1025 : vector<16xf32> to vector<1x16xf32>
          tpu.vector_store %arg12[%swap3A_1026, %swap3A_1027], %swap3A_1030 {strides = array<i32>} : memref<80x128xf32, #tpu.memory_space<vmem>>, vector<1x16xf32>,
          %get3A_1031 = arith.index_cast %add3A_997 : i32 to index
          %get3A_1032 = arith.constant 48 : index
          %get3A_1033 = tpu.vector_load %arg12[%get3A_1031, %get3A_1032] {strides = array<i32>} : memref<80x128xf32, #tpu.memory_space<vmem>>, vector<1x16xf32>,
          %get3A_1034 = vector.shape_cast %get3A_1033 : vector<1x16xf32> to vector<16xf32>
          %mul3A_1035 = arith.mulf %get3A_1034, %broadcast_in_dim3A_1000 : vector<16xf32>
          %swap3A_1036 = arith.index_cast %add3A_997 : i32 to index
          %swap3A_1037 = arith.constant 48 : index
          %swap3A_1038 = tpu.vector_load %arg12[%swap3A_1036, %swap3A_1037] {strides = array<i32>} : memref<80x128xf32, #tpu.memory_space<vmem>>, vector<1x16xf32>,
          %swap3A_1039 = vector.shape_cast %swap3A_1038 : vector<1x16xf32> to vector<16xf32>
          %swap3A_1040 = vector.shape_cast %mul3A_1035 : vector<16xf32> to vector<1x16xf32>
          tpu.vector_store %arg12[%swap3A_1036, %swap3A_1037], %swap3A_1040 {strides = array<i32>} : memref<80x128xf32, #tpu.memory_space<vmem>>, vector<1x16xf32>,
          %get3A_1041 = arith.index_cast %add3A_997 : i32 to index
          %get3A_1042 = arith.constant 64 : index
          %get3A_1043 = tpu.vector_load %arg12[%get3A_1041, %get3A_1042] {strides = array<i32>} : memref<80x128xf32, #tpu.memory_space<vmem>>, vector<1x16xf32>,
          %get3A_1044 = vector.shape_cast %get3A_1043 : vector<1x16xf32> to vector<16xf32>
          %mul3A_1045 = arith.mulf %get3A_1044, %broadcast_in_dim3A_1000 : vector<16xf32>
          %swap3A_1046 = arith.index_cast %add3A_997 : i32 to index
          %swap3A_1047 = arith.constant 64 : index
          %swap3A_1048 = tpu.vector_load %arg12[%swap3A_1046, %swap3A_1047] {strides = array<i32>} : memref<80x128xf32, #tpu.memory_space<vmem>>, vector<1x16xf32>,
          %swap3A_1049 = vector.shape_cast %swap3A_1048 : vector<1x16xf32> to vector<16xf32>
          %swap3A_1050 = vector.shape_cast %mul3A_1045 : vector<16xf32> to vector<1x16xf32>
          tpu.vector_store %arg12[%swap3A_1046, %swap3A_1047], %swap3A_1050 {strides = array<i32>} : memref<80x128xf32, #tpu.memory_space<vmem>>, vector<1x16xf32>,
          %get3A_1051 = arith.index_cast %add3A_997 : i32 to index
          %get3A_1052 = arith.constant 80 : index
          %get3A_1053 = tpu.vector_load %arg12[%get3A_1051, %get3A_1052] {strides = array<i32>} : memref<80x128xf32, #tpu.memory_space<vmem>>, vector<1x16xf32>,
          %get3A_1054 = vector.shape_cast %get3A_1053 : vector<1x16xf32> to vector<16xf32>
          %mul3A_1055 = arith.mulf %get3A_1054, %broadcast_in_dim3A_1000 : vector<16xf32>
          %swap3A_1056 = arith.index_cast %add3A_997 : i32 to index
          %swap3A_1057 = arith.constant 80 : index
          %swap3A_1058 = tpu.vector_load %arg12[%swap3A_1056, %swap3A_1057] {strides = array<i32>} : memref<80x128xf32, #tpu.memory_space<vmem>>, vector<1x16xf32>,
          %swap3A_1059 = vector.shape_cast %swap3A_1058 : vector<1x16xf32> to vector<16xf32>
          %swap3A_1060 = vector.shape_cast %mul3A_1055 : vector<16xf32> to vector<1x16xf32>
          tpu.vector_store %arg12[%swap3A_1056, %swap3A_1057], %swap3A_1060 {strides = array<i32>} : memref<80x128xf32, #tpu.memory_space<vmem>>, vector<1x16xf32>,
          %get3A_1061 = arith.index_cast %add3A_997 : i32 to index
          %get3A_1062 = arith.constant 96 : index
          %get3A_1063 = tpu.vector_load %arg12[%get3A_1061, %get3A_1062] {strides = array<i32>} : memref<80x128xf32, #tpu.memory_space<vmem>>, vector<1x16xf32>,
          %get3A_1064 = vector.shape_cast %get3A_1063 : vector<1x16xf32> to vector<16xf32>
          %mul3A_1065 = arith.mulf %get3A_1064, %broadcast_in_dim3A_1000 : vector<16xf32>
          %swap3A_1066 = arith.index_cast %add3A_997 : i32 to index
          %swap3A_1067 = arith.constant 96 : index
          %swap3A_1068 = tpu.vector_load %arg12[%swap3A_1066, %swap3A_1067] {strides = array<i32>} : memref<80x128xf32, #tpu.memory_space<vmem>>, vector<1x16xf32>,
          %swap3A_1069 = vector.shape_cast %swap3A_1068 : vector<1x16xf32> to vector<16xf32>
          %swap3A_1070 = vector.shape_cast %mul3A_1065 : vector<16xf32> to vector<1x16xf32>
          tpu.vector_store %arg12[%swap3A_1066, %swap3A_1067], %swap3A_1070 {strides = array<i32>} : memref<80x128xf32, #tpu.memory_space<vmem>>, vector<1x16xf32>,
          %get3A_1071 = arith.index_cast %add3A_997 : i32 to index
          %get3A_1072 = arith.constant 112 : index
          %get3A_1073 = tpu.vector_load %arg12[%get3A_1071, %get3A_1072] {strides = array<i32>} : memref<80x128xf32, #tpu.memory_space<vmem>>, vector<1x16xf32>,
          %get3A_1074 = vector.shape_cast %get3A_1073 : vector<1x16xf32> to vector<16xf32>
          %mul3A_1075 = arith.mulf %get3A_1074, %broadcast_in_dim3A_1000 : vector<16xf32>
          %swap3A_1076 = arith.index_cast %add3A_997 : i32 to index
          %swap3A_1077 = arith.constant 112 : index
          %swap3A_1078 = tpu.vector_load %arg12[%swap3A_1076, %swap3A_1077] {strides = array<i32>} : memref<80x128xf32, #tpu.memory_space<vmem>>, vector<1x16xf32>,
          %swap3A_1079 = vector.shape_cast %swap3A_1078 : vector<1x16xf32> to vector<16xf32>
          %swap3A_1080 = vector.shape_cast %mul3A_1075 : vector<16xf32> to vector<1x16xf32>
          tpu.vector_store %arg12[%swap3A_1076, %swap3A_1077], %swap3A_1080 {strides = array<i32>} : memref<80x128xf32, #tpu.memory_space<vmem>>, vector<1x16xf32>,
          %mul3A_1081 = arith.constant 16 : i32
          %mul3A_1082 = arith.muli %scan3A_119, %mul3A_1081 : i32
          %add3A_1083 = arith.constant 11 : i32
          %add3A_1084 = arith.addi %mul3A_1082, %add3A_1083 : i32
          %slice3A_1085 = vector.extract_strided_slice %get3A_127 {offsets = [11], sizes = [1], strides = [1]} : vector<16xf32> to vector<1xf32>
          %squeeze3A_1086 = vector.extract %slice3A_1085[0] : f32 from vector<1xf32>
          %broadcast_in_dim3A_1087 = vector.broadcast %squeeze3A_1086 : f32 to vector<16xf32>
          %get3A_1088 = arith.index_cast %add3A_1084 : i32 to index
          %get3A_1089 = arith.constant 0 : index
          %get3A_1090 = tpu.vector_load %arg12[%get3A_1088, %get3A_1089] {strides = array<i32>} : memref<80x128xf32, #tpu.memory_space<vmem>>, vector<1x16xf32>,
          %get3A_1091 = vector.shape_cast %get3A_1090 : vector<1x16xf32> to vector<16xf32>
          %mul3A_1092 = arith.mulf %get3A_1091, %broadcast_in_dim3A_1087 : vector<16xf32>
          %swap3A_1093 = arith.index_cast %add3A_1084 : i32 to index
          %swap3A_1094 = arith.constant 0 : index
          %swap3A_1095 = tpu.vector_load %arg12[%swap3A_1093, %swap3A_1094] {strides = array<i32>} : memref<80x128xf32, #tpu.memory_space<vmem>>, vector<1x16xf32>,
          %swap3A_1096 = vector.shape_cast %swap3A_1095 : vector<1x16xf32> to vector<16xf32>
          %swap3A_1097 = vector.shape_cast %mul3A_1092 : vector<16xf32> to vector<1x16xf32>
          tpu.vector_store %arg12[%swap3A_1093, %swap3A_1094], %swap3A_1097 {strides = array<i32>} : memref<80x128xf32, #tpu.memory_space<vmem>>, vector<1x16xf32>,
          %get3A_1098 = arith.index_cast %add3A_1084 : i32 to index
          %get3A_1099 = arith.constant 16 : index
          %get3A_1100 = tpu.vector_load %arg12[%get3A_1098, %get3A_1099] {strides = array<i32>} : memref<80x128xf32, #tpu.memory_space<vmem>>, vector<1x16xf32>,
          %get3A_1101 = vector.shape_cast %get3A_1100 : vector<1x16xf32> to vector<16xf32>
          %mul3A_1102 = arith.mulf %get3A_1101, %broadcast_in_dim3A_1087 : vector<16xf32>
          %swap3A_1103 = arith.index_cast %add3A_1084 : i32 to index
          %swap3A_1104 = arith.constant 16 : index
          %swap3A_1105 = tpu.vector_load %arg12[%swap3A_1103, %swap3A_1104] {strides = array<i32>} : memref<80x128xf32, #tpu.memory_space<vmem>>, vector<1x16xf32>,
          %swap3A_1106 = vector.shape_cast %swap3A_1105 : vector<1x16xf32> to vector<16xf32>
          %swap3A_1107 = vector.shape_cast %mul3A_1102 : vector<16xf32> to vector<1x16xf32>
          tpu.vector_store %arg12[%swap3A_1103, %swap3A_1104], %swap3A_1107 {strides = array<i32>} : memref<80x128xf32, #tpu.memory_space<vmem>>, vector<1x16xf32>,
          %get3A_1108 = arith.index_cast %add3A_1084 : i32 to index
          %get3A_1109 = arith.constant 32 : index
          %get3A_1110 = tpu.vector_load %arg12[%get3A_1108, %get3A_1109] {strides = array<i32>} : memref<80x128xf32, #tpu.memory_space<vmem>>, vector<1x16xf32>,
          %get3A_1111 = vector.shape_cast %get3A_1110 : vector<1x16xf32> to vector<16xf32>
          %mul3A_1112 = arith.mulf %get3A_1111, %broadcast_in_dim3A_1087 : vector<16xf32>
          %swap3A_1113 = arith.index_cast %add3A_1084 : i32 to index
          %swap3A_1114 = arith.constant 32 : index
          %swap3A_1115 = tpu.vector_load %arg12[%swap3A_1113, %swap3A_1114] {strides = array<i32>} : memref<80x128xf32, #tpu.memory_space<vmem>>, vector<1x16xf32>,
          %swap3A_1116 = vector.shape_cast %swap3A_1115 : vector<1x16xf32> to vector<16xf32>
          %swap3A_1117 = vector.shape_cast %mul3A_1112 : vector<16xf32> to vector<1x16xf32>
          tpu.vector_store %arg12[%swap3A_1113, %swap3A_1114], %swap3A_1117 {strides = array<i32>} : memref<80x128xf32, #tpu.memory_space<vmem>>, vector<1x16xf32>,
          %get3A_1118 = arith.index_cast %add3A_1084 : i32 to index
          %get3A_1119 = arith.constant 48 : index
          %get3A_1120 = tpu.vector_load %arg12[%get3A_1118, %get3A_1119] {strides = array<i32>} : memref<80x128xf32, #tpu.memory_space<vmem>>, vector<1x16xf32>,
          %get3A_1121 = vector.shape_cast %get3A_1120 : vector<1x16xf32> to vector<16xf32>
          %mul3A_1122 = arith.mulf %get3A_1121, %broadcast_in_dim3A_1087 : vector<16xf32>
          %swap3A_1123 = arith.index_cast %add3A_1084 : i32 to index
          %swap3A_1124 = arith.constant 48 : index
          %swap3A_1125 = tpu.vector_load %arg12[%swap3A_1123, %swap3A_1124] {strides = array<i32>} : memref<80x128xf32, #tpu.memory_space<vmem>>, vector<1x16xf32>,
          %swap3A_1126 = vector.shape_cast %swap3A_1125 : vector<1x16xf32> to vector<16xf32>
          %swap3A_1127 = vector.shape_cast %mul3A_1122 : vector<16xf32> to vector<1x16xf32>
          tpu.vector_store %arg12[%swap3A_1123, %swap3A_1124], %swap3A_1127 {strides = array<i32>} : memref<80x128xf32, #tpu.memory_space<vmem>>, vector<1x16xf32>,
          %get3A_1128 = arith.index_cast %add3A_1084 : i32 to index
          %get3A_1129 = arith.constant 64 : index
          %get3A_1130 = tpu.vector_load %arg12[%get3A_1128, %get3A_1129] {strides = array<i32>} : memref<80x128xf32, #tpu.memory_space<vmem>>, vector<1x16xf32>,
          %get3A_1131 = vector.shape_cast %get3A_1130 : vector<1x16xf32> to vector<16xf32>
          %mul3A_1132 = arith.mulf %get3A_1131, %broadcast_in_dim3A_1087 : vector<16xf32>
          %swap3A_1133 = arith.index_cast %add3A_1084 : i32 to index
          %swap3A_1134 = arith.constant 64 : index
          %swap3A_1135 = tpu.vector_load %arg12[%swap3A_1133, %swap3A_1134] {strides = array<i32>} : memref<80x128xf32, #tpu.memory_space<vmem>>, vector<1x16xf32>,
          %swap3A_1136 = vector.shape_cast %swap3A_1135 : vector<1x16xf32> to vector<16xf32>
          %swap3A_1137 = vector.shape_cast %mul3A_1132 : vector<16xf32> to vector<1x16xf32>
          tpu.vector_store %arg12[%swap3A_1133, %swap3A_1134], %swap3A_1137 {strides = array<i32>} : memref<80x128xf32, #tpu.memory_space<vmem>>, vector<1x16xf32>,
          %get3A_1138 = arith.index_cast %add3A_1084 : i32 to index
          %get3A_1139 = arith.constant 80 : index
          %get3A_1140 = tpu.vector_load %arg12[%get3A_1138, %get3A_1139] {strides = array<i32>} : memref<80x128xf32, #tpu.memory_space<vmem>>, vector<1x16xf32>,
          %get3A_1141 = vector.shape_cast %get3A_1140 : vector<1x16xf32> to vector<16xf32>
          %mul3A_1142 = arith.mulf %get3A_1141, %broadcast_in_dim3A_1087 : vector<16xf32>
          %swap3A_1143 = arith.index_cast %add3A_1084 : i32 to index
          %swap3A_1144 = arith.constant 80 : index
          %swap3A_1145 = tpu.vector_load %arg12[%swap3A_1143, %swap3A_1144] {strides = array<i32>} : memref<80x128xf32, #tpu.memory_space<vmem>>, vector<1x16xf32>,
          %swap3A_1146 = vector.shape_cast %swap3A_1145 : vector<1x16xf32> to vector<16xf32>
          %swap3A_1147 = vector.shape_cast %mul3A_1142 : vector<16xf32> to vector<1x16xf32>
          tpu.vector_store %arg12[%swap3A_1143, %swap3A_1144], %swap3A_1147 {strides = array<i32>} : memref<80x128xf32, #tpu.memory_space<vmem>>, vector<1x16xf32>,
          %get3A_1148 = arith.index_cast %add3A_1084 : i32 to index
          %get3A_1149 = arith.constant 96 : index
          %get3A_1150 = tpu.vector_load %arg12[%get3A_1148, %get3A_1149] {strides = array<i32>} : memref<80x128xf32, #tpu.memory_space<vmem>>, vector<1x16xf32>,
          %get3A_1151 = vector.shape_cast %get3A_1150 : vector<1x16xf32> to vector<16xf32>
          %mul3A_1152 = arith.mulf %get3A_1151, %broadcast_in_dim3A_1087 : vector<16xf32>
          %swap3A_1153 = arith.index_cast %add3A_1084 : i32 to index
          %swap3A_1154 = arith.constant 96 : index
          %swap3A_1155 = tpu.vector_load %arg12[%swap3A_1153, %swap3A_1154] {strides = array<i32>} : memref<80x128xf32, #tpu.memory_space<vmem>>, vector<1x16xf32>,
          %swap3A_1156 = vector.shape_cast %swap3A_1155 : vector<1x16xf32> to vector<16xf32>
          %swap3A_1157 = vector.shape_cast %mul3A_1152 : vector<16xf32> to vector<1x16xf32>
          tpu.vector_store %arg12[%swap3A_1153, %swap3A_1154], %swap3A_1157 {strides = array<i32>} : memref<80x128xf32, #tpu.memory_space<vmem>>, vector<1x16xf32>,
          %get3A_1158 = arith.index_cast %add3A_1084 : i32 to index
          %get3A_1159 = arith.constant 112 : index
          %get3A_1160 = tpu.vector_load %arg12[%get3A_1158, %get3A_1159] {strides = array<i32>} : memref<80x128xf32, #tpu.memory_space<vmem>>, vector<1x16xf32>,
          %get3A_1161 = vector.shape_cast %get3A_1160 : vector<1x16xf32> to vector<16xf32>
          %mul3A_1162 = arith.mulf %get3A_1161, %broadcast_in_dim3A_1087 : vector<16xf32>
          %swap3A_1163 = arith.index_cast %add3A_1084 : i32 to index
          %swap3A_1164 = arith.constant 112 : index
          %swap3A_1165 = tpu.vector_load %arg12[%swap3A_1163, %swap3A_1164] {strides = array<i32>} : memref<80x128xf32, #tpu.memory_space<vmem>>, vector<1x16xf32>,
          %swap3A_1166 = vector.shape_cast %swap3A_1165 : vector<1x16xf32> to vector<16xf32>
          %swap3A_1167 = vector.shape_cast %mul3A_1162 : vector<16xf32> to vector<1x16xf32>
          tpu.vector_store %arg12[%swap3A_1163, %swap3A_1164], %swap3A_1167 {strides = array<i32>} : memref<80x128xf32, #tpu.memory_space<vmem>>, vector<1x16xf32>,
          %mul3A_1168 = arith.constant 16 : i32
          %mul3A_1169 = arith.muli %scan3A_119, %mul3A_1168 : i32
          %add3A_1170 = arith.constant 12 : i32
          %add3A_1171 = arith.addi %mul3A_1169, %add3A_1170 : i32
          %slice3A_1172 = vector.extract_strided_slice %get3A_127 {offsets = [12], sizes = [1], strides = [1]} : vector<16xf32> to vector<1xf32>
          %squeeze3A_1173 = vector.extract %slice3A_1172[0] : f32 from vector<1xf32>
          %broadcast_in_dim3A_1174 = vector.broadcast %squeeze3A_1173 : f32 to vector<16xf32>
          %get3A_1175 = arith.index_cast %add3A_1171 : i32 to index
          %get3A_1176 = arith.constant 0 : index
          %get3A_1177 = tpu.vector_load %arg12[%get3A_1175, %get3A_1176] {strides = array<i32>} : memref<80x128xf32, #tpu.memory_space<vmem>>, vector<1x16xf32>,
          %get3A_1178 = vector.shape_cast %get3A_1177 : vector<1x16xf32> to vector<16xf32>
          %mul3A_1179 = arith.mulf %get3A_1178, %broadcast_in_dim3A_1174 : vector<16xf32>
          %swap3A_1180 = arith.index_cast %add3A_1171 : i32 to index
          %swap3A_1181 = arith.constant 0 : index
          %swap3A_1182 = tpu.vector_load %arg12[%swap3A_1180, %swap3A_1181] {strides = array<i32>} : memref<80x128xf32, #tpu.memory_space<vmem>>, vector<1x16xf32>,
          %swap3A_1183 = vector.shape_cast %swap3A_1182 : vector<1x16xf32> to vector<16xf32>
          %swap3A_1184 = vector.shape_cast %mul3A_1179 : vector<16xf32> to vector<1x16xf32>
          tpu.vector_store %arg12[%swap3A_1180, %swap3A_1181], %swap3A_1184 {strides = array<i32>} : memref<80x128xf32, #tpu.memory_space<vmem>>, vector<1x16xf32>,
          %get3A_1185 = arith.index_cast %add3A_1171 : i32 to index
          %get3A_1186 = arith.constant 16 : index
          %get3A_1187 = tpu.vector_load %arg12[%get3A_1185, %get3A_1186] {strides = array<i32>} : memref<80x128xf32, #tpu.memory_space<vmem>>, vector<1x16xf32>,
          %get3A_1188 = vector.shape_cast %get3A_1187 : vector<1x16xf32> to vector<16xf32>
          %mul3A_1189 = arith.mulf %get3A_1188, %broadcast_in_dim3A_1174 : vector<16xf32>
          %swap3A_1190 = arith.index_cast %add3A_1171 : i32 to index
          %swap3A_1191 = arith.constant 16 : index
          %swap3A_1192 = tpu.vector_load %arg12[%swap3A_1190, %swap3A_1191] {strides = array<i32>} : memref<80x128xf32, #tpu.memory_space<vmem>>, vector<1x16xf32>,
          %swap3A_1193 = vector.shape_cast %swap3A_1192 : vector<1x16xf32> to vector<16xf32>
          %swap3A_1194 = vector.shape_cast %mul3A_1189 : vector<16xf32> to vector<1x16xf32>
          tpu.vector_store %arg12[%swap3A_1190, %swap3A_1191], %swap3A_1194 {strides = array<i32>} : memref<80x128xf32, #tpu.memory_space<vmem>>, vector<1x16xf32>,
          %get3A_1195 = arith.index_cast %add3A_1171 : i32 to index
          %get3A_1196 = arith.constant 32 : index
          %get3A_1197 = tpu.vector_load %arg12[%get3A_1195, %get3A_1196] {strides = array<i32>} : memref<80x128xf32, #tpu.memory_space<vmem>>, vector<1x16xf32>,
          %get3A_1198 = vector.shape_cast %get3A_1197 : vector<1x16xf32> to vector<16xf32>
          %mul3A_1199 = arith.mulf %get3A_1198, %broadcast_in_dim3A_1174 : vector<16xf32>
          %swap3A_1200 = arith.index_cast %add3A_1171 : i32 to index
          %swap3A_1201 = arith.constant 32 : index
          %swap3A_1202 = tpu.vector_load %arg12[%swap3A_1200, %swap3A_1201] {strides = array<i32>} : memref<80x128xf32, #tpu.memory_space<vmem>>, vector<1x16xf32>,
          %swap3A_1203 = vector.shape_cast %swap3A_1202 : vector<1x16xf32> to vector<16xf32>
          %swap3A_1204 = vector.shape_cast %mul3A_1199 : vector<16xf32> to vector<1x16xf32>
          tpu.vector_store %arg12[%swap3A_1200, %swap3A_1201], %swap3A_1204 {strides = array<i32>} : memref<80x128xf32, #tpu.memory_space<vmem>>, vector<1x16xf32>,
          %get3A_1205 = arith.index_cast %add3A_1171 : i32 to index
          %get3A_1206 = arith.constant 48 : index
          %get3A_1207 = tpu.vector_load %arg12[%get3A_1205, %get3A_1206] {strides = array<i32>} : memref<80x128xf32, #tpu.memory_space<vmem>>, vector<1x16xf32>,
          %get3A_1208 = vector.shape_cast %get3A_1207 : vector<1x16xf32> to vector<16xf32>
          %mul3A_1209 = arith.mulf %get3A_1208, %broadcast_in_dim3A_1174 : vector<16xf32>
          %swap3A_1210 = arith.index_cast %add3A_1171 : i32 to index
          %swap3A_1211 = arith.constant 48 : index
          %swap3A_1212 = tpu.vector_load %arg12[%swap3A_1210, %swap3A_1211] {strides = array<i32>} : memref<80x128xf32, #tpu.memory_space<vmem>>, vector<1x16xf32>,
          %swap3A_1213 = vector.shape_cast %swap3A_1212 : vector<1x16xf32> to vector<16xf32>
          %swap3A_1214 = vector.shape_cast %mul3A_1209 : vector<16xf32> to vector<1x16xf32>
          tpu.vector_store %arg12[%swap3A_1210, %swap3A_1211], %swap3A_1214 {strides = array<i32>} : memref<80x128xf32, #tpu.memory_space<vmem>>, vector<1x16xf32>,
          %get3A_1215 = arith.index_cast %add3A_1171 : i32 to index
          %get3A_1216 = arith.constant 64 : index
          %get3A_1217 = tpu.vector_load %arg12[%get3A_1215, %get3A_1216] {strides = array<i32>} : memref<80x128xf32, #tpu.memory_space<vmem>>, vector<1x16xf32>,
          %get3A_1218 = vector.shape_cast %get3A_1217 : vector<1x16xf32> to vector<16xf32>
          %mul3A_1219 = arith.mulf %get3A_1218, %broadcast_in_dim3A_1174 : vector<16xf32>
          %swap3A_1220 = arith.index_cast %add3A_1171 : i32 to index
          %swap3A_1221 = arith.constant 64 : index
          %swap3A_1222 = tpu.vector_load %arg12[%swap3A_1220, %swap3A_1221] {strides = array<i32>} : memref<80x128xf32, #tpu.memory_space<vmem>>, vector<1x16xf32>,
          %swap3A_1223 = vector.shape_cast %swap3A_1222 : vector<1x16xf32> to vector<16xf32>
          %swap3A_1224 = vector.shape_cast %mul3A_1219 : vector<16xf32> to vector<1x16xf32>
          tpu.vector_store %arg12[%swap3A_1220, %swap3A_1221], %swap3A_1224 {strides = array<i32>} : memref<80x128xf32, #tpu.memory_space<vmem>>, vector<1x16xf32>,
          %get3A_1225 = arith.index_cast %add3A_1171 : i32 to index
          %get3A_1226 = arith.constant 80 : index
          %get3A_1227 = tpu.vector_load %arg12[%get3A_1225, %get3A_1226] {strides = array<i32>} : memref<80x128xf32, #tpu.memory_space<vmem>>, vector<1x16xf32>,
          %get3A_1228 = vector.shape_cast %get3A_1227 : vector<1x16xf32> to vector<16xf32>
          %mul3A_1229 = arith.mulf %get3A_1228, %broadcast_in_dim3A_1174 : vector<16xf32>
          %swap3A_1230 = arith.index_cast %add3A_1171 : i32 to index
          %swap3A_1231 = arith.constant 80 : index
          %swap3A_1232 = tpu.vector_load %arg12[%swap3A_1230, %swap3A_1231] {strides = array<i32>} : memref<80x128xf32, #tpu.memory_space<vmem>>, vector<1x16xf32>,
          %swap3A_1233 = vector.shape_cast %swap3A_1232 : vector<1x16xf32> to vector<16xf32>
          %swap3A_1234 = vector.shape_cast %mul3A_1229 : vector<16xf32> to vector<1x16xf32>
          tpu.vector_store %arg12[%swap3A_1230, %swap3A_1231], %swap3A_1234 {strides = array<i32>} : memref<80x128xf32, #tpu.memory_space<vmem>>, vector<1x16xf32>,
          %get3A_1235 = arith.index_cast %add3A_1171 : i32 to index
          %get3A_1236 = arith.constant 96 : index
          %get3A_1237 = tpu.vector_load %arg12[%get3A_1235, %get3A_1236] {strides = array<i32>} : memref<80x128xf32, #tpu.memory_space<vmem>>, vector<1x16xf32>,
          %get3A_1238 = vector.shape_cast %get3A_1237 : vector<1x16xf32> to vector<16xf32>
          %mul3A_1239 = arith.mulf %get3A_1238, %broadcast_in_dim3A_1174 : vector<16xf32>
          %swap3A_1240 = arith.index_cast %add3A_1171 : i32 to index
          %swap3A_1241 = arith.constant 96 : index
          %swap3A_1242 = tpu.vector_load %arg12[%swap3A_1240, %swap3A_1241] {strides = array<i32>} : memref<80x128xf32, #tpu.memory_space<vmem>>, vector<1x16xf32>,
          %swap3A_1243 = vector.shape_cast %swap3A_1242 : vector<1x16xf32> to vector<16xf32>
          %swap3A_1244 = vector.shape_cast %mul3A_1239 : vector<16xf32> to vector<1x16xf32>
          tpu.vector_store %arg12[%swap3A_1240, %swap3A_1241], %swap3A_1244 {strides = array<i32>} : memref<80x128xf32, #tpu.memory_space<vmem>>, vector<1x16xf32>,
          %get3A_1245 = arith.index_cast %add3A_1171 : i32 to index
          %get3A_1246 = arith.constant 112 : index
          %get3A_1247 = tpu.vector_load %arg12[%get3A_1245, %get3A_1246] {strides = array<i32>} : memref<80x128xf32, #tpu.memory_space<vmem>>, vector<1x16xf32>,
          %get3A_1248 = vector.shape_cast %get3A_1247 : vector<1x16xf32> to vector<16xf32>
          %mul3A_1249 = arith.mulf %get3A_1248, %broadcast_in_dim3A_1174 : vector<16xf32>
          %swap3A_1250 = arith.index_cast %add3A_1171 : i32 to index
          %swap3A_1251 = arith.constant 112 : index
          %swap3A_1252 = tpu.vector_load %arg12[%swap3A_1250, %swap3A_1251] {strides = array<i32>} : memref<80x128xf32, #tpu.memory_space<vmem>>, vector<1x16xf32>,
          %swap3A_1253 = vector.shape_cast %swap3A_1252 : vector<1x16xf32> to vector<16xf32>
          %swap3A_1254 = vector.shape_cast %mul3A_1249 : vector<16xf32> to vector<1x16xf32>
          tpu.vector_store %arg12[%swap3A_1250, %swap3A_1251], %swap3A_1254 {strides = array<i32>} : memref<80x128xf32, #tpu.memory_space<vmem>>, vector<1x16xf32>,
          %mul3A_1255 = arith.constant 16 : i32
          %mul3A_1256 = arith.muli %scan3A_119, %mul3A_1255 : i32
          %add3A_1257 = arith.constant 13 : i32
          %add3A_1258 = arith.addi %mul3A_1256, %add3A_1257 : i32
          %slice3A_1259 = vector.extract_strided_slice %get3A_127 {offsets = [13], sizes = [1], strides = [1]} : vector<16xf32> to vector<1xf32>
          %squeeze3A_1260 = vector.extract %slice3A_1259[0] : f32 from vector<1xf32>
          %broadcast_in_dim3A_1261 = vector.broadcast %squeeze3A_1260 : f32 to vector<16xf32>
          %get3A_1262 = arith.index_cast %add3A_1258 : i32 to index
          %get3A_1263 = arith.constant 0 : index
          %get3A_1264 = tpu.vector_load %arg12[%get3A_1262, %get3A_1263] {strides = array<i32>} : memref<80x128xf32, #tpu.memory_space<vmem>>, vector<1x16xf32>,
          %get3A_1265 = vector.shape_cast %get3A_1264 : vector<1x16xf32> to vector<16xf32>
          %mul3A_1266 = arith.mulf %get3A_1265, %broadcast_in_dim3A_1261 : vector<16xf32>
          %swap3A_1267 = arith.index_cast %add3A_1258 : i32 to index
          %swap3A_1268 = arith.constant 0 : index
          %swap3A_1269 = tpu.vector_load %arg12[%swap3A_1267, %swap3A_1268] {strides = array<i32>} : memref<80x128xf32, #tpu.memory_space<vmem>>, vector<1x16xf32>,
          %swap3A_1270 = vector.shape_cast %swap3A_1269 : vector<1x16xf32> to vector<16xf32>
          %swap3A_1271 = vector.shape_cast %mul3A_1266 : vector<16xf32> to vector<1x16xf32>
          tpu.vector_store %arg12[%swap3A_1267, %swap3A_1268], %swap3A_1271 {strides = array<i32>} : memref<80x128xf32, #tpu.memory_space<vmem>>, vector<1x16xf32>,
          %get3A_1272 = arith.index_cast %add3A_1258 : i32 to index
          %get3A_1273 = arith.constant 16 : index
          %get3A_1274 = tpu.vector_load %arg12[%get3A_1272, %get3A_1273] {strides = array<i32>} : memref<80x128xf32, #tpu.memory_space<vmem>>, vector<1x16xf32>,
          %get3A_1275 = vector.shape_cast %get3A_1274 : vector<1x16xf32> to vector<16xf32>
          %mul3A_1276 = arith.mulf %get3A_1275, %broadcast_in_dim3A_1261 : vector<16xf32>
          %swap3A_1277 = arith.index_cast %add3A_1258 : i32 to index
          %swap3A_1278 = arith.constant 16 : index
          %swap3A_1279 = tpu.vector_load %arg12[%swap3A_1277, %swap3A_1278] {strides = array<i32>} : memref<80x128xf32, #tpu.memory_space<vmem>>, vector<1x16xf32>,
          %swap3A_1280 = vector.shape_cast %swap3A_1279 : vector<1x16xf32> to vector<16xf32>
          %swap3A_1281 = vector.shape_cast %mul3A_1276 : vector<16xf32> to vector<1x16xf32>
          tpu.vector_store %arg12[%swap3A_1277, %swap3A_1278], %swap3A_1281 {strides = array<i32>} : memref<80x128xf32, #tpu.memory_space<vmem>>, vector<1x16xf32>,
          %get3A_1282 = arith.index_cast %add3A_1258 : i32 to index
          %get3A_1283 = arith.constant 32 : index
          %get3A_1284 = tpu.vector_load %arg12[%get3A_1282, %get3A_1283] {strides = array<i32>} : memref<80x128xf32, #tpu.memory_space<vmem>>, vector<1x16xf32>,
          %get3A_1285 = vector.shape_cast %get3A_1284 : vector<1x16xf32> to vector<16xf32>
          %mul3A_1286 = arith.mulf %get3A_1285, %broadcast_in_dim3A_1261 : vector<16xf32>
          %swap3A_1287 = arith.index_cast %add3A_1258 : i32 to index
          %swap3A_1288 = arith.constant 32 : index
          %swap3A_1289 = tpu.vector_load %arg12[%swap3A_1287, %swap3A_1288] {strides = array<i32>} : memref<80x128xf32, #tpu.memory_space<vmem>>, vector<1x16xf32>,
          %swap3A_1290 = vector.shape_cast %swap3A_1289 : vector<1x16xf32> to vector<16xf32>
          %swap3A_1291 = vector.shape_cast %mul3A_1286 : vector<16xf32> to vector<1x16xf32>
          tpu.vector_store %arg12[%swap3A_1287, %swap3A_1288], %swap3A_1291 {strides = array<i32>} : memref<80x128xf32, #tpu.memory_space<vmem>>, vector<1x16xf32>,
          %get3A_1292 = arith.index_cast %add3A_1258 : i32 to index
          %get3A_1293 = arith.constant 48 : index
          %get3A_1294 = tpu.vector_load %arg12[%get3A_1292, %get3A_1293] {strides = array<i32>} : memref<80x128xf32, #tpu.memory_space<vmem>>, vector<1x16xf32>,
          %get3A_1295 = vector.shape_cast %get3A_1294 : vector<1x16xf32> to vector<16xf32>
          %mul3A_1296 = arith.mulf %get3A_1295, %broadcast_in_dim3A_1261 : vector<16xf32>
          %swap3A_1297 = arith.index_cast %add3A_1258 : i32 to index
          %swap3A_1298 = arith.constant 48 : index
          %swap3A_1299 = tpu.vector_load %arg12[%swap3A_1297, %swap3A_1298] {strides = array<i32>} : memref<80x128xf32, #tpu.memory_space<vmem>>, vector<1x16xf32>,
          %swap3A_1300 = vector.shape_cast %swap3A_1299 : vector<1x16xf32> to vector<16xf32>
          %swap3A_1301 = vector.shape_cast %mul3A_1296 : vector<16xf32> to vector<1x16xf32>
          tpu.vector_store %arg12[%swap3A_1297, %swap3A_1298], %swap3A_1301 {strides = array<i32>} : memref<80x128xf32, #tpu.memory_space<vmem>>, vector<1x16xf32>,
          %get3A_1302 = arith.index_cast %add3A_1258 : i32 to index
          %get3A_1303 = arith.constant 64 : index
          %get3A_1304 = tpu.vector_load %arg12[%get3A_1302, %get3A_1303] {strides = array<i32>} : memref<80x128xf32, #tpu.memory_space<vmem>>, vector<1x16xf32>,
          %get3A_1305 = vector.shape_cast %get3A_1304 : vector<1x16xf32> to vector<16xf32>
          %mul3A_1306 = arith.mulf %get3A_1305, %broadcast_in_dim3A_1261 : vector<16xf32>
          %swap3A_1307 = arith.index_cast %add3A_1258 : i32 to index
          %swap3A_1308 = arith.constant 64 : index
          %swap3A_1309 = tpu.vector_load %arg12[%swap3A_1307, %swap3A_1308] {strides = array<i32>} : memref<80x128xf32, #tpu.memory_space<vmem>>, vector<1x16xf32>,
          %swap3A_1310 = vector.shape_cast %swap3A_1309 : vector<1x16xf32> to vector<16xf32>
          %swap3A_1311 = vector.shape_cast %mul3A_1306 : vector<16xf32> to vector<1x16xf32>
          tpu.vector_store %arg12[%swap3A_1307, %swap3A_1308], %swap3A_1311 {strides = array<i32>} : memref<80x128xf32, #tpu.memory_space<vmem>>, vector<1x16xf32>,
          %get3A_1312 = arith.index_cast %add3A_1258 : i32 to index
          %get3A_1313 = arith.constant 80 : index
          %get3A_1314 = tpu.vector_load %arg12[%get3A_1312, %get3A_1313] {strides = array<i32>} : memref<80x128xf32, #tpu.memory_space<vmem>>, vector<1x16xf32>,
          %get3A_1315 = vector.shape_cast %get3A_1314 : vector<1x16xf32> to vector<16xf32>
          %mul3A_1316 = arith.mulf %get3A_1315, %broadcast_in_dim3A_1261 : vector<16xf32>
          %swap3A_1317 = arith.index_cast %add3A_1258 : i32 to index
          %swap3A_1318 = arith.constant 80 : index
          %swap3A_1319 = tpu.vector_load %arg12[%swap3A_1317, %swap3A_1318] {strides = array<i32>} : memref<80x128xf32, #tpu.memory_space<vmem>>, vector<1x16xf32>,
          %swap3A_1320 = vector.shape_cast %swap3A_1319 : vector<1x16xf32> to vector<16xf32>
          %swap3A_1321 = vector.shape_cast %mul3A_1316 : vector<16xf32> to vector<1x16xf32>
          tpu.vector_store %arg12[%swap3A_1317, %swap3A_1318], %swap3A_1321 {strides = array<i32>} : memref<80x128xf32, #tpu.memory_space<vmem>>, vector<1x16xf32>,
          %get3A_1322 = arith.index_cast %add3A_1258 : i32 to index
          %get3A_1323 = arith.constant 96 : index
          %get3A_1324 = tpu.vector_load %arg12[%get3A_1322, %get3A_1323] {strides = array<i32>} : memref<80x128xf32, #tpu.memory_space<vmem>>, vector<1x16xf32>,
          %get3A_1325 = vector.shape_cast %get3A_1324 : vector<1x16xf32> to vector<16xf32>
          %mul3A_1326 = arith.mulf %get3A_1325, %broadcast_in_dim3A_1261 : vector<16xf32>
          %swap3A_1327 = arith.index_cast %add3A_1258 : i32 to index
          %swap3A_1328 = arith.constant 96 : index
          %swap3A_1329 = tpu.vector_load %arg12[%swap3A_1327, %swap3A_1328] {strides = array<i32>} : memref<80x128xf32, #tpu.memory_space<vmem>>, vector<1x16xf32>,
          %swap3A_1330 = vector.shape_cast %swap3A_1329 : vector<1x16xf32> to vector<16xf32>
          %swap3A_1331 = vector.shape_cast %mul3A_1326 : vector<16xf32> to vector<1x16xf32>
          tpu.vector_store %arg12[%swap3A_1327, %swap3A_1328], %swap3A_1331 {strides = array<i32>} : memref<80x128xf32, #tpu.memory_space<vmem>>, vector<1x16xf32>,
          %get3A_1332 = arith.index_cast %add3A_1258 : i32 to index
          %get3A_1333 = arith.constant 112 : index
          %get3A_1334 = tpu.vector_load %arg12[%get3A_1332, %get3A_1333] {strides = array<i32>} : memref<80x128xf32, #tpu.memory_space<vmem>>, vector<1x16xf32>,
          %get3A_1335 = vector.shape_cast %get3A_1334 : vector<1x16xf32> to vector<16xf32>
          %mul3A_1336 = arith.mulf %get3A_1335, %broadcast_in_dim3A_1261 : vector<16xf32>
          %swap3A_1337 = arith.index_cast %add3A_1258 : i32 to index
          %swap3A_1338 = arith.constant 112 : index
          %swap3A_1339 = tpu.vector_load %arg12[%swap3A_1337, %swap3A_1338] {strides = array<i32>} : memref<80x128xf32, #tpu.memory_space<vmem>>, vector<1x16xf32>,
          %swap3A_1340 = vector.shape_cast %swap3A_1339 : vector<1x16xf32> to vector<16xf32>
          %swap3A_1341 = vector.shape_cast %mul3A_1336 : vector<16xf32> to vector<1x16xf32>
          tpu.vector_store %arg12[%swap3A_1337, %swap3A_1338], %swap3A_1341 {strides = array<i32>} : memref<80x128xf32, #tpu.memory_space<vmem>>, vector<1x16xf32>,
          %mul3A_1342 = arith.constant 16 : i32
          %mul3A_1343 = arith.muli %scan3A_119, %mul3A_1342 : i32
          %add3A_1344 = arith.constant 14 : i32
          %add3A_1345 = arith.addi %mul3A_1343, %add3A_1344 : i32
          %slice3A_1346 = vector.extract_strided_slice %get3A_127 {offsets = [14], sizes = [1], strides = [1]} : vector<16xf32> to vector<1xf32>
          %squeeze3A_1347 = vector.extract %slice3A_1346[0] : f32 from vector<1xf32>
          %broadcast_in_dim3A_1348 = vector.broadcast %squeeze3A_1347 : f32 to vector<16xf32>
          %get3A_1349 = arith.index_cast %add3A_1345 : i32 to index
          %get3A_1350 = arith.constant 0 : index
          %get3A_1351 = tpu.vector_load %arg12[%get3A_1349, %get3A_1350] {strides = array<i32>} : memref<80x128xf32, #tpu.memory_space<vmem>>, vector<1x16xf32>,
          %get3A_1352 = vector.shape_cast %get3A_1351 : vector<1x16xf32> to vector<16xf32>
          %mul3A_1353 = arith.mulf %get3A_1352, %broadcast_in_dim3A_1348 : vector<16xf32>
          %swap3A_1354 = arith.index_cast %add3A_1345 : i32 to index
          %swap3A_1355 = arith.constant 0 : index
          %swap3A_1356 = tpu.vector_load %arg12[%swap3A_1354, %swap3A_1355] {strides = array<i32>} : memref<80x128xf32, #tpu.memory_space<vmem>>, vector<1x16xf32>,
          %swap3A_1357 = vector.shape_cast %swap3A_1356 : vector<1x16xf32> to vector<16xf32>
          %swap3A_1358 = vector.shape_cast %mul3A_1353 : vector<16xf32> to vector<1x16xf32>
          tpu.vector_store %arg12[%swap3A_1354, %swap3A_1355], %swap3A_1358 {strides = array<i32>} : memref<80x128xf32, #tpu.memory_space<vmem>>, vector<1x16xf32>,
          %get3A_1359 = arith.index_cast %add3A_1345 : i32 to index
          %get3A_1360 = arith.constant 16 : index
          %get3A_1361 = tpu.vector_load %arg12[%get3A_1359, %get3A_1360] {strides = array<i32>} : memref<80x128xf32, #tpu.memory_space<vmem>>, vector<1x16xf32>,
          %get3A_1362 = vector.shape_cast %get3A_1361 : vector<1x16xf32> to vector<16xf32>
          %mul3A_1363 = arith.mulf %get3A_1362, %broadcast_in_dim3A_1348 : vector<16xf32>
          %swap3A_1364 = arith.index_cast %add3A_1345 : i32 to index
          %swap3A_1365 = arith.constant 16 : index
          %swap3A_1366 = tpu.vector_load %arg12[%swap3A_1364, %swap3A_1365] {strides = array<i32>} : memref<80x128xf32, #tpu.memory_space<vmem>>, vector<1x16xf32>,
          %swap3A_1367 = vector.shape_cast %swap3A_1366 : vector<1x16xf32> to vector<16xf32>
          %swap3A_1368 = vector.shape_cast %mul3A_1363 : vector<16xf32> to vector<1x16xf32>
          tpu.vector_store %arg12[%swap3A_1364, %swap3A_1365], %swap3A_1368 {strides = array<i32>} : memref<80x128xf32, #tpu.memory_space<vmem>>, vector<1x16xf32>,
          %get3A_1369 = arith.index_cast %add3A_1345 : i32 to index
          %get3A_1370 = arith.constant 32 : index
          %get3A_1371 = tpu.vector_load %arg12[%get3A_1369, %get3A_1370] {strides = array<i32>} : memref<80x128xf32, #tpu.memory_space<vmem>>, vector<1x16xf32>,
          %get3A_1372 = vector.shape_cast %get3A_1371 : vector<1x16xf32> to vector<16xf32>
          %mul3A_1373 = arith.mulf %get3A_1372, %broadcast_in_dim3A_1348 : vector<16xf32>
          %swap3A_1374 = arith.index_cast %add3A_1345 : i32 to index
          %swap3A_1375 = arith.constant 32 : index
          %swap3A_1376 = tpu.vector_load %arg12[%swap3A_1374, %swap3A_1375] {strides = array<i32>} : memref<80x128xf32, #tpu.memory_space<vmem>>, vector<1x16xf32>,
          %swap3A_1377 = vector.shape_cast %swap3A_1376 : vector<1x16xf32> to vector<16xf32>
          %swap3A_1378 = vector.shape_cast %mul3A_1373 : vector<16xf32> to vector<1x16xf32>
          tpu.vector_store %arg12[%swap3A_1374, %swap3A_1375], %swap3A_1378 {strides = array<i32>} : memref<80x128xf32, #tpu.memory_space<vmem>>, vector<1x16xf32>,
          %get3A_1379 = arith.index_cast %add3A_1345 : i32 to index
          %get3A_1380 = arith.constant 48 : index
          %get3A_1381 = tpu.vector_load %arg12[%get3A_1379, %get3A_1380] {strides = array<i32>} : memref<80x128xf32, #tpu.memory_space<vmem>>, vector<1x16xf32>,
          %get3A_1382 = vector.shape_cast %get3A_1381 : vector<1x16xf32> to vector<16xf32>
          %mul3A_1383 = arith.mulf %get3A_1382, %broadcast_in_dim3A_1348 : vector<16xf32>
          %swap3A_1384 = arith.index_cast %add3A_1345 : i32 to index
          %swap3A_1385 = arith.constant 48 : index
          %swap3A_1386 = tpu.vector_load %arg12[%swap3A_1384, %swap3A_1385] {strides = array<i32>} : memref<80x128xf32, #tpu.memory_space<vmem>>, vector<1x16xf32>,
          %swap3A_1387 = vector.shape_cast %swap3A_1386 : vector<1x16xf32> to vector<16xf32>
          %swap3A_1388 = vector.shape_cast %mul3A_1383 : vector<16xf32> to vector<1x16xf32>
          tpu.vector_store %arg12[%swap3A_1384, %swap3A_1385], %swap3A_1388 {strides = array<i32>} : memref<80x128xf32, #tpu.memory_space<vmem>>, vector<1x16xf32>,
          %get3A_1389 = arith.index_cast %add3A_1345 : i32 to index
          %get3A_1390 = arith.constant 64 : index
          %get3A_1391 = tpu.vector_load %arg12[%get3A_1389, %get3A_1390] {strides = array<i32>} : memref<80x128xf32, #tpu.memory_space<vmem>>, vector<1x16xf32>,
          %get3A_1392 = vector.shape_cast %get3A_1391 : vector<1x16xf32> to vector<16xf32>
          %mul3A_1393 = arith.mulf %get3A_1392, %broadcast_in_dim3A_1348 : vector<16xf32>
          %swap3A_1394 = arith.index_cast %add3A_1345 : i32 to index
          %swap3A_1395 = arith.constant 64 : index
          %swap3A_1396 = tpu.vector_load %arg12[%swap3A_1394, %swap3A_1395] {strides = array<i32>} : memref<80x128xf32, #tpu.memory_space<vmem>>, vector<1x16xf32>,
          %swap3A_1397 = vector.shape_cast %swap3A_1396 : vector<1x16xf32> to vector<16xf32>
          %swap3A_1398 = vector.shape_cast %mul3A_1393 : vector<16xf32> to vector<1x16xf32>
          tpu.vector_store %arg12[%swap3A_1394, %swap3A_1395], %swap3A_1398 {strides = array<i32>} : memref<80x128xf32, #tpu.memory_space<vmem>>, vector<1x16xf32>,
          %get3A_1399 = arith.index_cast %add3A_1345 : i32 to index
          %get3A_1400 = arith.constant 80 : index
          %get3A_1401 = tpu.vector_load %arg12[%get3A_1399, %get3A_1400] {strides = array<i32>} : memref<80x128xf32, #tpu.memory_space<vmem>>, vector<1x16xf32>,
          %get3A_1402 = vector.shape_cast %get3A_1401 : vector<1x16xf32> to vector<16xf32>
          %mul3A_1403 = arith.mulf %get3A_1402, %broadcast_in_dim3A_1348 : vector<16xf32>
          %swap3A_1404 = arith.index_cast %add3A_1345 : i32 to index
          %swap3A_1405 = arith.constant 80 : index
          %swap3A_1406 = tpu.vector_load %arg12[%swap3A_1404, %swap3A_1405] {strides = array<i32>} : memref<80x128xf32, #tpu.memory_space<vmem>>, vector<1x16xf32>,
          %swap3A_1407 = vector.shape_cast %swap3A_1406 : vector<1x16xf32> to vector<16xf32>
          %swap3A_1408 = vector.shape_cast %mul3A_1403 : vector<16xf32> to vector<1x16xf32>
          tpu.vector_store %arg12[%swap3A_1404, %swap3A_1405], %swap3A_1408 {strides = array<i32>} : memref<80x128xf32, #tpu.memory_space<vmem>>, vector<1x16xf32>,
          %get3A_1409 = arith.index_cast %add3A_1345 : i32 to index
          %get3A_1410 = arith.constant 96 : index
          %get3A_1411 = tpu.vector_load %arg12[%get3A_1409, %get3A_1410] {strides = array<i32>} : memref<80x128xf32, #tpu.memory_space<vmem>>, vector<1x16xf32>,
          %get3A_1412 = vector.shape_cast %get3A_1411 : vector<1x16xf32> to vector<16xf32>
          %mul3A_1413 = arith.mulf %get3A_1412, %broadcast_in_dim3A_1348 : vector<16xf32>
          %swap3A_1414 = arith.index_cast %add3A_1345 : i32 to index
          %swap3A_1415 = arith.constant 96 : index
          %swap3A_1416 = tpu.vector_load %arg12[%swap3A_1414, %swap3A_1415] {strides = array<i32>} : memref<80x128xf32, #tpu.memory_space<vmem>>, vector<1x16xf32>,
          %swap3A_1417 = vector.shape_cast %swap3A_1416 : vector<1x16xf32> to vector<16xf32>
          %swap3A_1418 = vector.shape_cast %mul3A_1413 : vector<16xf32> to vector<1x16xf32>
          tpu.vector_store %arg12[%swap3A_1414, %swap3A_1415], %swap3A_1418 {strides = array<i32>} : memref<80x128xf32, #tpu.memory_space<vmem>>, vector<1x16xf32>,
          %get3A_1419 = arith.index_cast %add3A_1345 : i32 to index
          %get3A_1420 = arith.constant 112 : index
          %get3A_1421 = tpu.vector_load %arg12[%get3A_1419, %get3A_1420] {strides = array<i32>} : memref<80x128xf32, #tpu.memory_space<vmem>>, vector<1x16xf32>,
          %get3A_1422 = vector.shape_cast %get3A_1421 : vector<1x16xf32> to vector<16xf32>
          %mul3A_1423 = arith.mulf %get3A_1422, %broadcast_in_dim3A_1348 : vector<16xf32>
          %swap3A_1424 = arith.index_cast %add3A_1345 : i32 to index
          %swap3A_1425 = arith.constant 112 : index
          %swap3A_1426 = tpu.vector_load %arg12[%swap3A_1424, %swap3A_1425] {strides = array<i32>} : memref<80x128xf32, #tpu.memory_space<vmem>>, vector<1x16xf32>,
          %swap3A_1427 = vector.shape_cast %swap3A_1426 : vector<1x16xf32> to vector<16xf32>
          %swap3A_1428 = vector.shape_cast %mul3A_1423 : vector<16xf32> to vector<1x16xf32>
          tpu.vector_store %arg12[%swap3A_1424, %swap3A_1425], %swap3A_1428 {strides = array<i32>} : memref<80x128xf32, #tpu.memory_space<vmem>>, vector<1x16xf32>,
          %mul3A_1429 = arith.constant 16 : i32
          %mul3A_1430 = arith.muli %scan3A_119, %mul3A_1429 : i32
          %add3A_1431 = arith.constant 15 : i32
          %add3A_1432 = arith.addi %mul3A_1430, %add3A_1431 : i32
          %slice3A_1433 = vector.extract_strided_slice %get3A_127 {offsets = [15], sizes = [1], strides = [1]} : vector<16xf32> to vector<1xf32>
          %squeeze3A_1434 = vector.extract %slice3A_1433[0] : f32 from vector<1xf32>
          %broadcast_in_dim3A_1435 = vector.broadcast %squeeze3A_1434 : f32 to vector<16xf32>
          %get3A_1436 = arith.index_cast %add3A_1432 : i32 to index
          %get3A_1437 = arith.constant 0 : index
          %get3A_1438 = tpu.vector_load %arg12[%get3A_1436, %get3A_1437] {strides = array<i32>} : memref<80x128xf32, #tpu.memory_space<vmem>>, vector<1x16xf32>,
          %get3A_1439 = vector.shape_cast %get3A_1438 : vector<1x16xf32> to vector<16xf32>
          %mul3A_1440 = arith.mulf %get3A_1439, %broadcast_in_dim3A_1435 : vector<16xf32>
          %swap3A_1441 = arith.index_cast %add3A_1432 : i32 to index
          %swap3A_1442 = arith.constant 0 : index
          %swap3A_1443 = tpu.vector_load %arg12[%swap3A_1441, %swap3A_1442] {strides = array<i32>} : memref<80x128xf32, #tpu.memory_space<vmem>>, vector<1x16xf32>,
          %swap3A_1444 = vector.shape_cast %swap3A_1443 : vector<1x16xf32> to vector<16xf32>
          %swap3A_1445 = vector.shape_cast %mul3A_1440 : vector<16xf32> to vector<1x16xf32>
          tpu.vector_store %arg12[%swap3A_1441, %swap3A_1442], %swap3A_1445 {strides = array<i32>} : memref<80x128xf32, #tpu.memory_space<vmem>>, vector<1x16xf32>,
          %get3A_1446 = arith.index_cast %add3A_1432 : i32 to index
          %get3A_1447 = arith.constant 16 : index
          %get3A_1448 = tpu.vector_load %arg12[%get3A_1446, %get3A_1447] {strides = array<i32>} : memref<80x128xf32, #tpu.memory_space<vmem>>, vector<1x16xf32>,
          %get3A_1449 = vector.shape_cast %get3A_1448 : vector<1x16xf32> to vector<16xf32>
          %mul3A_1450 = arith.mulf %get3A_1449, %broadcast_in_dim3A_1435 : vector<16xf32>
          %swap3A_1451 = arith.index_cast %add3A_1432 : i32 to index
          %swap3A_1452 = arith.constant 16 : index
          %swap3A_1453 = tpu.vector_load %arg12[%swap3A_1451, %swap3A_1452] {strides = array<i32>} : memref<80x128xf32, #tpu.memory_space<vmem>>, vector<1x16xf32>,
          %swap3A_1454 = vector.shape_cast %swap3A_1453 : vector<1x16xf32> to vector<16xf32>
          %swap3A_1455 = vector.shape_cast %mul3A_1450 : vector<16xf32> to vector<1x16xf32>
          tpu.vector_store %arg12[%swap3A_1451, %swap3A_1452], %swap3A_1455 {strides = array<i32>} : memref<80x128xf32, #tpu.memory_space<vmem>>, vector<1x16xf32>,
          %get3A_1456 = arith.index_cast %add3A_1432 : i32 to index
          %get3A_1457 = arith.constant 32 : index
          %get3A_1458 = tpu.vector_load %arg12[%get3A_1456, %get3A_1457] {strides = array<i32>} : memref<80x128xf32, #tpu.memory_space<vmem>>, vector<1x16xf32>,
          %get3A_1459 = vector.shape_cast %get3A_1458 : vector<1x16xf32> to vector<16xf32>
          %mul3A_1460 = arith.mulf %get3A_1459, %broadcast_in_dim3A_1435 : vector<16xf32>
          %swap3A_1461 = arith.index_cast %add3A_1432 : i32 to index
          %swap3A_1462 = arith.constant 32 : index
          %swap3A_1463 = tpu.vector_load %arg12[%swap3A_1461, %swap3A_1462] {strides = array<i32>} : memref<80x128xf32, #tpu.memory_space<vmem>>, vector<1x16xf32>,
          %swap3A_1464 = vector.shape_cast %swap3A_1463 : vector<1x16xf32> to vector<16xf32>
          %swap3A_1465 = vector.shape_cast %mul3A_1460 : vector<16xf32> to vector<1x16xf32>
          tpu.vector_store %arg12[%swap3A_1461, %swap3A_1462], %swap3A_1465 {strides = array<i32>} : memref<80x128xf32, #tpu.memory_space<vmem>>, vector<1x16xf32>,
          %get3A_1466 = arith.index_cast %add3A_1432 : i32 to index
          %get3A_1467 = arith.constant 48 : index
          %get3A_1468 = tpu.vector_load %arg12[%get3A_1466, %get3A_1467] {strides = array<i32>} : memref<80x128xf32, #tpu.memory_space<vmem>>, vector<1x16xf32>,
          %get3A_1469 = vector.shape_cast %get3A_1468 : vector<1x16xf32> to vector<16xf32>
          %mul3A_1470 = arith.mulf %get3A_1469, %broadcast_in_dim3A_1435 : vector<16xf32>
          %swap3A_1471 = arith.index_cast %add3A_1432 : i32 to index
          %swap3A_1472 = arith.constant 48 : index
          %swap3A_1473 = tpu.vector_load %arg12[%swap3A_1471, %swap3A_1472] {strides = array<i32>} : memref<80x128xf32, #tpu.memory_space<vmem>>, vector<1x16xf32>,
          %swap3A_1474 = vector.shape_cast %swap3A_1473 : vector<1x16xf32> to vector<16xf32>
          %swap3A_1475 = vector.shape_cast %mul3A_1470 : vector<16xf32> to vector<1x16xf32>
          tpu.vector_store %arg12[%swap3A_1471, %swap3A_1472], %swap3A_1475 {strides = array<i32>} : memref<80x128xf32, #tpu.memory_space<vmem>>, vector<1x16xf32>,
          %get3A_1476 = arith.index_cast %add3A_1432 : i32 to index
          %get3A_1477 = arith.constant 64 : index
          %get3A_1478 = tpu.vector_load %arg12[%get3A_1476, %get3A_1477] {strides = array<i32>} : memref<80x128xf32, #tpu.memory_space<vmem>>, vector<1x16xf32>,
          %get3A_1479 = vector.shape_cast %get3A_1478 : vector<1x16xf32> to vector<16xf32>
          %mul3A_1480 = arith.mulf %get3A_1479, %broadcast_in_dim3A_1435 : vector<16xf32>
          %swap3A_1481 = arith.index_cast %add3A_1432 : i32 to index
          %swap3A_1482 = arith.constant 64 : index
          %swap3A_1483 = tpu.vector_load %arg12[%swap3A_1481, %swap3A_1482] {strides = array<i32>} : memref<80x128xf32, #tpu.memory_space<vmem>>, vector<1x16xf32>,
          %swap3A_1484 = vector.shape_cast %swap3A_1483 : vector<1x16xf32> to vector<16xf32>
          %swap3A_1485 = vector.shape_cast %mul3A_1480 : vector<16xf32> to vector<1x16xf32>
          tpu.vector_store %arg12[%swap3A_1481, %swap3A_1482], %swap3A_1485 {strides = array<i32>} : memref<80x128xf32, #tpu.memory_space<vmem>>, vector<1x16xf32>,
          %get3A_1486 = arith.index_cast %add3A_1432 : i32 to index
          %get3A_1487 = arith.constant 80 : index
          %get3A_1488 = tpu.vector_load %arg12[%get3A_1486, %get3A_1487] {strides = array<i32>} : memref<80x128xf32, #tpu.memory_space<vmem>>, vector<1x16xf32>,
          %get3A_1489 = vector.shape_cast %get3A_1488 : vector<1x16xf32> to vector<16xf32>
          %mul3A_1490 = arith.mulf %get3A_1489, %broadcast_in_dim3A_1435 : vector<16xf32>
          %swap3A_1491 = arith.index_cast %add3A_1432 : i32 to index
          %swap3A_1492 = arith.constant 80 : index
          %swap3A_1493 = tpu.vector_load %arg12[%swap3A_1491, %swap3A_1492] {strides = array<i32>} : memref<80x128xf32, #tpu.memory_space<vmem>>, vector<1x16xf32>,
          %swap3A_1494 = vector.shape_cast %swap3A_1493 : vector<1x16xf32> to vector<16xf32>
          %swap3A_1495 = vector.shape_cast %mul3A_1490 : vector<16xf32> to vector<1x16xf32>
          tpu.vector_store %arg12[%swap3A_1491, %swap3A_1492], %swap3A_1495 {strides = array<i32>} : memref<80x128xf32, #tpu.memory_space<vmem>>, vector<1x16xf32>,
          %get3A_1496 = arith.index_cast %add3A_1432 : i32 to index
          %get3A_1497 = arith.constant 96 : index
          %get3A_1498 = tpu.vector_load %arg12[%get3A_1496, %get3A_1497] {strides = array<i32>} : memref<80x128xf32, #tpu.memory_space<vmem>>, vector<1x16xf32>,
          %get3A_1499 = vector.shape_cast %get3A_1498 : vector<1x16xf32> to vector<16xf32>
          %mul3A_1500 = arith.mulf %get3A_1499, %broadcast_in_dim3A_1435 : vector<16xf32>
          %swap3A_1501 = arith.index_cast %add3A_1432 : i32 to index
          %swap3A_1502 = arith.constant 96 : index
          %swap3A_1503 = tpu.vector_load %arg12[%swap3A_1501, %swap3A_1502] {strides = array<i32>} : memref<80x128xf32, #tpu.memory_space<vmem>>, vector<1x16xf32>,
          %swap3A_1504 = vector.shape_cast %swap3A_1503 : vector<1x16xf32> to vector<16xf32>
          %swap3A_1505 = vector.shape_cast %mul3A_1500 : vector<16xf32> to vector<1x16xf32>
          tpu.vector_store %arg12[%swap3A_1501, %swap3A_1502], %swap3A_1505 {strides = array<i32>} : memref<80x128xf32, #tpu.memory_space<vmem>>, vector<1x16xf32>,
          %get3A_1506 = arith.index_cast %add3A_1432 : i32 to index
          %get3A_1507 = arith.constant 112 : index
          %get3A_1508 = tpu.vector_load %arg12[%get3A_1506, %get3A_1507] {strides = array<i32>} : memref<80x128xf32, #tpu.memory_space<vmem>>, vector<1x16xf32>,
          %get3A_1509 = vector.shape_cast %get3A_1508 : vector<1x16xf32> to vector<16xf32>
          %mul3A_1510 = arith.mulf %get3A_1509, %broadcast_in_dim3A_1435 : vector<16xf32>
          %swap3A_1511 = arith.index_cast %add3A_1432 : i32 to index
          %swap3A_1512 = arith.constant 112 : index
          %swap3A_1513 = tpu.vector_load %arg12[%swap3A_1511, %swap3A_1512] {strides = array<i32>} : memref<80x128xf32, #tpu.memory_space<vmem>>, vector<1x16xf32>,
          %swap3A_1514 = vector.shape_cast %swap3A_1513 : vector<1x16xf32> to vector<16xf32>
          %swap3A_1515 = vector.shape_cast %mul3A_1510 : vector<16xf32> to vector<1x16xf32>
          tpu.vector_store %arg12[%swap3A_1511, %swap3A_1512], %swap3A_1515 {strides = array<i32>} : memref<80x128xf32, #tpu.memory_space<vmem>>, vector<1x16xf32>,
          %scan3A_1516 = arith.constant 0 : i32
          scf.yield %scan3A_1516 : i32
        }
        %scan3A_117 = arith.constant 5 : i32
        "tpu.region"() ({
          %run_scoped3A_119 = tpu.sem_alloc : memref<!tpu.dma_semaphore, #tpu.memory_space<semaphore_mem>>
          %dma_start3A_120 = arith.constant 0 : i32
          %dma_start3A_121 = tpu.memref_slice %arg9[%add3A_104, %dma_start3A_120] : memref<25x80xi32, #tpu.memory_space<vmem>> -> memref<1x80xi32, #tpu.memory_space<vmem>>
          %dma_start3A_122 = tpu.memref_squeeze %dma_start3A_121 : memref<1x80xi32, #tpu.memory_space<vmem>> -> memref<80xi32, #tpu.memory_space<vmem>>
          %dma_start3A_123 = arith.constant 0 : i32
          %dma_start3A_124 = arith.constant 0 : i32
          %dma_start3A_125 = tpu.memref_slice %arg16[%dma_start3A_123, %dma_start3A_124] : memref<10000x128xf32, #tpu.memory_space<vmem_shared>> -> memref<10000x128xf32, #tpu.memory_space<vmem_shared>>
          tpu.enqueue_indirect_dma source(%arg12 : memref<80x128xf32, #tpu.memory_space<vmem>>) target(%dma_start3A_125 : memref<10000x128xf32, #tpu.memory_space<vmem_shared>>) offsets(%dma_start3A_122 : memref<80xi32, #tpu.memory_space<vmem>>) semaphore(%run_scoped3A_119 : memref<!tpu.dma_semaphore, #tpu.memory_space<semaphore_mem>>) {add = true}
          %dma_wait3A_126 = arith.constant 0 : i32
          %dma_wait3A_127 = tpu.memref_slice %arg9[%add3A_104, %dma_wait3A_126] : memref<25x80xi32, #tpu.memory_space<vmem>> -> memref<1x80xi32, #tpu.memory_space<vmem>>
          %dma_wait3A_128 = tpu.memref_squeeze %dma_wait3A_127 : memref<1x80xi32, #tpu.memory_space<vmem>> -> memref<80xi32, #tpu.memory_space<vmem>>
          %dma_wait3A_129 = arith.constant 0 : i32
          %dma_wait3A_130 = arith.constant 0 : i32
          %dma_wait3A_131 = tpu.memref_slice %arg16[%dma_wait3A_129, %dma_wait3A_130] : memref<10000x128xf32, #tpu.memory_space<vmem_shared>> -> memref<10000x128xf32, #tpu.memory_space<vmem_shared>>
          tpu.wait_indirect_dma semaphore(%run_scoped3A_119 : memref<!tpu.dma_semaphore, #tpu.memory_space<semaphore_mem>>) src(%arg12 : memref<80x128xf32, #tpu.memory_space<vmem>>) dst(%dma_wait3A_131 : memref<10000x128xf32, #tpu.memory_space<vmem_shared>>)
          tpu.yield
        }) : () -> ()
        %scan3A_118 = arith.constant 0 : i32
        scf.yield %scan3A_118 : i32
      }
      %scan3A_55 = arith.constant 12 : i32
      %dma_wait3A_56 = arith.constant 0 : i32
      %dma_wait3A_57 = arith.constant 0 : i32
      %dma_wait3A_58 = tpu.memref_slice %arg5[%dma_wait3A_56, %dma_wait3A_57] : memref<10000x128xf32, #tpu.memory_space<hbm>> -> memref<80x128xf32, #tpu.memory_space<hbm>>
      %dma_wait3A_59 = arith.constant 0 : i32
      %dma_wait3A_60 = arith.constant 0 : i32
      %dma_wait3A_61 = tpu.memref_slice %arg5[%dma_wait3A_59, %dma_wait3A_60] : memref<10000x128xf32, #tpu.memory_space<hbm>> -> memref<80x128xf32, #tpu.memory_space<hbm>>
      tpu.wait_dma2 semaphore(%arg14 : memref<!tpu.dma_semaphore, #tpu.memory_space<semaphore_mem>>) src(%dma_wait3A_61 : memref<80x128xf32, #tpu.memory_space<hbm>>) dst(%arg11 : memref<80x128xf32, #tpu.memory_space<vmem>>)
      %scan3A_62 = arith.constant 0 : i32
      %scan3A_63 = arith.constant 0 : i32
      %scan3A_64 = arith.constant 5 : i32
      %scan3A_65 = arith.addi %scan3A_63, %scan3A_64 : i32
      %scan3A_66 = arith.constant 1 : i32
      %scan3A_67 = scf.for %scan3A_70 = %scan3A_63 to %scan3A_65 step %scan3A_66 iter_args(%scan3A_71 = %scan3A_62) -> (i32)  : i32 {
        %mul3A_72 = arith.constant 16 : i32
        %mul3A_73 = arith.muli %scan3A_70, %mul3A_72 : i32
        %add3A_74 = arith.constant 1920 : i32
        %add3A_75 = arith.addi %add3A_74, %mul3A_73 : i32
        %get3A = arith.index_cast %add3A_75 : i32 to index
        %get3A_76 = tpu.vector_load %arg10[%get3A] {strides = array<i32>} : memref<2000xf32, #tpu.memory_space<vmem>>, vector<16xf32>,
        %get3A_77 = vector.shape_cast %get3A_76 : vector<16xf32> to vector<16xf32>
        %mul3A_78 = arith.constant 16 : i32
        %mul3A_79 = arith.muli %scan3A_70, %mul3A_78 : i32
        %add3A_80 = arith.constant 0 : i32
        %add3A_81 = arith.addi %mul3A_79, %add3A_80 : i32
        %slice3A = vector.extract_strided_slice %get3A_77 {offsets = [0], sizes = [1], strides = [1]} : vector<16xf32> to vector<1xf32>
        %squeeze3A = vector.extract %slice3A[0] : f32 from vector<1xf32>
        %broadcast_in_dim3A = vector.broadcast %squeeze3A : f32 to vector<16xf32>
        %get3A_82 = arith.index_cast %add3A_81 : i32 to index
        %get3A_83 = arith.constant 0 : index
        %get3A_84 = tpu.vector_load %arg11[%get3A_82, %get3A_83] {strides = array<i32>} : memref<80x128xf32, #tpu.memory_space<vmem>>, vector<1x16xf32>,
        %get3A_85 = vector.shape_cast %get3A_84 : vector<1x16xf32> to vector<16xf32>
        %mul3A_86 = arith.mulf %get3A_85, %broadcast_in_dim3A : vector<16xf32>
        %swap3A = arith.index_cast %add3A_81 : i32 to index
        %swap3A_87 = arith.constant 0 : index
        %swap3A_88 = tpu.vector_load %arg11[%swap3A, %swap3A_87] {strides = array<i32>} : memref<80x128xf32, #tpu.memory_space<vmem>>, vector<1x16xf32>,
        %swap3A_89 = vector.shape_cast %swap3A_88 : vector<1x16xf32> to vector<16xf32>
        %swap3A_90 = vector.shape_cast %mul3A_86 : vector<16xf32> to vector<1x16xf32>
        tpu.vector_store %arg11[%swap3A, %swap3A_87], %swap3A_90 {strides = array<i32>} : memref<80x128xf32, #tpu.memory_space<vmem>>, vector<1x16xf32>,
        %get3A_91 = arith.index_cast %add3A_81 : i32 to index
        %get3A_92 = arith.constant 16 : index
        %get3A_93 = tpu.vector_load %arg11[%get3A_91, %get3A_92] {strides = array<i32>} : memref<80x128xf32, #tpu.memory_space<vmem>>, vector<1x16xf32>,
        %get3A_94 = vector.shape_cast %get3A_93 : vector<1x16xf32> to vector<16xf32>
        %mul3A_95 = arith.mulf %get3A_94, %broadcast_in_dim3A : vector<16xf32>
        %swap3A_96 = arith.index_cast %add3A_81 : i32 to index
        %swap3A_97 = arith.constant 16 : index
        %swap3A_98 = tpu.vector_load %arg11[%swap3A_96, %swap3A_97] {strides = array<i32>} : memref<80x128xf32, #tpu.memory_space<vmem>>, vector<1x16xf32>,
        %swap3A_99 = vector.shape_cast %swap3A_98 : vector<1x16xf32> to vector<16xf32>
        %swap3A_100 = vector.shape_cast %mul3A_95 : vector<16xf32> to vector<1x16xf32>
        tpu.vector_store %arg11[%swap3A_96, %swap3A_97], %swap3A_100 {strides = array<i32>} : memref<80x128xf32, #tpu.memory_space<vmem>>, vector<1x16xf32>,
        %get3A_101 = arith.index_cast %add3A_81 : i32 to index
        %get3A_102 = arith.constant 32 : index
        %get3A_103 = tpu.vector_load %arg11[%get3A_101, %get3A_102] {strides = array<i32>} : memref<80x128xf32, #tpu.memory_space<vmem>>, vector<1x16xf32>,
        %get3A_104 = vector.shape_cast %get3A_103 : vector<1x16xf32> to vector<16xf32>
        %mul3A_105 = arith.mulf %get3A_104, %broadcast_in_dim3A : vector<16xf32>
        %swap3A_106 = arith.index_cast %add3A_81 : i32 to index
        %swap3A_107 = arith.constant 32 : index
        %swap3A_108 = tpu.vector_load %arg11[%swap3A_106, %swap3A_107] {strides = array<i32>} : memref<80x128xf32, #tpu.memory_space<vmem>>, vector<1x16xf32>,
        %swap3A_109 = vector.shape_cast %swap3A_108 : vector<1x16xf32> to vector<16xf32>
        %swap3A_110 = vector.shape_cast %mul3A_105 : vector<16xf32> to vector<1x16xf32>
        tpu.vector_store %arg11[%swap3A_106, %swap3A_107], %swap3A_110 {strides = array<i32>} : memref<80x128xf32, #tpu.memory_space<vmem>>, vector<1x16xf32>,
        %get3A_111 = arith.index_cast %add3A_81 : i32 to index
        %get3A_112 = arith.constant 48 : index
        %get3A_113 = tpu.vector_load %arg11[%get3A_111, %get3A_112] {strides = array<i32>} : memref<80x128xf32, #tpu.memory_space<vmem>>, vector<1x16xf32>,
        %get3A_114 = vector.shape_cast %get3A_113 : vector<1x16xf32> to vector<16xf32>
        %mul3A_115 = arith.mulf %get3A_114, %broadcast_in_dim3A : vector<16xf32>
        %swap3A_116 = arith.index_cast %add3A_81 : i32 to index
        %swap3A_117 = arith.constant 48 : index
        %swap3A_118 = tpu.vector_load %arg11[%swap3A_116, %swap3A_117] {strides = array<i32>} : memref<80x128xf32, #tpu.memory_space<vmem>>, vector<1x16xf32>,
        %swap3A_119 = vector.shape_cast %swap3A_118 : vector<1x16xf32> to vector<16xf32>
        %swap3A_120 = vector.shape_cast %mul3A_115 : vector<16xf32> to vector<1x16xf32>
        tpu.vector_store %arg11[%swap3A_116, %swap3A_117], %swap3A_120 {strides = array<i32>} : memref<80x128xf32, #tpu.memory_space<vmem>>, vector<1x16xf32>,
        %get3A_121 = arith.index_cast %add3A_81 : i32 to index
        %get3A_122 = arith.constant 64 : index
        %get3A_123 = tpu.vector_load %arg11[%get3A_121, %get3A_122] {strides = array<i32>} : memref<80x128xf32, #tpu.memory_space<vmem>>, vector<1x16xf32>,
        %get3A_124 = vector.shape_cast %get3A_123 : vector<1x16xf32> to vector<16xf32>
        %mul3A_125 = arith.mulf %get3A_124, %broadcast_in_dim3A : vector<16xf32>
        %swap3A_126 = arith.index_cast %add3A_81 : i32 to index
        %swap3A_127 = arith.constant 64 : index
        %swap3A_128 = tpu.vector_load %arg11[%swap3A_126, %swap3A_127] {strides = array<i32>} : memref<80x128xf32, #tpu.memory_space<vmem>>, vector<1x16xf32>,
        %swap3A_129 = vector.shape_cast %swap3A_128 : vector<1x16xf32> to vector<16xf32>
        %swap3A_130 = vector.shape_cast %mul3A_125 : vector<16xf32> to vector<1x16xf32>
        tpu.vector_store %arg11[%swap3A_126, %swap3A_127], %swap3A_130 {strides = array<i32>} : memref<80x128xf32, #tpu.memory_space<vmem>>, vector<1x16xf32>,
        %get3A_131 = arith.index_cast %add3A_81 : i32 to index
        %get3A_132 = arith.constant 80 : index
        %get3A_133 = tpu.vector_load %arg11[%get3A_131, %get3A_132] {strides = array<i32>} : memref<80x128xf32, #tpu.memory_space<vmem>>, vector<1x16xf32>,
        %get3A_134 = vector.shape_cast %get3A_133 : vector<1x16xf32> to vector<16xf32>
        %mul3A_135 = arith.mulf %get3A_134, %broadcast_in_dim3A : vector<16xf32>
        %swap3A_136 = arith.index_cast %add3A_81 : i32 to index
        %swap3A_137 = arith.constant 80 : index
        %swap3A_138 = tpu.vector_load %arg11[%swap3A_136, %swap3A_137] {strides = array<i32>} : memref<80x128xf32, #tpu.memory_space<vmem>>, vector<1x16xf32>,
        %swap3A_139 = vector.shape_cast %swap3A_138 : vector<1x16xf32> to vector<16xf32>
        %swap3A_140 = vector.shape_cast %mul3A_135 : vector<16xf32> to vector<1x16xf32>
        tpu.vector_store %arg11[%swap3A_136, %swap3A_137], %swap3A_140 {strides = array<i32>} : memref<80x128xf32, #tpu.memory_space<vmem>>, vector<1x16xf32>,
        %get3A_141 = arith.index_cast %add3A_81 : i32 to index
        %get3A_142 = arith.constant 96 : index
        %get3A_143 = tpu.vector_load %arg11[%get3A_141, %get3A_142] {strides = array<i32>} : memref<80x128xf32, #tpu.memory_space<vmem>>, vector<1x16xf32>,
        %get3A_144 = vector.shape_cast %get3A_143 : vector<1x16xf32> to vector<16xf32>
        %mul3A_145 = arith.mulf %get3A_144, %broadcast_in_dim3A : vector<16xf32>
        %swap3A_146 = arith.index_cast %add3A_81 : i32 to index
        %swap3A_147 = arith.constant 96 : index
        %swap3A_148 = tpu.vector_load %arg11[%swap3A_146, %swap3A_147] {strides = array<i32>} : memref<80x128xf32, #tpu.memory_space<vmem>>, vector<1x16xf32>,
        %swap3A_149 = vector.shape_cast %swap3A_148 : vector<1x16xf32> to vector<16xf32>
        %swap3A_150 = vector.shape_cast %mul3A_145 : vector<16xf32> to vector<1x16xf32>
        tpu.vector_store %arg11[%swap3A_146, %swap3A_147], %swap3A_150 {strides = array<i32>} : memref<80x128xf32, #tpu.memory_space<vmem>>, vector<1x16xf32>,
        %get3A_151 = arith.index_cast %add3A_81 : i32 to index
        %get3A_152 = arith.constant 112 : index
        %get3A_153 = tpu.vector_load %arg11[%get3A_151, %get3A_152] {strides = array<i32>} : memref<80x128xf32, #tpu.memory_space<vmem>>, vector<1x16xf32>,
        %get3A_154 = vector.shape_cast %get3A_153 : vector<1x16xf32> to vector<16xf32>
        %mul3A_155 = arith.mulf %get3A_154, %broadcast_in_dim3A : vector<16xf32>
        %swap3A_156 = arith.index_cast %add3A_81 : i32 to index
        %swap3A_157 = arith.constant 112 : index
        %swap3A_158 = tpu.vector_load %arg11[%swap3A_156, %swap3A_157] {strides = array<i32>} : memref<80x128xf32, #tpu.memory_space<vmem>>, vector<1x16xf32>,
        %swap3A_159 = vector.shape_cast %swap3A_158 : vector<1x16xf32> to vector<16xf32>
        %swap3A_160 = vector.shape_cast %mul3A_155 : vector<16xf32> to vector<1x16xf32>
        tpu.vector_store %arg11[%swap3A_156, %swap3A_157], %swap3A_160 {strides = array<i32>} : memref<80x128xf32, #tpu.memory_space<vmem>>, vector<1x16xf32>,
        %mul3A_161 = arith.constant 16 : i32
        %mul3A_162 = arith.muli %scan3A_70, %mul3A_161 : i32
        %add3A_163 = arith.constant 1 : i32
        %add3A_164 = arith.addi %mul3A_162, %add3A_163 : i32
        %slice3A_165 = vector.extract_strided_slice %get3A_77 {offsets = [1], sizes = [1], strides = [1]} : vector<16xf32> to vector<1xf32>
        %squeeze3A_166 = vector.extract %slice3A_165[0] : f32 from vector<1xf32>
        %broadcast_in_dim3A_167 = vector.broadcast %squeeze3A_166 : f32 to vector<16xf32>
        %get3A_168 = arith.index_cast %add3A_164 : i32 to index
        %get3A_169 = arith.constant 0 : index
        %get3A_170 = tpu.vector_load %arg11[%get3A_168, %get3A_169] {strides = array<i32>} : memref<80x128xf32, #tpu.memory_space<vmem>>, vector<1x16xf32>,
        %get3A_171 = vector.shape_cast %get3A_170 : vector<1x16xf32> to vector<16xf32>
        %mul3A_172 = arith.mulf %get3A_171, %broadcast_in_dim3A_167 : vector<16xf32>
        %swap3A_173 = arith.index_cast %add3A_164 : i32 to index
        %swap3A_174 = arith.constant 0 : index
        %swap3A_175 = tpu.vector_load %arg11[%swap3A_173, %swap3A_174] {strides = array<i32>} : memref<80x128xf32, #tpu.memory_space<vmem>>, vector<1x16xf32>,
        %swap3A_176 = vector.shape_cast %swap3A_175 : vector<1x16xf32> to vector<16xf32>
        %swap3A_177 = vector.shape_cast %mul3A_172 : vector<16xf32> to vector<1x16xf32>
        tpu.vector_store %arg11[%swap3A_173, %swap3A_174], %swap3A_177 {strides = array<i32>} : memref<80x128xf32, #tpu.memory_space<vmem>>, vector<1x16xf32>,
        %get3A_178 = arith.index_cast %add3A_164 : i32 to index
        %get3A_179 = arith.constant 16 : index
        %get3A_180 = tpu.vector_load %arg11[%get3A_178, %get3A_179] {strides = array<i32>} : memref<80x128xf32, #tpu.memory_space<vmem>>, vector<1x16xf32>,
        %get3A_181 = vector.shape_cast %get3A_180 : vector<1x16xf32> to vector<16xf32>
        %mul3A_182 = arith.mulf %get3A_181, %broadcast_in_dim3A_167 : vector<16xf32>
        %swap3A_183 = arith.index_cast %add3A_164 : i32 to index
        %swap3A_184 = arith.constant 16 : index
        %swap3A_185 = tpu.vector_load %arg11[%swap3A_183, %swap3A_184] {strides = array<i32>} : memref<80x128xf32, #tpu.memory_space<vmem>>, vector<1x16xf32>,
        %swap3A_186 = vector.shape_cast %swap3A_185 : vector<1x16xf32> to vector<16xf32>
        %swap3A_187 = vector.shape_cast %mul3A_182 : vector<16xf32> to vector<1x16xf32>
        tpu.vector_store %arg11[%swap3A_183, %swap3A_184], %swap3A_187 {strides = array<i32>} : memref<80x128xf32, #tpu.memory_space<vmem>>, vector<1x16xf32>,
        %get3A_188 = arith.index_cast %add3A_164 : i32 to index
        %get3A_189 = arith.constant 32 : index
        %get3A_190 = tpu.vector_load %arg11[%get3A_188, %get3A_189] {strides = array<i32>} : memref<80x128xf32, #tpu.memory_space<vmem>>, vector<1x16xf32>,
        %get3A_191 = vector.shape_cast %get3A_190 : vector<1x16xf32> to vector<16xf32>
        %mul3A_192 = arith.mulf %get3A_191, %broadcast_in_dim3A_167 : vector<16xf32>
        %swap3A_193 = arith.index_cast %add3A_164 : i32 to index
        %swap3A_194 = arith.constant 32 : index
        %swap3A_195 = tpu.vector_load %arg11[%swap3A_193, %swap3A_194] {strides = array<i32>} : memref<80x128xf32, #tpu.memory_space<vmem>>, vector<1x16xf32>,
        %swap3A_196 = vector.shape_cast %swap3A_195 : vector<1x16xf32> to vector<16xf32>
        %swap3A_197 = vector.shape_cast %mul3A_192 : vector<16xf32> to vector<1x16xf32>
        tpu.vector_store %arg11[%swap3A_193, %swap3A_194], %swap3A_197 {strides = array<i32>} : memref<80x128xf32, #tpu.memory_space<vmem>>, vector<1x16xf32>,
        %get3A_198 = arith.index_cast %add3A_164 : i32 to index
        %get3A_199 = arith.constant 48 : index
        %get3A_200 = tpu.vector_load %arg11[%get3A_198, %get3A_199] {strides = array<i32>} : memref<80x128xf32, #tpu.memory_space<vmem>>, vector<1x16xf32>,
        %get3A_201 = vector.shape_cast %get3A_200 : vector<1x16xf32> to vector<16xf32>
        %mul3A_202 = arith.mulf %get3A_201, %broadcast_in_dim3A_167 : vector<16xf32>
        %swap3A_203 = arith.index_cast %add3A_164 : i32 to index
        %swap3A_204 = arith.constant 48 : index
        %swap3A_205 = tpu.vector_load %arg11[%swap3A_203, %swap3A_204] {strides = array<i32>} : memref<80x128xf32, #tpu.memory_space<vmem>>, vector<1x16xf32>,
        %swap3A_206 = vector.shape_cast %swap3A_205 : vector<1x16xf32> to vector<16xf32>
        %swap3A_207 = vector.shape_cast %mul3A_202 : vector<16xf32> to vector<1x16xf32>
        tpu.vector_store %arg11[%swap3A_203, %swap3A_204], %swap3A_207 {strides = array<i32>} : memref<80x128xf32, #tpu.memory_space<vmem>>, vector<1x16xf32>,
        %get3A_208 = arith.index_cast %add3A_164 : i32 to index
        %get3A_209 = arith.constant 64 : index
        %get3A_210 = tpu.vector_load %arg11[%get3A_208, %get3A_209] {strides = array<i32>} : memref<80x128xf32, #tpu.memory_space<vmem>>, vector<1x16xf32>,
        %get3A_211 = vector.shape_cast %get3A_210 : vector<1x16xf32> to vector<16xf32>
        %mul3A_212 = arith.mulf %get3A_211, %broadcast_in_dim3A_167 : vector<16xf32>
        %swap3A_213 = arith.index_cast %add3A_164 : i32 to index
        %swap3A_214 = arith.constant 64 : index
        %swap3A_215 = tpu.vector_load %arg11[%swap3A_213, %swap3A_214] {strides = array<i32>} : memref<80x128xf32, #tpu.memory_space<vmem>>, vector<1x16xf32>,
        %swap3A_216 = vector.shape_cast %swap3A_215 : vector<1x16xf32> to vector<16xf32>
        %swap3A_217 = vector.shape_cast %mul3A_212 : vector<16xf32> to vector<1x16xf32>
        tpu.vector_store %arg11[%swap3A_213, %swap3A_214], %swap3A_217 {strides = array<i32>} : memref<80x128xf32, #tpu.memory_space<vmem>>, vector<1x16xf32>,
        %get3A_218 = arith.index_cast %add3A_164 : i32 to index
        %get3A_219 = arith.constant 80 : index
        %get3A_220 = tpu.vector_load %arg11[%get3A_218, %get3A_219] {strides = array<i32>} : memref<80x128xf32, #tpu.memory_space<vmem>>, vector<1x16xf32>,
        %get3A_221 = vector.shape_cast %get3A_220 : vector<1x16xf32> to vector<16xf32>
        %mul3A_222 = arith.mulf %get3A_221, %broadcast_in_dim3A_167 : vector<16xf32>
        %swap3A_223 = arith.index_cast %add3A_164 : i32 to index
        %swap3A_224 = arith.constant 80 : index
        %swap3A_225 = tpu.vector_load %arg11[%swap3A_223, %swap3A_224] {strides = array<i32>} : memref<80x128xf32, #tpu.memory_space<vmem>>, vector<1x16xf32>,
        %swap3A_226 = vector.shape_cast %swap3A_225 : vector<1x16xf32> to vector<16xf32>
        %swap3A_227 = vector.shape_cast %mul3A_222 : vector<16xf32> to vector<1x16xf32>
        tpu.vector_store %arg11[%swap3A_223, %swap3A_224], %swap3A_227 {strides = array<i32>} : memref<80x128xf32, #tpu.memory_space<vmem>>, vector<1x16xf32>,
        %get3A_228 = arith.index_cast %add3A_164 : i32 to index
        %get3A_229 = arith.constant 96 : index
        %get3A_230 = tpu.vector_load %arg11[%get3A_228, %get3A_229] {strides = array<i32>} : memref<80x128xf32, #tpu.memory_space<vmem>>, vector<1x16xf32>,
        %get3A_231 = vector.shape_cast %get3A_230 : vector<1x16xf32> to vector<16xf32>
        %mul3A_232 = arith.mulf %get3A_231, %broadcast_in_dim3A_167 : vector<16xf32>
        %swap3A_233 = arith.index_cast %add3A_164 : i32 to index
        %swap3A_234 = arith.constant 96 : index
        %swap3A_235 = tpu.vector_load %arg11[%swap3A_233, %swap3A_234] {strides = array<i32>} : memref<80x128xf32, #tpu.memory_space<vmem>>, vector<1x16xf32>,
        %swap3A_236 = vector.shape_cast %swap3A_235 : vector<1x16xf32> to vector<16xf32>
        %swap3A_237 = vector.shape_cast %mul3A_232 : vector<16xf32> to vector<1x16xf32>
        tpu.vector_store %arg11[%swap3A_233, %swap3A_234], %swap3A_237 {strides = array<i32>} : memref<80x128xf32, #tpu.memory_space<vmem>>, vector<1x16xf32>,
        %get3A_238 = arith.index_cast %add3A_164 : i32 to index
        %get3A_239 = arith.constant 112 : index
        %get3A_240 = tpu.vector_load %arg11[%get3A_238, %get3A_239] {strides = array<i32>} : memref<80x128xf32, #tpu.memory_space<vmem>>, vector<1x16xf32>,
        %get3A_241 = vector.shape_cast %get3A_240 : vector<1x16xf32> to vector<16xf32>
        %mul3A_242 = arith.mulf %get3A_241, %broadcast_in_dim3A_167 : vector<16xf32>
        %swap3A_243 = arith.index_cast %add3A_164 : i32 to index
        %swap3A_244 = arith.constant 112 : index
        %swap3A_245 = tpu.vector_load %arg11[%swap3A_243, %swap3A_244] {strides = array<i32>} : memref<80x128xf32, #tpu.memory_space<vmem>>, vector<1x16xf32>,
        %swap3A_246 = vector.shape_cast %swap3A_245 : vector<1x16xf32> to vector<16xf32>
        %swap3A_247 = vector.shape_cast %mul3A_242 : vector<16xf32> to vector<1x16xf32>
        tpu.vector_store %arg11[%swap3A_243, %swap3A_244], %swap3A_247 {strides = array<i32>} : memref<80x128xf32, #tpu.memory_space<vmem>>, vector<1x16xf32>,
        %mul3A_248 = arith.constant 16 : i32
        %mul3A_249 = arith.muli %scan3A_70, %mul3A_248 : i32
        %add3A_250 = arith.constant 2 : i32
        %add3A_251 = arith.addi %mul3A_249, %add3A_250 : i32
        %slice3A_252 = vector.extract_strided_slice %get3A_77 {offsets = [2], sizes = [1], strides = [1]} : vector<16xf32> to vector<1xf32>
        %squeeze3A_253 = vector.extract %slice3A_252[0] : f32 from vector<1xf32>
        %broadcast_in_dim3A_254 = vector.broadcast %squeeze3A_253 : f32 to vector<16xf32>
        %get3A_255 = arith.index_cast %add3A_251 : i32 to index
        %get3A_256 = arith.constant 0 : index
        %get3A_257 = tpu.vector_load %arg11[%get3A_255, %get3A_256] {strides = array<i32>} : memref<80x128xf32, #tpu.memory_space<vmem>>, vector<1x16xf32>,
        %get3A_258 = vector.shape_cast %get3A_257 : vector<1x16xf32> to vector<16xf32>
        %mul3A_259 = arith.mulf %get3A_258, %broadcast_in_dim3A_254 : vector<16xf32>
        %swap3A_260 = arith.index_cast %add3A_251 : i32 to index
        %swap3A_261 = arith.constant 0 : index
        %swap3A_262 = tpu.vector_load %arg11[%swap3A_260, %swap3A_261] {strides = array<i32>} : memref<80x128xf32, #tpu.memory_space<vmem>>, vector<1x16xf32>,
        %swap3A_263 = vector.shape_cast %swap3A_262 : vector<1x16xf32> to vector<16xf32>
        %swap3A_264 = vector.shape_cast %mul3A_259 : vector<16xf32> to vector<1x16xf32>
        tpu.vector_store %arg11[%swap3A_260, %swap3A_261], %swap3A_264 {strides = array<i32>} : memref<80x128xf32, #tpu.memory_space<vmem>>, vector<1x16xf32>,
        %get3A_265 = arith.index_cast %add3A_251 : i32 to index
        %get3A_266 = arith.constant 16 : index
        %get3A_267 = tpu.vector_load %arg11[%get3A_265, %get3A_266] {strides = array<i32>} : memref<80x128xf32, #tpu.memory_space<vmem>>, vector<1x16xf32>,
        %get3A_268 = vector.shape_cast %get3A_267 : vector<1x16xf32> to vector<16xf32>
        %mul3A_269 = arith.mulf %get3A_268, %broadcast_in_dim3A_254 : vector<16xf32>
        %swap3A_270 = arith.index_cast %add3A_251 : i32 to index
        %swap3A_271 = arith.constant 16 : index
        %swap3A_272 = tpu.vector_load %arg11[%swap3A_270, %swap3A_271] {strides = array<i32>} : memref<80x128xf32, #tpu.memory_space<vmem>>, vector<1x16xf32>,
        %swap3A_273 = vector.shape_cast %swap3A_272 : vector<1x16xf32> to vector<16xf32>
        %swap3A_274 = vector.shape_cast %mul3A_269 : vector<16xf32> to vector<1x16xf32>
        tpu.vector_store %arg11[%swap3A_270, %swap3A_271], %swap3A_274 {strides = array<i32>} : memref<80x128xf32, #tpu.memory_space<vmem>>, vector<1x16xf32>,
        %get3A_275 = arith.index_cast %add3A_251 : i32 to index
        %get3A_276 = arith.constant 32 : index
        %get3A_277 = tpu.vector_load %arg11[%get3A_275, %get3A_276] {strides = array<i32>} : memref<80x128xf32, #tpu.memory_space<vmem>>, vector<1x16xf32>,
        %get3A_278 = vector.shape_cast %get3A_277 : vector<1x16xf32> to vector<16xf32>
        %mul3A_279 = arith.mulf %get3A_278, %broadcast_in_dim3A_254 : vector<16xf32>
        %swap3A_280 = arith.index_cast %add3A_251 : i32 to index
        %swap3A_281 = arith.constant 32 : index
        %swap3A_282 = tpu.vector_load %arg11[%swap3A_280, %swap3A_281] {strides = array<i32>} : memref<80x128xf32, #tpu.memory_space<vmem>>, vector<1x16xf32>,
        %swap3A_283 = vector.shape_cast %swap3A_282 : vector<1x16xf32> to vector<16xf32>
        %swap3A_284 = vector.shape_cast %mul3A_279 : vector<16xf32> to vector<1x16xf32>
        tpu.vector_store %arg11[%swap3A_280, %swap3A_281], %swap3A_284 {strides = array<i32>} : memref<80x128xf32, #tpu.memory_space<vmem>>, vector<1x16xf32>,
        %get3A_285 = arith.index_cast %add3A_251 : i32 to index
        %get3A_286 = arith.constant 48 : index
        %get3A_287 = tpu.vector_load %arg11[%get3A_285, %get3A_286] {strides = array<i32>} : memref<80x128xf32, #tpu.memory_space<vmem>>, vector<1x16xf32>,
        %get3A_288 = vector.shape_cast %get3A_287 : vector<1x16xf32> to vector<16xf32>
        %mul3A_289 = arith.mulf %get3A_288, %broadcast_in_dim3A_254 : vector<16xf32>
        %swap3A_290 = arith.index_cast %add3A_251 : i32 to index
        %swap3A_291 = arith.constant 48 : index
        %swap3A_292 = tpu.vector_load %arg11[%swap3A_290, %swap3A_291] {strides = array<i32>} : memref<80x128xf32, #tpu.memory_space<vmem>>, vector<1x16xf32>,
        %swap3A_293 = vector.shape_cast %swap3A_292 : vector<1x16xf32> to vector<16xf32>
        %swap3A_294 = vector.shape_cast %mul3A_289 : vector<16xf32> to vector<1x16xf32>
        tpu.vector_store %arg11[%swap3A_290, %swap3A_291], %swap3A_294 {strides = array<i32>} : memref<80x128xf32, #tpu.memory_space<vmem>>, vector<1x16xf32>,
        %get3A_295 = arith.index_cast %add3A_251 : i32 to index
        %get3A_296 = arith.constant 64 : index
        %get3A_297 = tpu.vector_load %arg11[%get3A_295, %get3A_296] {strides = array<i32>} : memref<80x128xf32, #tpu.memory_space<vmem>>, vector<1x16xf32>,
        %get3A_298 = vector.shape_cast %get3A_297 : vector<1x16xf32> to vector<16xf32>
        %mul3A_299 = arith.mulf %get3A_298, %broadcast_in_dim3A_254 : vector<16xf32>
        %swap3A_300 = arith.index_cast %add3A_251 : i32 to index
        %swap3A_301 = arith.constant 64 : index
        %swap3A_302 = tpu.vector_load %arg11[%swap3A_300, %swap3A_301] {strides = array<i32>} : memref<80x128xf32, #tpu.memory_space<vmem>>, vector<1x16xf32>,
        %swap3A_303 = vector.shape_cast %swap3A_302 : vector<1x16xf32> to vector<16xf32>
        %swap3A_304 = vector.shape_cast %mul3A_299 : vector<16xf32> to vector<1x16xf32>
        tpu.vector_store %arg11[%swap3A_300, %swap3A_301], %swap3A_304 {strides = array<i32>} : memref<80x128xf32, #tpu.memory_space<vmem>>, vector<1x16xf32>,
        %get3A_305 = arith.index_cast %add3A_251 : i32 to index
        %get3A_306 = arith.constant 80 : index
        %get3A_307 = tpu.vector_load %arg11[%get3A_305, %get3A_306] {strides = array<i32>} : memref<80x128xf32, #tpu.memory_space<vmem>>, vector<1x16xf32>,
        %get3A_308 = vector.shape_cast %get3A_307 : vector<1x16xf32> to vector<16xf32>
        %mul3A_309 = arith.mulf %get3A_308, %broadcast_in_dim3A_254 : vector<16xf32>
        %swap3A_310 = arith.index_cast %add3A_251 : i32 to index
        %swap3A_311 = arith.constant 80 : index
        %swap3A_312 = tpu.vector_load %arg11[%swap3A_310, %swap3A_311] {strides = array<i32>} : memref<80x128xf32, #tpu.memory_space<vmem>>, vector<1x16xf32>,
        %swap3A_313 = vector.shape_cast %swap3A_312 : vector<1x16xf32> to vector<16xf32>
        %swap3A_314 = vector.shape_cast %mul3A_309 : vector<16xf32> to vector<1x16xf32>
        tpu.vector_store %arg11[%swap3A_310, %swap3A_311], %swap3A_314 {strides = array<i32>} : memref<80x128xf32, #tpu.memory_space<vmem>>, vector<1x16xf32>,
        %get3A_315 = arith.index_cast %add3A_251 : i32 to index
        %get3A_316 = arith.constant 96 : index
        %get3A_317 = tpu.vector_load %arg11[%get3A_315, %get3A_316] {strides = array<i32>} : memref<80x128xf32, #tpu.memory_space<vmem>>, vector<1x16xf32>,
        %get3A_318 = vector.shape_cast %get3A_317 : vector<1x16xf32> to vector<16xf32>
        %mul3A_319 = arith.mulf %get3A_318, %broadcast_in_dim3A_254 : vector<16xf32>
        %swap3A_320 = arith.index_cast %add3A_251 : i32 to index
        %swap3A_321 = arith.constant 96 : index
        %swap3A_322 = tpu.vector_load %arg11[%swap3A_320, %swap3A_321] {strides = array<i32>} : memref<80x128xf32, #tpu.memory_space<vmem>>, vector<1x16xf32>,
        %swap3A_323 = vector.shape_cast %swap3A_322 : vector<1x16xf32> to vector<16xf32>
        %swap3A_324 = vector.shape_cast %mul3A_319 : vector<16xf32> to vector<1x16xf32>
        tpu.vector_store %arg11[%swap3A_320, %swap3A_321], %swap3A_324 {strides = array<i32>} : memref<80x128xf32, #tpu.memory_space<vmem>>, vector<1x16xf32>,
        %get3A_325 = arith.index_cast %add3A_251 : i32 to index
        %get3A_326 = arith.constant 112 : index
        %get3A_327 = tpu.vector_load %arg11[%get3A_325, %get3A_326] {strides = array<i32>} : memref<80x128xf32, #tpu.memory_space<vmem>>, vector<1x16xf32>,
        %get3A_328 = vector.shape_cast %get3A_327 : vector<1x16xf32> to vector<16xf32>
        %mul3A_329 = arith.mulf %get3A_328, %broadcast_in_dim3A_254 : vector<16xf32>
        %swap3A_330 = arith.index_cast %add3A_251 : i32 to index
        %swap3A_331 = arith.constant 112 : index
        %swap3A_332 = tpu.vector_load %arg11[%swap3A_330, %swap3A_331] {strides = array<i32>} : memref<80x128xf32, #tpu.memory_space<vmem>>, vector<1x16xf32>,
        %swap3A_333 = vector.shape_cast %swap3A_332 : vector<1x16xf32> to vector<16xf32>
        %swap3A_334 = vector.shape_cast %mul3A_329 : vector<16xf32> to vector<1x16xf32>
        tpu.vector_store %arg11[%swap3A_330, %swap3A_331], %swap3A_334 {strides = array<i32>} : memref<80x128xf32, #tpu.memory_space<vmem>>, vector<1x16xf32>,
        %mul3A_335 = arith.constant 16 : i32
        %mul3A_336 = arith.muli %scan3A_70, %mul3A_335 : i32
        %add3A_337 = arith.constant 3 : i32
        %add3A_338 = arith.addi %mul3A_336, %add3A_337 : i32
        %slice3A_339 = vector.extract_strided_slice %get3A_77 {offsets = [3], sizes = [1], strides = [1]} : vector<16xf32> to vector<1xf32>
        %squeeze3A_340 = vector.extract %slice3A_339[0] : f32 from vector<1xf32>
        %broadcast_in_dim3A_341 = vector.broadcast %squeeze3A_340 : f32 to vector<16xf32>
        %get3A_342 = arith.index_cast %add3A_338 : i32 to index
        %get3A_343 = arith.constant 0 : index
        %get3A_344 = tpu.vector_load %arg11[%get3A_342, %get3A_343] {strides = array<i32>} : memref<80x128xf32, #tpu.memory_space<vmem>>, vector<1x16xf32>,
        %get3A_345 = vector.shape_cast %get3A_344 : vector<1x16xf32> to vector<16xf32>
        %mul3A_346 = arith.mulf %get3A_345, %broadcast_in_dim3A_341 : vector<16xf32>
        %swap3A_347 = arith.index_cast %add3A_338 : i32 to index
        %swap3A_348 = arith.constant 0 : index
        %swap3A_349 = tpu.vector_load %arg11[%swap3A_347, %swap3A_348] {strides = array<i32>} : memref<80x128xf32, #tpu.memory_space<vmem>>, vector<1x16xf32>,
        %swap3A_350 = vector.shape_cast %swap3A_349 : vector<1x16xf32> to vector<16xf32>
        %swap3A_351 = vector.shape_cast %mul3A_346 : vector<16xf32> to vector<1x16xf32>
        tpu.vector_store %arg11[%swap3A_347, %swap3A_348], %swap3A_351 {strides = array<i32>} : memref<80x128xf32, #tpu.memory_space<vmem>>, vector<1x16xf32>,
        %get3A_352 = arith.index_cast %add3A_338 : i32 to index
        %get3A_353 = arith.constant 16 : index
        %get3A_354 = tpu.vector_load %arg11[%get3A_352, %get3A_353] {strides = array<i32>} : memref<80x128xf32, #tpu.memory_space<vmem>>, vector<1x16xf32>,
        %get3A_355 = vector.shape_cast %get3A_354 : vector<1x16xf32> to vector<16xf32>
        %mul3A_356 = arith.mulf %get3A_355, %broadcast_in_dim3A_341 : vector<16xf32>
        %swap3A_357 = arith.index_cast %add3A_338 : i32 to index
        %swap3A_358 = arith.constant 16 : index
        %swap3A_359 = tpu.vector_load %arg11[%swap3A_357, %swap3A_358] {strides = array<i32>} : memref<80x128xf32, #tpu.memory_space<vmem>>, vector<1x16xf32>,
        %swap3A_360 = vector.shape_cast %swap3A_359 : vector<1x16xf32> to vector<16xf32>
        %swap3A_361 = vector.shape_cast %mul3A_356 : vector<16xf32> to vector<1x16xf32>
        tpu.vector_store %arg11[%swap3A_357, %swap3A_358], %swap3A_361 {strides = array<i32>} : memref<80x128xf32, #tpu.memory_space<vmem>>, vector<1x16xf32>,
        %get3A_362 = arith.index_cast %add3A_338 : i32 to index
        %get3A_363 = arith.constant 32 : index
        %get3A_364 = tpu.vector_load %arg11[%get3A_362, %get3A_363] {strides = array<i32>} : memref<80x128xf32, #tpu.memory_space<vmem>>, vector<1x16xf32>,
        %get3A_365 = vector.shape_cast %get3A_364 : vector<1x16xf32> to vector<16xf32>
        %mul3A_366 = arith.mulf %get3A_365, %broadcast_in_dim3A_341 : vector<16xf32>
        %swap3A_367 = arith.index_cast %add3A_338 : i32 to index
        %swap3A_368 = arith.constant 32 : index
        %swap3A_369 = tpu.vector_load %arg11[%swap3A_367, %swap3A_368] {strides = array<i32>} : memref<80x128xf32, #tpu.memory_space<vmem>>, vector<1x16xf32>,
        %swap3A_370 = vector.shape_cast %swap3A_369 : vector<1x16xf32> to vector<16xf32>
        %swap3A_371 = vector.shape_cast %mul3A_366 : vector<16xf32> to vector<1x16xf32>
        tpu.vector_store %arg11[%swap3A_367, %swap3A_368], %swap3A_371 {strides = array<i32>} : memref<80x128xf32, #tpu.memory_space<vmem>>, vector<1x16xf32>,
        %get3A_372 = arith.index_cast %add3A_338 : i32 to index
        %get3A_373 = arith.constant 48 : index
        %get3A_374 = tpu.vector_load %arg11[%get3A_372, %get3A_373] {strides = array<i32>} : memref<80x128xf32, #tpu.memory_space<vmem>>, vector<1x16xf32>,
        %get3A_375 = vector.shape_cast %get3A_374 : vector<1x16xf32> to vector<16xf32>
        %mul3A_376 = arith.mulf %get3A_375, %broadcast_in_dim3A_341 : vector<16xf32>
        %swap3A_377 = arith.index_cast %add3A_338 : i32 to index
        %swap3A_378 = arith.constant 48 : index
        %swap3A_379 = tpu.vector_load %arg11[%swap3A_377, %swap3A_378] {strides = array<i32>} : memref<80x128xf32, #tpu.memory_space<vmem>>, vector<1x16xf32>,
        %swap3A_380 = vector.shape_cast %swap3A_379 : vector<1x16xf32> to vector<16xf32>
        %swap3A_381 = vector.shape_cast %mul3A_376 : vector<16xf32> to vector<1x16xf32>
        tpu.vector_store %arg11[%swap3A_377, %swap3A_378], %swap3A_381 {strides = array<i32>} : memref<80x128xf32, #tpu.memory_space<vmem>>, vector<1x16xf32>,
        %get3A_382 = arith.index_cast %add3A_338 : i32 to index
        %get3A_383 = arith.constant 64 : index
        %get3A_384 = tpu.vector_load %arg11[%get3A_382, %get3A_383] {strides = array<i32>} : memref<80x128xf32, #tpu.memory_space<vmem>>, vector<1x16xf32>,
        %get3A_385 = vector.shape_cast %get3A_384 : vector<1x16xf32> to vector<16xf32>
        %mul3A_386 = arith.mulf %get3A_385, %broadcast_in_dim3A_341 : vector<16xf32>
        %swap3A_387 = arith.index_cast %add3A_338 : i32 to index
        %swap3A_388 = arith.constant 64 : index
        %swap3A_389 = tpu.vector_load %arg11[%swap3A_387, %swap3A_388] {strides = array<i32>} : memref<80x128xf32, #tpu.memory_space<vmem>>, vector<1x16xf32>,
        %swap3A_390 = vector.shape_cast %swap3A_389 : vector<1x16xf32> to vector<16xf32>
        %swap3A_391 = vector.shape_cast %mul3A_386 : vector<16xf32> to vector<1x16xf32>
        tpu.vector_store %arg11[%swap3A_387, %swap3A_388], %swap3A_391 {strides = array<i32>} : memref<80x128xf32, #tpu.memory_space<vmem>>, vector<1x16xf32>,
        %get3A_392 = arith.index_cast %add3A_338 : i32 to index
        %get3A_393 = arith.constant 80 : index
        %get3A_394 = tpu.vector_load %arg11[%get3A_392, %get3A_393] {strides = array<i32>} : memref<80x128xf32, #tpu.memory_space<vmem>>, vector<1x16xf32>,
        %get3A_395 = vector.shape_cast %get3A_394 : vector<1x16xf32> to vector<16xf32>
        %mul3A_396 = arith.mulf %get3A_395, %broadcast_in_dim3A_341 : vector<16xf32>
        %swap3A_397 = arith.index_cast %add3A_338 : i32 to index
        %swap3A_398 = arith.constant 80 : index
        %swap3A_399 = tpu.vector_load %arg11[%swap3A_397, %swap3A_398] {strides = array<i32>} : memref<80x128xf32, #tpu.memory_space<vmem>>, vector<1x16xf32>,
        %swap3A_400 = vector.shape_cast %swap3A_399 : vector<1x16xf32> to vector<16xf32>
        %swap3A_401 = vector.shape_cast %mul3A_396 : vector<16xf32> to vector<1x16xf32>
        tpu.vector_store %arg11[%swap3A_397, %swap3A_398], %swap3A_401 {strides = array<i32>} : memref<80x128xf32, #tpu.memory_space<vmem>>, vector<1x16xf32>,
        %get3A_402 = arith.index_cast %add3A_338 : i32 to index
        %get3A_403 = arith.constant 96 : index
        %get3A_404 = tpu.vector_load %arg11[%get3A_402, %get3A_403] {strides = array<i32>} : memref<80x128xf32, #tpu.memory_space<vmem>>, vector<1x16xf32>,
        %get3A_405 = vector.shape_cast %get3A_404 : vector<1x16xf32> to vector<16xf32>
        %mul3A_406 = arith.mulf %get3A_405, %broadcast_in_dim3A_341 : vector<16xf32>
        %swap3A_407 = arith.index_cast %add3A_338 : i32 to index
        %swap3A_408 = arith.constant 96 : index
        %swap3A_409 = tpu.vector_load %arg11[%swap3A_407, %swap3A_408] {strides = array<i32>} : memref<80x128xf32, #tpu.memory_space<vmem>>, vector<1x16xf32>,
        %swap3A_410 = vector.shape_cast %swap3A_409 : vector<1x16xf32> to vector<16xf32>
        %swap3A_411 = vector.shape_cast %mul3A_406 : vector<16xf32> to vector<1x16xf32>
        tpu.vector_store %arg11[%swap3A_407, %swap3A_408], %swap3A_411 {strides = array<i32>} : memref<80x128xf32, #tpu.memory_space<vmem>>, vector<1x16xf32>,
        %get3A_412 = arith.index_cast %add3A_338 : i32 to index
        %get3A_413 = arith.constant 112 : index
        %get3A_414 = tpu.vector_load %arg11[%get3A_412, %get3A_413] {strides = array<i32>} : memref<80x128xf32, #tpu.memory_space<vmem>>, vector<1x16xf32>,
        %get3A_415 = vector.shape_cast %get3A_414 : vector<1x16xf32> to vector<16xf32>
        %mul3A_416 = arith.mulf %get3A_415, %broadcast_in_dim3A_341 : vector<16xf32>
        %swap3A_417 = arith.index_cast %add3A_338 : i32 to index
        %swap3A_418 = arith.constant 112 : index
        %swap3A_419 = tpu.vector_load %arg11[%swap3A_417, %swap3A_418] {strides = array<i32>} : memref<80x128xf32, #tpu.memory_space<vmem>>, vector<1x16xf32>,
        %swap3A_420 = vector.shape_cast %swap3A_419 : vector<1x16xf32> to vector<16xf32>
        %swap3A_421 = vector.shape_cast %mul3A_416 : vector<16xf32> to vector<1x16xf32>
        tpu.vector_store %arg11[%swap3A_417, %swap3A_418], %swap3A_421 {strides = array<i32>} : memref<80x128xf32, #tpu.memory_space<vmem>>, vector<1x16xf32>,
        %mul3A_422 = arith.constant 16 : i32
        %mul3A_423 = arith.muli %scan3A_70, %mul3A_422 : i32
        %add3A_424 = arith.constant 4 : i32
        %add3A_425 = arith.addi %mul3A_423, %add3A_424 : i32
        %slice3A_426 = vector.extract_strided_slice %get3A_77 {offsets = [4], sizes = [1], strides = [1]} : vector<16xf32> to vector<1xf32>
        %squeeze3A_427 = vector.extract %slice3A_426[0] : f32 from vector<1xf32>
        %broadcast_in_dim3A_428 = vector.broadcast %squeeze3A_427 : f32 to vector<16xf32>
        %get3A_429 = arith.index_cast %add3A_425 : i32 to index
        %get3A_430 = arith.constant 0 : index
        %get3A_431 = tpu.vector_load %arg11[%get3A_429, %get3A_430] {strides = array<i32>} : memref<80x128xf32, #tpu.memory_space<vmem>>, vector<1x16xf32>,
        %get3A_432 = vector.shape_cast %get3A_431 : vector<1x16xf32> to vector<16xf32>
        %mul3A_433 = arith.mulf %get3A_432, %broadcast_in_dim3A_428 : vector<16xf32>
        %swap3A_434 = arith.index_cast %add3A_425 : i32 to index
        %swap3A_435 = arith.constant 0 : index
        %swap3A_436 = tpu.vector_load %arg11[%swap3A_434, %swap3A_435] {strides = array<i32>} : memref<80x128xf32, #tpu.memory_space<vmem>>, vector<1x16xf32>,
        %swap3A_437 = vector.shape_cast %swap3A_436 : vector<1x16xf32> to vector<16xf32>
        %swap3A_438 = vector.shape_cast %mul3A_433 : vector<16xf32> to vector<1x16xf32>
        tpu.vector_store %arg11[%swap3A_434, %swap3A_435], %swap3A_438 {strides = array<i32>} : memref<80x128xf32, #tpu.memory_space<vmem>>, vector<1x16xf32>,
        %get3A_439 = arith.index_cast %add3A_425 : i32 to index
        %get3A_440 = arith.constant 16 : index
        %get3A_441 = tpu.vector_load %arg11[%get3A_439, %get3A_440] {strides = array<i32>} : memref<80x128xf32, #tpu.memory_space<vmem>>, vector<1x16xf32>,
        %get3A_442 = vector.shape_cast %get3A_441 : vector<1x16xf32> to vector<16xf32>
        %mul3A_443 = arith.mulf %get3A_442, %broadcast_in_dim3A_428 : vector<16xf32>
        %swap3A_444 = arith.index_cast %add3A_425 : i32 to index
        %swap3A_445 = arith.constant 16 : index
        %swap3A_446 = tpu.vector_load %arg11[%swap3A_444, %swap3A_445] {strides = array<i32>} : memref<80x128xf32, #tpu.memory_space<vmem>>, vector<1x16xf32>,
        %swap3A_447 = vector.shape_cast %swap3A_446 : vector<1x16xf32> to vector<16xf32>
        %swap3A_448 = vector.shape_cast %mul3A_443 : vector<16xf32> to vector<1x16xf32>
        tpu.vector_store %arg11[%swap3A_444, %swap3A_445], %swap3A_448 {strides = array<i32>} : memref<80x128xf32, #tpu.memory_space<vmem>>, vector<1x16xf32>,
        %get3A_449 = arith.index_cast %add3A_425 : i32 to index
        %get3A_450 = arith.constant 32 : index
        %get3A_451 = tpu.vector_load %arg11[%get3A_449, %get3A_450] {strides = array<i32>} : memref<80x128xf32, #tpu.memory_space<vmem>>, vector<1x16xf32>,
        %get3A_452 = vector.shape_cast %get3A_451 : vector<1x16xf32> to vector<16xf32>
        %mul3A_453 = arith.mulf %get3A_452, %broadcast_in_dim3A_428 : vector<16xf32>
        %swap3A_454 = arith.index_cast %add3A_425 : i32 to index
        %swap3A_455 = arith.constant 32 : index
        %swap3A_456 = tpu.vector_load %arg11[%swap3A_454, %swap3A_455] {strides = array<i32>} : memref<80x128xf32, #tpu.memory_space<vmem>>, vector<1x16xf32>,
        %swap3A_457 = vector.shape_cast %swap3A_456 : vector<1x16xf32> to vector<16xf32>
        %swap3A_458 = vector.shape_cast %mul3A_453 : vector<16xf32> to vector<1x16xf32>
        tpu.vector_store %arg11[%swap3A_454, %swap3A_455], %swap3A_458 {strides = array<i32>} : memref<80x128xf32, #tpu.memory_space<vmem>>, vector<1x16xf32>,
        %get3A_459 = arith.index_cast %add3A_425 : i32 to index
        %get3A_460 = arith.constant 48 : index
        %get3A_461 = tpu.vector_load %arg11[%get3A_459, %get3A_460] {strides = array<i32>} : memref<80x128xf32, #tpu.memory_space<vmem>>, vector<1x16xf32>,
        %get3A_462 = vector.shape_cast %get3A_461 : vector<1x16xf32> to vector<16xf32>
        %mul3A_463 = arith.mulf %get3A_462, %broadcast_in_dim3A_428 : vector<16xf32>
        %swap3A_464 = arith.index_cast %add3A_425 : i32 to index
        %swap3A_465 = arith.constant 48 : index
        %swap3A_466 = tpu.vector_load %arg11[%swap3A_464, %swap3A_465] {strides = array<i32>} : memref<80x128xf32, #tpu.memory_space<vmem>>, vector<1x16xf32>,
        %swap3A_467 = vector.shape_cast %swap3A_466 : vector<1x16xf32> to vector<16xf32>
        %swap3A_468 = vector.shape_cast %mul3A_463 : vector<16xf32> to vector<1x16xf32>
        tpu.vector_store %arg11[%swap3A_464, %swap3A_465], %swap3A_468 {strides = array<i32>} : memref<80x128xf32, #tpu.memory_space<vmem>>, vector<1x16xf32>,
        %get3A_469 = arith.index_cast %add3A_425 : i32 to index
        %get3A_470 = arith.constant 64 : index
        %get3A_471 = tpu.vector_load %arg11[%get3A_469, %get3A_470] {strides = array<i32>} : memref<80x128xf32, #tpu.memory_space<vmem>>, vector<1x16xf32>,
        %get3A_472 = vector.shape_cast %get3A_471 : vector<1x16xf32> to vector<16xf32>
        %mul3A_473 = arith.mulf %get3A_472, %broadcast_in_dim3A_428 : vector<16xf32>
        %swap3A_474 = arith.index_cast %add3A_425 : i32 to index
        %swap3A_475 = arith.constant 64 : index
        %swap3A_476 = tpu.vector_load %arg11[%swap3A_474, %swap3A_475] {strides = array<i32>} : memref<80x128xf32, #tpu.memory_space<vmem>>, vector<1x16xf32>,
        %swap3A_477 = vector.shape_cast %swap3A_476 : vector<1x16xf32> to vector<16xf32>
        %swap3A_478 = vector.shape_cast %mul3A_473 : vector<16xf32> to vector<1x16xf32>
        tpu.vector_store %arg11[%swap3A_474, %swap3A_475], %swap3A_478 {strides = array<i32>} : memref<80x128xf32, #tpu.memory_space<vmem>>, vector<1x16xf32>,
        %get3A_479 = arith.index_cast %add3A_425 : i32 to index
        %get3A_480 = arith.constant 80 : index
        %get3A_481 = tpu.vector_load %arg11[%get3A_479, %get3A_480] {strides = array<i32>} : memref<80x128xf32, #tpu.memory_space<vmem>>, vector<1x16xf32>,
        %get3A_482 = vector.shape_cast %get3A_481 : vector<1x16xf32> to vector<16xf32>
        %mul3A_483 = arith.mulf %get3A_482, %broadcast_in_dim3A_428 : vector<16xf32>
        %swap3A_484 = arith.index_cast %add3A_425 : i32 to index
        %swap3A_485 = arith.constant 80 : index
        %swap3A_486 = tpu.vector_load %arg11[%swap3A_484, %swap3A_485] {strides = array<i32>} : memref<80x128xf32, #tpu.memory_space<vmem>>, vector<1x16xf32>,
        %swap3A_487 = vector.shape_cast %swap3A_486 : vector<1x16xf32> to vector<16xf32>
        %swap3A_488 = vector.shape_cast %mul3A_483 : vector<16xf32> to vector<1x16xf32>
        tpu.vector_store %arg11[%swap3A_484, %swap3A_485], %swap3A_488 {strides = array<i32>} : memref<80x128xf32, #tpu.memory_space<vmem>>, vector<1x16xf32>,
        %get3A_489 = arith.index_cast %add3A_425 : i32 to index
        %get3A_490 = arith.constant 96 : index
        %get3A_491 = tpu.vector_load %arg11[%get3A_489, %get3A_490] {strides = array<i32>} : memref<80x128xf32, #tpu.memory_space<vmem>>, vector<1x16xf32>,
        %get3A_492 = vector.shape_cast %get3A_491 : vector<1x16xf32> to vector<16xf32>
        %mul3A_493 = arith.mulf %get3A_492, %broadcast_in_dim3A_428 : vector<16xf32>
        %swap3A_494 = arith.index_cast %add3A_425 : i32 to index
        %swap3A_495 = arith.constant 96 : index
        %swap3A_496 = tpu.vector_load %arg11[%swap3A_494, %swap3A_495] {strides = array<i32>} : memref<80x128xf32, #tpu.memory_space<vmem>>, vector<1x16xf32>,
        %swap3A_497 = vector.shape_cast %swap3A_496 : vector<1x16xf32> to vector<16xf32>
        %swap3A_498 = vector.shape_cast %mul3A_493 : vector<16xf32> to vector<1x16xf32>
        tpu.vector_store %arg11[%swap3A_494, %swap3A_495], %swap3A_498 {strides = array<i32>} : memref<80x128xf32, #tpu.memory_space<vmem>>, vector<1x16xf32>,
        %get3A_499 = arith.index_cast %add3A_425 : i32 to index
        %get3A_500 = arith.constant 112 : index
        %get3A_501 = tpu.vector_load %arg11[%get3A_499, %get3A_500] {strides = array<i32>} : memref<80x128xf32, #tpu.memory_space<vmem>>, vector<1x16xf32>,
        %get3A_502 = vector.shape_cast %get3A_501 : vector<1x16xf32> to vector<16xf32>
        %mul3A_503 = arith.mulf %get3A_502, %broadcast_in_dim3A_428 : vector<16xf32>
        %swap3A_504 = arith.index_cast %add3A_425 : i32 to index
        %swap3A_505 = arith.constant 112 : index
        %swap3A_506 = tpu.vector_load %arg11[%swap3A_504, %swap3A_505] {strides = array<i32>} : memref<80x128xf32, #tpu.memory_space<vmem>>, vector<1x16xf32>,
        %swap3A_507 = vector.shape_cast %swap3A_506 : vector<1x16xf32> to vector<16xf32>
        %swap3A_508 = vector.shape_cast %mul3A_503 : vector<16xf32> to vector<1x16xf32>
        tpu.vector_store %arg11[%swap3A_504, %swap3A_505], %swap3A_508 {strides = array<i32>} : memref<80x128xf32, #tpu.memory_space<vmem>>, vector<1x16xf32>,
        %mul3A_509 = arith.constant 16 : i32
        %mul3A_510 = arith.muli %scan3A_70, %mul3A_509 : i32
        %add3A_511 = arith.constant 5 : i32
        %add3A_512 = arith.addi %mul3A_510, %add3A_511 : i32
        %slice3A_513 = vector.extract_strided_slice %get3A_77 {offsets = [5], sizes = [1], strides = [1]} : vector<16xf32> to vector<1xf32>
        %squeeze3A_514 = vector.extract %slice3A_513[0] : f32 from vector<1xf32>
        %broadcast_in_dim3A_515 = vector.broadcast %squeeze3A_514 : f32 to vector<16xf32>
        %get3A_516 = arith.index_cast %add3A_512 : i32 to index
        %get3A_517 = arith.constant 0 : index
        %get3A_518 = tpu.vector_load %arg11[%get3A_516, %get3A_517] {strides = array<i32>} : memref<80x128xf32, #tpu.memory_space<vmem>>, vector<1x16xf32>,
        %get3A_519 = vector.shape_cast %get3A_518 : vector<1x16xf32> to vector<16xf32>
        %mul3A_520 = arith.mulf %get3A_519, %broadcast_in_dim3A_515 : vector<16xf32>
        %swap3A_521 = arith.index_cast %add3A_512 : i32 to index
        %swap3A_522 = arith.constant 0 : index
        %swap3A_523 = tpu.vector_load %arg11[%swap3A_521, %swap3A_522] {strides = array<i32>} : memref<80x128xf32, #tpu.memory_space<vmem>>, vector<1x16xf32>,
        %swap3A_524 = vector.shape_cast %swap3A_523 : vector<1x16xf32> to vector<16xf32>
        %swap3A_525 = vector.shape_cast %mul3A_520 : vector<16xf32> to vector<1x16xf32>
        tpu.vector_store %arg11[%swap3A_521, %swap3A_522], %swap3A_525 {strides = array<i32>} : memref<80x128xf32, #tpu.memory_space<vmem>>, vector<1x16xf32>,
        %get3A_526 = arith.index_cast %add3A_512 : i32 to index
        %get3A_527 = arith.constant 16 : index
        %get3A_528 = tpu.vector_load %arg11[%get3A_526, %get3A_527] {strides = array<i32>} : memref<80x128xf32, #tpu.memory_space<vmem>>, vector<1x16xf32>,
        %get3A_529 = vector.shape_cast %get3A_528 : vector<1x16xf32> to vector<16xf32>
        %mul3A_530 = arith.mulf %get3A_529, %broadcast_in_dim3A_515 : vector<16xf32>
        %swap3A_531 = arith.index_cast %add3A_512 : i32 to index
        %swap3A_532 = arith.constant 16 : index
        %swap3A_533 = tpu.vector_load %arg11[%swap3A_531, %swap3A_532] {strides = array<i32>} : memref<80x128xf32, #tpu.memory_space<vmem>>, vector<1x16xf32>,
        %swap3A_534 = vector.shape_cast %swap3A_533 : vector<1x16xf32> to vector<16xf32>
        %swap3A_535 = vector.shape_cast %mul3A_530 : vector<16xf32> to vector<1x16xf32>
        tpu.vector_store %arg11[%swap3A_531, %swap3A_532], %swap3A_535 {strides = array<i32>} : memref<80x128xf32, #tpu.memory_space<vmem>>, vector<1x16xf32>,
        %get3A_536 = arith.index_cast %add3A_512 : i32 to index
        %get3A_537 = arith.constant 32 : index
        %get3A_538 = tpu.vector_load %arg11[%get3A_536, %get3A_537] {strides = array<i32>} : memref<80x128xf32, #tpu.memory_space<vmem>>, vector<1x16xf32>,
        %get3A_539 = vector.shape_cast %get3A_538 : vector<1x16xf32> to vector<16xf32>
        %mul3A_540 = arith.mulf %get3A_539, %broadcast_in_dim3A_515 : vector<16xf32>
        %swap3A_541 = arith.index_cast %add3A_512 : i32 to index
        %swap3A_542 = arith.constant 32 : index
        %swap3A_543 = tpu.vector_load %arg11[%swap3A_541, %swap3A_542] {strides = array<i32>} : memref<80x128xf32, #tpu.memory_space<vmem>>, vector<1x16xf32>,
        %swap3A_544 = vector.shape_cast %swap3A_543 : vector<1x16xf32> to vector<16xf32>
        %swap3A_545 = vector.shape_cast %mul3A_540 : vector<16xf32> to vector<1x16xf32>
        tpu.vector_store %arg11[%swap3A_541, %swap3A_542], %swap3A_545 {strides = array<i32>} : memref<80x128xf32, #tpu.memory_space<vmem>>, vector<1x16xf32>,
        %get3A_546 = arith.index_cast %add3A_512 : i32 to index
        %get3A_547 = arith.constant 48 : index
        %get3A_548 = tpu.vector_load %arg11[%get3A_546, %get3A_547] {strides = array<i32>} : memref<80x128xf32, #tpu.memory_space<vmem>>, vector<1x16xf32>,
        %get3A_549 = vector.shape_cast %get3A_548 : vector<1x16xf32> to vector<16xf32>
        %mul3A_550 = arith.mulf %get3A_549, %broadcast_in_dim3A_515 : vector<16xf32>
        %swap3A_551 = arith.index_cast %add3A_512 : i32 to index
        %swap3A_552 = arith.constant 48 : index
        %swap3A_553 = tpu.vector_load %arg11[%swap3A_551, %swap3A_552] {strides = array<i32>} : memref<80x128xf32, #tpu.memory_space<vmem>>, vector<1x16xf32>,
        %swap3A_554 = vector.shape_cast %swap3A_553 : vector<1x16xf32> to vector<16xf32>
        %swap3A_555 = vector.shape_cast %mul3A_550 : vector<16xf32> to vector<1x16xf32>
        tpu.vector_store %arg11[%swap3A_551, %swap3A_552], %swap3A_555 {strides = array<i32>} : memref<80x128xf32, #tpu.memory_space<vmem>>, vector<1x16xf32>,
        %get3A_556 = arith.index_cast %add3A_512 : i32 to index
        %get3A_557 = arith.constant 64 : index
        %get3A_558 = tpu.vector_load %arg11[%get3A_556, %get3A_557] {strides = array<i32>} : memref<80x128xf32, #tpu.memory_space<vmem>>, vector<1x16xf32>,
        %get3A_559 = vector.shape_cast %get3A_558 : vector<1x16xf32> to vector<16xf32>
        %mul3A_560 = arith.mulf %get3A_559, %broadcast_in_dim3A_515 : vector<16xf32>
        %swap3A_561 = arith.index_cast %add3A_512 : i32 to index
        %swap3A_562 = arith.constant 64 : index
        %swap3A_563 = tpu.vector_load %arg11[%swap3A_561, %swap3A_562] {strides = array<i32>} : memref<80x128xf32, #tpu.memory_space<vmem>>, vector<1x16xf32>,
        %swap3A_564 = vector.shape_cast %swap3A_563 : vector<1x16xf32> to vector<16xf32>
        %swap3A_565 = vector.shape_cast %mul3A_560 : vector<16xf32> to vector<1x16xf32>
        tpu.vector_store %arg11[%swap3A_561, %swap3A_562], %swap3A_565 {strides = array<i32>} : memref<80x128xf32, #tpu.memory_space<vmem>>, vector<1x16xf32>,
        %get3A_566 = arith.index_cast %add3A_512 : i32 to index
        %get3A_567 = arith.constant 80 : index
        %get3A_568 = tpu.vector_load %arg11[%get3A_566, %get3A_567] {strides = array<i32>} : memref<80x128xf32, #tpu.memory_space<vmem>>, vector<1x16xf32>,
        %get3A_569 = vector.shape_cast %get3A_568 : vector<1x16xf32> to vector<16xf32>
        %mul3A_570 = arith.mulf %get3A_569, %broadcast_in_dim3A_515 : vector<16xf32>
        %swap3A_571 = arith.index_cast %add3A_512 : i32 to index
        %swap3A_572 = arith.constant 80 : index
        %swap3A_573 = tpu.vector_load %arg11[%swap3A_571, %swap3A_572] {strides = array<i32>} : memref<80x128xf32, #tpu.memory_space<vmem>>, vector<1x16xf32>,
        %swap3A_574 = vector.shape_cast %swap3A_573 : vector<1x16xf32> to vector<16xf32>
        %swap3A_575 = vector.shape_cast %mul3A_570 : vector<16xf32> to vector<1x16xf32>
        tpu.vector_store %arg11[%swap3A_571, %swap3A_572], %swap3A_575 {strides = array<i32>} : memref<80x128xf32, #tpu.memory_space<vmem>>, vector<1x16xf32>,
        %get3A_576 = arith.index_cast %add3A_512 : i32 to index
        %get3A_577 = arith.constant 96 : index
        %get3A_578 = tpu.vector_load %arg11[%get3A_576, %get3A_577] {strides = array<i32>} : memref<80x128xf32, #tpu.memory_space<vmem>>, vector<1x16xf32>,
        %get3A_579 = vector.shape_cast %get3A_578 : vector<1x16xf32> to vector<16xf32>
        %mul3A_580 = arith.mulf %get3A_579, %broadcast_in_dim3A_515 : vector<16xf32>
        %swap3A_581 = arith.index_cast %add3A_512 : i32 to index
        %swap3A_582 = arith.constant 96 : index
        %swap3A_583 = tpu.vector_load %arg11[%swap3A_581, %swap3A_582] {strides = array<i32>} : memref<80x128xf32, #tpu.memory_space<vmem>>, vector<1x16xf32>,
        %swap3A_584 = vector.shape_cast %swap3A_583 : vector<1x16xf32> to vector<16xf32>
        %swap3A_585 = vector.shape_cast %mul3A_580 : vector<16xf32> to vector<1x16xf32>
        tpu.vector_store %arg11[%swap3A_581, %swap3A_582], %swap3A_585 {strides = array<i32>} : memref<80x128xf32, #tpu.memory_space<vmem>>, vector<1x16xf32>,
        %get3A_586 = arith.index_cast %add3A_512 : i32 to index
        %get3A_587 = arith.constant 112 : index
        %get3A_588 = tpu.vector_load %arg11[%get3A_586, %get3A_587] {strides = array<i32>} : memref<80x128xf32, #tpu.memory_space<vmem>>, vector<1x16xf32>,
        %get3A_589 = vector.shape_cast %get3A_588 : vector<1x16xf32> to vector<16xf32>
        %mul3A_590 = arith.mulf %get3A_589, %broadcast_in_dim3A_515 : vector<16xf32>
        %swap3A_591 = arith.index_cast %add3A_512 : i32 to index
        %swap3A_592 = arith.constant 112 : index
        %swap3A_593 = tpu.vector_load %arg11[%swap3A_591, %swap3A_592] {strides = array<i32>} : memref<80x128xf32, #tpu.memory_space<vmem>>, vector<1x16xf32>,
        %swap3A_594 = vector.shape_cast %swap3A_593 : vector<1x16xf32> to vector<16xf32>
        %swap3A_595 = vector.shape_cast %mul3A_590 : vector<16xf32> to vector<1x16xf32>
        tpu.vector_store %arg11[%swap3A_591, %swap3A_592], %swap3A_595 {strides = array<i32>} : memref<80x128xf32, #tpu.memory_space<vmem>>, vector<1x16xf32>,
        %mul3A_596 = arith.constant 16 : i32
        %mul3A_597 = arith.muli %scan3A_70, %mul3A_596 : i32
        %add3A_598 = arith.constant 6 : i32
        %add3A_599 = arith.addi %mul3A_597, %add3A_598 : i32
        %slice3A_600 = vector.extract_strided_slice %get3A_77 {offsets = [6], sizes = [1], strides = [1]} : vector<16xf32> to vector<1xf32>
        %squeeze3A_601 = vector.extract %slice3A_600[0] : f32 from vector<1xf32>
        %broadcast_in_dim3A_602 = vector.broadcast %squeeze3A_601 : f32 to vector<16xf32>
        %get3A_603 = arith.index_cast %add3A_599 : i32 to index
        %get3A_604 = arith.constant 0 : index
        %get3A_605 = tpu.vector_load %arg11[%get3A_603, %get3A_604] {strides = array<i32>} : memref<80x128xf32, #tpu.memory_space<vmem>>, vector<1x16xf32>,
        %get3A_606 = vector.shape_cast %get3A_605 : vector<1x16xf32> to vector<16xf32>
        %mul3A_607 = arith.mulf %get3A_606, %broadcast_in_dim3A_602 : vector<16xf32>
        %swap3A_608 = arith.index_cast %add3A_599 : i32 to index
        %swap3A_609 = arith.constant 0 : index
        %swap3A_610 = tpu.vector_load %arg11[%swap3A_608, %swap3A_609] {strides = array<i32>} : memref<80x128xf32, #tpu.memory_space<vmem>>, vector<1x16xf32>,
        %swap3A_611 = vector.shape_cast %swap3A_610 : vector<1x16xf32> to vector<16xf32>
        %swap3A_612 = vector.shape_cast %mul3A_607 : vector<16xf32> to vector<1x16xf32>
        tpu.vector_store %arg11[%swap3A_608, %swap3A_609], %swap3A_612 {strides = array<i32>} : memref<80x128xf32, #tpu.memory_space<vmem>>, vector<1x16xf32>,
        %get3A_613 = arith.index_cast %add3A_599 : i32 to index
        %get3A_614 = arith.constant 16 : index
        %get3A_615 = tpu.vector_load %arg11[%get3A_613, %get3A_614] {strides = array<i32>} : memref<80x128xf32, #tpu.memory_space<vmem>>, vector<1x16xf32>,
        %get3A_616 = vector.shape_cast %get3A_615 : vector<1x16xf32> to vector<16xf32>
        %mul3A_617 = arith.mulf %get3A_616, %broadcast_in_dim3A_602 : vector<16xf32>
        %swap3A_618 = arith.index_cast %add3A_599 : i32 to index
        %swap3A_619 = arith.constant 16 : index
        %swap3A_620 = tpu.vector_load %arg11[%swap3A_618, %swap3A_619] {strides = array<i32>} : memref<80x128xf32, #tpu.memory_space<vmem>>, vector<1x16xf32>,
        %swap3A_621 = vector.shape_cast %swap3A_620 : vector<1x16xf32> to vector<16xf32>
        %swap3A_622 = vector.shape_cast %mul3A_617 : vector<16xf32> to vector<1x16xf32>
        tpu.vector_store %arg11[%swap3A_618, %swap3A_619], %swap3A_622 {strides = array<i32>} : memref<80x128xf32, #tpu.memory_space<vmem>>, vector<1x16xf32>,
        %get3A_623 = arith.index_cast %add3A_599 : i32 to index
        %get3A_624 = arith.constant 32 : index
        %get3A_625 = tpu.vector_load %arg11[%get3A_623, %get3A_624] {strides = array<i32>} : memref<80x128xf32, #tpu.memory_space<vmem>>, vector<1x16xf32>,
        %get3A_626 = vector.shape_cast %get3A_625 : vector<1x16xf32> to vector<16xf32>
        %mul3A_627 = arith.mulf %get3A_626, %broadcast_in_dim3A_602 : vector<16xf32>
        %swap3A_628 = arith.index_cast %add3A_599 : i32 to index
        %swap3A_629 = arith.constant 32 : index
        %swap3A_630 = tpu.vector_load %arg11[%swap3A_628, %swap3A_629] {strides = array<i32>} : memref<80x128xf32, #tpu.memory_space<vmem>>, vector<1x16xf32>,
        %swap3A_631 = vector.shape_cast %swap3A_630 : vector<1x16xf32> to vector<16xf32>
        %swap3A_632 = vector.shape_cast %mul3A_627 : vector<16xf32> to vector<1x16xf32>
        tpu.vector_store %arg11[%swap3A_628, %swap3A_629], %swap3A_632 {strides = array<i32>} : memref<80x128xf32, #tpu.memory_space<vmem>>, vector<1x16xf32>,
        %get3A_633 = arith.index_cast %add3A_599 : i32 to index
        %get3A_634 = arith.constant 48 : index
        %get3A_635 = tpu.vector_load %arg11[%get3A_633, %get3A_634] {strides = array<i32>} : memref<80x128xf32, #tpu.memory_space<vmem>>, vector<1x16xf32>,
        %get3A_636 = vector.shape_cast %get3A_635 : vector<1x16xf32> to vector<16xf32>
        %mul3A_637 = arith.mulf %get3A_636, %broadcast_in_dim3A_602 : vector<16xf32>
        %swap3A_638 = arith.index_cast %add3A_599 : i32 to index
        %swap3A_639 = arith.constant 48 : index
        %swap3A_640 = tpu.vector_load %arg11[%swap3A_638, %swap3A_639] {strides = array<i32>} : memref<80x128xf32, #tpu.memory_space<vmem>>, vector<1x16xf32>,
        %swap3A_641 = vector.shape_cast %swap3A_640 : vector<1x16xf32> to vector<16xf32>
        %swap3A_642 = vector.shape_cast %mul3A_637 : vector<16xf32> to vector<1x16xf32>
        tpu.vector_store %arg11[%swap3A_638, %swap3A_639], %swap3A_642 {strides = array<i32>} : memref<80x128xf32, #tpu.memory_space<vmem>>, vector<1x16xf32>,
        %get3A_643 = arith.index_cast %add3A_599 : i32 to index
        %get3A_644 = arith.constant 64 : index
        %get3A_645 = tpu.vector_load %arg11[%get3A_643, %get3A_644] {strides = array<i32>} : memref<80x128xf32, #tpu.memory_space<vmem>>, vector<1x16xf32>,
        %get3A_646 = vector.shape_cast %get3A_645 : vector<1x16xf32> to vector<16xf32>
        %mul3A_647 = arith.mulf %get3A_646, %broadcast_in_dim3A_602 : vector<16xf32>
        %swap3A_648 = arith.index_cast %add3A_599 : i32 to index
        %swap3A_649 = arith.constant 64 : index
        %swap3A_650 = tpu.vector_load %arg11[%swap3A_648, %swap3A_649] {strides = array<i32>} : memref<80x128xf32, #tpu.memory_space<vmem>>, vector<1x16xf32>,
        %swap3A_651 = vector.shape_cast %swap3A_650 : vector<1x16xf32> to vector<16xf32>
        %swap3A_652 = vector.shape_cast %mul3A_647 : vector<16xf32> to vector<1x16xf32>
        tpu.vector_store %arg11[%swap3A_648, %swap3A_649], %swap3A_652 {strides = array<i32>} : memref<80x128xf32, #tpu.memory_space<vmem>>, vector<1x16xf32>,
        %get3A_653 = arith.index_cast %add3A_599 : i32 to index
        %get3A_654 = arith.constant 80 : index
        %get3A_655 = tpu.vector_load %arg11[%get3A_653, %get3A_654] {strides = array<i32>} : memref<80x128xf32, #tpu.memory_space<vmem>>, vector<1x16xf32>,
        %get3A_656 = vector.shape_cast %get3A_655 : vector<1x16xf32> to vector<16xf32>
        %mul3A_657 = arith.mulf %get3A_656, %broadcast_in_dim3A_602 : vector<16xf32>
        %swap3A_658 = arith.index_cast %add3A_599 : i32 to index
        %swap3A_659 = arith.constant 80 : index
        %swap3A_660 = tpu.vector_load %arg11[%swap3A_658, %swap3A_659] {strides = array<i32>} : memref<80x128xf32, #tpu.memory_space<vmem>>, vector<1x16xf32>,
        %swap3A_661 = vector.shape_cast %swap3A_660 : vector<1x16xf32> to vector<16xf32>
        %swap3A_662 = vector.shape_cast %mul3A_657 : vector<16xf32> to vector<1x16xf32>
        tpu.vector_store %arg11[%swap3A_658, %swap3A_659], %swap3A_662 {strides = array<i32>} : memref<80x128xf32, #tpu.memory_space<vmem>>, vector<1x16xf32>,
        %get3A_663 = arith.index_cast %add3A_599 : i32 to index
        %get3A_664 = arith.constant 96 : index
        %get3A_665 = tpu.vector_load %arg11[%get3A_663, %get3A_664] {strides = array<i32>} : memref<80x128xf32, #tpu.memory_space<vmem>>, vector<1x16xf32>,
        %get3A_666 = vector.shape_cast %get3A_665 : vector<1x16xf32> to vector<16xf32>
        %mul3A_667 = arith.mulf %get3A_666, %broadcast_in_dim3A_602 : vector<16xf32>
        %swap3A_668 = arith.index_cast %add3A_599 : i32 to index
        %swap3A_669 = arith.constant 96 : index
        %swap3A_670 = tpu.vector_load %arg11[%swap3A_668, %swap3A_669] {strides = array<i32>} : memref<80x128xf32, #tpu.memory_space<vmem>>, vector<1x16xf32>,
        %swap3A_671 = vector.shape_cast %swap3A_670 : vector<1x16xf32> to vector<16xf32>
        %swap3A_672 = vector.shape_cast %mul3A_667 : vector<16xf32> to vector<1x16xf32>
        tpu.vector_store %arg11[%swap3A_668, %swap3A_669], %swap3A_672 {strides = array<i32>} : memref<80x128xf32, #tpu.memory_space<vmem>>, vector<1x16xf32>,
        %get3A_673 = arith.index_cast %add3A_599 : i32 to index
        %get3A_674 = arith.constant 112 : index
        %get3A_675 = tpu.vector_load %arg11[%get3A_673, %get3A_674] {strides = array<i32>} : memref<80x128xf32, #tpu.memory_space<vmem>>, vector<1x16xf32>,
        %get3A_676 = vector.shape_cast %get3A_675 : vector<1x16xf32> to vector<16xf32>
        %mul3A_677 = arith.mulf %get3A_676, %broadcast_in_dim3A_602 : vector<16xf32>
        %swap3A_678 = arith.index_cast %add3A_599 : i32 to index
        %swap3A_679 = arith.constant 112 : index
        %swap3A_680 = tpu.vector_load %arg11[%swap3A_678, %swap3A_679] {strides = array<i32>} : memref<80x128xf32, #tpu.memory_space<vmem>>, vector<1x16xf32>,
        %swap3A_681 = vector.shape_cast %swap3A_680 : vector<1x16xf32> to vector<16xf32>
        %swap3A_682 = vector.shape_cast %mul3A_677 : vector<16xf32> to vector<1x16xf32>
        tpu.vector_store %arg11[%swap3A_678, %swap3A_679], %swap3A_682 {strides = array<i32>} : memref<80x128xf32, #tpu.memory_space<vmem>>, vector<1x16xf32>,
        %mul3A_683 = arith.constant 16 : i32
        %mul3A_684 = arith.muli %scan3A_70, %mul3A_683 : i32
        %add3A_685 = arith.constant 7 : i32
        %add3A_686 = arith.addi %mul3A_684, %add3A_685 : i32
        %slice3A_687 = vector.extract_strided_slice %get3A_77 {offsets = [7], sizes = [1], strides = [1]} : vector<16xf32> to vector<1xf32>
        %squeeze3A_688 = vector.extract %slice3A_687[0] : f32 from vector<1xf32>
        %broadcast_in_dim3A_689 = vector.broadcast %squeeze3A_688 : f32 to vector<16xf32>
        %get3A_690 = arith.index_cast %add3A_686 : i32 to index
        %get3A_691 = arith.constant 0 : index
        %get3A_692 = tpu.vector_load %arg11[%get3A_690, %get3A_691] {strides = array<i32>} : memref<80x128xf32, #tpu.memory_space<vmem>>, vector<1x16xf32>,
        %get3A_693 = vector.shape_cast %get3A_692 : vector<1x16xf32> to vector<16xf32>
        %mul3A_694 = arith.mulf %get3A_693, %broadcast_in_dim3A_689 : vector<16xf32>
        %swap3A_695 = arith.index_cast %add3A_686 : i32 to index
        %swap3A_696 = arith.constant 0 : index
        %swap3A_697 = tpu.vector_load %arg11[%swap3A_695, %swap3A_696] {strides = array<i32>} : memref<80x128xf32, #tpu.memory_space<vmem>>, vector<1x16xf32>,
        %swap3A_698 = vector.shape_cast %swap3A_697 : vector<1x16xf32> to vector<16xf32>
        %swap3A_699 = vector.shape_cast %mul3A_694 : vector<16xf32> to vector<1x16xf32>
        tpu.vector_store %arg11[%swap3A_695, %swap3A_696], %swap3A_699 {strides = array<i32>} : memref<80x128xf32, #tpu.memory_space<vmem>>, vector<1x16xf32>,
        %get3A_700 = arith.index_cast %add3A_686 : i32 to index
        %get3A_701 = arith.constant 16 : index
        %get3A_702 = tpu.vector_load %arg11[%get3A_700, %get3A_701] {strides = array<i32>} : memref<80x128xf32, #tpu.memory_space<vmem>>, vector<1x16xf32>,
        %get3A_703 = vector.shape_cast %get3A_702 : vector<1x16xf32> to vector<16xf32>
        %mul3A_704 = arith.mulf %get3A_703, %broadcast_in_dim3A_689 : vector<16xf32>
        %swap3A_705 = arith.index_cast %add3A_686 : i32 to index
        %swap3A_706 = arith.constant 16 : index
        %swap3A_707 = tpu.vector_load %arg11[%swap3A_705, %swap3A_706] {strides = array<i32>} : memref<80x128xf32, #tpu.memory_space<vmem>>, vector<1x16xf32>,
        %swap3A_708 = vector.shape_cast %swap3A_707 : vector<1x16xf32> to vector<16xf32>
        %swap3A_709 = vector.shape_cast %mul3A_704 : vector<16xf32> to vector<1x16xf32>
        tpu.vector_store %arg11[%swap3A_705, %swap3A_706], %swap3A_709 {strides = array<i32>} : memref<80x128xf32, #tpu.memory_space<vmem>>, vector<1x16xf32>,
        %get3A_710 = arith.index_cast %add3A_686 : i32 to index
        %get3A_711 = arith.constant 32 : index
        %get3A_712 = tpu.vector_load %arg11[%get3A_710, %get3A_711] {strides = array<i32>} : memref<80x128xf32, #tpu.memory_space<vmem>>, vector<1x16xf32>,
        %get3A_713 = vector.shape_cast %get3A_712 : vector<1x16xf32> to vector<16xf32>
        %mul3A_714 = arith.mulf %get3A_713, %broadcast_in_dim3A_689 : vector<16xf32>
        %swap3A_715 = arith.index_cast %add3A_686 : i32 to index
        %swap3A_716 = arith.constant 32 : index
        %swap3A_717 = tpu.vector_load %arg11[%swap3A_715, %swap3A_716] {strides = array<i32>} : memref<80x128xf32, #tpu.memory_space<vmem>>, vector<1x16xf32>,
        %swap3A_718 = vector.shape_cast %swap3A_717 : vector<1x16xf32> to vector<16xf32>
        %swap3A_719 = vector.shape_cast %mul3A_714 : vector<16xf32> to vector<1x16xf32>
        tpu.vector_store %arg11[%swap3A_715, %swap3A_716], %swap3A_719 {strides = array<i32>} : memref<80x128xf32, #tpu.memory_space<vmem>>, vector<1x16xf32>,
        %get3A_720 = arith.index_cast %add3A_686 : i32 to index
        %get3A_721 = arith.constant 48 : index
        %get3A_722 = tpu.vector_load %arg11[%get3A_720, %get3A_721] {strides = array<i32>} : memref<80x128xf32, #tpu.memory_space<vmem>>, vector<1x16xf32>,
        %get3A_723 = vector.shape_cast %get3A_722 : vector<1x16xf32> to vector<16xf32>
        %mul3A_724 = arith.mulf %get3A_723, %broadcast_in_dim3A_689 : vector<16xf32>
        %swap3A_725 = arith.index_cast %add3A_686 : i32 to index
        %swap3A_726 = arith.constant 48 : index
        %swap3A_727 = tpu.vector_load %arg11[%swap3A_725, %swap3A_726] {strides = array<i32>} : memref<80x128xf32, #tpu.memory_space<vmem>>, vector<1x16xf32>,
        %swap3A_728 = vector.shape_cast %swap3A_727 : vector<1x16xf32> to vector<16xf32>
        %swap3A_729 = vector.shape_cast %mul3A_724 : vector<16xf32> to vector<1x16xf32>
        tpu.vector_store %arg11[%swap3A_725, %swap3A_726], %swap3A_729 {strides = array<i32>} : memref<80x128xf32, #tpu.memory_space<vmem>>, vector<1x16xf32>,
        %get3A_730 = arith.index_cast %add3A_686 : i32 to index
        %get3A_731 = arith.constant 64 : index
        %get3A_732 = tpu.vector_load %arg11[%get3A_730, %get3A_731] {strides = array<i32>} : memref<80x128xf32, #tpu.memory_space<vmem>>, vector<1x16xf32>,
        %get3A_733 = vector.shape_cast %get3A_732 : vector<1x16xf32> to vector<16xf32>
        %mul3A_734 = arith.mulf %get3A_733, %broadcast_in_dim3A_689 : vector<16xf32>
        %swap3A_735 = arith.index_cast %add3A_686 : i32 to index
        %swap3A_736 = arith.constant 64 : index
        %swap3A_737 = tpu.vector_load %arg11[%swap3A_735, %swap3A_736] {strides = array<i32>} : memref<80x128xf32, #tpu.memory_space<vmem>>, vector<1x16xf32>,
        %swap3A_738 = vector.shape_cast %swap3A_737 : vector<1x16xf32> to vector<16xf32>
        %swap3A_739 = vector.shape_cast %mul3A_734 : vector<16xf32> to vector<1x16xf32>
        tpu.vector_store %arg11[%swap3A_735, %swap3A_736], %swap3A_739 {strides = array<i32>} : memref<80x128xf32, #tpu.memory_space<vmem>>, vector<1x16xf32>,
        %get3A_740 = arith.index_cast %add3A_686 : i32 to index
        %get3A_741 = arith.constant 80 : index
        %get3A_742 = tpu.vector_load %arg11[%get3A_740, %get3A_741] {strides = array<i32>} : memref<80x128xf32, #tpu.memory_space<vmem>>, vector<1x16xf32>,
        %get3A_743 = vector.shape_cast %get3A_742 : vector<1x16xf32> to vector<16xf32>
        %mul3A_744 = arith.mulf %get3A_743, %broadcast_in_dim3A_689 : vector<16xf32>
        %swap3A_745 = arith.index_cast %add3A_686 : i32 to index
        %swap3A_746 = arith.constant 80 : index
        %swap3A_747 = tpu.vector_load %arg11[%swap3A_745, %swap3A_746] {strides = array<i32>} : memref<80x128xf32, #tpu.memory_space<vmem>>, vector<1x16xf32>,
        %swap3A_748 = vector.shape_cast %swap3A_747 : vector<1x16xf32> to vector<16xf32>
        %swap3A_749 = vector.shape_cast %mul3A_744 : vector<16xf32> to vector<1x16xf32>
        tpu.vector_store %arg11[%swap3A_745, %swap3A_746], %swap3A_749 {strides = array<i32>} : memref<80x128xf32, #tpu.memory_space<vmem>>, vector<1x16xf32>,
        %get3A_750 = arith.index_cast %add3A_686 : i32 to index
        %get3A_751 = arith.constant 96 : index
        %get3A_752 = tpu.vector_load %arg11[%get3A_750, %get3A_751] {strides = array<i32>} : memref<80x128xf32, #tpu.memory_space<vmem>>, vector<1x16xf32>,
        %get3A_753 = vector.shape_cast %get3A_752 : vector<1x16xf32> to vector<16xf32>
        %mul3A_754 = arith.mulf %get3A_753, %broadcast_in_dim3A_689 : vector<16xf32>
        %swap3A_755 = arith.index_cast %add3A_686 : i32 to index
        %swap3A_756 = arith.constant 96 : index
        %swap3A_757 = tpu.vector_load %arg11[%swap3A_755, %swap3A_756] {strides = array<i32>} : memref<80x128xf32, #tpu.memory_space<vmem>>, vector<1x16xf32>,
        %swap3A_758 = vector.shape_cast %swap3A_757 : vector<1x16xf32> to vector<16xf32>
        %swap3A_759 = vector.shape_cast %mul3A_754 : vector<16xf32> to vector<1x16xf32>
        tpu.vector_store %arg11[%swap3A_755, %swap3A_756], %swap3A_759 {strides = array<i32>} : memref<80x128xf32, #tpu.memory_space<vmem>>, vector<1x16xf32>,
        %get3A_760 = arith.index_cast %add3A_686 : i32 to index
        %get3A_761 = arith.constant 112 : index
        %get3A_762 = tpu.vector_load %arg11[%get3A_760, %get3A_761] {strides = array<i32>} : memref<80x128xf32, #tpu.memory_space<vmem>>, vector<1x16xf32>,
        %get3A_763 = vector.shape_cast %get3A_762 : vector<1x16xf32> to vector<16xf32>
        %mul3A_764 = arith.mulf %get3A_763, %broadcast_in_dim3A_689 : vector<16xf32>
        %swap3A_765 = arith.index_cast %add3A_686 : i32 to index
        %swap3A_766 = arith.constant 112 : index
        %swap3A_767 = tpu.vector_load %arg11[%swap3A_765, %swap3A_766] {strides = array<i32>} : memref<80x128xf32, #tpu.memory_space<vmem>>, vector<1x16xf32>,
        %swap3A_768 = vector.shape_cast %swap3A_767 : vector<1x16xf32> to vector<16xf32>
        %swap3A_769 = vector.shape_cast %mul3A_764 : vector<16xf32> to vector<1x16xf32>
        tpu.vector_store %arg11[%swap3A_765, %swap3A_766], %swap3A_769 {strides = array<i32>} : memref<80x128xf32, #tpu.memory_space<vmem>>, vector<1x16xf32>,
        %mul3A_770 = arith.constant 16 : i32
        %mul3A_771 = arith.muli %scan3A_70, %mul3A_770 : i32
        %add3A_772 = arith.constant 8 : i32
        %add3A_773 = arith.addi %mul3A_771, %add3A_772 : i32
        %slice3A_774 = vector.extract_strided_slice %get3A_77 {offsets = [8], sizes = [1], strides = [1]} : vector<16xf32> to vector<1xf32>
        %squeeze3A_775 = vector.extract %slice3A_774[0] : f32 from vector<1xf32>
        %broadcast_in_dim3A_776 = vector.broadcast %squeeze3A_775 : f32 to vector<16xf32>
        %get3A_777 = arith.index_cast %add3A_773 : i32 to index
        %get3A_778 = arith.constant 0 : index
        %get3A_779 = tpu.vector_load %arg11[%get3A_777, %get3A_778] {strides = array<i32>} : memref<80x128xf32, #tpu.memory_space<vmem>>, vector<1x16xf32>,
        %get3A_780 = vector.shape_cast %get3A_779 : vector<1x16xf32> to vector<16xf32>
        %mul3A_781 = arith.mulf %get3A_780, %broadcast_in_dim3A_776 : vector<16xf32>
        %swap3A_782 = arith.index_cast %add3A_773 : i32 to index
        %swap3A_783 = arith.constant 0 : index
        %swap3A_784 = tpu.vector_load %arg11[%swap3A_782, %swap3A_783] {strides = array<i32>} : memref<80x128xf32, #tpu.memory_space<vmem>>, vector<1x16xf32>,
        %swap3A_785 = vector.shape_cast %swap3A_784 : vector<1x16xf32> to vector<16xf32>
        %swap3A_786 = vector.shape_cast %mul3A_781 : vector<16xf32> to vector<1x16xf32>
        tpu.vector_store %arg11[%swap3A_782, %swap3A_783], %swap3A_786 {strides = array<i32>} : memref<80x128xf32, #tpu.memory_space<vmem>>, vector<1x16xf32>,
        %get3A_787 = arith.index_cast %add3A_773 : i32 to index
        %get3A_788 = arith.constant 16 : index
        %get3A_789 = tpu.vector_load %arg11[%get3A_787, %get3A_788] {strides = array<i32>} : memref<80x128xf32, #tpu.memory_space<vmem>>, vector<1x16xf32>,
        %get3A_790 = vector.shape_cast %get3A_789 : vector<1x16xf32> to vector<16xf32>
        %mul3A_791 = arith.mulf %get3A_790, %broadcast_in_dim3A_776 : vector<16xf32>
        %swap3A_792 = arith.index_cast %add3A_773 : i32 to index
        %swap3A_793 = arith.constant 16 : index
        %swap3A_794 = tpu.vector_load %arg11[%swap3A_792, %swap3A_793] {strides = array<i32>} : memref<80x128xf32, #tpu.memory_space<vmem>>, vector<1x16xf32>,
        %swap3A_795 = vector.shape_cast %swap3A_794 : vector<1x16xf32> to vector<16xf32>
        %swap3A_796 = vector.shape_cast %mul3A_791 : vector<16xf32> to vector<1x16xf32>
        tpu.vector_store %arg11[%swap3A_792, %swap3A_793], %swap3A_796 {strides = array<i32>} : memref<80x128xf32, #tpu.memory_space<vmem>>, vector<1x16xf32>,
        %get3A_797 = arith.index_cast %add3A_773 : i32 to index
        %get3A_798 = arith.constant 32 : index
        %get3A_799 = tpu.vector_load %arg11[%get3A_797, %get3A_798] {strides = array<i32>} : memref<80x128xf32, #tpu.memory_space<vmem>>, vector<1x16xf32>,
        %get3A_800 = vector.shape_cast %get3A_799 : vector<1x16xf32> to vector<16xf32>
        %mul3A_801 = arith.mulf %get3A_800, %broadcast_in_dim3A_776 : vector<16xf32>
        %swap3A_802 = arith.index_cast %add3A_773 : i32 to index
        %swap3A_803 = arith.constant 32 : index
        %swap3A_804 = tpu.vector_load %arg11[%swap3A_802, %swap3A_803] {strides = array<i32>} : memref<80x128xf32, #tpu.memory_space<vmem>>, vector<1x16xf32>,
        %swap3A_805 = vector.shape_cast %swap3A_804 : vector<1x16xf32> to vector<16xf32>
        %swap3A_806 = vector.shape_cast %mul3A_801 : vector<16xf32> to vector<1x16xf32>
        tpu.vector_store %arg11[%swap3A_802, %swap3A_803], %swap3A_806 {strides = array<i32>} : memref<80x128xf32, #tpu.memory_space<vmem>>, vector<1x16xf32>,
        %get3A_807 = arith.index_cast %add3A_773 : i32 to index
        %get3A_808 = arith.constant 48 : index
        %get3A_809 = tpu.vector_load %arg11[%get3A_807, %get3A_808] {strides = array<i32>} : memref<80x128xf32, #tpu.memory_space<vmem>>, vector<1x16xf32>,
        %get3A_810 = vector.shape_cast %get3A_809 : vector<1x16xf32> to vector<16xf32>
        %mul3A_811 = arith.mulf %get3A_810, %broadcast_in_dim3A_776 : vector<16xf32>
        %swap3A_812 = arith.index_cast %add3A_773 : i32 to index
        %swap3A_813 = arith.constant 48 : index
        %swap3A_814 = tpu.vector_load %arg11[%swap3A_812, %swap3A_813] {strides = array<i32>} : memref<80x128xf32, #tpu.memory_space<vmem>>, vector<1x16xf32>,
        %swap3A_815 = vector.shape_cast %swap3A_814 : vector<1x16xf32> to vector<16xf32>
        %swap3A_816 = vector.shape_cast %mul3A_811 : vector<16xf32> to vector<1x16xf32>
        tpu.vector_store %arg11[%swap3A_812, %swap3A_813], %swap3A_816 {strides = array<i32>} : memref<80x128xf32, #tpu.memory_space<vmem>>, vector<1x16xf32>,
        %get3A_817 = arith.index_cast %add3A_773 : i32 to index
        %get3A_818 = arith.constant 64 : index
        %get3A_819 = tpu.vector_load %arg11[%get3A_817, %get3A_818] {strides = array<i32>} : memref<80x128xf32, #tpu.memory_space<vmem>>, vector<1x16xf32>,
        %get3A_820 = vector.shape_cast %get3A_819 : vector<1x16xf32> to vector<16xf32>
        %mul3A_821 = arith.mulf %get3A_820, %broadcast_in_dim3A_776 : vector<16xf32>
        %swap3A_822 = arith.index_cast %add3A_773 : i32 to index
        %swap3A_823 = arith.constant 64 : index
        %swap3A_824 = tpu.vector_load %arg11[%swap3A_822, %swap3A_823] {strides = array<i32>} : memref<80x128xf32, #tpu.memory_space<vmem>>, vector<1x16xf32>,
        %swap3A_825 = vector.shape_cast %swap3A_824 : vector<1x16xf32> to vector<16xf32>
        %swap3A_826 = vector.shape_cast %mul3A_821 : vector<16xf32> to vector<1x16xf32>
        tpu.vector_store %arg11[%swap3A_822, %swap3A_823], %swap3A_826 {strides = array<i32>} : memref<80x128xf32, #tpu.memory_space<vmem>>, vector<1x16xf32>,
        %get3A_827 = arith.index_cast %add3A_773 : i32 to index
        %get3A_828 = arith.constant 80 : index
        %get3A_829 = tpu.vector_load %arg11[%get3A_827, %get3A_828] {strides = array<i32>} : memref<80x128xf32, #tpu.memory_space<vmem>>, vector<1x16xf32>,
        %get3A_830 = vector.shape_cast %get3A_829 : vector<1x16xf32> to vector<16xf32>
        %mul3A_831 = arith.mulf %get3A_830, %broadcast_in_dim3A_776 : vector<16xf32>
        %swap3A_832 = arith.index_cast %add3A_773 : i32 to index
        %swap3A_833 = arith.constant 80 : index
        %swap3A_834 = tpu.vector_load %arg11[%swap3A_832, %swap3A_833] {strides = array<i32>} : memref<80x128xf32, #tpu.memory_space<vmem>>, vector<1x16xf32>,
        %swap3A_835 = vector.shape_cast %swap3A_834 : vector<1x16xf32> to vector<16xf32>
        %swap3A_836 = vector.shape_cast %mul3A_831 : vector<16xf32> to vector<1x16xf32>
        tpu.vector_store %arg11[%swap3A_832, %swap3A_833], %swap3A_836 {strides = array<i32>} : memref<80x128xf32, #tpu.memory_space<vmem>>, vector<1x16xf32>,
        %get3A_837 = arith.index_cast %add3A_773 : i32 to index
        %get3A_838 = arith.constant 96 : index
        %get3A_839 = tpu.vector_load %arg11[%get3A_837, %get3A_838] {strides = array<i32>} : memref<80x128xf32, #tpu.memory_space<vmem>>, vector<1x16xf32>,
        %get3A_840 = vector.shape_cast %get3A_839 : vector<1x16xf32> to vector<16xf32>
        %mul3A_841 = arith.mulf %get3A_840, %broadcast_in_dim3A_776 : vector<16xf32>
        %swap3A_842 = arith.index_cast %add3A_773 : i32 to index
        %swap3A_843 = arith.constant 96 : index
        %swap3A_844 = tpu.vector_load %arg11[%swap3A_842, %swap3A_843] {strides = array<i32>} : memref<80x128xf32, #tpu.memory_space<vmem>>, vector<1x16xf32>,
        %swap3A_845 = vector.shape_cast %swap3A_844 : vector<1x16xf32> to vector<16xf32>
        %swap3A_846 = vector.shape_cast %mul3A_841 : vector<16xf32> to vector<1x16xf32>
        tpu.vector_store %arg11[%swap3A_842, %swap3A_843], %swap3A_846 {strides = array<i32>} : memref<80x128xf32, #tpu.memory_space<vmem>>, vector<1x16xf32>,
        %get3A_847 = arith.index_cast %add3A_773 : i32 to index
        %get3A_848 = arith.constant 112 : index
        %get3A_849 = tpu.vector_load %arg11[%get3A_847, %get3A_848] {strides = array<i32>} : memref<80x128xf32, #tpu.memory_space<vmem>>, vector<1x16xf32>,
        %get3A_850 = vector.shape_cast %get3A_849 : vector<1x16xf32> to vector<16xf32>
        %mul3A_851 = arith.mulf %get3A_850, %broadcast_in_dim3A_776 : vector<16xf32>
        %swap3A_852 = arith.index_cast %add3A_773 : i32 to index
        %swap3A_853 = arith.constant 112 : index
        %swap3A_854 = tpu.vector_load %arg11[%swap3A_852, %swap3A_853] {strides = array<i32>} : memref<80x128xf32, #tpu.memory_space<vmem>>, vector<1x16xf32>,
        %swap3A_855 = vector.shape_cast %swap3A_854 : vector<1x16xf32> to vector<16xf32>
        %swap3A_856 = vector.shape_cast %mul3A_851 : vector<16xf32> to vector<1x16xf32>
        tpu.vector_store %arg11[%swap3A_852, %swap3A_853], %swap3A_856 {strides = array<i32>} : memref<80x128xf32, #tpu.memory_space<vmem>>, vector<1x16xf32>,
        %mul3A_857 = arith.constant 16 : i32
        %mul3A_858 = arith.muli %scan3A_70, %mul3A_857 : i32
        %add3A_859 = arith.constant 9 : i32
        %add3A_860 = arith.addi %mul3A_858, %add3A_859 : i32
        %slice3A_861 = vector.extract_strided_slice %get3A_77 {offsets = [9], sizes = [1], strides = [1]} : vector<16xf32> to vector<1xf32>
        %squeeze3A_862 = vector.extract %slice3A_861[0] : f32 from vector<1xf32>
        %broadcast_in_dim3A_863 = vector.broadcast %squeeze3A_862 : f32 to vector<16xf32>
        %get3A_864 = arith.index_cast %add3A_860 : i32 to index
        %get3A_865 = arith.constant 0 : index
        %get3A_866 = tpu.vector_load %arg11[%get3A_864, %get3A_865] {strides = array<i32>} : memref<80x128xf32, #tpu.memory_space<vmem>>, vector<1x16xf32>,
        %get3A_867 = vector.shape_cast %get3A_866 : vector<1x16xf32> to vector<16xf32>
        %mul3A_868 = arith.mulf %get3A_867, %broadcast_in_dim3A_863 : vector<16xf32>
        %swap3A_869 = arith.index_cast %add3A_860 : i32 to index
        %swap3A_870 = arith.constant 0 : index
        %swap3A_871 = tpu.vector_load %arg11[%swap3A_869, %swap3A_870] {strides = array<i32>} : memref<80x128xf32, #tpu.memory_space<vmem>>, vector<1x16xf32>,
        %swap3A_872 = vector.shape_cast %swap3A_871 : vector<1x16xf32> to vector<16xf32>
        %swap3A_873 = vector.shape_cast %mul3A_868 : vector<16xf32> to vector<1x16xf32>
        tpu.vector_store %arg11[%swap3A_869, %swap3A_870], %swap3A_873 {strides = array<i32>} : memref<80x128xf32, #tpu.memory_space<vmem>>, vector<1x16xf32>,
        %get3A_874 = arith.index_cast %add3A_860 : i32 to index
        %get3A_875 = arith.constant 16 : index
        %get3A_876 = tpu.vector_load %arg11[%get3A_874, %get3A_875] {strides = array<i32>} : memref<80x128xf32, #tpu.memory_space<vmem>>, vector<1x16xf32>,
        %get3A_877 = vector.shape_cast %get3A_876 : vector<1x16xf32> to vector<16xf32>
        %mul3A_878 = arith.mulf %get3A_877, %broadcast_in_dim3A_863 : vector<16xf32>
        %swap3A_879 = arith.index_cast %add3A_860 : i32 to index
        %swap3A_880 = arith.constant 16 : index
        %swap3A_881 = tpu.vector_load %arg11[%swap3A_879, %swap3A_880] {strides = array<i32>} : memref<80x128xf32, #tpu.memory_space<vmem>>, vector<1x16xf32>,
        %swap3A_882 = vector.shape_cast %swap3A_881 : vector<1x16xf32> to vector<16xf32>
        %swap3A_883 = vector.shape_cast %mul3A_878 : vector<16xf32> to vector<1x16xf32>
        tpu.vector_store %arg11[%swap3A_879, %swap3A_880], %swap3A_883 {strides = array<i32>} : memref<80x128xf32, #tpu.memory_space<vmem>>, vector<1x16xf32>,
        %get3A_884 = arith.index_cast %add3A_860 : i32 to index
        %get3A_885 = arith.constant 32 : index
        %get3A_886 = tpu.vector_load %arg11[%get3A_884, %get3A_885] {strides = array<i32>} : memref<80x128xf32, #tpu.memory_space<vmem>>, vector<1x16xf32>,
        %get3A_887 = vector.shape_cast %get3A_886 : vector<1x16xf32> to vector<16xf32>
        %mul3A_888 = arith.mulf %get3A_887, %broadcast_in_dim3A_863 : vector<16xf32>
        %swap3A_889 = arith.index_cast %add3A_860 : i32 to index
        %swap3A_890 = arith.constant 32 : index
        %swap3A_891 = tpu.vector_load %arg11[%swap3A_889, %swap3A_890] {strides = array<i32>} : memref<80x128xf32, #tpu.memory_space<vmem>>, vector<1x16xf32>,
        %swap3A_892 = vector.shape_cast %swap3A_891 : vector<1x16xf32> to vector<16xf32>
        %swap3A_893 = vector.shape_cast %mul3A_888 : vector<16xf32> to vector<1x16xf32>
        tpu.vector_store %arg11[%swap3A_889, %swap3A_890], %swap3A_893 {strides = array<i32>} : memref<80x128xf32, #tpu.memory_space<vmem>>, vector<1x16xf32>,
        %get3A_894 = arith.index_cast %add3A_860 : i32 to index
        %get3A_895 = arith.constant 48 : index
        %get3A_896 = tpu.vector_load %arg11[%get3A_894, %get3A_895] {strides = array<i32>} : memref<80x128xf32, #tpu.memory_space<vmem>>, vector<1x16xf32>,
        %get3A_897 = vector.shape_cast %get3A_896 : vector<1x16xf32> to vector<16xf32>
        %mul3A_898 = arith.mulf %get3A_897, %broadcast_in_dim3A_863 : vector<16xf32>
        %swap3A_899 = arith.index_cast %add3A_860 : i32 to index
        %swap3A_900 = arith.constant 48 : index
        %swap3A_901 = tpu.vector_load %arg11[%swap3A_899, %swap3A_900] {strides = array<i32>} : memref<80x128xf32, #tpu.memory_space<vmem>>, vector<1x16xf32>,
        %swap3A_902 = vector.shape_cast %swap3A_901 : vector<1x16xf32> to vector<16xf32>
        %swap3A_903 = vector.shape_cast %mul3A_898 : vector<16xf32> to vector<1x16xf32>
        tpu.vector_store %arg11[%swap3A_899, %swap3A_900], %swap3A_903 {strides = array<i32>} : memref<80x128xf32, #tpu.memory_space<vmem>>, vector<1x16xf32>,
        %get3A_904 = arith.index_cast %add3A_860 : i32 to index
        %get3A_905 = arith.constant 64 : index
        %get3A_906 = tpu.vector_load %arg11[%get3A_904, %get3A_905] {strides = array<i32>} : memref<80x128xf32, #tpu.memory_space<vmem>>, vector<1x16xf32>,
        %get3A_907 = vector.shape_cast %get3A_906 : vector<1x16xf32> to vector<16xf32>
        %mul3A_908 = arith.mulf %get3A_907, %broadcast_in_dim3A_863 : vector<16xf32>
        %swap3A_909 = arith.index_cast %add3A_860 : i32 to index
        %swap3A_910 = arith.constant 64 : index
        %swap3A_911 = tpu.vector_load %arg11[%swap3A_909, %swap3A_910] {strides = array<i32>} : memref<80x128xf32, #tpu.memory_space<vmem>>, vector<1x16xf32>,
        %swap3A_912 = vector.shape_cast %swap3A_911 : vector<1x16xf32> to vector<16xf32>
        %swap3A_913 = vector.shape_cast %mul3A_908 : vector<16xf32> to vector<1x16xf32>
        tpu.vector_store %arg11[%swap3A_909, %swap3A_910], %swap3A_913 {strides = array<i32>} : memref<80x128xf32, #tpu.memory_space<vmem>>, vector<1x16xf32>,
        %get3A_914 = arith.index_cast %add3A_860 : i32 to index
        %get3A_915 = arith.constant 80 : index
        %get3A_916 = tpu.vector_load %arg11[%get3A_914, %get3A_915] {strides = array<i32>} : memref<80x128xf32, #tpu.memory_space<vmem>>, vector<1x16xf32>,
        %get3A_917 = vector.shape_cast %get3A_916 : vector<1x16xf32> to vector<16xf32>
        %mul3A_918 = arith.mulf %get3A_917, %broadcast_in_dim3A_863 : vector<16xf32>
        %swap3A_919 = arith.index_cast %add3A_860 : i32 to index
        %swap3A_920 = arith.constant 80 : index
        %swap3A_921 = tpu.vector_load %arg11[%swap3A_919, %swap3A_920] {strides = array<i32>} : memref<80x128xf32, #tpu.memory_space<vmem>>, vector<1x16xf32>,
        %swap3A_922 = vector.shape_cast %swap3A_921 : vector<1x16xf32> to vector<16xf32>
        %swap3A_923 = vector.shape_cast %mul3A_918 : vector<16xf32> to vector<1x16xf32>
        tpu.vector_store %arg11[%swap3A_919, %swap3A_920], %swap3A_923 {strides = array<i32>} : memref<80x128xf32, #tpu.memory_space<vmem>>, vector<1x16xf32>,
        %get3A_924 = arith.index_cast %add3A_860 : i32 to index
        %get3A_925 = arith.constant 96 : index
        %get3A_926 = tpu.vector_load %arg11[%get3A_924, %get3A_925] {strides = array<i32>} : memref<80x128xf32, #tpu.memory_space<vmem>>, vector<1x16xf32>,
        %get3A_927 = vector.shape_cast %get3A_926 : vector<1x16xf32> to vector<16xf32>
        %mul3A_928 = arith.mulf %get3A_927, %broadcast_in_dim3A_863 : vector<16xf32>
        %swap3A_929 = arith.index_cast %add3A_860 : i32 to index
        %swap3A_930 = arith.constant 96 : index
        %swap3A_931 = tpu.vector_load %arg11[%swap3A_929, %swap3A_930] {strides = array<i32>} : memref<80x128xf32, #tpu.memory_space<vmem>>, vector<1x16xf32>,
        %swap3A_932 = vector.shape_cast %swap3A_931 : vector<1x16xf32> to vector<16xf32>
        %swap3A_933 = vector.shape_cast %mul3A_928 : vector<16xf32> to vector<1x16xf32>
        tpu.vector_store %arg11[%swap3A_929, %swap3A_930], %swap3A_933 {strides = array<i32>} : memref<80x128xf32, #tpu.memory_space<vmem>>, vector<1x16xf32>,
        %get3A_934 = arith.index_cast %add3A_860 : i32 to index
        %get3A_935 = arith.constant 112 : index
        %get3A_936 = tpu.vector_load %arg11[%get3A_934, %get3A_935] {strides = array<i32>} : memref<80x128xf32, #tpu.memory_space<vmem>>, vector<1x16xf32>,
        %get3A_937 = vector.shape_cast %get3A_936 : vector<1x16xf32> to vector<16xf32>
        %mul3A_938 = arith.mulf %get3A_937, %broadcast_in_dim3A_863 : vector<16xf32>
        %swap3A_939 = arith.index_cast %add3A_860 : i32 to index
        %swap3A_940 = arith.constant 112 : index
        %swap3A_941 = tpu.vector_load %arg11[%swap3A_939, %swap3A_940] {strides = array<i32>} : memref<80x128xf32, #tpu.memory_space<vmem>>, vector<1x16xf32>,
        %swap3A_942 = vector.shape_cast %swap3A_941 : vector<1x16xf32> to vector<16xf32>
        %swap3A_943 = vector.shape_cast %mul3A_938 : vector<16xf32> to vector<1x16xf32>
        tpu.vector_store %arg11[%swap3A_939, %swap3A_940], %swap3A_943 {strides = array<i32>} : memref<80x128xf32, #tpu.memory_space<vmem>>, vector<1x16xf32>,
        %mul3A_944 = arith.constant 16 : i32
        %mul3A_945 = arith.muli %scan3A_70, %mul3A_944 : i32
        %add3A_946 = arith.constant 10 : i32
        %add3A_947 = arith.addi %mul3A_945, %add3A_946 : i32
        %slice3A_948 = vector.extract_strided_slice %get3A_77 {offsets = [10], sizes = [1], strides = [1]} : vector<16xf32> to vector<1xf32>
        %squeeze3A_949 = vector.extract %slice3A_948[0] : f32 from vector<1xf32>
        %broadcast_in_dim3A_950 = vector.broadcast %squeeze3A_949 : f32 to vector<16xf32>
        %get3A_951 = arith.index_cast %add3A_947 : i32 to index
        %get3A_952 = arith.constant 0 : index
        %get3A_953 = tpu.vector_load %arg11[%get3A_951, %get3A_952] {strides = array<i32>} : memref<80x128xf32, #tpu.memory_space<vmem>>, vector<1x16xf32>,
        %get3A_954 = vector.shape_cast %get3A_953 : vector<1x16xf32> to vector<16xf32>
        %mul3A_955 = arith.mulf %get3A_954, %broadcast_in_dim3A_950 : vector<16xf32>
        %swap3A_956 = arith.index_cast %add3A_947 : i32 to index
        %swap3A_957 = arith.constant 0 : index
        %swap3A_958 = tpu.vector_load %arg11[%swap3A_956, %swap3A_957] {strides = array<i32>} : memref<80x128xf32, #tpu.memory_space<vmem>>, vector<1x16xf32>,
        %swap3A_959 = vector.shape_cast %swap3A_958 : vector<1x16xf32> to vector<16xf32>
        %swap3A_960 = vector.shape_cast %mul3A_955 : vector<16xf32> to vector<1x16xf32>
        tpu.vector_store %arg11[%swap3A_956, %swap3A_957], %swap3A_960 {strides = array<i32>} : memref<80x128xf32, #tpu.memory_space<vmem>>, vector<1x16xf32>,
        %get3A_961 = arith.index_cast %add3A_947 : i32 to index
        %get3A_962 = arith.constant 16 : index
        %get3A_963 = tpu.vector_load %arg11[%get3A_961, %get3A_962] {strides = array<i32>} : memref<80x128xf32, #tpu.memory_space<vmem>>, vector<1x16xf32>,
        %get3A_964 = vector.shape_cast %get3A_963 : vector<1x16xf32> to vector<16xf32>
        %mul3A_965 = arith.mulf %get3A_964, %broadcast_in_dim3A_950 : vector<16xf32>
        %swap3A_966 = arith.index_cast %add3A_947 : i32 to index
        %swap3A_967 = arith.constant 16 : index
        %swap3A_968 = tpu.vector_load %arg11[%swap3A_966, %swap3A_967] {strides = array<i32>} : memref<80x128xf32, #tpu.memory_space<vmem>>, vector<1x16xf32>,
        %swap3A_969 = vector.shape_cast %swap3A_968 : vector<1x16xf32> to vector<16xf32>
        %swap3A_970 = vector.shape_cast %mul3A_965 : vector<16xf32> to vector<1x16xf32>
        tpu.vector_store %arg11[%swap3A_966, %swap3A_967], %swap3A_970 {strides = array<i32>} : memref<80x128xf32, #tpu.memory_space<vmem>>, vector<1x16xf32>,
        %get3A_971 = arith.index_cast %add3A_947 : i32 to index
        %get3A_972 = arith.constant 32 : index
        %get3A_973 = tpu.vector_load %arg11[%get3A_971, %get3A_972] {strides = array<i32>} : memref<80x128xf32, #tpu.memory_space<vmem>>, vector<1x16xf32>,
        %get3A_974 = vector.shape_cast %get3A_973 : vector<1x16xf32> to vector<16xf32>
        %mul3A_975 = arith.mulf %get3A_974, %broadcast_in_dim3A_950 : vector<16xf32>
        %swap3A_976 = arith.index_cast %add3A_947 : i32 to index
        %swap3A_977 = arith.constant 32 : index
        %swap3A_978 = tpu.vector_load %arg11[%swap3A_976, %swap3A_977] {strides = array<i32>} : memref<80x128xf32, #tpu.memory_space<vmem>>, vector<1x16xf32>,
        %swap3A_979 = vector.shape_cast %swap3A_978 : vector<1x16xf32> to vector<16xf32>
        %swap3A_980 = vector.shape_cast %mul3A_975 : vector<16xf32> to vector<1x16xf32>
        tpu.vector_store %arg11[%swap3A_976, %swap3A_977], %swap3A_980 {strides = array<i32>} : memref<80x128xf32, #tpu.memory_space<vmem>>, vector<1x16xf32>,
        %get3A_981 = arith.index_cast %add3A_947 : i32 to index
        %get3A_982 = arith.constant 48 : index
        %get3A_983 = tpu.vector_load %arg11[%get3A_981, %get3A_982] {strides = array<i32>} : memref<80x128xf32, #tpu.memory_space<vmem>>, vector<1x16xf32>,
        %get3A_984 = vector.shape_cast %get3A_983 : vector<1x16xf32> to vector<16xf32>
        %mul3A_985 = arith.mulf %get3A_984, %broadcast_in_dim3A_950 : vector<16xf32>
        %swap3A_986 = arith.index_cast %add3A_947 : i32 to index
        %swap3A_987 = arith.constant 48 : index
        %swap3A_988 = tpu.vector_load %arg11[%swap3A_986, %swap3A_987] {strides = array<i32>} : memref<80x128xf32, #tpu.memory_space<vmem>>, vector<1x16xf32>,
        %swap3A_989 = vector.shape_cast %swap3A_988 : vector<1x16xf32> to vector<16xf32>
        %swap3A_990 = vector.shape_cast %mul3A_985 : vector<16xf32> to vector<1x16xf32>
        tpu.vector_store %arg11[%swap3A_986, %swap3A_987], %swap3A_990 {strides = array<i32>} : memref<80x128xf32, #tpu.memory_space<vmem>>, vector<1x16xf32>,
        %get3A_991 = arith.index_cast %add3A_947 : i32 to index
        %get3A_992 = arith.constant 64 : index
        %get3A_993 = tpu.vector_load %arg11[%get3A_991, %get3A_992] {strides = array<i32>} : memref<80x128xf32, #tpu.memory_space<vmem>>, vector<1x16xf32>,
        %get3A_994 = vector.shape_cast %get3A_993 : vector<1x16xf32> to vector<16xf32>
        %mul3A_995 = arith.mulf %get3A_994, %broadcast_in_dim3A_950 : vector<16xf32>
        %swap3A_996 = arith.index_cast %add3A_947 : i32 to index
        %swap3A_997 = arith.constant 64 : index
        %swap3A_998 = tpu.vector_load %arg11[%swap3A_996, %swap3A_997] {strides = array<i32>} : memref<80x128xf32, #tpu.memory_space<vmem>>, vector<1x16xf32>,
        %swap3A_999 = vector.shape_cast %swap3A_998 : vector<1x16xf32> to vector<16xf32>
        %swap3A_1000 = vector.shape_cast %mul3A_995 : vector<16xf32> to vector<1x16xf32>
        tpu.vector_store %arg11[%swap3A_996, %swap3A_997], %swap3A_1000 {strides = array<i32>} : memref<80x128xf32, #tpu.memory_space<vmem>>, vector<1x16xf32>,
        %get3A_1001 = arith.index_cast %add3A_947 : i32 to index
        %get3A_1002 = arith.constant 80 : index
        %get3A_1003 = tpu.vector_load %arg11[%get3A_1001, %get3A_1002] {strides = array<i32>} : memref<80x128xf32, #tpu.memory_space<vmem>>, vector<1x16xf32>,
        %get3A_1004 = vector.shape_cast %get3A_1003 : vector<1x16xf32> to vector<16xf32>
        %mul3A_1005 = arith.mulf %get3A_1004, %broadcast_in_dim3A_950 : vector<16xf32>
        %swap3A_1006 = arith.index_cast %add3A_947 : i32 to index
        %swap3A_1007 = arith.constant 80 : index
        %swap3A_1008 = tpu.vector_load %arg11[%swap3A_1006, %swap3A_1007] {strides = array<i32>} : memref<80x128xf32, #tpu.memory_space<vmem>>, vector<1x16xf32>,
        %swap3A_1009 = vector.shape_cast %swap3A_1008 : vector<1x16xf32> to vector<16xf32>
        %swap3A_1010 = vector.shape_cast %mul3A_1005 : vector<16xf32> to vector<1x16xf32>
        tpu.vector_store %arg11[%swap3A_1006, %swap3A_1007], %swap3A_1010 {strides = array<i32>} : memref<80x128xf32, #tpu.memory_space<vmem>>, vector<1x16xf32>,
        %get3A_1011 = arith.index_cast %add3A_947 : i32 to index
        %get3A_1012 = arith.constant 96 : index
        %get3A_1013 = tpu.vector_load %arg11[%get3A_1011, %get3A_1012] {strides = array<i32>} : memref<80x128xf32, #tpu.memory_space<vmem>>, vector<1x16xf32>,
        %get3A_1014 = vector.shape_cast %get3A_1013 : vector<1x16xf32> to vector<16xf32>
        %mul3A_1015 = arith.mulf %get3A_1014, %broadcast_in_dim3A_950 : vector<16xf32>
        %swap3A_1016 = arith.index_cast %add3A_947 : i32 to index
        %swap3A_1017 = arith.constant 96 : index
        %swap3A_1018 = tpu.vector_load %arg11[%swap3A_1016, %swap3A_1017] {strides = array<i32>} : memref<80x128xf32, #tpu.memory_space<vmem>>, vector<1x16xf32>,
        %swap3A_1019 = vector.shape_cast %swap3A_1018 : vector<1x16xf32> to vector<16xf32>
        %swap3A_1020 = vector.shape_cast %mul3A_1015 : vector<16xf32> to vector<1x16xf32>
        tpu.vector_store %arg11[%swap3A_1016, %swap3A_1017], %swap3A_1020 {strides = array<i32>} : memref<80x128xf32, #tpu.memory_space<vmem>>, vector<1x16xf32>,
        %get3A_1021 = arith.index_cast %add3A_947 : i32 to index
        %get3A_1022 = arith.constant 112 : index
        %get3A_1023 = tpu.vector_load %arg11[%get3A_1021, %get3A_1022] {strides = array<i32>} : memref<80x128xf32, #tpu.memory_space<vmem>>, vector<1x16xf32>,
        %get3A_1024 = vector.shape_cast %get3A_1023 : vector<1x16xf32> to vector<16xf32>
        %mul3A_1025 = arith.mulf %get3A_1024, %broadcast_in_dim3A_950 : vector<16xf32>
        %swap3A_1026 = arith.index_cast %add3A_947 : i32 to index
        %swap3A_1027 = arith.constant 112 : index
        %swap3A_1028 = tpu.vector_load %arg11[%swap3A_1026, %swap3A_1027] {strides = array<i32>} : memref<80x128xf32, #tpu.memory_space<vmem>>, vector<1x16xf32>,
        %swap3A_1029 = vector.shape_cast %swap3A_1028 : vector<1x16xf32> to vector<16xf32>
        %swap3A_1030 = vector.shape_cast %mul3A_1025 : vector<16xf32> to vector<1x16xf32>
        tpu.vector_store %arg11[%swap3A_1026, %swap3A_1027], %swap3A_1030 {strides = array<i32>} : memref<80x128xf32, #tpu.memory_space<vmem>>, vector<1x16xf32>,
        %mul3A_1031 = arith.constant 16 : i32
        %mul3A_1032 = arith.muli %scan3A_70, %mul3A_1031 : i32
        %add3A_1033 = arith.constant 11 : i32
        %add3A_1034 = arith.addi %mul3A_1032, %add3A_1033 : i32
        %slice3A_1035 = vector.extract_strided_slice %get3A_77 {offsets = [11], sizes = [1], strides = [1]} : vector<16xf32> to vector<1xf32>
        %squeeze3A_1036 = vector.extract %slice3A_1035[0] : f32 from vector<1xf32>
        %broadcast_in_dim3A_1037 = vector.broadcast %squeeze3A_1036 : f32 to vector<16xf32>
        %get3A_1038 = arith.index_cast %add3A_1034 : i32 to index
        %get3A_1039 = arith.constant 0 : index
        %get3A_1040 = tpu.vector_load %arg11[%get3A_1038, %get3A_1039] {strides = array<i32>} : memref<80x128xf32, #tpu.memory_space<vmem>>, vector<1x16xf32>,
        %get3A_1041 = vector.shape_cast %get3A_1040 : vector<1x16xf32> to vector<16xf32>
        %mul3A_1042 = arith.mulf %get3A_1041, %broadcast_in_dim3A_1037 : vector<16xf32>
        %swap3A_1043 = arith.index_cast %add3A_1034 : i32 to index
        %swap3A_1044 = arith.constant 0 : index
        %swap3A_1045 = tpu.vector_load %arg11[%swap3A_1043, %swap3A_1044] {strides = array<i32>} : memref<80x128xf32, #tpu.memory_space<vmem>>, vector<1x16xf32>,
        %swap3A_1046 = vector.shape_cast %swap3A_1045 : vector<1x16xf32> to vector<16xf32>
        %swap3A_1047 = vector.shape_cast %mul3A_1042 : vector<16xf32> to vector<1x16xf32>
        tpu.vector_store %arg11[%swap3A_1043, %swap3A_1044], %swap3A_1047 {strides = array<i32>} : memref<80x128xf32, #tpu.memory_space<vmem>>, vector<1x16xf32>,
        %get3A_1048 = arith.index_cast %add3A_1034 : i32 to index
        %get3A_1049 = arith.constant 16 : index
        %get3A_1050 = tpu.vector_load %arg11[%get3A_1048, %get3A_1049] {strides = array<i32>} : memref<80x128xf32, #tpu.memory_space<vmem>>, vector<1x16xf32>,
        %get3A_1051 = vector.shape_cast %get3A_1050 : vector<1x16xf32> to vector<16xf32>
        %mul3A_1052 = arith.mulf %get3A_1051, %broadcast_in_dim3A_1037 : vector<16xf32>
        %swap3A_1053 = arith.index_cast %add3A_1034 : i32 to index
        %swap3A_1054 = arith.constant 16 : index
        %swap3A_1055 = tpu.vector_load %arg11[%swap3A_1053, %swap3A_1054] {strides = array<i32>} : memref<80x128xf32, #tpu.memory_space<vmem>>, vector<1x16xf32>,
        %swap3A_1056 = vector.shape_cast %swap3A_1055 : vector<1x16xf32> to vector<16xf32>
        %swap3A_1057 = vector.shape_cast %mul3A_1052 : vector<16xf32> to vector<1x16xf32>
        tpu.vector_store %arg11[%swap3A_1053, %swap3A_1054], %swap3A_1057 {strides = array<i32>} : memref<80x128xf32, #tpu.memory_space<vmem>>, vector<1x16xf32>,
        %get3A_1058 = arith.index_cast %add3A_1034 : i32 to index
        %get3A_1059 = arith.constant 32 : index
        %get3A_1060 = tpu.vector_load %arg11[%get3A_1058, %get3A_1059] {strides = array<i32>} : memref<80x128xf32, #tpu.memory_space<vmem>>, vector<1x16xf32>,
        %get3A_1061 = vector.shape_cast %get3A_1060 : vector<1x16xf32> to vector<16xf32>
        %mul3A_1062 = arith.mulf %get3A_1061, %broadcast_in_dim3A_1037 : vector<16xf32>
        %swap3A_1063 = arith.index_cast %add3A_1034 : i32 to index
        %swap3A_1064 = arith.constant 32 : index
        %swap3A_1065 = tpu.vector_load %arg11[%swap3A_1063, %swap3A_1064] {strides = array<i32>} : memref<80x128xf32, #tpu.memory_space<vmem>>, vector<1x16xf32>,
        %swap3A_1066 = vector.shape_cast %swap3A_1065 : vector<1x16xf32> to vector<16xf32>
        %swap3A_1067 = vector.shape_cast %mul3A_1062 : vector<16xf32> to vector<1x16xf32>
        tpu.vector_store %arg11[%swap3A_1063, %swap3A_1064], %swap3A_1067 {strides = array<i32>} : memref<80x128xf32, #tpu.memory_space<vmem>>, vector<1x16xf32>,
        %get3A_1068 = arith.index_cast %add3A_1034 : i32 to index
        %get3A_1069 = arith.constant 48 : index
        %get3A_1070 = tpu.vector_load %arg11[%get3A_1068, %get3A_1069] {strides = array<i32>} : memref<80x128xf32, #tpu.memory_space<vmem>>, vector<1x16xf32>,
        %get3A_1071 = vector.shape_cast %get3A_1070 : vector<1x16xf32> to vector<16xf32>
        %mul3A_1072 = arith.mulf %get3A_1071, %broadcast_in_dim3A_1037 : vector<16xf32>
        %swap3A_1073 = arith.index_cast %add3A_1034 : i32 to index
        %swap3A_1074 = arith.constant 48 : index
        %swap3A_1075 = tpu.vector_load %arg11[%swap3A_1073, %swap3A_1074] {strides = array<i32>} : memref<80x128xf32, #tpu.memory_space<vmem>>, vector<1x16xf32>,
        %swap3A_1076 = vector.shape_cast %swap3A_1075 : vector<1x16xf32> to vector<16xf32>
        %swap3A_1077 = vector.shape_cast %mul3A_1072 : vector<16xf32> to vector<1x16xf32>
        tpu.vector_store %arg11[%swap3A_1073, %swap3A_1074], %swap3A_1077 {strides = array<i32>} : memref<80x128xf32, #tpu.memory_space<vmem>>, vector<1x16xf32>,
        %get3A_1078 = arith.index_cast %add3A_1034 : i32 to index
        %get3A_1079 = arith.constant 64 : index
        %get3A_1080 = tpu.vector_load %arg11[%get3A_1078, %get3A_1079] {strides = array<i32>} : memref<80x128xf32, #tpu.memory_space<vmem>>, vector<1x16xf32>,
        %get3A_1081 = vector.shape_cast %get3A_1080 : vector<1x16xf32> to vector<16xf32>
        %mul3A_1082 = arith.mulf %get3A_1081, %broadcast_in_dim3A_1037 : vector<16xf32>
        %swap3A_1083 = arith.index_cast %add3A_1034 : i32 to index
        %swap3A_1084 = arith.constant 64 : index
        %swap3A_1085 = tpu.vector_load %arg11[%swap3A_1083, %swap3A_1084] {strides = array<i32>} : memref<80x128xf32, #tpu.memory_space<vmem>>, vector<1x16xf32>,
        %swap3A_1086 = vector.shape_cast %swap3A_1085 : vector<1x16xf32> to vector<16xf32>
        %swap3A_1087 = vector.shape_cast %mul3A_1082 : vector<16xf32> to vector<1x16xf32>
        tpu.vector_store %arg11[%swap3A_1083, %swap3A_1084], %swap3A_1087 {strides = array<i32>} : memref<80x128xf32, #tpu.memory_space<vmem>>, vector<1x16xf32>,
        %get3A_1088 = arith.index_cast %add3A_1034 : i32 to index
        %get3A_1089 = arith.constant 80 : index
        %get3A_1090 = tpu.vector_load %arg11[%get3A_1088, %get3A_1089] {strides = array<i32>} : memref<80x128xf32, #tpu.memory_space<vmem>>, vector<1x16xf32>,
        %get3A_1091 = vector.shape_cast %get3A_1090 : vector<1x16xf32> to vector<16xf32>
        %mul3A_1092 = arith.mulf %get3A_1091, %broadcast_in_dim3A_1037 : vector<16xf32>
        %swap3A_1093 = arith.index_cast %add3A_1034 : i32 to index
        %swap3A_1094 = arith.constant 80 : index
        %swap3A_1095 = tpu.vector_load %arg11[%swap3A_1093, %swap3A_1094] {strides = array<i32>} : memref<80x128xf32, #tpu.memory_space<vmem>>, vector<1x16xf32>,
        %swap3A_1096 = vector.shape_cast %swap3A_1095 : vector<1x16xf32> to vector<16xf32>
        %swap3A_1097 = vector.shape_cast %mul3A_1092 : vector<16xf32> to vector<1x16xf32>
        tpu.vector_store %arg11[%swap3A_1093, %swap3A_1094], %swap3A_1097 {strides = array<i32>} : memref<80x128xf32, #tpu.memory_space<vmem>>, vector<1x16xf32>,
        %get3A_1098 = arith.index_cast %add3A_1034 : i32 to index
        %get3A_1099 = arith.constant 96 : index
        %get3A_1100 = tpu.vector_load %arg11[%get3A_1098, %get3A_1099] {strides = array<i32>} : memref<80x128xf32, #tpu.memory_space<vmem>>, vector<1x16xf32>,
        %get3A_1101 = vector.shape_cast %get3A_1100 : vector<1x16xf32> to vector<16xf32>
        %mul3A_1102 = arith.mulf %get3A_1101, %broadcast_in_dim3A_1037 : vector<16xf32>
        %swap3A_1103 = arith.index_cast %add3A_1034 : i32 to index
        %swap3A_1104 = arith.constant 96 : index
        %swap3A_1105 = tpu.vector_load %arg11[%swap3A_1103, %swap3A_1104] {strides = array<i32>} : memref<80x128xf32, #tpu.memory_space<vmem>>, vector<1x16xf32>,
        %swap3A_1106 = vector.shape_cast %swap3A_1105 : vector<1x16xf32> to vector<16xf32>
        %swap3A_1107 = vector.shape_cast %mul3A_1102 : vector<16xf32> to vector<1x16xf32>
        tpu.vector_store %arg11[%swap3A_1103, %swap3A_1104], %swap3A_1107 {strides = array<i32>} : memref<80x128xf32, #tpu.memory_space<vmem>>, vector<1x16xf32>,
        %get3A_1108 = arith.index_cast %add3A_1034 : i32 to index
        %get3A_1109 = arith.constant 112 : index
        %get3A_1110 = tpu.vector_load %arg11[%get3A_1108, %get3A_1109] {strides = array<i32>} : memref<80x128xf32, #tpu.memory_space<vmem>>, vector<1x16xf32>,
        %get3A_1111 = vector.shape_cast %get3A_1110 : vector<1x16xf32> to vector<16xf32>
        %mul3A_1112 = arith.mulf %get3A_1111, %broadcast_in_dim3A_1037 : vector<16xf32>
        %swap3A_1113 = arith.index_cast %add3A_1034 : i32 to index
        %swap3A_1114 = arith.constant 112 : index
        %swap3A_1115 = tpu.vector_load %arg11[%swap3A_1113, %swap3A_1114] {strides = array<i32>} : memref<80x128xf32, #tpu.memory_space<vmem>>, vector<1x16xf32>,
        %swap3A_1116 = vector.shape_cast %swap3A_1115 : vector<1x16xf32> to vector<16xf32>
        %swap3A_1117 = vector.shape_cast %mul3A_1112 : vector<16xf32> to vector<1x16xf32>
        tpu.vector_store %arg11[%swap3A_1113, %swap3A_1114], %swap3A_1117 {strides = array<i32>} : memref<80x128xf32, #tpu.memory_space<vmem>>, vector<1x16xf32>,
        %mul3A_1118 = arith.constant 16 : i32
        %mul3A_1119 = arith.muli %scan3A_70, %mul3A_1118 : i32
        %add3A_1120 = arith.constant 12 : i32
        %add3A_1121 = arith.addi %mul3A_1119, %add3A_1120 : i32
        %slice3A_1122 = vector.extract_strided_slice %get3A_77 {offsets = [12], sizes = [1], strides = [1]} : vector<16xf32> to vector<1xf32>
        %squeeze3A_1123 = vector.extract %slice3A_1122[0] : f32 from vector<1xf32>
        %broadcast_in_dim3A_1124 = vector.broadcast %squeeze3A_1123 : f32 to vector<16xf32>
        %get3A_1125 = arith.index_cast %add3A_1121 : i32 to index
        %get3A_1126 = arith.constant 0 : index
        %get3A_1127 = tpu.vector_load %arg11[%get3A_1125, %get3A_1126] {strides = array<i32>} : memref<80x128xf32, #tpu.memory_space<vmem>>, vector<1x16xf32>,
        %get3A_1128 = vector.shape_cast %get3A_1127 : vector<1x16xf32> to vector<16xf32>
        %mul3A_1129 = arith.mulf %get3A_1128, %broadcast_in_dim3A_1124 : vector<16xf32>
        %swap3A_1130 = arith.index_cast %add3A_1121 : i32 to index
        %swap3A_1131 = arith.constant 0 : index
        %swap3A_1132 = tpu.vector_load %arg11[%swap3A_1130, %swap3A_1131] {strides = array<i32>} : memref<80x128xf32, #tpu.memory_space<vmem>>, vector<1x16xf32>,
        %swap3A_1133 = vector.shape_cast %swap3A_1132 : vector<1x16xf32> to vector<16xf32>
        %swap3A_1134 = vector.shape_cast %mul3A_1129 : vector<16xf32> to vector<1x16xf32>
        tpu.vector_store %arg11[%swap3A_1130, %swap3A_1131], %swap3A_1134 {strides = array<i32>} : memref<80x128xf32, #tpu.memory_space<vmem>>, vector<1x16xf32>,
        %get3A_1135 = arith.index_cast %add3A_1121 : i32 to index
        %get3A_1136 = arith.constant 16 : index
        %get3A_1137 = tpu.vector_load %arg11[%get3A_1135, %get3A_1136] {strides = array<i32>} : memref<80x128xf32, #tpu.memory_space<vmem>>, vector<1x16xf32>,
        %get3A_1138 = vector.shape_cast %get3A_1137 : vector<1x16xf32> to vector<16xf32>
        %mul3A_1139 = arith.mulf %get3A_1138, %broadcast_in_dim3A_1124 : vector<16xf32>
        %swap3A_1140 = arith.index_cast %add3A_1121 : i32 to index
        %swap3A_1141 = arith.constant 16 : index
        %swap3A_1142 = tpu.vector_load %arg11[%swap3A_1140, %swap3A_1141] {strides = array<i32>} : memref<80x128xf32, #tpu.memory_space<vmem>>, vector<1x16xf32>,
        %swap3A_1143 = vector.shape_cast %swap3A_1142 : vector<1x16xf32> to vector<16xf32>
        %swap3A_1144 = vector.shape_cast %mul3A_1139 : vector<16xf32> to vector<1x16xf32>
        tpu.vector_store %arg11[%swap3A_1140, %swap3A_1141], %swap3A_1144 {strides = array<i32>} : memref<80x128xf32, #tpu.memory_space<vmem>>, vector<1x16xf32>,
        %get3A_1145 = arith.index_cast %add3A_1121 : i32 to index
        %get3A_1146 = arith.constant 32 : index
        %get3A_1147 = tpu.vector_load %arg11[%get3A_1145, %get3A_1146] {strides = array<i32>} : memref<80x128xf32, #tpu.memory_space<vmem>>, vector<1x16xf32>,
        %get3A_1148 = vector.shape_cast %get3A_1147 : vector<1x16xf32> to vector<16xf32>
        %mul3A_1149 = arith.mulf %get3A_1148, %broadcast_in_dim3A_1124 : vector<16xf32>
        %swap3A_1150 = arith.index_cast %add3A_1121 : i32 to index
        %swap3A_1151 = arith.constant 32 : index
        %swap3A_1152 = tpu.vector_load %arg11[%swap3A_1150, %swap3A_1151] {strides = array<i32>} : memref<80x128xf32, #tpu.memory_space<vmem>>, vector<1x16xf32>,
        %swap3A_1153 = vector.shape_cast %swap3A_1152 : vector<1x16xf32> to vector<16xf32>
        %swap3A_1154 = vector.shape_cast %mul3A_1149 : vector<16xf32> to vector<1x16xf32>
        tpu.vector_store %arg11[%swap3A_1150, %swap3A_1151], %swap3A_1154 {strides = array<i32>} : memref<80x128xf32, #tpu.memory_space<vmem>>, vector<1x16xf32>,
        %get3A_1155 = arith.index_cast %add3A_1121 : i32 to index
        %get3A_1156 = arith.constant 48 : index
        %get3A_1157 = tpu.vector_load %arg11[%get3A_1155, %get3A_1156] {strides = array<i32>} : memref<80x128xf32, #tpu.memory_space<vmem>>, vector<1x16xf32>,
        %get3A_1158 = vector.shape_cast %get3A_1157 : vector<1x16xf32> to vector<16xf32>
        %mul3A_1159 = arith.mulf %get3A_1158, %broadcast_in_dim3A_1124 : vector<16xf32>
        %swap3A_1160 = arith.index_cast %add3A_1121 : i32 to index
        %swap3A_1161 = arith.constant 48 : index
        %swap3A_1162 = tpu.vector_load %arg11[%swap3A_1160, %swap3A_1161] {strides = array<i32>} : memref<80x128xf32, #tpu.memory_space<vmem>>, vector<1x16xf32>,
        %swap3A_1163 = vector.shape_cast %swap3A_1162 : vector<1x16xf32> to vector<16xf32>
        %swap3A_1164 = vector.shape_cast %mul3A_1159 : vector<16xf32> to vector<1x16xf32>
        tpu.vector_store %arg11[%swap3A_1160, %swap3A_1161], %swap3A_1164 {strides = array<i32>} : memref<80x128xf32, #tpu.memory_space<vmem>>, vector<1x16xf32>,
        %get3A_1165 = arith.index_cast %add3A_1121 : i32 to index
        %get3A_1166 = arith.constant 64 : index
        %get3A_1167 = tpu.vector_load %arg11[%get3A_1165, %get3A_1166] {strides = array<i32>} : memref<80x128xf32, #tpu.memory_space<vmem>>, vector<1x16xf32>,
        %get3A_1168 = vector.shape_cast %get3A_1167 : vector<1x16xf32> to vector<16xf32>
        %mul3A_1169 = arith.mulf %get3A_1168, %broadcast_in_dim3A_1124 : vector<16xf32>
        %swap3A_1170 = arith.index_cast %add3A_1121 : i32 to index
        %swap3A_1171 = arith.constant 64 : index
        %swap3A_1172 = tpu.vector_load %arg11[%swap3A_1170, %swap3A_1171] {strides = array<i32>} : memref<80x128xf32, #tpu.memory_space<vmem>>, vector<1x16xf32>,
        %swap3A_1173 = vector.shape_cast %swap3A_1172 : vector<1x16xf32> to vector<16xf32>
        %swap3A_1174 = vector.shape_cast %mul3A_1169 : vector<16xf32> to vector<1x16xf32>
        tpu.vector_store %arg11[%swap3A_1170, %swap3A_1171], %swap3A_1174 {strides = array<i32>} : memref<80x128xf32, #tpu.memory_space<vmem>>, vector<1x16xf32>,
        %get3A_1175 = arith.index_cast %add3A_1121 : i32 to index
        %get3A_1176 = arith.constant 80 : index
        %get3A_1177 = tpu.vector_load %arg11[%get3A_1175, %get3A_1176] {strides = array<i32>} : memref<80x128xf32, #tpu.memory_space<vmem>>, vector<1x16xf32>,
        %get3A_1178 = vector.shape_cast %get3A_1177 : vector<1x16xf32> to vector<16xf32>
        %mul3A_1179 = arith.mulf %get3A_1178, %broadcast_in_dim3A_1124 : vector<16xf32>
        %swap3A_1180 = arith.index_cast %add3A_1121 : i32 to index
        %swap3A_1181 = arith.constant 80 : index
        %swap3A_1182 = tpu.vector_load %arg11[%swap3A_1180, %swap3A_1181] {strides = array<i32>} : memref<80x128xf32, #tpu.memory_space<vmem>>, vector<1x16xf32>,
        %swap3A_1183 = vector.shape_cast %swap3A_1182 : vector<1x16xf32> to vector<16xf32>
        %swap3A_1184 = vector.shape_cast %mul3A_1179 : vector<16xf32> to vector<1x16xf32>
        tpu.vector_store %arg11[%swap3A_1180, %swap3A_1181], %swap3A_1184 {strides = array<i32>} : memref<80x128xf32, #tpu.memory_space<vmem>>, vector<1x16xf32>,
        %get3A_1185 = arith.index_cast %add3A_1121 : i32 to index
        %get3A_1186 = arith.constant 96 : index
        %get3A_1187 = tpu.vector_load %arg11[%get3A_1185, %get3A_1186] {strides = array<i32>} : memref<80x128xf32, #tpu.memory_space<vmem>>, vector<1x16xf32>,
        %get3A_1188 = vector.shape_cast %get3A_1187 : vector<1x16xf32> to vector<16xf32>
        %mul3A_1189 = arith.mulf %get3A_1188, %broadcast_in_dim3A_1124 : vector<16xf32>
        %swap3A_1190 = arith.index_cast %add3A_1121 : i32 to index
        %swap3A_1191 = arith.constant 96 : index
        %swap3A_1192 = tpu.vector_load %arg11[%swap3A_1190, %swap3A_1191] {strides = array<i32>} : memref<80x128xf32, #tpu.memory_space<vmem>>, vector<1x16xf32>,
        %swap3A_1193 = vector.shape_cast %swap3A_1192 : vector<1x16xf32> to vector<16xf32>
        %swap3A_1194 = vector.shape_cast %mul3A_1189 : vector<16xf32> to vector<1x16xf32>
        tpu.vector_store %arg11[%swap3A_1190, %swap3A_1191], %swap3A_1194 {strides = array<i32>} : memref<80x128xf32, #tpu.memory_space<vmem>>, vector<1x16xf32>,
        %get3A_1195 = arith.index_cast %add3A_1121 : i32 to index
        %get3A_1196 = arith.constant 112 : index
        %get3A_1197 = tpu.vector_load %arg11[%get3A_1195, %get3A_1196] {strides = array<i32>} : memref<80x128xf32, #tpu.memory_space<vmem>>, vector<1x16xf32>,
        %get3A_1198 = vector.shape_cast %get3A_1197 : vector<1x16xf32> to vector<16xf32>
        %mul3A_1199 = arith.mulf %get3A_1198, %broadcast_in_dim3A_1124 : vector<16xf32>
        %swap3A_1200 = arith.index_cast %add3A_1121 : i32 to index
        %swap3A_1201 = arith.constant 112 : index
        %swap3A_1202 = tpu.vector_load %arg11[%swap3A_1200, %swap3A_1201] {strides = array<i32>} : memref<80x128xf32, #tpu.memory_space<vmem>>, vector<1x16xf32>,
        %swap3A_1203 = vector.shape_cast %swap3A_1202 : vector<1x16xf32> to vector<16xf32>
        %swap3A_1204 = vector.shape_cast %mul3A_1199 : vector<16xf32> to vector<1x16xf32>
        tpu.vector_store %arg11[%swap3A_1200, %swap3A_1201], %swap3A_1204 {strides = array<i32>} : memref<80x128xf32, #tpu.memory_space<vmem>>, vector<1x16xf32>,
        %mul3A_1205 = arith.constant 16 : i32
        %mul3A_1206 = arith.muli %scan3A_70, %mul3A_1205 : i32
        %add3A_1207 = arith.constant 13 : i32
        %add3A_1208 = arith.addi %mul3A_1206, %add3A_1207 : i32
        %slice3A_1209 = vector.extract_strided_slice %get3A_77 {offsets = [13], sizes = [1], strides = [1]} : vector<16xf32> to vector<1xf32>
        %squeeze3A_1210 = vector.extract %slice3A_1209[0] : f32 from vector<1xf32>
        %broadcast_in_dim3A_1211 = vector.broadcast %squeeze3A_1210 : f32 to vector<16xf32>
        %get3A_1212 = arith.index_cast %add3A_1208 : i32 to index
        %get3A_1213 = arith.constant 0 : index
        %get3A_1214 = tpu.vector_load %arg11[%get3A_1212, %get3A_1213] {strides = array<i32>} : memref<80x128xf32, #tpu.memory_space<vmem>>, vector<1x16xf32>,
        %get3A_1215 = vector.shape_cast %get3A_1214 : vector<1x16xf32> to vector<16xf32>
        %mul3A_1216 = arith.mulf %get3A_1215, %broadcast_in_dim3A_1211 : vector<16xf32>
        %swap3A_1217 = arith.index_cast %add3A_1208 : i32 to index
        %swap3A_1218 = arith.constant 0 : index
        %swap3A_1219 = tpu.vector_load %arg11[%swap3A_1217, %swap3A_1218] {strides = array<i32>} : memref<80x128xf32, #tpu.memory_space<vmem>>, vector<1x16xf32>,
        %swap3A_1220 = vector.shape_cast %swap3A_1219 : vector<1x16xf32> to vector<16xf32>
        %swap3A_1221 = vector.shape_cast %mul3A_1216 : vector<16xf32> to vector<1x16xf32>
        tpu.vector_store %arg11[%swap3A_1217, %swap3A_1218], %swap3A_1221 {strides = array<i32>} : memref<80x128xf32, #tpu.memory_space<vmem>>, vector<1x16xf32>,
        %get3A_1222 = arith.index_cast %add3A_1208 : i32 to index
        %get3A_1223 = arith.constant 16 : index
        %get3A_1224 = tpu.vector_load %arg11[%get3A_1222, %get3A_1223] {strides = array<i32>} : memref<80x128xf32, #tpu.memory_space<vmem>>, vector<1x16xf32>,
        %get3A_1225 = vector.shape_cast %get3A_1224 : vector<1x16xf32> to vector<16xf32>
        %mul3A_1226 = arith.mulf %get3A_1225, %broadcast_in_dim3A_1211 : vector<16xf32>
        %swap3A_1227 = arith.index_cast %add3A_1208 : i32 to index
        %swap3A_1228 = arith.constant 16 : index
        %swap3A_1229 = tpu.vector_load %arg11[%swap3A_1227, %swap3A_1228] {strides = array<i32>} : memref<80x128xf32, #tpu.memory_space<vmem>>, vector<1x16xf32>,
        %swap3A_1230 = vector.shape_cast %swap3A_1229 : vector<1x16xf32> to vector<16xf32>
        %swap3A_1231 = vector.shape_cast %mul3A_1226 : vector<16xf32> to vector<1x16xf32>
        tpu.vector_store %arg11[%swap3A_1227, %swap3A_1228], %swap3A_1231 {strides = array<i32>} : memref<80x128xf32, #tpu.memory_space<vmem>>, vector<1x16xf32>,
        %get3A_1232 = arith.index_cast %add3A_1208 : i32 to index
        %get3A_1233 = arith.constant 32 : index
        %get3A_1234 = tpu.vector_load %arg11[%get3A_1232, %get3A_1233] {strides = array<i32>} : memref<80x128xf32, #tpu.memory_space<vmem>>, vector<1x16xf32>,
        %get3A_1235 = vector.shape_cast %get3A_1234 : vector<1x16xf32> to vector<16xf32>
        %mul3A_1236 = arith.mulf %get3A_1235, %broadcast_in_dim3A_1211 : vector<16xf32>
        %swap3A_1237 = arith.index_cast %add3A_1208 : i32 to index
        %swap3A_1238 = arith.constant 32 : index
        %swap3A_1239 = tpu.vector_load %arg11[%swap3A_1237, %swap3A_1238] {strides = array<i32>} : memref<80x128xf32, #tpu.memory_space<vmem>>, vector<1x16xf32>,
        %swap3A_1240 = vector.shape_cast %swap3A_1239 : vector<1x16xf32> to vector<16xf32>
        %swap3A_1241 = vector.shape_cast %mul3A_1236 : vector<16xf32> to vector<1x16xf32>
        tpu.vector_store %arg11[%swap3A_1237, %swap3A_1238], %swap3A_1241 {strides = array<i32>} : memref<80x128xf32, #tpu.memory_space<vmem>>, vector<1x16xf32>,
        %get3A_1242 = arith.index_cast %add3A_1208 : i32 to index
        %get3A_1243 = arith.constant 48 : index
        %get3A_1244 = tpu.vector_load %arg11[%get3A_1242, %get3A_1243] {strides = array<i32>} : memref<80x128xf32, #tpu.memory_space<vmem>>, vector<1x16xf32>,
        %get3A_1245 = vector.shape_cast %get3A_1244 : vector<1x16xf32> to vector<16xf32>
        %mul3A_1246 = arith.mulf %get3A_1245, %broadcast_in_dim3A_1211 : vector<16xf32>
        %swap3A_1247 = arith.index_cast %add3A_1208 : i32 to index
        %swap3A_1248 = arith.constant 48 : index
        %swap3A_1249 = tpu.vector_load %arg11[%swap3A_1247, %swap3A_1248] {strides = array<i32>} : memref<80x128xf32, #tpu.memory_space<vmem>>, vector<1x16xf32>,
        %swap3A_1250 = vector.shape_cast %swap3A_1249 : vector<1x16xf32> to vector<16xf32>
        %swap3A_1251 = vector.shape_cast %mul3A_1246 : vector<16xf32> to vector<1x16xf32>
        tpu.vector_store %arg11[%swap3A_1247, %swap3A_1248], %swap3A_1251 {strides = array<i32>} : memref<80x128xf32, #tpu.memory_space<vmem>>, vector<1x16xf32>,
        %get3A_1252 = arith.index_cast %add3A_1208 : i32 to index
        %get3A_1253 = arith.constant 64 : index
        %get3A_1254 = tpu.vector_load %arg11[%get3A_1252, %get3A_1253] {strides = array<i32>} : memref<80x128xf32, #tpu.memory_space<vmem>>, vector<1x16xf32>,
        %get3A_1255 = vector.shape_cast %get3A_1254 : vector<1x16xf32> to vector<16xf32>
        %mul3A_1256 = arith.mulf %get3A_1255, %broadcast_in_dim3A_1211 : vector<16xf32>
        %swap3A_1257 = arith.index_cast %add3A_1208 : i32 to index
        %swap3A_1258 = arith.constant 64 : index
        %swap3A_1259 = tpu.vector_load %arg11[%swap3A_1257, %swap3A_1258] {strides = array<i32>} : memref<80x128xf32, #tpu.memory_space<vmem>>, vector<1x16xf32>,
        %swap3A_1260 = vector.shape_cast %swap3A_1259 : vector<1x16xf32> to vector<16xf32>
        %swap3A_1261 = vector.shape_cast %mul3A_1256 : vector<16xf32> to vector<1x16xf32>
        tpu.vector_store %arg11[%swap3A_1257, %swap3A_1258], %swap3A_1261 {strides = array<i32>} : memref<80x128xf32, #tpu.memory_space<vmem>>, vector<1x16xf32>,
        %get3A_1262 = arith.index_cast %add3A_1208 : i32 to index
        %get3A_1263 = arith.constant 80 : index
        %get3A_1264 = tpu.vector_load %arg11[%get3A_1262, %get3A_1263] {strides = array<i32>} : memref<80x128xf32, #tpu.memory_space<vmem>>, vector<1x16xf32>,
        %get3A_1265 = vector.shape_cast %get3A_1264 : vector<1x16xf32> to vector<16xf32>
        %mul3A_1266 = arith.mulf %get3A_1265, %broadcast_in_dim3A_1211 : vector<16xf32>
        %swap3A_1267 = arith.index_cast %add3A_1208 : i32 to index
        %swap3A_1268 = arith.constant 80 : index
        %swap3A_1269 = tpu.vector_load %arg11[%swap3A_1267, %swap3A_1268] {strides = array<i32>} : memref<80x128xf32, #tpu.memory_space<vmem>>, vector<1x16xf32>,
        %swap3A_1270 = vector.shape_cast %swap3A_1269 : vector<1x16xf32> to vector<16xf32>
        %swap3A_1271 = vector.shape_cast %mul3A_1266 : vector<16xf32> to vector<1x16xf32>
        tpu.vector_store %arg11[%swap3A_1267, %swap3A_1268], %swap3A_1271 {strides = array<i32>} : memref<80x128xf32, #tpu.memory_space<vmem>>, vector<1x16xf32>,
        %get3A_1272 = arith.index_cast %add3A_1208 : i32 to index
        %get3A_1273 = arith.constant 96 : index
        %get3A_1274 = tpu.vector_load %arg11[%get3A_1272, %get3A_1273] {strides = array<i32>} : memref<80x128xf32, #tpu.memory_space<vmem>>, vector<1x16xf32>,
        %get3A_1275 = vector.shape_cast %get3A_1274 : vector<1x16xf32> to vector<16xf32>
        %mul3A_1276 = arith.mulf %get3A_1275, %broadcast_in_dim3A_1211 : vector<16xf32>
        %swap3A_1277 = arith.index_cast %add3A_1208 : i32 to index
        %swap3A_1278 = arith.constant 96 : index
        %swap3A_1279 = tpu.vector_load %arg11[%swap3A_1277, %swap3A_1278] {strides = array<i32>} : memref<80x128xf32, #tpu.memory_space<vmem>>, vector<1x16xf32>,
        %swap3A_1280 = vector.shape_cast %swap3A_1279 : vector<1x16xf32> to vector<16xf32>
        %swap3A_1281 = vector.shape_cast %mul3A_1276 : vector<16xf32> to vector<1x16xf32>
        tpu.vector_store %arg11[%swap3A_1277, %swap3A_1278], %swap3A_1281 {strides = array<i32>} : memref<80x128xf32, #tpu.memory_space<vmem>>, vector<1x16xf32>,
        %get3A_1282 = arith.index_cast %add3A_1208 : i32 to index
        %get3A_1283 = arith.constant 112 : index
        %get3A_1284 = tpu.vector_load %arg11[%get3A_1282, %get3A_1283] {strides = array<i32>} : memref<80x128xf32, #tpu.memory_space<vmem>>, vector<1x16xf32>,
        %get3A_1285 = vector.shape_cast %get3A_1284 : vector<1x16xf32> to vector<16xf32>
        %mul3A_1286 = arith.mulf %get3A_1285, %broadcast_in_dim3A_1211 : vector<16xf32>
        %swap3A_1287 = arith.index_cast %add3A_1208 : i32 to index
        %swap3A_1288 = arith.constant 112 : index
        %swap3A_1289 = tpu.vector_load %arg11[%swap3A_1287, %swap3A_1288] {strides = array<i32>} : memref<80x128xf32, #tpu.memory_space<vmem>>, vector<1x16xf32>,
        %swap3A_1290 = vector.shape_cast %swap3A_1289 : vector<1x16xf32> to vector<16xf32>
        %swap3A_1291 = vector.shape_cast %mul3A_1286 : vector<16xf32> to vector<1x16xf32>
        tpu.vector_store %arg11[%swap3A_1287, %swap3A_1288], %swap3A_1291 {strides = array<i32>} : memref<80x128xf32, #tpu.memory_space<vmem>>, vector<1x16xf32>,
        %mul3A_1292 = arith.constant 16 : i32
        %mul3A_1293 = arith.muli %scan3A_70, %mul3A_1292 : i32
        %add3A_1294 = arith.constant 14 : i32
        %add3A_1295 = arith.addi %mul3A_1293, %add3A_1294 : i32
        %slice3A_1296 = vector.extract_strided_slice %get3A_77 {offsets = [14], sizes = [1], strides = [1]} : vector<16xf32> to vector<1xf32>
        %squeeze3A_1297 = vector.extract %slice3A_1296[0] : f32 from vector<1xf32>
        %broadcast_in_dim3A_1298 = vector.broadcast %squeeze3A_1297 : f32 to vector<16xf32>
        %get3A_1299 = arith.index_cast %add3A_1295 : i32 to index
        %get3A_1300 = arith.constant 0 : index
        %get3A_1301 = tpu.vector_load %arg11[%get3A_1299, %get3A_1300] {strides = array<i32>} : memref<80x128xf32, #tpu.memory_space<vmem>>, vector<1x16xf32>,
        %get3A_1302 = vector.shape_cast %get3A_1301 : vector<1x16xf32> to vector<16xf32>
        %mul3A_1303 = arith.mulf %get3A_1302, %broadcast_in_dim3A_1298 : vector<16xf32>
        %swap3A_1304 = arith.index_cast %add3A_1295 : i32 to index
        %swap3A_1305 = arith.constant 0 : index
        %swap3A_1306 = tpu.vector_load %arg11[%swap3A_1304, %swap3A_1305] {strides = array<i32>} : memref<80x128xf32, #tpu.memory_space<vmem>>, vector<1x16xf32>,
        %swap3A_1307 = vector.shape_cast %swap3A_1306 : vector<1x16xf32> to vector<16xf32>
        %swap3A_1308 = vector.shape_cast %mul3A_1303 : vector<16xf32> to vector<1x16xf32>
        tpu.vector_store %arg11[%swap3A_1304, %swap3A_1305], %swap3A_1308 {strides = array<i32>} : memref<80x128xf32, #tpu.memory_space<vmem>>, vector<1x16xf32>,
        %get3A_1309 = arith.index_cast %add3A_1295 : i32 to index
        %get3A_1310 = arith.constant 16 : index
        %get3A_1311 = tpu.vector_load %arg11[%get3A_1309, %get3A_1310] {strides = array<i32>} : memref<80x128xf32, #tpu.memory_space<vmem>>, vector<1x16xf32>,
        %get3A_1312 = vector.shape_cast %get3A_1311 : vector<1x16xf32> to vector<16xf32>
        %mul3A_1313 = arith.mulf %get3A_1312, %broadcast_in_dim3A_1298 : vector<16xf32>
        %swap3A_1314 = arith.index_cast %add3A_1295 : i32 to index
        %swap3A_1315 = arith.constant 16 : index
        %swap3A_1316 = tpu.vector_load %arg11[%swap3A_1314, %swap3A_1315] {strides = array<i32>} : memref<80x128xf32, #tpu.memory_space<vmem>>, vector<1x16xf32>,
        %swap3A_1317 = vector.shape_cast %swap3A_1316 : vector<1x16xf32> to vector<16xf32>
        %swap3A_1318 = vector.shape_cast %mul3A_1313 : vector<16xf32> to vector<1x16xf32>
        tpu.vector_store %arg11[%swap3A_1314, %swap3A_1315], %swap3A_1318 {strides = array<i32>} : memref<80x128xf32, #tpu.memory_space<vmem>>, vector<1x16xf32>,
        %get3A_1319 = arith.index_cast %add3A_1295 : i32 to index
        %get3A_1320 = arith.constant 32 : index
        %get3A_1321 = tpu.vector_load %arg11[%get3A_1319, %get3A_1320] {strides = array<i32>} : memref<80x128xf32, #tpu.memory_space<vmem>>, vector<1x16xf32>,
        %get3A_1322 = vector.shape_cast %get3A_1321 : vector<1x16xf32> to vector<16xf32>
        %mul3A_1323 = arith.mulf %get3A_1322, %broadcast_in_dim3A_1298 : vector<16xf32>
        %swap3A_1324 = arith.index_cast %add3A_1295 : i32 to index
        %swap3A_1325 = arith.constant 32 : index
        %swap3A_1326 = tpu.vector_load %arg11[%swap3A_1324, %swap3A_1325] {strides = array<i32>} : memref<80x128xf32, #tpu.memory_space<vmem>>, vector<1x16xf32>,
        %swap3A_1327 = vector.shape_cast %swap3A_1326 : vector<1x16xf32> to vector<16xf32>
        %swap3A_1328 = vector.shape_cast %mul3A_1323 : vector<16xf32> to vector<1x16xf32>
        tpu.vector_store %arg11[%swap3A_1324, %swap3A_1325], %swap3A_1328 {strides = array<i32>} : memref<80x128xf32, #tpu.memory_space<vmem>>, vector<1x16xf32>,
        %get3A_1329 = arith.index_cast %add3A_1295 : i32 to index
        %get3A_1330 = arith.constant 48 : index
        %get3A_1331 = tpu.vector_load %arg11[%get3A_1329, %get3A_1330] {strides = array<i32>} : memref<80x128xf32, #tpu.memory_space<vmem>>, vector<1x16xf32>,
        %get3A_1332 = vector.shape_cast %get3A_1331 : vector<1x16xf32> to vector<16xf32>
        %mul3A_1333 = arith.mulf %get3A_1332, %broadcast_in_dim3A_1298 : vector<16xf32>
        %swap3A_1334 = arith.index_cast %add3A_1295 : i32 to index
        %swap3A_1335 = arith.constant 48 : index
        %swap3A_1336 = tpu.vector_load %arg11[%swap3A_1334, %swap3A_1335] {strides = array<i32>} : memref<80x128xf32, #tpu.memory_space<vmem>>, vector<1x16xf32>,
        %swap3A_1337 = vector.shape_cast %swap3A_1336 : vector<1x16xf32> to vector<16xf32>
        %swap3A_1338 = vector.shape_cast %mul3A_1333 : vector<16xf32> to vector<1x16xf32>
        tpu.vector_store %arg11[%swap3A_1334, %swap3A_1335], %swap3A_1338 {strides = array<i32>} : memref<80x128xf32, #tpu.memory_space<vmem>>, vector<1x16xf32>,
        %get3A_1339 = arith.index_cast %add3A_1295 : i32 to index
        %get3A_1340 = arith.constant 64 : index
        %get3A_1341 = tpu.vector_load %arg11[%get3A_1339, %get3A_1340] {strides = array<i32>} : memref<80x128xf32, #tpu.memory_space<vmem>>, vector<1x16xf32>,
        %get3A_1342 = vector.shape_cast %get3A_1341 : vector<1x16xf32> to vector<16xf32>
        %mul3A_1343 = arith.mulf %get3A_1342, %broadcast_in_dim3A_1298 : vector<16xf32>
        %swap3A_1344 = arith.index_cast %add3A_1295 : i32 to index
        %swap3A_1345 = arith.constant 64 : index
        %swap3A_1346 = tpu.vector_load %arg11[%swap3A_1344, %swap3A_1345] {strides = array<i32>} : memref<80x128xf32, #tpu.memory_space<vmem>>, vector<1x16xf32>,
        %swap3A_1347 = vector.shape_cast %swap3A_1346 : vector<1x16xf32> to vector<16xf32>
        %swap3A_1348 = vector.shape_cast %mul3A_1343 : vector<16xf32> to vector<1x16xf32>
        tpu.vector_store %arg11[%swap3A_1344, %swap3A_1345], %swap3A_1348 {strides = array<i32>} : memref<80x128xf32, #tpu.memory_space<vmem>>, vector<1x16xf32>,
        %get3A_1349 = arith.index_cast %add3A_1295 : i32 to index
        %get3A_1350 = arith.constant 80 : index
        %get3A_1351 = tpu.vector_load %arg11[%get3A_1349, %get3A_1350] {strides = array<i32>} : memref<80x128xf32, #tpu.memory_space<vmem>>, vector<1x16xf32>,
        %get3A_1352 = vector.shape_cast %get3A_1351 : vector<1x16xf32> to vector<16xf32>
        %mul3A_1353 = arith.mulf %get3A_1352, %broadcast_in_dim3A_1298 : vector<16xf32>
        %swap3A_1354 = arith.index_cast %add3A_1295 : i32 to index
        %swap3A_1355 = arith.constant 80 : index
        %swap3A_1356 = tpu.vector_load %arg11[%swap3A_1354, %swap3A_1355] {strides = array<i32>} : memref<80x128xf32, #tpu.memory_space<vmem>>, vector<1x16xf32>,
        %swap3A_1357 = vector.shape_cast %swap3A_1356 : vector<1x16xf32> to vector<16xf32>
        %swap3A_1358 = vector.shape_cast %mul3A_1353 : vector<16xf32> to vector<1x16xf32>
        tpu.vector_store %arg11[%swap3A_1354, %swap3A_1355], %swap3A_1358 {strides = array<i32>} : memref<80x128xf32, #tpu.memory_space<vmem>>, vector<1x16xf32>,
        %get3A_1359 = arith.index_cast %add3A_1295 : i32 to index
        %get3A_1360 = arith.constant 96 : index
        %get3A_1361 = tpu.vector_load %arg11[%get3A_1359, %get3A_1360] {strides = array<i32>} : memref<80x128xf32, #tpu.memory_space<vmem>>, vector<1x16xf32>,
        %get3A_1362 = vector.shape_cast %get3A_1361 : vector<1x16xf32> to vector<16xf32>
        %mul3A_1363 = arith.mulf %get3A_1362, %broadcast_in_dim3A_1298 : vector<16xf32>
        %swap3A_1364 = arith.index_cast %add3A_1295 : i32 to index
        %swap3A_1365 = arith.constant 96 : index
        %swap3A_1366 = tpu.vector_load %arg11[%swap3A_1364, %swap3A_1365] {strides = array<i32>} : memref<80x128xf32, #tpu.memory_space<vmem>>, vector<1x16xf32>,
        %swap3A_1367 = vector.shape_cast %swap3A_1366 : vector<1x16xf32> to vector<16xf32>
        %swap3A_1368 = vector.shape_cast %mul3A_1363 : vector<16xf32> to vector<1x16xf32>
        tpu.vector_store %arg11[%swap3A_1364, %swap3A_1365], %swap3A_1368 {strides = array<i32>} : memref<80x128xf32, #tpu.memory_space<vmem>>, vector<1x16xf32>,
        %get3A_1369 = arith.index_cast %add3A_1295 : i32 to index
        %get3A_1370 = arith.constant 112 : index
        %get3A_1371 = tpu.vector_load %arg11[%get3A_1369, %get3A_1370] {strides = array<i32>} : memref<80x128xf32, #tpu.memory_space<vmem>>, vector<1x16xf32>,
        %get3A_1372 = vector.shape_cast %get3A_1371 : vector<1x16xf32> to vector<16xf32>
        %mul3A_1373 = arith.mulf %get3A_1372, %broadcast_in_dim3A_1298 : vector<16xf32>
        %swap3A_1374 = arith.index_cast %add3A_1295 : i32 to index
        %swap3A_1375 = arith.constant 112 : index
        %swap3A_1376 = tpu.vector_load %arg11[%swap3A_1374, %swap3A_1375] {strides = array<i32>} : memref<80x128xf32, #tpu.memory_space<vmem>>, vector<1x16xf32>,
        %swap3A_1377 = vector.shape_cast %swap3A_1376 : vector<1x16xf32> to vector<16xf32>
        %swap3A_1378 = vector.shape_cast %mul3A_1373 : vector<16xf32> to vector<1x16xf32>
        tpu.vector_store %arg11[%swap3A_1374, %swap3A_1375], %swap3A_1378 {strides = array<i32>} : memref<80x128xf32, #tpu.memory_space<vmem>>, vector<1x16xf32>,
        %mul3A_1379 = arith.constant 16 : i32
        %mul3A_1380 = arith.muli %scan3A_70, %mul3A_1379 : i32
        %add3A_1381 = arith.constant 15 : i32
        %add3A_1382 = arith.addi %mul3A_1380, %add3A_1381 : i32
        %slice3A_1383 = vector.extract_strided_slice %get3A_77 {offsets = [15], sizes = [1], strides = [1]} : vector<16xf32> to vector<1xf32>
        %squeeze3A_1384 = vector.extract %slice3A_1383[0] : f32 from vector<1xf32>
        %broadcast_in_dim3A_1385 = vector.broadcast %squeeze3A_1384 : f32 to vector<16xf32>
        %get3A_1386 = arith.index_cast %add3A_1382 : i32 to index
        %get3A_1387 = arith.constant 0 : index
        %get3A_1388 = tpu.vector_load %arg11[%get3A_1386, %get3A_1387] {strides = array<i32>} : memref<80x128xf32, #tpu.memory_space<vmem>>, vector<1x16xf32>,
        %get3A_1389 = vector.shape_cast %get3A_1388 : vector<1x16xf32> to vector<16xf32>
        %mul3A_1390 = arith.mulf %get3A_1389, %broadcast_in_dim3A_1385 : vector<16xf32>
        %swap3A_1391 = arith.index_cast %add3A_1382 : i32 to index
        %swap3A_1392 = arith.constant 0 : index
        %swap3A_1393 = tpu.vector_load %arg11[%swap3A_1391, %swap3A_1392] {strides = array<i32>} : memref<80x128xf32, #tpu.memory_space<vmem>>, vector<1x16xf32>,
        %swap3A_1394 = vector.shape_cast %swap3A_1393 : vector<1x16xf32> to vector<16xf32>
        %swap3A_1395 = vector.shape_cast %mul3A_1390 : vector<16xf32> to vector<1x16xf32>
        tpu.vector_store %arg11[%swap3A_1391, %swap3A_1392], %swap3A_1395 {strides = array<i32>} : memref<80x128xf32, #tpu.memory_space<vmem>>, vector<1x16xf32>,
        %get3A_1396 = arith.index_cast %add3A_1382 : i32 to index
        %get3A_1397 = arith.constant 16 : index
        %get3A_1398 = tpu.vector_load %arg11[%get3A_1396, %get3A_1397] {strides = array<i32>} : memref<80x128xf32, #tpu.memory_space<vmem>>, vector<1x16xf32>,
        %get3A_1399 = vector.shape_cast %get3A_1398 : vector<1x16xf32> to vector<16xf32>
        %mul3A_1400 = arith.mulf %get3A_1399, %broadcast_in_dim3A_1385 : vector<16xf32>
        %swap3A_1401 = arith.index_cast %add3A_1382 : i32 to index
        %swap3A_1402 = arith.constant 16 : index
        %swap3A_1403 = tpu.vector_load %arg11[%swap3A_1401, %swap3A_1402] {strides = array<i32>} : memref<80x128xf32, #tpu.memory_space<vmem>>, vector<1x16xf32>,
        %swap3A_1404 = vector.shape_cast %swap3A_1403 : vector<1x16xf32> to vector<16xf32>
        %swap3A_1405 = vector.shape_cast %mul3A_1400 : vector<16xf32> to vector<1x16xf32>
        tpu.vector_store %arg11[%swap3A_1401, %swap3A_1402], %swap3A_1405 {strides = array<i32>} : memref<80x128xf32, #tpu.memory_space<vmem>>, vector<1x16xf32>,
        %get3A_1406 = arith.index_cast %add3A_1382 : i32 to index
        %get3A_1407 = arith.constant 32 : index
        %get3A_1408 = tpu.vector_load %arg11[%get3A_1406, %get3A_1407] {strides = array<i32>} : memref<80x128xf32, #tpu.memory_space<vmem>>, vector<1x16xf32>,
        %get3A_1409 = vector.shape_cast %get3A_1408 : vector<1x16xf32> to vector<16xf32>
        %mul3A_1410 = arith.mulf %get3A_1409, %broadcast_in_dim3A_1385 : vector<16xf32>
        %swap3A_1411 = arith.index_cast %add3A_1382 : i32 to index
        %swap3A_1412 = arith.constant 32 : index
        %swap3A_1413 = tpu.vector_load %arg11[%swap3A_1411, %swap3A_1412] {strides = array<i32>} : memref<80x128xf32, #tpu.memory_space<vmem>>, vector<1x16xf32>,
        %swap3A_1414 = vector.shape_cast %swap3A_1413 : vector<1x16xf32> to vector<16xf32>
        %swap3A_1415 = vector.shape_cast %mul3A_1410 : vector<16xf32> to vector<1x16xf32>
        tpu.vector_store %arg11[%swap3A_1411, %swap3A_1412], %swap3A_1415 {strides = array<i32>} : memref<80x128xf32, #tpu.memory_space<vmem>>, vector<1x16xf32>,
        %get3A_1416 = arith.index_cast %add3A_1382 : i32 to index
        %get3A_1417 = arith.constant 48 : index
        %get3A_1418 = tpu.vector_load %arg11[%get3A_1416, %get3A_1417] {strides = array<i32>} : memref<80x128xf32, #tpu.memory_space<vmem>>, vector<1x16xf32>,
        %get3A_1419 = vector.shape_cast %get3A_1418 : vector<1x16xf32> to vector<16xf32>
        %mul3A_1420 = arith.mulf %get3A_1419, %broadcast_in_dim3A_1385 : vector<16xf32>
        %swap3A_1421 = arith.index_cast %add3A_1382 : i32 to index
        %swap3A_1422 = arith.constant 48 : index
        %swap3A_1423 = tpu.vector_load %arg11[%swap3A_1421, %swap3A_1422] {strides = array<i32>} : memref<80x128xf32, #tpu.memory_space<vmem>>, vector<1x16xf32>,
        %swap3A_1424 = vector.shape_cast %swap3A_1423 : vector<1x16xf32> to vector<16xf32>
        %swap3A_1425 = vector.shape_cast %mul3A_1420 : vector<16xf32> to vector<1x16xf32>
        tpu.vector_store %arg11[%swap3A_1421, %swap3A_1422], %swap3A_1425 {strides = array<i32>} : memref<80x128xf32, #tpu.memory_space<vmem>>, vector<1x16xf32>,
        %get3A_1426 = arith.index_cast %add3A_1382 : i32 to index
        %get3A_1427 = arith.constant 64 : index
        %get3A_1428 = tpu.vector_load %arg11[%get3A_1426, %get3A_1427] {strides = array<i32>} : memref<80x128xf32, #tpu.memory_space<vmem>>, vector<1x16xf32>,
        %get3A_1429 = vector.shape_cast %get3A_1428 : vector<1x16xf32> to vector<16xf32>
        %mul3A_1430 = arith.mulf %get3A_1429, %broadcast_in_dim3A_1385 : vector<16xf32>
        %swap3A_1431 = arith.index_cast %add3A_1382 : i32 to index
        %swap3A_1432 = arith.constant 64 : index
        %swap3A_1433 = tpu.vector_load %arg11[%swap3A_1431, %swap3A_1432] {strides = array<i32>} : memref<80x128xf32, #tpu.memory_space<vmem>>, vector<1x16xf32>,
        %swap3A_1434 = vector.shape_cast %swap3A_1433 : vector<1x16xf32> to vector<16xf32>
        %swap3A_1435 = vector.shape_cast %mul3A_1430 : vector<16xf32> to vector<1x16xf32>
        tpu.vector_store %arg11[%swap3A_1431, %swap3A_1432], %swap3A_1435 {strides = array<i32>} : memref<80x128xf32, #tpu.memory_space<vmem>>, vector<1x16xf32>,
        %get3A_1436 = arith.index_cast %add3A_1382 : i32 to index
        %get3A_1437 = arith.constant 80 : index
        %get3A_1438 = tpu.vector_load %arg11[%get3A_1436, %get3A_1437] {strides = array<i32>} : memref<80x128xf32, #tpu.memory_space<vmem>>, vector<1x16xf32>,
        %get3A_1439 = vector.shape_cast %get3A_1438 : vector<1x16xf32> to vector<16xf32>
        %mul3A_1440 = arith.mulf %get3A_1439, %broadcast_in_dim3A_1385 : vector<16xf32>
        %swap3A_1441 = arith.index_cast %add3A_1382 : i32 to index
        %swap3A_1442 = arith.constant 80 : index
        %swap3A_1443 = tpu.vector_load %arg11[%swap3A_1441, %swap3A_1442] {strides = array<i32>} : memref<80x128xf32, #tpu.memory_space<vmem>>, vector<1x16xf32>,
        %swap3A_1444 = vector.shape_cast %swap3A_1443 : vector<1x16xf32> to vector<16xf32>
        %swap3A_1445 = vector.shape_cast %mul3A_1440 : vector<16xf32> to vector<1x16xf32>
        tpu.vector_store %arg11[%swap3A_1441, %swap3A_1442], %swap3A_1445 {strides = array<i32>} : memref<80x128xf32, #tpu.memory_space<vmem>>, vector<1x16xf32>,
        %get3A_1446 = arith.index_cast %add3A_1382 : i32 to index
        %get3A_1447 = arith.constant 96 : index
        %get3A_1448 = tpu.vector_load %arg11[%get3A_1446, %get3A_1447] {strides = array<i32>} : memref<80x128xf32, #tpu.memory_space<vmem>>, vector<1x16xf32>,
        %get3A_1449 = vector.shape_cast %get3A_1448 : vector<1x16xf32> to vector<16xf32>
        %mul3A_1450 = arith.mulf %get3A_1449, %broadcast_in_dim3A_1385 : vector<16xf32>
        %swap3A_1451 = arith.index_cast %add3A_1382 : i32 to index
        %swap3A_1452 = arith.constant 96 : index
        %swap3A_1453 = tpu.vector_load %arg11[%swap3A_1451, %swap3A_1452] {strides = array<i32>} : memref<80x128xf32, #tpu.memory_space<vmem>>, vector<1x16xf32>,
        %swap3A_1454 = vector.shape_cast %swap3A_1453 : vector<1x16xf32> to vector<16xf32>
        %swap3A_1455 = vector.shape_cast %mul3A_1450 : vector<16xf32> to vector<1x16xf32>
        tpu.vector_store %arg11[%swap3A_1451, %swap3A_1452], %swap3A_1455 {strides = array<i32>} : memref<80x128xf32, #tpu.memory_space<vmem>>, vector<1x16xf32>,
        %get3A_1456 = arith.index_cast %add3A_1382 : i32 to index
        %get3A_1457 = arith.constant 112 : index
        %get3A_1458 = tpu.vector_load %arg11[%get3A_1456, %get3A_1457] {strides = array<i32>} : memref<80x128xf32, #tpu.memory_space<vmem>>, vector<1x16xf32>,
        %get3A_1459 = vector.shape_cast %get3A_1458 : vector<1x16xf32> to vector<16xf32>
        %mul3A_1460 = arith.mulf %get3A_1459, %broadcast_in_dim3A_1385 : vector<16xf32>
        %swap3A_1461 = arith.index_cast %add3A_1382 : i32 to index
        %swap3A_1462 = arith.constant 112 : index
        %swap3A_1463 = tpu.vector_load %arg11[%swap3A_1461, %swap3A_1462] {strides = array<i32>} : memref<80x128xf32, #tpu.memory_space<vmem>>, vector<1x16xf32>,
        %swap3A_1464 = vector.shape_cast %swap3A_1463 : vector<1x16xf32> to vector<16xf32>
        %swap3A_1465 = vector.shape_cast %mul3A_1460 : vector<16xf32> to vector<1x16xf32>
        tpu.vector_store %arg11[%swap3A_1461, %swap3A_1462], %swap3A_1465 {strides = array<i32>} : memref<80x128xf32, #tpu.memory_space<vmem>>, vector<1x16xf32>,
        %scan3A_1466 = arith.constant 0 : i32
        scf.yield %scan3A_1466 : i32
      }
      %scan3A_68 = arith.constant 5 : i32
      %run_scoped3A = arith.constant 24 : i32
      "tpu.region"() ({
        %run_scoped3A_70 = tpu.sem_alloc : memref<!tpu.dma_semaphore, #tpu.memory_space<semaphore_mem>>
        %dma_start3A_71 = arith.constant 0 : i32
        %dma_start3A_72 = tpu.memref_slice %arg9[%run_scoped3A, %dma_start3A_71] : memref<25x80xi32, #tpu.memory_space<vmem>> -> memref<1x80xi32, #tpu.memory_space<vmem>>
        %dma_start3A_73 = tpu.memref_squeeze %dma_start3A_72 : memref<1x80xi32, #tpu.memory_space<vmem>> -> memref<80xi32, #tpu.memory_space<vmem>>
        %dma_start3A_74 = arith.constant 0 : i32
        %dma_start3A_75 = arith.constant 0 : i32
        %dma_start3A_76 = tpu.memref_slice %arg16[%dma_start3A_74, %dma_start3A_75] : memref<10000x128xf32, #tpu.memory_space<vmem_shared>> -> memref<10000x128xf32, #tpu.memory_space<vmem_shared>>
        tpu.enqueue_indirect_dma source(%arg11 : memref<80x128xf32, #tpu.memory_space<vmem>>) target(%dma_start3A_76 : memref<10000x128xf32, #tpu.memory_space<vmem_shared>>) offsets(%dma_start3A_73 : memref<80xi32, #tpu.memory_space<vmem>>) semaphore(%run_scoped3A_70 : memref<!tpu.dma_semaphore, #tpu.memory_space<semaphore_mem>>) {add = true}
        %dma_wait3A_77 = arith.constant 0 : i32
        %dma_wait3A_78 = tpu.memref_slice %arg9[%run_scoped3A, %dma_wait3A_77] : memref<25x80xi32, #tpu.memory_space<vmem>> -> memref<1x80xi32, #tpu.memory_space<vmem>>
        %dma_wait3A_79 = tpu.memref_squeeze %dma_wait3A_78 : memref<1x80xi32, #tpu.memory_space<vmem>> -> memref<80xi32, #tpu.memory_space<vmem>>
        %dma_wait3A_80 = arith.constant 0 : i32
        %dma_wait3A_81 = arith.constant 0 : i32
        %dma_wait3A_82 = tpu.memref_slice %arg16[%dma_wait3A_80, %dma_wait3A_81] : memref<10000x128xf32, #tpu.memory_space<vmem_shared>> -> memref<10000x128xf32, #tpu.memory_space<vmem_shared>>
        tpu.wait_indirect_dma semaphore(%run_scoped3A_70 : memref<!tpu.dma_semaphore, #tpu.memory_space<semaphore_mem>>) src(%arg11 : memref<80x128xf32, #tpu.memory_space<vmem>>) dst(%dma_wait3A_82 : memref<10000x128xf32, #tpu.memory_space<vmem_shared>>)
        tpu.yield
      }) : () -> ()
      %scan3A_69 = arith.constant 0 : i32
      scf.yield %scan3A_69 : i32
    }
    %scan3A_10 = arith.constant 5 : i32
    %barrier3A_11 = arith.constant 0 : index
    tpu.barrier barrier_id(%barrier3A_11)
    %mul3A_12 = arith.constant 625 : i32
    %mul3A_13 = arith.muli %arg1, %mul3A_12 : i32
    "tpu.region"() ({
      %run_scoped3A = tpu.sem_alloc : memref<!tpu.dma_semaphore, #tpu.memory_space<semaphore_mem>>
      %dma_start3A = arith.constant 0 : i32
      %dma_start3A_14 = arith.constant 0 : i32
      %dma_start3A_15 = tpu.memref_slice %arg7[%add3A, %dma_start3A, %dma_start3A_14] : memref<32x625x128xf32, #tpu.memory_space<hbm>> -> memref<1x625x128xf32, #tpu.memory_space<hbm>>
      %dma_start3A_16 = tpu.memref_squeeze %dma_start3A_15 : memref<1x625x128xf32, #tpu.memory_space<hbm>> -> memref<625x128xf32, #tpu.memory_space<hbm>>
      %dma_start3A_17 = arith.constant 0 : i32
      %dma_start3A_18 = tpu.memref_slice %arg16[%mul3A_13, %dma_start3A_17] : memref<10000x128xf32, #tpu.memory_space<vmem_shared>> -> memref<625x128xf32, #tpu.memory_space<vmem_shared>>
      tpu.enqueue_dma source(%dma_start3A_18 : memref<625x128xf32, #tpu.memory_space<vmem_shared>>) target(%dma_start3A_16 : memref<625x128xf32, #tpu.memory_space<hbm>>) target_semaphore(%run_scoped3A : memref<!tpu.dma_semaphore, #tpu.memory_space<semaphore_mem>>)
      %dma_wait3A = arith.constant 0 : i32
      %dma_wait3A_19 = arith.constant 0 : i32
      %dma_wait3A_20 = tpu.memref_slice %arg7[%add3A, %dma_wait3A, %dma_wait3A_19] : memref<32x625x128xf32, #tpu.memory_space<hbm>> -> memref<1x625x128xf32, #tpu.memory_space<hbm>>
      %dma_wait3A_21 = tpu.memref_squeeze %dma_wait3A_20 : memref<1x625x128xf32, #tpu.memory_space<hbm>> -> memref<625x128xf32, #tpu.memory_space<hbm>>
      %dma_wait3A_22 = arith.constant 0 : i32
      %dma_wait3A_23 = tpu.memref_slice %arg16[%mul3A_13, %dma_wait3A_22] : memref<10000x128xf32, #tpu.memory_space<vmem_shared>> -> memref<625x128xf32, #tpu.memory_space<vmem_shared>>
      tpu.wait_dma2 semaphore(%run_scoped3A : memref<!tpu.dma_semaphore, #tpu.memory_space<semaphore_mem>>) src(%dma_wait3A_23 : memref<625x128xf32, #tpu.memory_space<vmem_shared>>) dst(%dma_wait3A_21 : memref<625x128xf32, #tpu.memory_space<hbm>>)
      tpu.yield
    }) : () -> ()
    return
  }
}

module attributes {stable_mosaic.version = 14 : i64} {
  func.func @_tc_head_body(%arg0: i32, %arg1: memref<2x1000x128xf32, #tpu.memory_space<vmem>>, %arg2: memref<128x128xf32, #tpu.memory_space<vmem>>, %arg3: memref<1x128xf32, #tpu.memory_space<vmem>>, %arg4: memref<128x128xf32, #tpu.memory_space<vmem>>, %arg5: memref<1x128xf32, #tpu.memory_space<vmem>>, %arg6: memref<1000x128xf32, #tpu.memory_space<vmem>>, %arg7: memref<1000x128xf32, #tpu.memory_space<vmem>>) attributes {dimension_semantics = [#tpu.dimension_semantics<arbitrary>], iteration_bounds = array<i64: 10>, scalar_prefetch = 0 : i64, scratch_operands = 0 : i64, tpu.core_type = #tpu.core_type<tc>, window_params = [{transform_indices = @transform_0, window_bounds = array<i64: 2, 1000, 128>}, {pipeline_mode = #tpu.pipeline_mode<synchronous>, transform_indices = @transform_1, window_bounds = array<i64: 128, 128>}, {pipeline_mode = #tpu.pipeline_mode<synchronous>, transform_indices = @transform_2, window_bounds = array<i64: 1, 128>}, {pipeline_mode = #tpu.pipeline_mode<synchronous>, transform_indices = @transform_3, window_bounds = array<i64: 128, 128>}, {pipeline_mode = #tpu.pipeline_mode<synchronous>, transform_indices = @transform_4, window_bounds = array<i64: 1, 128>}, {transform_indices = @transform_5, window_bounds = array<i64: 1000, 128>}, {transform_indices = @transform_6, window_bounds = array<i64: 1000, 128>}]} {
    %get3A = arith.constant 0 : index
    %get3A_0 = arith.constant 0 : index
    %get3A_1 = arith.constant 0 : index
    %get3A_2 = vector.load %arg1[%get3A, %get3A_0, %get3A_1] : memref<2x1000x128xf32, #tpu.memory_space<vmem>>, vector<1x1000x128xf32>
    %get3A_3 = vector.shape_cast %get3A_2 : vector<1x1000x128xf32> to vector<1000x128xf32>
    %get3A_4 = arith.constant 1 : index
    %get3A_5 = arith.constant 0 : index
    %get3A_6 = arith.constant 0 : index
    %get3A_7 = vector.load %arg1[%get3A_4, %get3A_5, %get3A_6] : memref<2x1000x128xf32, #tpu.memory_space<vmem>>, vector<1x1000x128xf32>
    %get3A_8 = vector.shape_cast %get3A_7 : vector<1x1000x128xf32> to vector<1000x128xf32>
    %add3A = arith.addf %get3A_3, %get3A_8 : vector<1000x128xf32>
    %get3A_9 = arith.constant 0 : index
    %get3A_10 = arith.constant 0 : index
    %get3A_11 = vector.load %arg2[%get3A_9, %get3A_10] : memref<128x128xf32, #tpu.memory_space<vmem>>, vector<128x128xf32>
    %dot_general3A = arith.constant dense<0.000000e+00> : vector<1000x128xf32>
    %dot_general3A_12 = tpu.matmul %add3A, %get3A_11, %dot_general3A {dimension_numbers = #tpu.dot_dimension_numbers<[1], [1], [0], [0], [0, 0, 1, 0], [], []>, transpose_lhs_hint = false} : vector<1000x128xf32>, vector<128x128xf32>, vector<1000x128xf32> -> vector<1000x128xf32>
    %get3A_13 = arith.constant 0 : index
    %get3A_14 = arith.constant 0 : index
    %get3A_15 = vector.load %arg3[%get3A_13, %get3A_14] : memref<1x128xf32, #tpu.memory_space<vmem>>, vector<1x128xf32>
    %add3A_16 = vector.broadcast %get3A_15 : vector<1x128xf32> to vector<1000x128xf32>
    %add3A_17 = arith.addf %dot_general3A_12, %add3A_16 : vector<1000x128xf32>
    %swap3A = arith.constant 0 : index
    %swap3A_18 = arith.constant 0 : index
    %swap3A_19 = vector.load %arg6[%swap3A, %swap3A_18] : memref<1000x128xf32, #tpu.memory_space<vmem>>, vector<1000x128xf32>
    tpu.vector_store %arg6[%swap3A, %swap3A_18], %add3A_17 {strides = array<i32>} : memref<1000x128xf32, #tpu.memory_space<vmem>>, vector<1000x128xf32>,
    %get3A_20 = arith.constant 0 : index
    %get3A_21 = arith.constant 0 : index
    %get3A_22 = vector.load %arg4[%get3A_20, %get3A_21] : memref<128x128xf32, #tpu.memory_space<vmem>>, vector<128x128xf32>
    %dot_general3A_23 = arith.constant dense<0.000000e+00> : vector<1000x128xf32>
    %dot_general3A_24 = tpu.matmul %add3A, %get3A_22, %dot_general3A_23 {dimension_numbers = #tpu.dot_dimension_numbers<[1], [1], [0], [0], [0, 0, 1, 0], [], []>, transpose_lhs_hint = false} : vector<1000x128xf32>, vector<128x128xf32>, vector<1000x128xf32> -> vector<1000x128xf32>
    %get3A_25 = arith.constant 0 : index
    %get3A_26 = arith.constant 0 : index
    %get3A_27 = vector.load %arg5[%get3A_25, %get3A_26] : memref<1x128xf32, #tpu.memory_space<vmem>>, vector<1x128xf32>
    %add3A_28 = vector.broadcast %get3A_27 : vector<1x128xf32> to vector<1000x128xf32>
    %add3A_29 = arith.addf %dot_general3A_24, %add3A_28 : vector<1000x128xf32>
    %custom_jvp_call3A = arith.constant 0.000000e+00 : f32
    %max3A = vector.broadcast %custom_jvp_call3A : f32 to vector<1000x128xf32>
    %max3A_30 = arith.maximumf %add3A_29, %max3A : vector<1000x128xf32>
    %sub3A = vector.broadcast %custom_jvp_call3A : f32 to vector<1000x128xf32>
    %sub3A_31 = arith.subf %add3A_29, %sub3A : vector<1000x128xf32>
    %ne3A = arith.cmpf one, %sub3A_31, %sub3A_31 : vector<1000x128xf32>
    %add3A_32 = vector.broadcast %custom_jvp_call3A : f32 to vector<1000x128xf32>
    %add3A_33 = arith.addf %add3A_29, %add3A_32 : vector<1000x128xf32>
    %abs3A = math.absf %sub3A_31 : vector<1000x128xf32>
    %neg3A = arith.constant 0.000000e+00 : f32
    %neg3A_34 = vector.broadcast %neg3A : f32 to vector<1000x128xf32>
    %neg3A_35 = arith.subf %neg3A_34, %abs3A : vector<1000x128xf32>
    %exp3A = math.exp %neg3A_35 : vector<1000x128xf32>
    %log1p3A = math.log1p %exp3A : vector<1000x128xf32>
    %add3A_36 = arith.addf %max3A_30, %log1p3A : vector<1000x128xf32>
    %select_n3A = arith.select %ne3A, %add3A_33, %add3A_36 : vector<1000x128xi1>, vector<1000x128xf32>
    %add3A_37 = arith.constant 1.000000e-10 : f32
    %add3A_38 = vector.broadcast %add3A_37 : f32 to vector<1000x128xf32>
    %add3A_39 = arith.addf %select_n3A, %add3A_38 : vector<1000x128xf32>
    %swap3A_40 = arith.constant 0 : index
    %swap3A_41 = arith.constant 0 : index
    %swap3A_42 = vector.load %arg7[%swap3A_40, %swap3A_41] : memref<1000x128xf32, #tpu.memory_space<vmem>>, vector<1000x128xf32>
    tpu.vector_store %arg7[%swap3A_40, %swap3A_41], %add3A_39 {strides = array<i32>} : memref<1000x128xf32, #tpu.memory_space<vmem>>, vector<1000x128xf32>,
    return
  }
  func.func @transform_0(%arg0: i32) -> (i32, i32, i32) {
    %c0_i32 = arith.constant 0 : i32
    %c0_i32_0 = arith.constant 0 : i32
    %c0_i32_1 = arith.constant 0 : i32
    return %c0_i32, %arg0, %c0_i32_0 : i32, i32, i32
  }
  func.func @transform_1(%arg0: i32) -> (i32, i32) {
    %c0_i32 = arith.constant 0 : i32
    %c0_i32_0 = arith.constant 0 : i32
    %c0_i32_1 = arith.constant 0 : i32
    return %c0_i32, %c0_i32_0 : i32, i32
  }
  func.func @transform_2(%arg0: i32) -> (i32, i32) {
    %c0_i32 = arith.constant 0 : i32
    %c0_i32_0 = arith.constant 0 : i32
    %c0_i32_1 = arith.constant 0 : i32
    return %c0_i32, %c0_i32_0 : i32, i32
  }
  func.func @transform_3(%arg0: i32) -> (i32, i32) {
    %c0_i32 = arith.constant 0 : i32
    %c0_i32_0 = arith.constant 0 : i32
    %c0_i32_1 = arith.constant 0 : i32
    return %c0_i32, %c0_i32_0 : i32, i32
  }
  func.func @transform_4(%arg0: i32) -> (i32, i32) {
    %c0_i32 = arith.constant 0 : i32
    %c0_i32_0 = arith.constant 0 : i32
    %c0_i32_1 = arith.constant 0 : i32
    return %c0_i32, %c0_i32_0 : i32, i32
  }
  func.func @transform_5(%arg0: i32) -> (i32, i32) {
    %c0_i32 = arith.constant 0 : i32
    %c0_i32_0 = arith.constant 0 : i32
    return %arg0, %c0_i32 : i32, i32
  }
  func.func @transform_6(%arg0: i32) -> (i32, i32) {
    %c0_i32 = arith.constant 0 : i32
    %c0_i32_0 = arith.constant 0 : i32
    return %arg0, %c0_i32 : i32, i32
  }
}

</mosaic_0001>

<sc_bundles>
// kernel: kernel.4.cloned.1.call-start
scs
__scs_entry_jumppad:
0x0: {  	(pc) =	sbr.rel $0x88, $3  }
0x1: {  	(tag) =	ssettag $0x0;
	lr =	simm.s32 $0x1  }
0x2: {  	[smem:$0x3F9A] =	sst lr;
	_ =	strace $0xD0000000  }
0x3: {  	_ = 	snop  }
0x4: {  	_ = 	snop  }
0x5: {  	_ = 	snop  }
0x6: {  	_ = 	snop  }
0x7: {  	_ = 	snop  }
__scs_overlays_trampoline_lowered:
0x8: {  	[smem:$0x3FA9] =	sst s0  }
0x9: {  	[smem:$0x3FAA] =	sst s1  }
0xa: {  	[smem:$0x3FAB] =	sst s2  }
0xb: {  	[smem:$0x3FAC] =	sst s3  }
0xc: {  	[smem:$0x3FAD] =	sst s4  }
0xd: {  	[smem:$0x3FAE] =	sst s5  }
0xe: {  	[smem:$0x3FAF] =	sst s6  }
0xf: {  	[smem:$0x3FB0] =	sst s7  }
0x10: {  	[smem:$0x3FB1] =	sst s8  }
0x11: {  	[smem:$0x3FB2] =	sst s9;
	s0 =	simm.s32 @!p0 $0x0  }
0x12: {  	s1 =	sld [smem:$0x3F98];
	s0 =	simm.s32 @p0 $0x1  }
0x13: {  	[smem:$0x3FB3] =	sst s0;
	s0 =	simm.s32 @!p1 $0x0  }
0x14: {  	s2 =	sld [smem:$0x3F97];
	s0 =	simm.s32 @p1 $0x1  }
0x15: {  	[smem:$0x3FB4] =	sst s0;
	s0 =	simm.s32 @!p2 $0x0  }
0x16: {  	s3 =	sld [smem:$0x3FDB];
	s0 =	simm.s32 @p2 $0x1  }
0x17: {  	s4 =	simm.s32 $0x1BF5;
	[smem:$0x3FB6] =	sst s0  }
0x18: {  	s0 =	sld [smem:$0x3F99];
	_ =	swait.ge [sflag:s4], $0x0  }
0x19: {  	s7 =	sld [smem:$0x3F9A]  }
0x1a: {  	s8 =	sadd.s32 $0xFFFFE003, lr  }
0x1b: {  	s9 =	sadd.s32 $0xFFFFFEF7, lr;
	s5 =	simm.s32 $0xFFFFFFFF;
	p2 =	slt.u32 s8, $0xFFFFF086  }
0x1c: {  	p1 =	slt.u32 s9, $0xF7A;
	s5 =	simm.s32 @!p2 $0x0  }
0x1d: {  	s5 =	simm.s32 @p1 $0x1;
	p0 =	seq.s32 s7, s2  }
0x1e: {  	s7 =	smul.u32 @!p0 $0xF7A, s2;
	p2 =	seq.s32 @!p0 s5, $0x0  }
0x1f: {  	s9 =	smul.u32 $0xF7A, s1;
	s8 =	simm.s32 @!p0 $0x1BF5;
	p2 =	por !p2, p0  }
0x20: {  	[sflag:s8] =	ssyncset.s32 @!p0 $0xFFFFF086;
	s6 =	sadd.s32 @!p0 s3, s7;
	s7 =	simm.s32 @!p0 $0x108  }
0x21: {  	s3 =	sadd.s32 s3, s9;
	s6 =	sadd.s32 @!p0 $0x88, s6;
	s7 =	simm.s32 @p2 $0x1082  }
0x22: {  	[simem:s7], [sflag:s8] =	dma.local @!p0 [hbm:s6], $0xF7A  }
0x23: {  	s9 =	sor.u32 $0xD0000000, s2;
	s6 =	simm.s32 $0x108;
	_ =	swait.ge @!p0 [sflag:s8], $0x0  }
0x24: {  	s3 =	sadd.s32 $0x88, s3;
	s6 =	simm.s32 @!p1 $0x1082;
	[sflag:s4] =	ssyncset.s32 $0xFFFFF086  }
0x25: {  	[simem:s6], [sflag:s4] =	dma.local [hbm:s3], $0xF7A  }
0x26: {  	[smem:$0x3F9A] =	sst s1;
	(tag) =	ssettag s2;
	_ =	strace s9  }
0x27: {  	s1 =	sld [smem:$0x3FAA]  }
0x28: {  	s2 =	sld [smem:$0x3FAB]  }
0x29: {  	s4 =	sld [smem:$0x3FAD]  }
0x2a: {  	p0 =	seq.s32 s5, $0x0;
	s5 =	sld [smem:$0x3FAE]  }
0x2b: {  	s6 =	sld [smem:$0x3FAF]  }
0x2c: {  	s7 =	sld [smem:$0x3FB0]  }
0x2d: {  	s3 =	simm.s32 $0x108;
	s8 =	sld [smem:$0x3FB1]  }
0x2e: {  	s3 =	simm.s32 @!p0 $0x1082;
	s9 =	sld [smem:$0x3FB2]  }
0x2f: {  	lr =	sadd.s32 s0, s3;
	s0 =	sld [smem:$0x3FA9]  }
0x30: {  	s3 =	sld [smem:$0x3FAC]  }
0x31: {  	[smem:$0x3FB5] =	sst s10  }
0x32: {  	s10 =	sld [smem:$0x3FB3];
	_ =	sdelay $0x3  }
0x33: {  	p0 =	seq.s32 s10, $0x1;
	s10 =	sld [smem:$0x3FB5];
	_ =	sdelay $0x3  }
0x34: {  	[smem:$0x3FB5] =	sst s10  }
0x35: {  	s10 =	sld [smem:$0x3FB4];
	_ =	sdelay $0x3  }
0x36: {  	p1 =	seq.s32 s10, $0x1;
	s10 =	sld [smem:$0x3FB5];
	_ =	sdelay $0x3  }
0x37: {  	[smem:$0x3FB5] =	sst s10  }
0x38: {  	s10 =	sld [smem:$0x3FB6]  }
0x39: {  	_ = 	snop;
	(pc) =	sbr.ind lr, $3  }
0x3a: {  	_ = 	snop  }
0x3b: {  	_ = 	snop  }
0x3c: {  	p2 =	seq.s32 s10, $0x1;
	s10 =	sld [smem:$0x3FB5]  }
0x3d: {  	_ =	shalt  }
0x3e: {  	_ =	shalt  }
0x3f: {  	_ =	shalt  }
0x40: {  	_ =	shalt  }
0x41: {  	_ =	shalt  }
0x42: {  	_ =	shalt  }
0x43: {  	_ =	shalt  }
0x44: {  	_ =	shalt  }
0x45: {  	_ =	shalt  }
0x46: {  	_ =	shalt  }
0x47: {  	_ =	shalt  }
0x48: {  	_ =	shalt  }
0x49: {  	_ =	shalt  }
0x4a: {  	_ =	shalt  }
0x4b: {  	_ =	shalt  }
0x4c: {  	_ =	shalt  }
0x4d: {  	_ =	shalt  }
0x4e: {  	_ =	shalt  }
0x4f: {  	_ =	shalt  }
0x50: {  	_ =	shalt  }
0x51: {  	_ =	shalt  }
0x52: {  	_ =	shalt  }
0x53: {  	_ =	shalt  }
0x54: {  	_ =	shalt  }
0x55: {  	_ =	shalt  }
0x56: {  	_ =	shalt  }
0x57: {  	_ =	shalt  }
0x58: {  	_ =	shalt  }
0x59: {  	_ =	shalt  }
0x5a: {  	_ =	shalt  }
0x5b: {  	_ =	shalt  }
0x5c: {  	_ =	shalt  }
0x5d: {  	_ =	shalt  }
0x5e: {  	_ =	shalt  }
0x5f: {  	_ =	shalt  }
0x60: {  	_ =	shalt  }
0x61: {  	_ =	shalt  }
0x62: {  	_ =	shalt  }
0x63: {  	_ =	shalt  }
0x64: {  	_ =	shalt  }
0x65: {  	_ =	shalt  }
0x66: {  	_ =	shalt  }
0x67: {  	_ =	shalt  }
0x68: {  	_ =	shalt  }
0x69: {  	_ =	shalt  }
0x6a: {  	_ =	shalt  }
0x6b: {  	_ =	shalt  }
0x6c: {  	_ =	shalt  }
0x6d: {  	_ =	shalt  }
0x6e: {  	_ =	shalt  }
0x6f: {  	_ =	shalt  }
0x70: {  	_ =	shalt  }
0x71: {  	_ =	shalt  }
0x72: {  	_ =	shalt  }
0x73: {  	_ =	shalt  }
0x74: {  	_ =	shalt  }
0x75: {  	_ =	shalt  }
0x76: {  	_ =	shalt  }
0x77: {  	_ =	shalt  }
0x78: {  	_ =	shalt  }
0x79: {  	_ =	shalt  }
0x7a: {  	_ =	shalt  }
0x7b: {  	_ =	shalt  }
0x7c: {  	_ =	shalt  }
0x7d: {  	_ =	shalt  }
0x7e: {  	_ =	shalt  }
0x7f: {  	_ =	shalt  }
0x80: {  	_ =	shalt  }
0x81: {  	_ =	shalt  }
0x82: {  	_ =	shalt  }
0x83: {  	_ =	shalt  }
0x84: {  	_ =	shalt  }
0x85: {  	_ =	shalt  }
0x86: {  	_ =	shalt  }
0x87: {  	_ =	shalt  }
.Lfunc_end0:
.L_simem_size_0:
called_computation_lowered:
.L_overlay_start_0:
0x88: {  	s2 =	sld [smem:$0x3FD9]  }
0x89: {  	s3 =	sld [smem:$0x3FFE];
	_ =	sdelay $0x1  }
0x8a: {  	s1 =	srdreg.scid  }
0x8b: {  	s0 =	sand.u32 $0x1, s1  }
0x8c: {  	s14 =	sshll.u32 s0, $0xA;
	s2 =	sadd.s32 s3, s2  }
0x8d: {  	s2 =	sadd.s32 s2, s14  }
0x8e: {  	[smem:$0x3FC1] =	sst s2  }
0x8f: {  	_ = 	snop  }
0x90: {  	s2 =	sld [smem:$0x3FD0];
	_ =	sdelay $0x1  }
0x91: {  	s15 =	sld [smem:$0x3FC8]  }
0x92: {  	s5 =	simm.s32 $0xA;
	s6 =	simm.s32 $0x10;
	s4 =	sld [smem:$0x3FC7]  }
0x93: {  	[smem:s6], [sflag:s5] =	dma.local [hbm:s2], $0x1  }
0x94: {  	_ =	swait.eq [sflag:s5], $0x1  }
0x95: {  	[sflag:s5] =	ssyncset.done $0x0  }
0x96: {  	s16 =	sld [smem:$0x10];
	[sflag:s5] =	ssyncadd.s32 $0xFFFFFFFF  }
0x97: {  	s17 =	sld [smem:$0x11];
	(tm) =	ssettm $0x1  }
0x98: {  	s18 =	sld [smem:$0x3FFB];
	_ =	sdelay $0x3  }
0x99: {  	_ =	strace s18  }
0x9a: {  	s6 =	sld [smem:$0x3FFC];
	_ =	sdelay $0x3  }
0x9b: {  	_ =	strace s6  }
0x9c: {  	s6 =	sld [smem:$0x3FFD];
	_ =	sdelay $0x3  }
0x9d: {  	_ =	strace s6  }
0x9e: {  	_ =	strace $0x8FFFFFFF  }
0x9f: {  	s19 =	sld [smem:$0x3FDB];
	_ =	sdelay $0x1  }
0xa0: {  	s7 =	simm.s32 $_scs_section_size  }
0xa1: {  	s8 =	simm.s32 $_size__tile_overlayer_lowered;
	s9 =	simm.s32 $_tile_overlayer_lowered  }
0xa2: {  	s22 =	simm.s32 $0x1BFF;
	s21 =	sshll.u32 s9, $0x1;
	s6 =	sadd.s32 s7, s19  }
0xa3: {  	s10 =	simm.s32 $0x0;
	s20 =	sshll.u32 s8, $0x1;
	s8 =	sadd.s32 s21, s6  }
0xa4: {  	[timem:s10], [sflag:s22] =	dma.local [hbm:s8], s20  }
0xa5: {  	_ =	swait.ge [sflag:s22], s20  }
0xa6: {  	s7 =	ssub.s32 $0x0, s20;
	[sflag:s22] =	ssyncset.done $0x0  }
0xa7: {  	[sflag:s22] =	ssyncadd.s32 s7;
	_ =	sdelay $0x1  }
0xa8: {  	s23 =	simm.s32 $0x1B8B  }
0xa9: {  	_ =	swait.ge [sflag:s23], $0x1  }
0xaa: {  	[sflag:s23] =	ssyncset.done $0x0  }
0xab: {  	s25 =	simm.s32 $0x1B8E;
	s24 =	sld [smem:$0x3FFE];
	[sflag:s23] =	ssyncadd.s32 $0xFFFFFFFF  }
0xac: {  	s26 =	simm.s32 $execute0_lowered;
	[smem:$0x3FD2] =	sst s25  }
0xad: {  	s8 =	sshll.u32 s26, $0x1;
	_ =	strace $0x80000046;
	[dreg:$0x1] =	wrdreg $0xFFFFFFFF  }
0xae: {  	s28 =	simm.s32 $_size_execute0_lowered;
	s6 =	sadd.s32 s6, s8;
	[dreg:$0x0] =	wrdreg $0x0  }
0xaf: {  	s8 =	sshll.u32 s28, $0x1;
	[dreg:$0x2] =	wrdreg s6  }
0xb0: {  	[dreg:$0x3] =	wrdreg s8  }
0xb1: {  	[dreg:$0x4] =	wrdreg $0xC0  }
0xb2: {  	_ =	task [dreg:s10], $0x5FFFF  }
0xb3: {  	[dreg:$0x1] =	wrdreg $0xFFFFFFFF  }
0xb4: {  	[dreg:$0x0] =	wrdreg $0x60  }
0xb5: {  	[dreg:$0x2] =	wrdreg s16  }
0xb6: {  	[dreg:$0x3] =	wrdreg s17  }
0xb7: {  	[dreg:$0x4] =	wrdreg s15  }
0xb8: {  	[dreg:$0x5] =	wrdreg s4  }
0xb9: {  	[dreg:$0x6] =	wrdreg s24  }
0xba: {  	[dreg:$0x7] =	wrdreg $0x70000  }
0xbb: {  	[dreg:$0x8] =	wrdreg $0x9  }
0xbc: {  	_ =	task.clear_ibuf [dreg:s10], $0x9FFFF;
	_ =	strace $0x90000046  }
0xbd: {  	s29 =	simm.s32 $0x9;
	_ =	strace $0x80000048  }
0xbe: {  	_ =	swait.ge [sflag:s29], $0x1  }
0xbf: {  	[sflag:s29] =	ssyncadd.s32 $0xFFFFFFFF  }
0xc0: {  	_ =	strace $0x90000048  }
0xc1: {  	_ =	sfence  }
0xc2: {  	s30 =	sld [smem:$0x0];
	_ =	sdelay $0x2  }
0xc3: {  	s31 =	sshll.u32 s1, $0xD;
	s1 =	sshrl.u32 s1, $0x2  }
0xc4: {  	s3 =	sand.u32 $0x4000, s31;
	s1 =	sadd.s32 s1, s30  }
0xc5: {  	s0 =	sor.u32 s3, s0;
	s1 =	sshll.u32 s1, $0x11  }
0xc6: {  	s0 =	sor.u32 s1, s0  }
0xc7: {  	s0 =	sadd.s32 $0x8F2B, s0  }
0xc8: {  	[sflag:s0] =	ssyncadd.remote.s32 $0x1  }
0xc9: {  	_ =	sfence.sel $0xFFFF  }
0xca: {  	[dreg:$0x0] =	wrdreg $0xFFFFFFFF;
	(pc) =	sbr.abs _section_cstart, $3  }
0xcb: {  	[dreg:$0x1] =	wrdreg $0xFFFFFFFF  }
0xcc: {  	_ =	task.clear_ibuf [dreg:s10], $0x2FFFF;
	_ =	strace $0x9FFFFFFF  }
0xcd: {  	(tm) =	ssettm $0x7FFFFFFF  }
tec
execute0_lowered:
.L_overlay_start_1:
0x0: {  	(tag) =	ssettag $0x1  }
0x1: {  	s0 =	rddreg [dreg:$0x0]  }
0x2: {  	s1 =	rddreg [dreg:$0x1]  }
0x3: {  	s2 =	rddreg [dreg:$0x2]  }
0x4: {  	s4 =	rddreg [dreg:$0x3]  }
0x5: {  	s9 =	rddreg [dreg:$0x4]  }
0x6: {  	s3 =	srdreg.scid;
	s6 =	rddreg [dreg:$0x5]  }
0x7: {  	s16 =	simm.s32 $0x800;
	s17 =	simm.s32 $0x1800;
	s18 =	simm.s32 $0x1  }
0x8: {  	s19 =	simm.s32 $0x50;
	s20 =	simm.s32 $0x2000;
	s21 =	simm.s32 $0x4800  }
0x9: {  	s22 =	simm.s32 $0x2;
	s23 =	simm.s32 $0x3;
	s24 =	simm.s32 $0x1400  }
0xa: {  	s5 =	sand.u32 $0x1, s3;
	s3 =	stileid.u32;
	s8 =	sadd.s32 $0x400, s9  }
0xb: {  	s7 =	sshll.u32 s5, $0x4;
	s5 =	ssub.s32 $0x2, s5;
	s12 =	smul.u32 $0x4E200, s3  }
0xc: {  	s31 =	sshll.u32 s3, $0x6;
	s11 =	sor.u32 s3, s7;
	s7 =	simm.s32 $0x0  }
0xd: {  	s13 =	sshrl.u32 s5, $0x1;
	s10 =	smul.u32 $0x2780, s11;
	[smem:$0x7FF] =	sst s7  }
0xe: {  	s5 =	ssub.s32 s5, s13;
	s30 =	sshrl.u32 s12, $0x2;
	_ =	strace $0x80000047  }
0xf: {  	s15 =	sadd.s32 s30, s6;
	s14 =	sadd.s32 s10, s9;
	s9 =	smul.u32 $0x2710, s11  }
0x10: {  	s13 =	smax.u32 s5, $0x1;
	s10 =	sor.u32 $0x1C04, s31;
	s11 =	smul.u32 $0x5, s11  }
0x11: {  	s12 =	sadd.s32 $0x2C00, s14;
	s14 =	sshrl.u32 s15, $0x3;
	s15 =	simm.s32 $0x4  }
.LBB2_1:
0x12: {  	[spmem:s14], [sflag:s10] =	dma.local [hbm:s8], $0x2710  }
0x13: {  	_ =	swait.ge [sflag:s15], $0x2710  }
0x14: {  	[sflag:s15] =	ssyncset.done $0x0  }
0x15: {  	[sflag:s15] =	ssyncadd.s32 $0xFFFFD8F0  }
0x16: {  	s25 =	simm.s32 $0x0;
	[bflag:$0x0] =	sbarrier.arrive $0xFFFF  }
.LBB2_2:
0x17: {  	s5 =	smul.u32 $0x7D0, s25;
	_ =	sdelay $0x1  }
0x18: {  	s5 =	sadd.s32 s9, s5  }
0x19: {  	s5 =	sshrl.u32 s5, $0x3  }
0x1a: {  	s26 =	simm.s32 $0x0;
	s31 =	sadd.s32 s11, s25;
	s28 =	sadd.s32 s0, s5  }
0x1b: {  	[tilespmem:s26], [sflag:$0x1] =	stream.linear.gather [hbm4b:s28+s26], $0x7D0, $0x38;
	[tilespmem:$0x1A880] =	vst v63  }
0x1c: {  	s28 =	sshll.u32 s31, $0x9  }
0x1d: {  	s28 =	sadd.s32 s1, s28  }
0x1e: {  	[tilespmem:s16], [sflag:$0x1] =	stream.linear.gather [hbm4b:s28+s26], $0xC80, $0x38;
	[tilespmem:$0x1A880] =	vst v63  }
0x1f: {  	s5 =	sadd.s32 s2, s5  }
0x20: {  	[tilespmem:s17], [sflag:$0x1] =	stream.linear.gather [hbm4b:s5+s26], $0x7D0, $0x38;
	[tilespmem:$0x1A880] =	vst v63  }
0x21: {  	_ =	swait.ge [sflag:s18], $0x7D0  }
0x22: {  	[sflag:s18] =	ssyncset.done $0x0  }
0x23: {  	[sflag:s18] =	ssyncadd.s32 $0xFFFFF830  }
0x24: {  	_ =	swait.ge [sflag:s18], $0xC80  }
0x25: {  	[sflag:s18] =	ssyncset.done $0x0  }
0x26: {  	[sflag:s18] =	ssyncadd.s32 $0xFFFFF380  }
0x27: {  	_ =	swait.ge [sflag:s18], $0x7D0  }
0x28: {  	[sflag:s18] =	ssyncset.done $0x0  }
0x29: {  	[sflag:s18] =	ssyncadd.s32 $0xFFFFF830  }
0x2a: {  	[tilespmem:s20], [sflag:$0x2] =	stream.indirect.gather [hbm4b:s4+s19], $0x80, s26, s19, $0xb8;
	[tilespmem:$0x1A880] =	vst v63  }
.LBB2_3:
0x2b: {  	s28 =	sshllo.u32 s26, $0x1;
	s5 =	smul.u32 $0x280, s26  }
0x2c: {  	s29 =	smul.u32 $0x50, s28  }
0x2d: {  	s30 =	sshra.s32 s5, $0x2  }
0x2e: {  	[tilespmem:s21], [sflag:$0x3] =	stream.indirect.gather [hbm4b:s4+s19], $0x80, s29, s19, $0xb8;
	[tilespmem:$0x1A880] =	vst v63  }
0x2f: {  	s5 =	sadd.s32 $0x1800, s30  }
0x30: {  	_ =	swait.ge [sflag:s22], $0x2800;
	v0 =	vmov s5  }
0x31: {  	[sflag:s22] =	ssyncset.done $0x0  }
0x32: {  	s31 =	simm.s32 $0x0;
	[sflag:s22] =	ssyncadd.s32 $0xFFFFD800  }
.LBB2_4:
0x33: {  	s5 =	sshll.u32 s31, $0x4  }
0x34: {  	s5 =	sand.u32 $0x3FFFFFF0, s5  }
0x35: {  	v1 =	vld.idx.msk [tilespmem:v0+s5+$0x0 ss:$0x1], $0xffff;
	s5 =	sshll.u32 s31, $0xB  }
0x36: {  	s5 =	sand.u32 $0x3FFFF800, s5  }
0x37: {  	v2 =	vld [tilespmem:s5+$0x2000]  }
0x38: {  	v3 =	vld [tilespmem:s5+$0x2010]  }
0x39: {  	v4 =	vld [tilespmem:s5+$0x2020]  }
0x3a: {  	v6 =	vld [tilespmem:s5+$0x2030];
	v5 =	vbroadcast v1, $0x0  }
0x3b: {  	v7 =	vld [tilespmem:s5+$0x2040]  }
0x3c: {  	v8 =	vld [tilespmem:s5+$0x2050];
	v2 =	vmul.f32 v5, v2  }
0x3d: {  	v9 =	vld [tilespmem:s5+$0x2060];
	v3 =	vmul.f32 v3, v5  }
0x3e: {  	v34 =	vld [tilespmem:s5+$0x2070];
	[tilespmem:s5+$0x2000] =	vst v2;
	v2 =	vmul.f32 v4, v5  }
0x3f: {  	v35 =	vld [tilespmem:s5+$0x2080];
	[tilespmem:s5+$0x2010] =	vst v3;
	v3 =	vmul.f32 v6, v5  }
0x40: {  	v36 =	vld [tilespmem:s5+$0x2090];
	[tilespmem:s5+$0x2020] =	vst v2;
	v2 =	vmul.f32 v7, v5  }
0x41: {  	v37 =	vld [tilespmem:s5+$0x20A0];
	[tilespmem:s5+$0x2030] =	vst v3;
	v3 =	vmul.f32 v8, v5  }
0x42: {  	v10 =	vld [tilespmem:s5+$0x20B0];
	v38 =	vbroadcast v1, $0x1;
	[tilespmem:s5+$0x2040] =	vst v2;
	v2 =	vmul.f32 v9, v5  }
0x43: {  	v39 =	vld [tilespmem:s5+$0x20C0];
	[tilespmem:s5+$0x2050] =	vst v3;
	v3 =	vmul.f32 v34, v5  }
0x44: {  	v40 =	vld [tilespmem:s5+$0x20D0];
	[tilespmem:s5+$0x2060] =	vst v2;
	v2 =	vmul.f32 v35, v38  }
0x45: {  	v41 =	vld [tilespmem:s5+$0x20E0];
	[tilespmem:s5+$0x2070] =	vst v3;
	v3 =	vmul.f32 v36, v38  }
0x46: {  	v42 =	vld [tilespmem:s5+$0x20F0];
	[tilespmem:s5+$0x2080] =	vst v2;
	v2 =	vmul.f32 v37, v38  }
0x47: {  	v43 =	vld [tilespmem:s5+$0x2100];
	[tilespmem:s5+$0x2090] =	vst v3;
	v3 =	vmul.f32 v10, v38  }
0x48: {  	v44 =	vld [tilespmem:s5+$0x2110];
	[tilespmem:s5+$0x20A0] =	vst v2;
	v2 =	vmul.f32 v39, v38  }
0x49: {  	v45 =	vld [tilespmem:s5+$0x2120];
	[tilespmem:s5+$0x20B0] =	vst v3;
	v3 =	vmul.f32 v40, v38  }
0x4a: {  	v47 =	vld [tilespmem:s5+$0x2130];
	v46 =	vbroadcast v1, $0x2;
	[tilespmem:s5+$0x20C0] =	vst v2;
	v2 =	vmul.f32 v41, v38  }
0x4b: {  	v48 =	vld [tilespmem:s5+$0x2140];
	[tilespmem:s5+$0x20D0] =	vst v3;
	v3 =	vmul.f32 v42, v38  }
0x4c: {  	v49 =	vld [tilespmem:s5+$0x2150];
	[tilespmem:s5+$0x20E0] =	vst v2;
	v2 =	vmul.f32 v43, v46  }
0x4d: {  	v50 =	vld [tilespmem:s5+$0x2160];
	[tilespmem:s5+$0x20F0] =	vst v3;
	v3 =	vmul.f32 v44, v46  }
0x4e: {  	v51 =	vld [tilespmem:s5+$0x2170];
	[tilespmem:s5+$0x2100] =	vst v2;
	v2 =	vmul.f32 v45, v46  }
0x4f: {  	v52 =	vld [tilespmem:s5+$0x2180];
	[tilespmem:s5+$0x2110] =	vst v3;
	v3 =	vmul.f32 v47, v46  }
0x50: {  	v53 =	vld [tilespmem:s5+$0x2190];
	[tilespmem:s5+$0x2120] =	vst v2;
	v2 =	vmul.f32 v48, v46  }
0x51: {  	v54 =	vld [tilespmem:s5+$0x21A0];
	[tilespmem:s5+$0x2130] =	vst v3;
	v3 =	vmul.f32 v49, v46  }
0x52: {  	v56 =	vld [tilespmem:s5+$0x21B0];
	v55 =	vbroadcast v1, $0x3;
	[tilespmem:s5+$0x2140] =	vst v2;
	v2 =	vmul.f32 v50, v46  }
0x53: {  	v57 =	vld [tilespmem:s5+$0x21C0];
	[tilespmem:s5+$0x2150] =	vst v3;
	v3 =	vmul.f32 v51, v46  }
0x54: {  	v58 =	vld [tilespmem:s5+$0x21D0];
	[tilespmem:s5+$0x2160] =	vst v2;
	v2 =	vmul.f32 v52, v55  }
0x55: {  	v59 =	vld [tilespmem:s5+$0x21E0];
	[tilespmem:s5+$0x2170] =	vst v3;
	v3 =	vmul.f32 v53, v55  }
0x56: {  	v60 =	vld [tilespmem:s5+$0x21F0];
	[tilespmem:s5+$0x2180] =	vst v2;
	v2 =	vmul.f32 v54, v55  }
0x57: {  	v61 =	vld [tilespmem:s5+$0x2200];
	[tilespmem:s5+$0x2190] =	vst v3;
	v3 =	vmul.f32 v56, v55  }
0x58: {  	v62 =	vld [tilespmem:s5+$0x2210];
	[tilespmem:s5+$0x21A0] =	vst v2;
	v2 =	vmul.f32 v57, v55  }
0x59: {  	v63 =	vld [tilespmem:s5+$0x2220];
	[tilespmem:s5+$0x21B0] =	vst v3;
	v3 =	vmul.f32 v58, v55  }
0x5a: {  	v13 =	vld [tilespmem:s5+$0x2230];
	v12 =	vbroadcast v1, $0x4;
	[tilespmem:s5+$0x21C0] =	vst v2;
	v2 =	vmul.f32 v59, v55  }
0x5b: {  	v14 =	vld [tilespmem:s5+$0x2240];
	[tilespmem:s5+$0x21D0] =	vst v3;
	v3 =	vmul.f32 v60, v55  }
0x5c: {  	v15 =	vld [tilespmem:s5+$0x2250];
	[tilespmem:s5+$0x21E0] =	vst v2;
	v2 =	vmul.f32 v61, v12  }
0x5d: {  	v16 =	vld [tilespmem:s5+$0x2260];
	[tilespmem:s5+$0x21F0] =	vst v3;
	v3 =	vmul.f32 v62, v12  }
0x5e: {  	v17 =	vld [tilespmem:s5+$0x2270];
	[tilespmem:s5+$0x2200] =	vst v2;
	v2 =	vmul.f32 v63, v12  }
0x5f: {  	v18 =	vld [tilespmem:s5+$0x2280];
	[tilespmem:s5+$0x2210] =	vst v3;
	v3 =	vmul.f32 v13, v12  }
0x60: {  	v19 =	vld [tilespmem:s5+$0x2290];
	[tilespmem:s5+$0x2220] =	vst v2;
	v2 =	vmul.f32 v14, v12  }
0x61: {  	v20 =	vld [tilespmem:s5+$0x22A0];
	[tilespmem:s5+$0x2230] =	vst v3;
	v3 =	vmul.f32 v15, v12  }
0x62: {  	v22 =	vld [tilespmem:s5+$0x22B0];
	v21 =	vbroadcast v1, $0x5;
	[tilespmem:s5+$0x2240] =	vst v2;
	v2 =	vmul.f32 v16, v12  }
0x63: {  	v23 =	vld [tilespmem:s5+$0x22C0];
	[tilespmem:s5+$0x2250] =	vst v3;
	v3 =	vmul.f32 v17, v12  }
0x64: {  	v24 =	vld [tilespmem:s5+$0x22D0];
	[tilespmem:s5+$0x2260] =	vst v2;
	v2 =	vmul.f32 v18, v21  }
0x65: {  	v25 =	vld [tilespmem:s5+$0x22E0];
	[tilespmem:s5+$0x2270] =	vst v3;
	v3 =	vmul.f32 v19, v21  }
0x66: {  	v26 =	vld [tilespmem:s5+$0x22F0];
	[tilespmem:s5+$0x2280] =	vst v2;
	v2 =	vmul.f32 v20, v21  }
0x67: {  	v27 =	vld [tilespmem:s5+$0x2300];
	[tilespmem:s5+$0x2290] =	vst v3;
	v3 =	vmul.f32 v22, v21  }
0x68: {  	v28 =	vld [tilespmem:s5+$0x2310];
	[tilespmem:s5+$0x22A0] =	vst v2;
	v2 =	vmul.f32 v23, v21  }
0x69: {  	v29 =	vld [tilespmem:s5+$0x2320];
	[tilespmem:s5+$0x22B0] =	vst v3;
	v3 =	vmul.f32 v24, v21  }
0x6a: {  	v31 =	vld [tilespmem:s5+$0x2330];
	v30 =	vbroadcast v1, $0x6;
	[tilespmem:s5+$0x22C0] =	vst v2;
	v2 =	vmul.f32 v25, v21  }
0x6b: {  	v32 =	vld [tilespmem:s5+$0x2340];
	[tilespmem:s5+$0x22D0] =	vst v3;
	v3 =	vmul.f32 v26, v21  }
0x6c: {  	v33 =	vld [tilespmem:s5+$0x2350];
	[tilespmem:s5+$0x22E0] =	vst v2;
	v2 =	vmul.f32 v27, v30  }
0x6d: {  	v34 =	vld [tilespmem:s5+$0x2360];
	[tilespmem:s5+$0x22F0] =	vst v3;
	v3 =	vmul.f32 v28, v30  }
0x6e: {  	v35 =	vld [tilespmem:s5+$0x2370];
	[tilespmem:s5+$0x2300] =	vst v2;
	v2 =	vmul.f32 v29, v30  }
0x6f: {  	v36 =	vld [tilespmem:s5+$0x2380];
	[tilespmem:s5+$0x2310] =	vst v3;
	v3 =	vmul.f32 v31, v30  }
0x70: {  	v37 =	vld [tilespmem:s5+$0x2390];
	[tilespmem:s5+$0x2320] =	vst v2;
	v2 =	vmul.f32 v32, v30  }
0x71: {  	v38 =	vld [tilespmem:s5+$0x23A0];
	[tilespmem:s5+$0x2330] =	vst v3;
	v3 =	vmul.f32 v33, v30  }
0x72: {  	v39 =	vbroadcast v1, $0x7;
	v40 =	vld [tilespmem:s5+$0x23B0];
	[tilespmem:s5+$0x2340] =	vst v2;
	v2 =	vmul.f32 v34, v30  }
0x73: {  	v41 =	vld [tilespmem:s5+$0x23C0];
	[tilespmem:s5+$0x2350] =	vst v3;
	v3 =	vmul.f32 v35, v30  }
0x74: {  	v42 =	vld [tilespmem:s5+$0x23D0];
	[tilespmem:s5+$0x2360] =	vst v2;
	v2 =	vmul.f32 v36, v39  }
0x75: {  	v43 =	vld [tilespmem:s5+$0x23E0];
	[tilespmem:s5+$0x2370] =	vst v3;
	v3 =	vmul.f32 v37, v39  }
0x76: {  	v44 =	vld [tilespmem:s5+$0x23F0];
	[tilespmem:s5+$0x2380] =	vst v2;
	v2 =	vmul.f32 v38, v39  }
0x77: {  	v45 =	vld [tilespmem:s5+$0x2400];
	[tilespmem:s5+$0x2390] =	vst v3;
	v3 =	vmul.f32 v40, v39  }
0x78: {  	v46 =	vld [tilespmem:s5+$0x2410];
	[tilespmem:s5+$0x23A0] =	vst v2;
	v2 =	vmul.f32 v41, v39  }
0x79: {  	v47 =	vld [tilespmem:s5+$0x2420];
	[tilespmem:s5+$0x23B0] =	vst v3;
	v3 =	vmul.f32 v42, v39  }
0x7a: {  	v48 =	vbroadcast v1, $0x8;
	v49 =	vld [tilespmem:s5+$0x2430];
	[tilespmem:s5+$0x23C0] =	vst v2;
	v2 =	vmul.f32 v43, v39  }
0x7b: {  	v50 =	vld [tilespmem:s5+$0x2440];
	[tilespmem:s5+$0x23D0] =	vst v3;
	v3 =	vmul.f32 v44, v39  }
0x7c: {  	v51 =	vld [tilespmem:s5+$0x2450];
	[tilespmem:s5+$0x23E0] =	vst v2;
	v2 =	vmul.f32 v45, v48  }
0x7d: {  	v52 =	vld [tilespmem:s5+$0x2460];
	[tilespmem:s5+$0x23F0] =	vst v3;
	v3 =	vmul.f32 v46, v48  }
0x7e: {  	v53 =	vld [tilespmem:s5+$0x2470];
	[tilespmem:s5+$0x2400] =	vst v2;
	v2 =	vmul.f32 v47, v48  }
0x7f: {  	v54 =	vld [tilespmem:s5+$0x2480];
	[tilespmem:s5+$0x2410] =	vst v3;
	v3 =	vmul.f32 v49, v48  }
0x80: {  	v55 =	vld [tilespmem:s5+$0x2490];
	[tilespmem:s5+$0x2420] =	vst v2;
	v2 =	vmul.f32 v50, v48  }
0x81: {  	v56 =	vld [tilespmem:s5+$0x24A0];
	[tilespmem:s5+$0x2430] =	vst v3;
	v3 =	vmul.f32 v51, v48  }
0x82: {  	v57 =	vbroadcast v1, $0x9;
	v58 =	vld [tilespmem:s5+$0x24B0];
	[tilespmem:s5+$0x2440] =	vst v2;
	v2 =	vmul.f32 v52, v48  }
0x83: {  	v59 =	vld [tilespmem:s5+$0x24C0];
	[tilespmem:s5+$0x2450] =	vst v3;
	v3 =	vmul.f32 v53, v48  }
0x84: {  	v60 =	vld [tilespmem:s5+$0x24D0];
	[tilespmem:s5+$0x2460] =	vst v2;
	v2 =	vmul.f32 v54, v57  }
0x85: {  	v61 =	vld [tilespmem:s5+$0x24E0];
	[tilespmem:s5+$0x2470] =	vst v3;
	v3 =	vmul.f32 v55, v57  }
0x86: {  	v62 =	vld [tilespmem:s5+$0x24F0];
	[tilespmem:s5+$0x2480] =	vst v2;
	v2 =	vmul.f32 v56, v57  }
0x87: {  	v63 =	vld [tilespmem:s5+$0x2500];
	[tilespmem:s5+$0x2490] =	vst v3;
	v3 =	vmul.f32 v58, v57  }
0x88: {  	v12 =	vld [tilespmem:s5+$0x2510];
	[tilespmem:s5+$0x24A0] =	vst v2;
	v2 =	vmul.f32 v59, v57  }
0x89: {  	v13 =	vld [tilespmem:s5+$0x2520];
	[tilespmem:s5+$0x24B0] =	vst v3;
	v3 =	vmul.f32 v60, v57  }
0x8a: {  	v14 =	vbroadcast v1, $0xA;
	v15 =	vld [tilespmem:s5+$0x2530];
	[tilespmem:s5+$0x24C0] =	vst v2;
	v2 =	vmul.f32 v61, v57  }
0x8b: {  	v16 =	vld [tilespmem:s5+$0x2540];
	[tilespmem:s5+$0x24D0] =	vst v3;
	v3 =	vmul.f32 v62, v57  }
0x8c: {  	v17 =	vld [tilespmem:s5+$0x2550];
	[tilespmem:s5+$0x24E0] =	vst v2;
	v2 =	vmul.f32 v63, v14  }
0x8d: {  	v18 =	vld [tilespmem:s5+$0x2560];
	[tilespmem:s5+$0x24F0] =	vst v3;
	v3 =	vmul.f32 v12, v14  }
0x8e: {  	v19 =	vld [tilespmem:s5+$0x2570];
	[tilespmem:s5+$0x2500] =	vst v2;
	v2 =	vmul.f32 v13, v14  }
0x8f: {  	v20 =	vld [tilespmem:s5+$0x2580];
	[tilespmem:s5+$0x2510] =	vst v3;
	v3 =	vmul.f32 v15, v14  }
0x90: {  	v21 =	vld [tilespmem:s5+$0x2590];
	[tilespmem:s5+$0x2520] =	vst v2;
	v2 =	vmul.f32 v16, v14  }
0x91: {  	v22 =	vld [tilespmem:s5+$0x25A0];
	[tilespmem:s5+$0x2530] =	vst v3;
	v3 =	vmul.f32 v17, v14  }
0x92: {  	v23 =	vbroadcast v1, $0xB;
	v24 =	vld [tilespmem:s5+$0x25B0];
	[tilespmem:s5+$0x2540] =	vst v2;
	v2 =	vmul.f32 v18, v14  }
0x93: {  	v25 =	vld [tilespmem:s5+$0x25C0];
	[tilespmem:s5+$0x2550] =	vst v3;
	v3 =	vmul.f32 v19, v14  }
0x94: {  	v26 =	vld [tilespmem:s5+$0x25D0];
	[tilespmem:s5+$0x2560] =	vst v2;
	v2 =	vmul.f32 v20, v23  }
0x95: {  	v27 =	vld [tilespmem:s5+$0x25E0];
	[tilespmem:s5+$0x2570] =	vst v3;
	v3 =	vmul.f32 v21, v23  }
0x96: {  	v28 =	vld [tilespmem:s5+$0x25F0];
	[tilespmem:s5+$0x2580] =	vst v2;
	v2 =	vmul.f32 v22, v23  }
0x97: {  	v29 =	vld [tilespmem:s5+$0x2600];
	[tilespmem:s5+$0x2590] =	vst v3;
	v3 =	vmul.f32 v24, v23  }
0x98: {  	v30 =	vld [tilespmem:s5+$0x2610];
	[tilespmem:s5+$0x25A0] =	vst v2;
	v2 =	vmul.f32 v25, v23  }
0x99: {  	v31 =	vld [tilespmem:s5+$0x2620];
	[tilespmem:s5+$0x25B0] =	vst v3;
	v3 =	vmul.f32 v26, v23  }
0x9a: {  	v32 =	vbroadcast v1, $0xC;
	v33 =	vld [tilespmem:s5+$0x2630];
	[tilespmem:s5+$0x25C0] =	vst v2;
	v2 =	vmul.f32 v27, v23  }
0x9b: {  	v34 =	vld [tilespmem:s5+$0x2640];
	[tilespmem:s5+$0x25D0] =	vst v3;
	v3 =	vmul.f32 v28, v23  }
0x9c: {  	v35 =	vld [tilespmem:s5+$0x2650];
	[tilespmem:s5+$0x25E0] =	vst v2;
	v2 =	vmul.f32 v29, v32  }
0x9d: {  	v36 =	vld [tilespmem:s5+$0x2660];
	[tilespmem:s5+$0x25F0] =	vst v3;
	v3 =	vmul.f32 v30, v32  }
0x9e: {  	v37 =	vld [tilespmem:s5+$0x2670];
	[tilespmem:s5+$0x2600] =	vst v2;
	v2 =	vmul.f32 v31, v32  }
0x9f: {  	v38 =	vld [tilespmem:s5+$0x2680];
	[tilespmem:s5+$0x2610] =	vst v3;
	v3 =	vmul.f32 v33, v32  }
0xa0: {  	v39 =	vld [tilespmem:s5+$0x2690];
	[tilespmem:s5+$0x2620] =	vst v2;
	v2 =	vmul.f32 v34, v32  }
0xa1: {  	v40 =	vld [tilespmem:s5+$0x26A0];
	[tilespmem:s5+$0x2630] =	vst v3;
	v3 =	vmul.f32 v35, v32  }
0xa2: {  	v41 =	vbroadcast v1, $0xD;
	v42 =	vld [tilespmem:s5+$0x26B0];
	[tilespmem:s5+$0x2640] =	vst v2;
	v2 =	vmul.f32 v36, v32  }
0xa3: {  	v43 =	vld [tilespmem:s5+$0x26C0];
	[tilespmem:s5+$0x2650] =	vst v3;
	v3 =	vmul.f32 v37, v32  }
0xa4: {  	v44 =	vld [tilespmem:s5+$0x26D0];
	[tilespmem:s5+$0x2660] =	vst v2;
	v2 =	vmul.f32 v38, v41  }
0xa5: {  	v45 =	vld [tilespmem:s5+$0x26E0];
	[tilespmem:s5+$0x2670] =	vst v3;
	v3 =	vmul.f32 v39, v41  }
0xa6: {  	v46 =	vld [tilespmem:s5+$0x26F0];
	[tilespmem:s5+$0x2680] =	vst v2;
	v2 =	vmul.f32 v40, v41  }
0xa7: {  	v47 =	vld [tilespmem:s5+$0x2700];
	[tilespmem:s5+$0x2690] =	vst v3;
	v3 =	vmul.f32 v42, v41  }
0xa8: {  	v48 =	vld [tilespmem:s5+$0x2710];
	[tilespmem:s5+$0x26A0] =	vst v2;
	v2 =	vmul.f32 v43, v41  }
0xa9: {  	v49 =	vld [tilespmem:s5+$0x2720];
	[tilespmem:s5+$0x26B0] =	vst v3;
	v3 =	vmul.f32 v44, v41  }
0xaa: {  	v50 =	vbroadcast v1, $0xE;
	v51 =	vld [tilespmem:s5+$0x2730];
	[tilespmem:s5+$0x26C0] =	vst v2;
	v2 =	vmul.f32 v45, v41  }
0xab: {  	v52 =	vld [tilespmem:s5+$0x2740];
	[tilespmem:s5+$0x26D0] =	vst v3;
	v3 =	vmul.f32 v46, v41  }
0xac: {  	v53 =	vld [tilespmem:s5+$0x2750];
	[tilespmem:s5+$0x26E0] =	vst v2;
	v2 =	vmul.f32 v47, v50  }
0xad: {  	v54 =	vld [tilespmem:s5+$0x2760];
	[tilespmem:s5+$0x26F0] =	vst v3;
	v3 =	vmul.f32 v48, v50  }
0xae: {  	v55 =	vld [tilespmem:s5+$0x2770];
	[tilespmem:s5+$0x2700] =	vst v2;
	v2 =	vmul.f32 v49, v50  }
0xaf: {  	v56 =	vld [tilespmem:s5+$0x2780];
	[tilespmem:s5+$0x2710] =	vst v3;
	v3 =	vmul.f32 v51, v50  }
0xb0: {  	v57 =	vld [tilespmem:s5+$0x2790];
	[tilespmem:s5+$0x2720] =	vst v2;
	v2 =	vmul.f32 v52, v50  }
0xb1: {  	v58 =	vld [tilespmem:s5+$0x27A0];
	[tilespmem:s5+$0x2730] =	vst v3;
	v3 =	vmul.f32 v53, v50  }
0xb2: {  	v1 =	vbroadcast v1, $0xF;
	v59 =	vld [tilespmem:s5+$0x27B0];
	[tilespmem:s5+$0x2740] =	vst v2;
	v2 =	vmul.f32 v54, v50  }
0xb3: {  	v60 =	vld [tilespmem:s5+$0x27C0];
	[tilespmem:s5+$0x2750] =	vst v3;
	v3 =	vmul.f32 v55, v50  }
0xb4: {  	v61 =	vld [tilespmem:s5+$0x27D0];
	[tilespmem:s5+$0x2760] =	vst v2;
	v2 =	vmul.f32 v56, v1  }
0xb5: {  	v62 =	vld [tilespmem:s5+$0x27E0];
	[tilespmem:s5+$0x2770] =	vst v3;
	v3 =	vmul.f32 v57, v1  }
0xb6: {  	v63 =	vld [tilespmem:s5+$0x27F0];
	[tilespmem:s5+$0x2780] =	vst v2;
	v2 =	vmul.f32 v58, v1  }
0xb7: {  	[tilespmem:s5+$0x2790] =	vst v3;
	v3 =	vmul.f32 v59, v1  }
0xb8: {  	p0 =	sne.s32 s31, $0x4;
	[tilespmem:s5+$0x27A0] =	vst v2;
	v2 =	vmul.f32 v60, v1  }
.Ltmp0:
0xb9: {  	[tilespmem:s5+$0x27B0] =	vst v3;
	v3 =	vmul.f32 v61, v1;
	(pc) =	sbr.rel @p0 .LBB2_4-.Ltmp0, $4  }
0xba: {  	[tilespmem:s5+$0x27C0] =	vst v2;
	v2 =	vmul.f32 v62, v1  }
0xbb: {  	[tilespmem:s5+$0x27D0] =	vst v3;
	v1 =	vmul.f32 v63, v1  }
0xbc: {  	[tilespmem:s5+$0x27E0] =	vst v2  }
0xbd: {  	s31 =	sadd.s32 $0x1, s31;
	[tilespmem:s5+$0x27F0] =	vst v1  }
0xbe: {  	s5 =	sshll.u32 s26, $0x8  }
0xbf: {  	s5 =	sand.u32 $0x3FFFFF00, s5  }
0xc0: {  	s5 =	sadd.s32 $0x800, s5  }
0xc1: {  	[spmem:s6] =	stream.indirect.scatter.add.f32 [tilespmem:s20], [sflag:$0x4], $0x80, s5, s19, $0xb8;
	[tilespmem:$0x1A880] =	vst v63  }
0xc2: {  	_ =	swait.ge [sflag:s15], $0x2800  }
0xc3: {  	[sflag:s15] =	ssyncset.done $0x0  }
0xc4: {  	s30 =	sadd.s32 $0xA0, s30;
	s31 =	sadd.s32 $0x1800, s29;
	[sflag:s15] =	ssyncadd.s32 $0xFFFFD800  }
0xc5: {  	[tilespmem:s20], [sflag:$0x2] =	stream.indirect.gather [hbm4b:s4+s19], $0x80, s30, s19, $0xb8;
	[tilespmem:$0x1A880] =	vst v63  }
0xc6: {  	v0 =	vmov s31;
	_ =	swait.ge [sflag:s23], $0x2800  }
0xc7: {  	[sflag:s23] =	ssyncset.done $0x0  }
0xc8: {  	s29 =	simm.s32 $0x0;
	[sflag:s23] =	ssyncadd.s32 $0xFFFFD800  }
.LBB2_6:
0xc9: {  	s5 =	sshll.u32 s29, $0x4  }
0xca: {  	s5 =	sand.u32 $0x3FFFFFF0, s5  }
0xcb: {  	s31 =	sshll.u32 s29, $0xB;
	v1 =	vld.idx.msk [tilespmem:v0+s5+$0x0 ss:$0x1], $0xffff  }
0xcc: {  	s5 =	sand.u32 $0x3FFFF800, s31  }
0xcd: {  	v2 =	vld [tilespmem:s5+$0x4800]  }
0xce: {  	v3 =	vld [tilespmem:s5+$0x4810]  }
0xcf: {  	v4 =	vld [tilespmem:s5+$0x4820]  }
0xd0: {  	v6 =	vld [tilespmem:s5+$0x4830];
	v5 =	vbroadcast v1, $0x0  }
0xd1: {  	v7 =	vld [tilespmem:s5+$0x4840]  }
0xd2: {  	v8 =	vld [tilespmem:s5+$0x4850];
	v2 =	vmul.f32 v5, v2  }
0xd3: {  	v9 =	vld [tilespmem:s5+$0x4860];
	v3 =	vmul.f32 v3, v5  }
0xd4: {  	v34 =	vld [tilespmem:s5+$0x4870];
	[tilespmem:s5+$0x4800] =	vst v2;
	v2 =	vmul.f32 v4, v5  }
0xd5: {  	v35 =	vld [tilespmem:s5+$0x4880];
	[tilespmem:s5+$0x4810] =	vst v3;
	v3 =	vmul.f32 v6, v5  }
0xd6: {  	v36 =	vld [tilespmem:s5+$0x4890];
	[tilespmem:s5+$0x4820] =	vst v2;
	v2 =	vmul.f32 v7, v5  }
0xd7: {  	v37 =	vld [tilespmem:s5+$0x48A0];
	[tilespmem:s5+$0x4830] =	vst v3;
	v3 =	vmul.f32 v8, v5  }
0xd8: {  	v10 =	vld [tilespmem:s5+$0x48B0];
	v38 =	vbroadcast v1, $0x1;
	[tilespmem:s5+$0x4840] =	vst v2;
	v2 =	vmul.f32 v9, v5  }
0xd9: {  	v39 =	vld [tilespmem:s5+$0x48C0];
	[tilespmem:s5+$0x4850] =	vst v3;
	v3 =	vmul.f32 v34, v5  }
0xda: {  	v40 =	vld [tilespmem:s5+$0x48D0];
	[tilespmem:s5+$0x4860] =	vst v2;
	v2 =	vmul.f32 v35, v38  }
0xdb: {  	v41 =	vld [tilespmem:s5+$0x48E0];
	[tilespmem:s5+$0x4870] =	vst v3;
	v3 =	vmul.f32 v36, v38  }
0xdc: {  	v42 =	vld [tilespmem:s5+$0x48F0];
	[tilespmem:s5+$0x4880] =	vst v2;
	v2 =	vmul.f32 v37, v38  }
0xdd: {  	v43 =	vld [tilespmem:s5+$0x4900];
	[tilespmem:s5+$0x4890] =	vst v3;
	v3 =	vmul.f32 v10, v38  }
0xde: {  	v44 =	vld [tilespmem:s5+$0x4910];
	[tilespmem:s5+$0x48A0] =	vst v2;
	v2 =	vmul.f32 v39, v38  }
0xdf: {  	v45 =	vld [tilespmem:s5+$0x4920];
	[tilespmem:s5+$0x48B0] =	vst v3;
	v3 =	vmul.f32 v40, v38  }
0xe0: {  	v47 =	vld [tilespmem:s5+$0x4930];
	v46 =	vbroadcast v1, $0x2;
	[tilespmem:s5+$0x48C0] =	vst v2;
	v2 =	vmul.f32 v41, v38  }
0xe1: {  	v48 =	vld [tilespmem:s5+$0x4940];
	[tilespmem:s5+$0x48D0] =	vst v3;
	v3 =	vmul.f32 v42, v38  }
0xe2: {  	v49 =	vld [tilespmem:s5+$0x4950];
	[tilespmem:s5+$0x48E0] =	vst v2;
	v2 =	vmul.f32 v43, v46  }
0xe3: {  	v50 =	vld [tilespmem:s5+$0x4960];
	[tilespmem:s5+$0x48F0] =	vst v3;
	v3 =	vmul.f32 v44, v46  }
0xe4: {  	v51 =	vld [tilespmem:s5+$0x4970];
	[tilespmem:s5+$0x4900] =	vst v2;
	v2 =	vmul.f32 v45, v46  }
0xe5: {  	v52 =	vld [tilespmem:s5+$0x4980];
	[tilespmem:s5+$0x4910] =	vst v3;
	v3 =	vmul.f32 v47, v46  }
0xe6: {  	v53 =	vld [tilespmem:s5+$0x4990];
	[tilespmem:s5+$0x4920] =	vst v2;
	v2 =	vmul.f32 v48, v46  }
0xe7: {  	v54 =	vld [tilespmem:s5+$0x49A0];
	[tilespmem:s5+$0x4930] =	vst v3;
	v3 =	vmul.f32 v49, v46  }
0xe8: {  	v56 =	vld [tilespmem:s5+$0x49B0];
	v55 =	vbroadcast v1, $0x3;
	[tilespmem:s5+$0x4940] =	vst v2;
	v2 =	vmul.f32 v50, v46  }
0xe9: {  	v57 =	vld [tilespmem:s5+$0x49C0];
	[tilespmem:s5+$0x4950] =	vst v3;
	v3 =	vmul.f32 v51, v46  }
0xea: {  	v58 =	vld [tilespmem:s5+$0x49D0];
	[tilespmem:s5+$0x4960] =	vst v2;
	v2 =	vmul.f32 v52, v55  }
0xeb: {  	v59 =	vld [tilespmem:s5+$0x49E0];
	[tilespmem:s5+$0x4970] =	vst v3;
	v3 =	vmul.f32 v53, v55  }
0xec: {  	v60 =	vld [tilespmem:s5+$0x49F0];
	[tilespmem:s5+$0x4980] =	vst v2;
	v2 =	vmul.f32 v54, v55  }
0xed: {  	v61 =	vld [tilespmem:s5+$0x4A00];
	[tilespmem:s5+$0x4990] =	vst v3;
	v3 =	vmul.f32 v56, v55  }
0xee: {  	v62 =	vld [tilespmem:s5+$0x4A10];
	[tilespmem:s5+$0x49A0] =	vst v2;
	v2 =	vmul.f32 v57, v55  }
0xef: {  	v63 =	vld [tilespmem:s5+$0x4A20];
	[tilespmem:s5+$0x49B0] =	vst v3;
	v3 =	vmul.f32 v58, v55  }
0xf0: {  	v13 =	vld [tilespmem:s5+$0x4A30];
	v12 =	vbroadcast v1, $0x4;
	[tilespmem:s5+$0x49C0] =	vst v2;
	v2 =	vmul.f32 v59, v55  }
0xf1: {  	v14 =	vld [tilespmem:s5+$0x4A40];
	[tilespmem:s5+$0x49D0] =	vst v3;
	v3 =	vmul.f32 v60, v55  }
0xf2: {  	v15 =	vld [tilespmem:s5+$0x4A50];
	[tilespmem:s5+$0x49E0] =	vst v2;
	v2 =	vmul.f32 v61, v12  }
0xf3: {  	v16 =	vld [tilespmem:s5+$0x4A60];
	[tilespmem:s5+$0x49F0] =	vst v3;
	v3 =	vmul.f32 v62, v12  }
0xf4: {  	v17 =	vld [tilespmem:s5+$0x4A70];
	[tilespmem:s5+$0x4A00] =	vst v2;
	v2 =	vmul.f32 v63, v12  }
0xf5: {  	v18 =	vld [tilespmem:s5+$0x4A80];
	[tilespmem:s5+$0x4A10] =	vst v3;
	v3 =	vmul.f32 v13, v12  }
0xf6: {  	v19 =	vld [tilespmem:s5+$0x4A90];
	[tilespmem:s5+$0x4A20] =	vst v2;
	v2 =	vmul.f32 v14, v12  }
0xf7: {  	v20 =	vld [tilespmem:s5+$0x4AA0];
	[tilespmem:s5+$0x4A30] =	vst v3;
	v3 =	vmul.f32 v15, v12  }
0xf8: {  	v22 =	vld [tilespmem:s5+$0x4AB0];
	v21 =	vbroadcast v1, $0x5;
	[tilespmem:s5+$0x4A40] =	vst v2;
	v2 =	vmul.f32 v16, v12  }
0xf9: {  	v23 =	vld [tilespmem:s5+$0x4AC0];
	[tilespmem:s5+$0x4A50] =	vst v3;
	v3 =	vmul.f32 v17, v12  }
0xfa: {  	v24 =	vld [tilespmem:s5+$0x4AD0];
	[tilespmem:s5+$0x4A60] =	vst v2;
	v2 =	vmul.f32 v18, v21  }
0xfb: {  	v25 =	vld [tilespmem:s5+$0x4AE0];
	[tilespmem:s5+$0x4A70] =	vst v3;
	v3 =	vmul.f32 v19, v21  }
0xfc: {  	v26 =	vld [tilespmem:s5+$0x4AF0];
	[tilespmem:s5+$0x4A80] =	vst v2;
	v2 =	vmul.f32 v20, v21  }
0xfd: {  	v27 =	vld [tilespmem:s5+$0x4B00];
	[tilespmem:s5+$0x4A90] =	vst v3;
	v3 =	vmul.f32 v22, v21  }
0xfe: {  	v28 =	vld [tilespmem:s5+$0x4B10];
	[tilespmem:s5+$0x4AA0] =	vst v2;
	v2 =	vmul.f32 v23, v21  }
0xff: {  	v29 =	vld [tilespmem:s5+$0x4B20];
	[tilespmem:s5+$0x4AB0] =	vst v3;
	v3 =	vmul.f32 v24, v21  }
0x100: {  	v31 =	vld [tilespmem:s5+$0x4B30];
	v30 =	vbroadcast v1, $0x6;
	[tilespmem:s5+$0x4AC0] =	vst v2;
	v2 =	vmul.f32 v25, v21  }
0x101: {  	v32 =	vld [tilespmem:s5+$0x4B40];
	[tilespmem:s5+$0x4AD0] =	vst v3;
	v3 =	vmul.f32 v26, v21  }
0x102: {  	v33 =	vld [tilespmem:s5+$0x4B50];
	[tilespmem:s5+$0x4AE0] =	vst v2;
	v2 =	vmul.f32 v27, v30  }
0x103: {  	v34 =	vld [tilespmem:s5+$0x4B60];
	[tilespmem:s5+$0x4AF0] =	vst v3;
	v3 =	vmul.f32 v28, v30  }
0x104: {  	v35 =	vld [tilespmem:s5+$0x4B70];
	[tilespmem:s5+$0x4B00] =	vst v2;
	v2 =	vmul.f32 v29, v30  }
0x105: {  	v36 =	vld [tilespmem:s5+$0x4B80];
	[tilespmem:s5+$0x4B10] =	vst v3;
	v3 =	vmul.f32 v31, v30  }
0x106: {  	v37 =	vld [tilespmem:s5+$0x4B90];
	[tilespmem:s5+$0x4B20] =	vst v2;
	v2 =	vmul.f32 v32, v30  }
0x107: {  	v38 =	vld [tilespmem:s5+$0x4BA0];
	[tilespmem:s5+$0x4B30] =	vst v3;
	v3 =	vmul.f32 v33, v30  }
0x108: {  	v39 =	vbroadcast v1, $0x7;
	v40 =	vld [tilespmem:s5+$0x4BB0];
	[tilespmem:s5+$0x4B40] =	vst v2;
	v2 =	vmul.f32 v34, v30  }
0x109: {  	v41 =	vld [tilespmem:s5+$0x4BC0];
	[tilespmem:s5+$0x4B50] =	vst v3;
	v3 =	vmul.f32 v35, v30  }
0x10a: {  	v42 =	vld [tilespmem:s5+$0x4BD0];
	[tilespmem:s5+$0x4B60] =	vst v2;
	v2 =	vmul.f32 v36, v39  }
0x10b: {  	v43 =	vld [tilespmem:s5+$0x4BE0];
	[tilespmem:s5+$0x4B70] =	vst v3;
	v3 =	vmul.f32 v37, v39  }
0x10c: {  	v44 =	vld [tilespmem:s5+$0x4BF0];
	[tilespmem:s5+$0x4B80] =	vst v2;
	v2 =	vmul.f32 v38, v39  }
0x10d: {  	v45 =	vld [tilespmem:s5+$0x4C00];
	[tilespmem:s5+$0x4B90] =	vst v3;
	v3 =	vmul.f32 v40, v39  }
0x10e: {  	v46 =	vld [tilespmem:s5+$0x4C10];
	[tilespmem:s5+$0x4BA0] =	vst v2;
	v2 =	vmul.f32 v41, v39  }
0x10f: {  	v47 =	vld [tilespmem:s5+$0x4C20];
	[tilespmem:s5+$0x4BB0] =	vst v3;
	v3 =	vmul.f32 v42, v39  }
0x110: {  	v48 =	vbroadcast v1, $0x8;
	v49 =	vld [tilespmem:s5+$0x4C30];
	[tilespmem:s5+$0x4BC0] =	vst v2;
	v2 =	vmul.f32 v43, v39  }
0x111: {  	v50 =	vld [tilespmem:s5+$0x4C40];
	[tilespmem:s5+$0x4BD0] =	vst v3;
	v3 =	vmul.f32 v44, v39  }
0x112: {  	v51 =	vld [tilespmem:s5+$0x4C50];
	[tilespmem:s5+$0x4BE0] =	vst v2;
	v2 =	vmul.f32 v45, v48  }
0x113: {  	v52 =	vld [tilespmem:s5+$0x4C60];
	[tilespmem:s5+$0x4BF0] =	vst v3;
	v3 =	vmul.f32 v46, v48  }
0x114: {  	v53 =	vld [tilespmem:s5+$0x4C70];
	[tilespmem:s5+$0x4C00] =	vst v2;
	v2 =	vmul.f32 v47, v48  }
0x115: {  	v54 =	vld [tilespmem:s5+$0x4C80];
	[tilespmem:s5+$0x4C10] =	vst v3;
	v3 =	vmul.f32 v49, v48  }
0x116: {  	v55 =	vld [tilespmem:s5+$0x4C90];
	[tilespmem:s5+$0x4C20] =	vst v2;
	v2 =	vmul.f32 v50, v48  }
0x117: {  	v56 =	vld [tilespmem:s5+$0x4CA0];
	[tilespmem:s5+$0x4C30] =	vst v3;
	v3 =	vmul.f32 v51, v48  }
0x118: {  	v57 =	vbroadcast v1, $0x9;
	v58 =	vld [tilespmem:s5+$0x4CB0];
	[tilespmem:s5+$0x4C40] =	vst v2;
	v2 =	vmul.f32 v52, v48  }
0x119: {  	v59 =	vld [tilespmem:s5+$0x4CC0];
	[tilespmem:s5+$0x4C50] =	vst v3;
	v3 =	vmul.f32 v53, v48  }
0x11a: {  	v60 =	vld [tilespmem:s5+$0x4CD0];
	[tilespmem:s5+$0x4C60] =	vst v2;
	v2 =	vmul.f32 v54, v57  }
0x11b: {  	v61 =	vld [tilespmem:s5+$0x4CE0];
	[tilespmem:s5+$0x4C70] =	vst v3;
	v3 =	vmul.f32 v55, v57  }
0x11c: {  	v62 =	vld [tilespmem:s5+$0x4CF0];
	[tilespmem:s5+$0x4C80] =	vst v2;
	v2 =	vmul.f32 v56, v57  }
0x11d: {  	v63 =	vld [tilespmem:s5+$0x4D00];
	[tilespmem:s5+$0x4C90] =	vst v3;
	v3 =	vmul.f32 v58, v57  }
0x11e: {  	v12 =	vld [tilespmem:s5+$0x4D10];
	[tilespmem:s5+$0x4CA0] =	vst v2;
	v2 =	vmul.f32 v59, v57  }
0x11f: {  	v13 =	vld [tilespmem:s5+$0x4D20];
	[tilespmem:s5+$0x4CB0] =	vst v3;
	v3 =	vmul.f32 v60, v57  }
0x120: {  	v14 =	vbroadcast v1, $0xA;
	v15 =	vld [tilespmem:s5+$0x4D30];
	[tilespmem:s5+$0x4CC0] =	vst v2;
	v2 =	vmul.f32 v61, v57  }
0x121: {  	v16 =	vld [tilespmem:s5+$0x4D40];
	[tilespmem:s5+$0x4CD0] =	vst v3;
	v3 =	vmul.f32 v62, v57  }
0x122: {  	v17 =	vld [tilespmem:s5+$0x4D50];
	[tilespmem:s5+$0x4CE0] =	vst v2;
	v2 =	vmul.f32 v63, v14  }
0x123: {  	v18 =	vld [tilespmem:s5+$0x4D60];
	[tilespmem:s5+$0x4CF0] =	vst v3;
	v3 =	vmul.f32 v12, v14  }
0x124: {  	v19 =	vld [tilespmem:s5+$0x4D70];
	[tilespmem:s5+$0x4D00] =	vst v2;
	v2 =	vmul.f32 v13, v14  }
0x125: {  	v20 =	vld [tilespmem:s5+$0x4D80];
	[tilespmem:s5+$0x4D10] =	vst v3;
	v3 =	vmul.f32 v15, v14  }
0x126: {  	v21 =	vld [tilespmem:s5+$0x4D90];
	[tilespmem:s5+$0x4D20] =	vst v2;
	v2 =	vmul.f32 v16, v14  }
0x127: {  	v22 =	vld [tilespmem:s5+$0x4DA0];
	[tilespmem:s5+$0x4D30] =	vst v3;
	v3 =	vmul.f32 v17, v14  }
0x128: {  	v23 =	vbroadcast v1, $0xB;
	v24 =	vld [tilespmem:s5+$0x4DB0];
	[tilespmem:s5+$0x4D40] =	vst v2;
	v2 =	vmul.f32 v18, v14  }
0x129: {  	v25 =	vld [tilespmem:s5+$0x4DC0];
	[tilespmem:s5+$0x4D50] =	vst v3;
	v3 =	vmul.f32 v19, v14  }
0x12a: {  	v26 =	vld [tilespmem:s5+$0x4DD0];
	[tilespmem:s5+$0x4D60] =	vst v2;
	v2 =	vmul.f32 v20, v23  }
0x12b: {  	v27 =	vld [tilespmem:s5+$0x4DE0];
	[tilespmem:s5+$0x4D70] =	vst v3;
	v3 =	vmul.f32 v21, v23  }
0x12c: {  	v28 =	vld [tilespmem:s5+$0x4DF0];
	[tilespmem:s5+$0x4D80] =	vst v2;
	v2 =	vmul.f32 v22, v23  }
0x12d: {  	v29 =	vld [tilespmem:s5+$0x4E00];
	[tilespmem:s5+$0x4D90] =	vst v3;
	v3 =	vmul.f32 v24, v23  }
0x12e: {  	v30 =	vld [tilespmem:s5+$0x4E10];
	[tilespmem:s5+$0x4DA0] =	vst v2;
	v2 =	vmul.f32 v25, v23  }
0x12f: {  	v31 =	vld [tilespmem:s5+$0x4E20];
	[tilespmem:s5+$0x4DB0] =	vst v3;
	v3 =	vmul.f32 v26, v23  }
0x130: {  	v32 =	vbroadcast v1, $0xC;
	v33 =	vld [tilespmem:s5+$0x4E30];
	[tilespmem:s5+$0x4DC0] =	vst v2;
	v2 =	vmul.f32 v27, v23  }
0x131: {  	v34 =	vld [tilespmem:s5+$0x4E40];
	[tilespmem:s5+$0x4DD0] =	vst v3;
	v3 =	vmul.f32 v28, v23  }
0x132: {  	v35 =	vld [tilespmem:s5+$0x4E50];
	[tilespmem:s5+$0x4DE0] =	vst v2;
	v2 =	vmul.f32 v29, v32  }
0x133: {  	v36 =	vld [tilespmem:s5+$0x4E60];
	[tilespmem:s5+$0x4DF0] =	vst v3;
	v3 =	vmul.f32 v30, v32  }
0x134: {  	v37 =	vld [tilespmem:s5+$0x4E70];
	[tilespmem:s5+$0x4E00] =	vst v2;
	v2 =	vmul.f32 v31, v32  }
0x135: {  	v38 =	vld [tilespmem:s5+$0x4E80];
	[tilespmem:s5+$0x4E10] =	vst v3;
	v3 =	vmul.f32 v33, v32  }
0x136: {  	v39 =	vld [tilespmem:s5+$0x4E90];
	[tilespmem:s5+$0x4E20] =	vst v2;
	v2 =	vmul.f32 v34, v32  }
0x137: {  	v40 =	vld [tilespmem:s5+$0x4EA0];
	[tilespmem:s5+$0x4E30] =	vst v3;
	v3 =	vmul.f32 v35, v32  }
0x138: {  	v41 =	vbroadcast v1, $0xD;
	v42 =	vld [tilespmem:s5+$0x4EB0];
	[tilespmem:s5+$0x4E40] =	vst v2;
	v2 =	vmul.f32 v36, v32  }
0x139: {  	v43 =	vld [tilespmem:s5+$0x4EC0];
	[tilespmem:s5+$0x4E50] =	vst v3;
	v3 =	vmul.f32 v37, v32  }
0x13a: {  	v44 =	vld [tilespmem:s5+$0x4ED0];
	[tilespmem:s5+$0x4E60] =	vst v2;
	v2 =	vmul.f32 v38, v41  }
0x13b: {  	v45 =	vld [tilespmem:s5+$0x4EE0];
	[tilespmem:s5+$0x4E70] =	vst v3;
	v3 =	vmul.f32 v39, v41  }
0x13c: {  	v46 =	vld [tilespmem:s5+$0x4EF0];
	[tilespmem:s5+$0x4E80] =	vst v2;
	v2 =	vmul.f32 v40, v41  }
0x13d: {  	v47 =	vld [tilespmem:s5+$0x4F00];
	[tilespmem:s5+$0x4E90] =	vst v3;
	v3 =	vmul.f32 v42, v41  }
0x13e: {  	v48 =	vld [tilespmem:s5+$0x4F10];
	[tilespmem:s5+$0x4EA0] =	vst v2;
	v2 =	vmul.f32 v43, v41  }
0x13f: {  	v49 =	vld [tilespmem:s5+$0x4F20];
	[tilespmem:s5+$0x4EB0] =	vst v3;
	v3 =	vmul.f32 v44, v41  }
0x140: {  	v50 =	vbroadcast v1, $0xE;
	v51 =	vld [tilespmem:s5+$0x4F30];
	[tilespmem:s5+$0x4EC0] =	vst v2;
	v2 =	vmul.f32 v45, v41  }
0x141: {  	v52 =	vld [tilespmem:s5+$0x4F40];
	[tilespmem:s5+$0x4ED0] =	vst v3;
	v3 =	vmul.f32 v46, v41  }
0x142: {  	v53 =	vld [tilespmem:s5+$0x4F50];
	[tilespmem:s5+$0x4EE0] =	vst v2;
	v2 =	vmul.f32 v47, v50  }
0x143: {  	v54 =	vld [tilespmem:s5+$0x4F60];
	[tilespmem:s5+$0x4EF0] =	vst v3;
	v3 =	vmul.f32 v48, v50  }
0x144: {  	v55 =	vld [tilespmem:s5+$0x4F70];
	[tilespmem:s5+$0x4F00] =	vst v2;
	v2 =	vmul.f32 v49, v50  }
0x145: {  	v56 =	vld [tilespmem:s5+$0x4F80];
	[tilespmem:s5+$0x4F10] =	vst v3;
	v3 =	vmul.f32 v51, v50  }
0x146: {  	v57 =	vld [tilespmem:s5+$0x4F90];
	[tilespmem:s5+$0x4F20] =	vst v2;
	v2 =	vmul.f32 v52, v50  }
0x147: {  	v58 =	vld [tilespmem:s5+$0x4FA0];
	[tilespmem:s5+$0x4F30] =	vst v3;
	v3 =	vmul.f32 v53, v50  }
0x148: {  	v1 =	vbroadcast v1, $0xF;
	v59 =	vld [tilespmem:s5+$0x4FB0];
	[tilespmem:s5+$0x4F40] =	vst v2;
	v2 =	vmul.f32 v54, v50  }
0x149: {  	v60 =	vld [tilespmem:s5+$0x4FC0];
	[tilespmem:s5+$0x4F50] =	vst v3;
	v3 =	vmul.f32 v55, v50  }
0x14a: {  	v61 =	vld [tilespmem:s5+$0x4FD0];
	[tilespmem:s5+$0x4F60] =	vst v2;
	v2 =	vmul.f32 v56, v1  }
0x14b: {  	v62 =	vld [tilespmem:s5+$0x4FE0];
	[tilespmem:s5+$0x4F70] =	vst v3;
	v3 =	vmul.f32 v57, v1  }
0x14c: {  	v63 =	vld [tilespmem:s5+$0x4FF0];
	[tilespmem:s5+$0x4F80] =	vst v2;
	v2 =	vmul.f32 v58, v1  }
0x14d: {  	[tilespmem:s5+$0x4F90] =	vst v3;
	v3 =	vmul.f32 v59, v1  }
0x14e: {  	p0 =	sne.s32 s29, $0x4;
	[tilespmem:s5+$0x4FA0] =	vst v2;
	v2 =	vmul.f32 v60, v1  }
.Ltmp1:
0x14f: {  	[tilespmem:s5+$0x4FB0] =	vst v3;
	v3 =	vmul.f32 v61, v1;
	(pc) =	sbr.rel @p0 .LBB2_6-.Ltmp1, $4  }
0x150: {  	[tilespmem:s5+$0x4FC0] =	vst v2;
	v2 =	vmul.f32 v62, v1  }
0x151: {  	[tilespmem:s5+$0x4FD0] =	vst v3;
	v1 =	vmul.f32 v63, v1  }
0x152: {  	[tilespmem:s5+$0x4FE0] =	vst v2  }
0x153: {  	s29 =	sadd.s32 $0x1, s29;
	[tilespmem:s5+$0x4FF0] =	vst v1  }
0x154: {  	s5 =	sshll.u32 s28, $0x7;
	s26 =	sadd.s32 $0x1, s26  }
0x155: {  	s5 =	sand.u32 $0x3FFFFF80, s5;
	p0 =	sne.s32 s26, $0xC  }
.Ltmp2:
0x156: {  	s5 =	sadd.s32 $0x800, s5;
	(pc) =	sbr.rel @p0 .LBB2_3-.Ltmp2, $4  }
0x157: {  	[spmem:s6] =	stream.indirect.scatter.add.f32 [tilespmem:s21], [sflag:$0x4], $0x80, s5, s19, $0xb8;
	[tilespmem:$0x1A880] =	vst v63  }
0x158: {  	_ =	swait.ge [sflag:s15], $0x2800  }
0x159: {  	[sflag:s15] =	ssyncset.done $0x0  }
0x15a: {  	[sflag:s15] =	ssyncadd.s32 $0xFFFFD800  }
0x15b: {  	_ =	swait.ge [sflag:s22], $0x2800  }
0x15c: {  	[sflag:s22] =	ssyncset.done $0x0  }
0x15d: {  	s26 =	simm.s32 $0x0;
	[sflag:s22] =	ssyncadd.s32 $0xFFFFD800  }
.LBB2_9:
0x15e: {  	s5 =	sshll.u32 s26, $0x4  }
0x15f: {  	s5 =	sand.u32 $0x3FFFFFF0, s5  }
0x160: {  	s31 =	sshll.u32 s26, $0xB;
	v0 =	vld [tilespmem:s5+$0x1F80]  }
0x161: {  	s5 =	sand.u32 $0x3FFFF800, s31  }
0x162: {  	v1 =	vld [tilespmem:s5+$0x2000]  }
0x163: {  	v2 =	vld [tilespmem:s5+$0x2010]  }
0x164: {  	v3 =	vld [tilespmem:s5+$0x2020]  }
0x165: {  	v5 =	vld [tilespmem:s5+$0x2030];
	v4 =	vbroadcast v0, $0x0  }
0x166: {  	v6 =	vld [tilespmem:s5+$0x2040]  }
0x167: {  	v7 =	vld [tilespmem:s5+$0x2050];
	v1 =	vmul.f32 v4, v1  }
0x168: {  	v8 =	vld [tilespmem:s5+$0x2060];
	v2 =	vmul.f32 v2, v4  }
0x169: {  	v14 =	vld [tilespmem:s5+$0x2070];
	v13 =	vmul.f32 v3, v4;
	[tilespmem:s5+$0x2000] =	vst v1  }
0x16a: {  	v16 =	vld [tilespmem:s5+$0x2080];
	v15 =	vmul.f32 v5, v4;
	[tilespmem:s5+$0x2010] =	vst v2  }
0x16b: {  	v18 =	vld [tilespmem:s5+$0x2090];
	v17 =	vmul.f32 v6, v4;
	[tilespmem:s5+$0x2020] =	vst v13  }
0x16c: {  	v20 =	vld [tilespmem:s5+$0x20A0];
	v19 =	vmul.f32 v7, v4;
	[tilespmem:s5+$0x2030] =	vst v15  }
0x16d: {  	v9 =	vld [tilespmem:s5+$0x20B0];
	v22 =	vbroadcast v0, $0x1;
	v21 =	vmul.f32 v8, v4;
	[tilespmem:s5+$0x2040] =	vst v17  }
0x16e: {  	v24 =	vld [tilespmem:s5+$0x20C0];
	v23 =	vmul.f32 v14, v4;
	[tilespmem:s5+$0x2050] =	vst v19  }
0x16f: {  	v26 =	vld [tilespmem:s5+$0x20D0];
	v25 =	vmul.f32 v16, v22;
	[tilespmem:s5+$0x2060] =	vst v21  }
0x170: {  	v28 =	vld [tilespmem:s5+$0x20E0];
	v27 =	vmul.f32 v18, v22;
	[tilespmem:s5+$0x2070] =	vst v23  }
0x171: {  	v30 =	vld [tilespmem:s5+$0x20F0];
	v29 =	vmul.f32 v20, v22;
	[tilespmem:s5+$0x2080] =	vst v25  }
0x172: {  	v32 =	vld [tilespmem:s5+$0x2100];
	v31 =	vmul.f32 v9, v22;
	[tilespmem:s5+$0x2090] =	vst v27  }
0x173: {  	v34 =	vld [tilespmem:s5+$0x2110];
	v33 =	vmul.f32 v24, v22;
	[tilespmem:s5+$0x20A0] =	vst v29  }
0x174: {  	v36 =	vld [tilespmem:s5+$0x2120];
	v35 =	vmul.f32 v26, v22;
	[tilespmem:s5+$0x20B0] =	vst v31  }
0x175: {  	v39 =	vld [tilespmem:s5+$0x2130];
	v38 =	vbroadcast v0, $0x2;
	v37 =	vmul.f32 v28, v22;
	[tilespmem:s5+$0x20C0] =	vst v33  }
0x176: {  	v41 =	vld [tilespmem:s5+$0x2140];
	v40 =	vmul.f32 v30, v22;
	[tilespmem:s5+$0x20D0] =	vst v35  }
0x177: {  	v43 =	vld [tilespmem:s5+$0x2150];
	v42 =	vmul.f32 v32, v38;
	[tilespmem:s5+$0x20E0] =	vst v37  }
0x178: {  	v45 =	vld [tilespmem:s5+$0x2160];
	v44 =	vmul.f32 v34, v38;
	[tilespmem:s5+$0x20F0] =	vst v40  }
0x179: {  	v47 =	vld [tilespmem:s5+$0x2170];
	v46 =	vmul.f32 v36, v38;
	[tilespmem:s5+$0x2100] =	vst v42  }
0x17a: {  	v49 =	vld [tilespmem:s5+$0x2180];
	v48 =	vmul.f32 v39, v38;
	[tilespmem:s5+$0x2110] =	vst v44  }
0x17b: {  	v51 =	vld [tilespmem:s5+$0x2190];
	v50 =	vmul.f32 v41, v38;
	[tilespmem:s5+$0x2120] =	vst v46  }
0x17c: {  	v53 =	vld [tilespmem:s5+$0x21A0];
	v52 =	vmul.f32 v43, v38;
	[tilespmem:s5+$0x2130] =	vst v48  }
0x17d: {  	v12 =	vld [tilespmem:s5+$0x21F0];
	v55 =	vbroadcast v0, $0x3;
	v54 =	vmul.f32 v45, v38;
	[tilespmem:s5+$0x2140] =	vst v50  }
0x17e: {  	v56 =	vld [tilespmem:s5+$0x21B0];
	v57 =	vmul.f32 v47, v38;
	[tilespmem:s5+$0x2150] =	vst v52  }
0x17f: {  	v58 =	vld [tilespmem:s5+$0x21C0];
	v59 =	vmul.f32 v49, v55;
	[tilespmem:s5+$0x2160] =	vst v54  }
0x180: {  	v60 =	vld [tilespmem:s5+$0x21D0];
	v61 =	vmul.f32 v51, v55;
	[tilespmem:s5+$0x2170] =	vst v57  }
0x181: {  	v62 =	vld [tilespmem:s5+$0x21E0];
	v63 =	vmul.f32 v53, v55;
	[tilespmem:s5+$0x2180] =	vst v59  }
0x182: {  	v14 =	vld [tilespmem:s5+$0x2200];
	v22 =	vmul.f32 v12, v55;
	[tilespmem:s5+$0x2190] =	vst v61  }
0x183: {  	v16 =	vld [tilespmem:s5+$0x2210];
	v13 =	vmul.f32 v56, v55;
	[tilespmem:s5+$0x21A0] =	vst v63  }
0x184: {  	v18 =	vld [tilespmem:s5+$0x2220];
	v15 =	vmul.f32 v58, v55;
	[tilespmem:s5+$0x21F0] =	vst v22  }
0x185: {  	v20 =	vbroadcast v0, $0x4;
	v38 =	vld [tilespmem:s5+$0x22B0];
	v17 =	vmul.f32 v60, v55;
	[tilespmem:s5+$0x21B0] =	vst v13  }
0x186: {  	v19 =	vmul.f32 v62, v55;
	v21 =	vld [tilespmem:s5+$0x2230];
	[tilespmem:s5+$0x21C0] =	vst v15  }
0x187: {  	v23 =	vld [tilespmem:s5+$0x2240];
	[tilespmem:s5+$0x21D0] =	vst v17;
	v24 =	vmul.f32 v14, v20  }
0x188: {  	v25 =	vld [tilespmem:s5+$0x2250];
	v37 =	vbroadcast v0, $0x5;
	[tilespmem:s5+$0x21E0] =	vst v19;
	v26 =	vmul.f32 v16, v20  }
0x189: {  	v27 =	vld [tilespmem:s5+$0x2260];
	v28 =	vmul.f32 v18, v20;
	[tilespmem:s5+$0x2200] =	vst v24  }
0x18a: {  	v29 =	vld [tilespmem:s5+$0x2270];
	v47 =	vmul.f32 v38, v37;
	[tilespmem:s5+$0x2210] =	vst v26  }
0x18b: {  	v31 =	vld [tilespmem:s5+$0x2280];
	v30 =	vmul.f32 v21, v20;
	[tilespmem:s5+$0x2220] =	vst v28  }
0x18c: {  	v33 =	vld [tilespmem:s5+$0x2290];
	v32 =	vmul.f32 v23, v20;
	[tilespmem:s5+$0x22B0] =	vst v47  }
0x18d: {  	v35 =	vld [tilespmem:s5+$0x22A0];
	v34 =	vmul.f32 v25, v20;
	[tilespmem:s5+$0x2230] =	vst v30  }
0x18e: {  	v40 =	vld [tilespmem:s5+$0x22C0];
	v36 =	vmul.f32 v27, v20;
	[tilespmem:s5+$0x2240] =	vst v32  }
0x18f: {  	v42 =	vld [tilespmem:s5+$0x22D0];
	v39 =	vmul.f32 v29, v20;
	[tilespmem:s5+$0x2250] =	vst v34  }
0x190: {  	v44 =	vld [tilespmem:s5+$0x22E0];
	v41 =	vmul.f32 v31, v37;
	[tilespmem:s5+$0x2260] =	vst v36  }
0x191: {  	v46 =	vld [tilespmem:s5+$0x22F0];
	v43 =	vmul.f32 v33, v37;
	[tilespmem:s5+$0x2270] =	vst v39  }
0x192: {  	v48 =	vld [tilespmem:s5+$0x2300];
	v45 =	vmul.f32 v35, v37;
	[tilespmem:s5+$0x2280] =	vst v41  }
0x193: {  	v50 =	vld [tilespmem:s5+$0x2310];
	v49 =	vmul.f32 v40, v37;
	[tilespmem:s5+$0x2290] =	vst v43  }
0x194: {  	v52 =	vld [tilespmem:s5+$0x2320];
	v51 =	vmul.f32 v42, v37;
	[tilespmem:s5+$0x22A0] =	vst v45  }
0x195: {  	v54 =	vbroadcast v0, $0x6;
	v55 =	vld [tilespmem:s5+$0x2330];
	v53 =	vmul.f32 v44, v37;
	[tilespmem:s5+$0x22C0] =	vst v49  }
0x196: {  	v57 =	vld [tilespmem:s5+$0x2340];
	v56 =	vmul.f32 v46, v37;
	[tilespmem:s5+$0x22D0] =	vst v51  }
0x197: {  	v59 =	vld [tilespmem:s5+$0x2350];
	v58 =	vmul.f32 v48, v54;
	[tilespmem:s5+$0x22E0] =	vst v53  }
0x198: {  	v61 =	vld [tilespmem:s5+$0x2360];
	v60 =	vmul.f32 v50, v54;
	[tilespmem:s5+$0x22F0] =	vst v56  }
0x199: {  	v63 =	vld [tilespmem:s5+$0x2370];
	v62 =	vmul.f32 v52, v54;
	[tilespmem:s5+$0x2300] =	vst v58  }
0x19a: {  	v22 =	vld [tilespmem:s5+$0x23C0];
	v12 =	vmul.f32 v55, v54;
	[tilespmem:s5+$0x2310] =	vst v60  }
0x19b: {  	v13 =	vld [tilespmem:s5+$0x2380];
	v14 =	vmul.f32 v57, v54;
	[tilespmem:s5+$0x2320] =	vst v62  }
0x19c: {  	v15 =	vld [tilespmem:s5+$0x2390];
	v16 =	vmul.f32 v59, v54;
	[tilespmem:s5+$0x2330] =	vst v12  }
0x19d: {  	v17 =	vld [tilespmem:s5+$0x23A0];
	v19 =	vbroadcast v0, $0x7;
	v18 =	vmul.f32 v61, v54;
	[tilespmem:s5+$0x2340] =	vst v14  }
0x19e: {  	v20 =	vld [tilespmem:s5+$0x23B0];
	v21 =	vmul.f32 v63, v54;
	[tilespmem:s5+$0x2350] =	vst v16  }
0x19f: {  	v24 =	vld [tilespmem:s5+$0x23D0];
	v31 =	vmul.f32 v22, v19;
	[tilespmem:s5+$0x2360] =	vst v18  }
0x1a0: {  	v26 =	vld [tilespmem:s5+$0x23E0];
	v23 =	vmul.f32 v13, v19;
	[tilespmem:s5+$0x2370] =	vst v21  }
0x1a1: {  	v28 =	vld [tilespmem:s5+$0x23F0];
	v25 =	vmul.f32 v15, v19;
	[tilespmem:s5+$0x23C0] =	vst v31  }
0x1a2: {  	v37 =	vld [tilespmem:s5+$0x2430];
	v27 =	vmul.f32 v17, v19;
	[tilespmem:s5+$0x2380] =	vst v23  }
0x1a3: {  	v47 =	vld [tilespmem:s5+$0x2480];
	[tilespmem:s5+$0x2390] =	vst v25;
	v29 =	vmul.f32 v20, v19  }
0x1a4: {  	v54 =	vld [tilespmem:s5+$0x24B0];
	[tilespmem:s5+$0x23A0] =	vst v27;
	v33 =	vmul.f32 v24, v19  }
0x1a5: {  	v30 =	vld [tilespmem:s5+$0x2400];
	v36 =	vbroadcast v0, $0x8;
	v35 =	vmul.f32 v26, v19;
	[tilespmem:s5+$0x23B0] =	vst v29  }
0x1a6: {  	v32 =	vld [tilespmem:s5+$0x2410];
	v53 =	vbroadcast v0, $0x9;
	v38 =	vmul.f32 v28, v19;
	[tilespmem:s5+$0x23D0] =	vst v33  }
0x1a7: {  	v34 =	vld [tilespmem:s5+$0x2420];
	v46 =	vmul.f32 v37, v36;
	[tilespmem:s5+$0x23E0] =	vst v35  }
0x1a8: {  	v39 =	vld [tilespmem:s5+$0x2440];
	v57 =	vmul.f32 v47, v53;
	[tilespmem:s5+$0x23F0] =	vst v38  }
0x1a9: {  	v41 =	vld [tilespmem:s5+$0x2450];
	v63 =	vmul.f32 v54, v53;
	[tilespmem:s5+$0x2430] =	vst v46  }
0x1aa: {  	v43 =	vld [tilespmem:s5+$0x2460];
	v40 =	vmul.f32 v30, v36;
	[tilespmem:s5+$0x2480] =	vst v57  }
0x1ab: {  	v45 =	vld [tilespmem:s5+$0x2470];
	v42 =	vmul.f32 v32, v36;
	[tilespmem:s5+$0x24B0] =	vst v63  }
0x1ac: {  	v49 =	vld [tilespmem:s5+$0x2490];
	v44 =	vmul.f32 v34, v36;
	[tilespmem:s5+$0x2400] =	vst v40  }
0x1ad: {  	v51 =	vld [tilespmem:s5+$0x24A0];
	v48 =	vmul.f32 v39, v36;
	[tilespmem:s5+$0x2410] =	vst v42  }
0x1ae: {  	v56 =	vld [tilespmem:s5+$0x24C0];
	v50 =	vmul.f32 v41, v36;
	[tilespmem:s5+$0x2420] =	vst v44  }
0x1af: {  	v58 =	vld [tilespmem:s5+$0x24D0];
	v52 =	vmul.f32 v43, v36;
	[tilespmem:s5+$0x2440] =	vst v48  }
0x1b0: {  	v60 =	vld [tilespmem:s5+$0x24E0];
	v55 =	vmul.f32 v45, v36;
	[tilespmem:s5+$0x2450] =	vst v50  }
0x1b1: {  	v62 =	vld [tilespmem:s5+$0x24F0];
	v59 =	vmul.f32 v49, v53;
	[tilespmem:s5+$0x2460] =	vst v52  }
0x1b2: {  	v12 =	vld [tilespmem:s5+$0x2500];
	v61 =	vmul.f32 v51, v53;
	[tilespmem:s5+$0x2470] =	vst v55  }
0x1b3: {  	v14 =	vld [tilespmem:s5+$0x2510];
	v13 =	vmul.f32 v56, v53;
	[tilespmem:s5+$0x2490] =	vst v59  }
0x1b4: {  	v16 =	vld [tilespmem:s5+$0x2520];
	v15 =	vmul.f32 v58, v53;
	[tilespmem:s5+$0x24A0] =	vst v61  }
0x1b5: {  	v18 =	vbroadcast v0, $0xA;
	v21 =	vld [tilespmem:s5+$0x2540];
	v17 =	vmul.f32 v60, v53;
	[tilespmem:s5+$0x24C0] =	vst v13  }
0x1b6: {  	v23 =	vld [tilespmem:s5+$0x2550];
	v20 =	vmul.f32 v62, v53;
	[tilespmem:s5+$0x24D0] =	vst v15  }
0x1b7: {  	v25 =	vld [tilespmem:s5+$0x2560];
	v22 =	vmul.f32 v12, v18;
	[tilespmem:s5+$0x24E0] =	vst v17  }
0x1b8: {  	v27 =	vld [tilespmem:s5+$0x2570];
	v24 =	vmul.f32 v14, v18;
	[tilespmem:s5+$0x24F0] =	vst v20  }
0x1b9: {  	v31 =	vld [tilespmem:s5+$0x2590];
	v26 =	vmul.f32 v16, v18;
	[tilespmem:s5+$0x2500] =	vst v22  }
0x1ba: {  	v19 =	vld [tilespmem:s5+$0x2530];
	v30 =	vmul.f32 v21, v18;
	[tilespmem:s5+$0x2510] =	vst v24  }
0x1bb: {  	v29 =	vld [tilespmem:s5+$0x2580];
	[tilespmem:s5+$0x2520] =	vst v26;
	v32 =	vmul.f32 v23, v18  }
0x1bc: {  	v33 =	vld [tilespmem:s5+$0x25A0];
	v35 =	vbroadcast v0, $0xB;
	[tilespmem:s5+$0x2540] =	vst v30;
	v34 =	vmul.f32 v25, v18  }
0x1bd: {  	v36 =	vld [tilespmem:s5+$0x25B0];
	v37 =	vmul.f32 v27, v18;
	[tilespmem:s5+$0x2550] =	vst v32  }
0x1be: {  	v38 =	vld [tilespmem:s5+$0x25C0];
	v41 =	vmul.f32 v31, v35;
	[tilespmem:s5+$0x2560] =	vst v34  }
0x1bf: {  	v46 =	vld [tilespmem:s5+$0x2600];
	v28 =	vmul.f32 v19, v18;
	[tilespmem:s5+$0x2570] =	vst v37  }
0x1c0: {  	v53 =	vld [tilespmem:s5+$0x2630];
	[tilespmem:s5+$0x2590] =	vst v41;
	v39 =	vmul.f32 v29, v35  }
0x1c1: {  	v57 =	vld [tilespmem:s5+$0x2650];
	[tilespmem:s5+$0x2530] =	vst v28;
	v43 =	vmul.f32 v33, v35  }
0x1c2: {  	v63 =	vld [tilespmem:s5+$0x2680];
	v52 =	vbroadcast v0, $0xC;
	v45 =	vmul.f32 v36, v35;
	[tilespmem:s5+$0x2580] =	vst v39  }
0x1c3: {  	v40 =	vld [tilespmem:s5+$0x25D0];
	v47 =	vmul.f32 v38, v35;
	[tilespmem:s5+$0x25A0] =	vst v43  }
0x1c4: {  	v42 =	vld [tilespmem:s5+$0x25E0];
	v56 =	vmul.f32 v46, v52;
	[tilespmem:s5+$0x25B0] =	vst v45  }
0x1c5: {  	v44 =	vld [tilespmem:s5+$0x25F0];
	v17 =	vbroadcast v0, $0xD;
	v62 =	vmul.f32 v53, v52;
	[tilespmem:s5+$0x25C0] =	vst v47  }
0x1c6: {  	v48 =	vld [tilespmem:s5+$0x2610];
	v14 =	vmul.f32 v57, v52;
	[tilespmem:s5+$0x2600] =	vst v56  }
0x1c7: {  	v50 =	vld [tilespmem:s5+$0x2620];
	v21 =	vmul.f32 v63, v17;
	[tilespmem:s5+$0x2630] =	vst v62  }
0x1c8: {  	v55 =	vld [tilespmem:s5+$0x2640];
	v49 =	vmul.f32 v40, v35;
	[tilespmem:s5+$0x2650] =	vst v14  }
0x1c9: {  	v59 =	vld [tilespmem:s5+$0x2660];
	v51 =	vmul.f32 v42, v35;
	[tilespmem:s5+$0x2680] =	vst v21  }
0x1ca: {  	v61 =	vld [tilespmem:s5+$0x2670];
	v54 =	vmul.f32 v44, v35;
	[tilespmem:s5+$0x25D0] =	vst v49  }
0x1cb: {  	v13 =	vld [tilespmem:s5+$0x2690];
	v58 =	vmul.f32 v48, v52;
	[tilespmem:s5+$0x25E0] =	vst v51  }
0x1cc: {  	v15 =	vld [tilespmem:s5+$0x26A0];
	v60 =	vmul.f32 v50, v52;
	[tilespmem:s5+$0x25F0] =	vst v54  }
0x1cd: {  	v20 =	vld [tilespmem:s5+$0x26C0];
	v12 =	vmul.f32 v55, v52;
	[tilespmem:s5+$0x2610] =	vst v58  }
0x1ce: {  	v22 =	vld [tilespmem:s5+$0x26D0];
	v16 =	vmul.f32 v59, v52;
	[tilespmem:s5+$0x2620] =	vst v60  }
0x1cf: {  	v24 =	vld [tilespmem:s5+$0x26E0];
	v19 =	vmul.f32 v61, v52;
	[tilespmem:s5+$0x2640] =	vst v12  }
0x1d0: {  	v26 =	vld [tilespmem:s5+$0x26F0];
	v23 =	vmul.f32 v13, v17;
	[tilespmem:s5+$0x2660] =	vst v16  }
0x1d1: {  	v30 =	vld [tilespmem:s5+$0x2710];
	v25 =	vmul.f32 v15, v17;
	[tilespmem:s5+$0x2670] =	vst v19  }
0x1d2: {  	v18 =	vld [tilespmem:s5+$0x26B0];
	v29 =	vmul.f32 v20, v17;
	[tilespmem:s5+$0x2690] =	vst v23  }
0x1d3: {  	v32 =	vld [tilespmem:s5+$0x2720];
	v31 =	vmul.f32 v22, v17;
	[tilespmem:s5+$0x26A0] =	vst v25  }
0x1d4: {  	v34 =	vbroadcast v0, $0xE;
	v37 =	vld [tilespmem:s5+$0x2740];
	v33 =	vmul.f32 v24, v17;
	[tilespmem:s5+$0x26C0] =	vst v29  }
0x1d5: {  	v41 =	vld [tilespmem:s5+$0x2760];
	v36 =	vmul.f32 v26, v17;
	[tilespmem:s5+$0x26D0] =	vst v31  }
0x1d6: {  	v28 =	vld [tilespmem:s5+$0x2700];
	v40 =	vmul.f32 v30, v34;
	[tilespmem:s5+$0x26E0] =	vst v33  }
0x1d7: {  	v53 =	vld [tilespmem:s5+$0x27C0];
	v27 =	vmul.f32 v18, v17;
	[tilespmem:s5+$0x26F0] =	vst v36  }
0x1d8: {  	v57 =	vld [tilespmem:s5+$0x27E0];
	v42 =	vmul.f32 v32, v34;
	[tilespmem:s5+$0x2710] =	vst v40  }
0x1d9: {  	v35 =	vld [tilespmem:s5+$0x2730];
	v46 =	vmul.f32 v37, v34;
	[tilespmem:s5+$0x26B0] =	vst v27  }
0x1da: {  	v0 =	vbroadcast v0, $0xF;
	v39 =	vld [tilespmem:s5+$0x2750];
	v50 =	vmul.f32 v41, v34;
	[tilespmem:s5+$0x2720] =	vst v42  }
0x1db: {  	v43 =	vld [tilespmem:s5+$0x2770];
	v38 =	vmul.f32 v28, v34;
	[tilespmem:s5+$0x2740] =	vst v46  }
0x1dc: {  	v45 =	vld [tilespmem:s5+$0x2780];
	v61 =	vmul.f32 v53, v0;
	[tilespmem:s5+$0x2760] =	vst v50  }
0x1dd: {  	v47 =	vld [tilespmem:s5+$0x2790];
	v63 =	vmul.f32 v57, v0;
	[tilespmem:s5+$0x2700] =	vst v38  }
0x1de: {  	v55 =	vld [tilespmem:s5+$0x27D0];
	v44 =	vmul.f32 v35, v34;
	[tilespmem:s5+$0x27C0] =	vst v61  }
0x1df: {  	v49 =	vld [tilespmem:s5+$0x27A0];
	v48 =	vmul.f32 v39, v34;
	[tilespmem:s5+$0x27E0] =	vst v63  }
0x1e0: {  	v51 =	vld [tilespmem:s5+$0x27B0];
	v52 =	vmul.f32 v43, v34;
	[tilespmem:s5+$0x2730] =	vst v44  }
0x1e1: {  	v59 =	vld [tilespmem:s5+$0x27F0];
	v54 =	vmul.f32 v45, v0;
	[tilespmem:s5+$0x2750] =	vst v48  }
0x1e2: {  	v56 =	vmul.f32 v47, v0;
	[tilespmem:s5+$0x2770] =	vst v52  }
0x1e3: {  	p0 =	sne.s32 s26, $0x4;
	v62 =	vmul.f32 v55, v0;
	[tilespmem:s5+$0x2780] =	vst v54  }
.Ltmp3:
0x1e4: {  	v58 =	vmul.f32 v49, v0;
	[tilespmem:s5+$0x2790] =	vst v56;
	(pc) =	sbr.rel @p0 .LBB2_9-.Ltmp3, $4  }
0x1e5: {  	v60 =	vmul.f32 v51, v0;
	[tilespmem:s5+$0x27D0] =	vst v62  }
0x1e6: {  	v0 =	vmul.f32 v59, v0;
	[tilespmem:s5+$0x27A0] =	vst v58  }
0x1e7: {  	[tilespmem:s5+$0x27B0] =	vst v60  }
0x1e8: {  	s26 =	sadd.s32 $0x1, s26;
	[tilespmem:s5+$0x27F0] =	vst v0  }
0x1e9: {  	s25 =	sadd.s32 $0x1, s25  }
0x1ea: {  	p0 =	sne.s32 s25, $0x5  }
.Ltmp4:
0x1eb: {  	_ = 	snop;
	(pc) =	sbr.rel @p0 .LBB2_2-.Ltmp4, $4  }
0x1ec: {  	[spmem:s6] =	stream.indirect.scatter.add.f32 [tilespmem:s20], [sflag:$0x4], $0x80, s24, s19, $0xb8;
	[tilespmem:$0x1A880] =	vst v63  }
0x1ed: {  	_ =	swait.ge [sflag:s15], $0x2800  }
0x1ee: {  	[sflag:s15] =	ssyncset.done $0x0  }
0x1ef: {  	[sflag:s15] =	ssyncadd.s32 $0xFFFFD800  }
0x1f0: {  	s7 =	sadd.s32 $0x1, s7  }
0x1f1: {  	p0 =	sne.s32 s7, s13  }
.Ltmp5:
0x1f2: {  	[bflag:$0x0] =	sbarrier.arrive $0xFFFF;
	(pc) =	sbr.rel @p0 .LBB2_1-.Ltmp5, $4  }
0x1f3: {  	[hbm:s12], [sflag:s10] =	dma.local [spmem:s14], $0x2710  }
0x1f4: {  	_ =	swait.ge [sflag:s15], $0x2710  }
0x1f5: {  	[sflag:s15] =	ssyncset.done $0x0  }
0x1f6: {  	[sflag:s15] =	ssyncadd.s32 $0xFFFFD8F0  }
0x1f7: {  	_ =	sfence.sel $0x180000  }
0x1f8: {  	[bflag:$0x0] =	sbarrier.arrive $0xFFFF  }
0x1f9: {  	_ =	strace $0x90000047  }
0x1fa: {  	[bflag:$0x2] =	sbarrier.arrive $0xFFFF  }
0x1fb: {  	p0 =	sne.s32 s3, $0x0;
	s0 =	rddreg [dreg:$0x6]  }
0x1fc: {  	s0 =	sadd.s32 @!p0 $0x100000, s0  }
0x1fd: {  	[sflag:s0] =	ssyncadd.tile.s32 @!p0 $0x1;
	_ =	shalt  }
.Lfunc_end2:
_tile_overlayer_lowered:
.L_overlay_start_2:
0x1fe: {  	(tag) =	ssettag $0x2  }
0x1ff: {  	s0 =	rddreg [dreg:$0x0];
	s2 =	stileid.u32  }
0x200: {  	s1 =	rddreg [dreg:$0x1];
	p0 =	sne.s32 s2, $0x0  }
0x201: {  	s3 =	rddreg [dreg:$0x2];
	[bflag:$0x3] =	sbarrier.arrive $0xFFFF;
	s2 =	simm.s32 @!p0 $0x1C04  }
0x202: {  	[timem:s3], [sflag:s2] =	dma.local @!p0 [hbm:s0], s1  }
0x203: {  	s0 =	simm.s32 @!p0 $0x4  }
0x204: {  	_ =	swait.ge @!p0 [sflag:s0], s1  }
0x205: {  	s1 =	ssub.s32 @!p0 $0x0, s1;
	[sflag:s0] =	ssyncset.done @!p0 $0x0  }
0x206: {  	[sflag:s0] =	ssyncadd.s32 @!p0 s1  }
0x207: {  	[bflag:$0x3] =	sbarrier.arrive $0xFFFF  }
0x208: {  	_ =	shalt  }

</sc_bundles>
